<compile_context>
chip_gen: v7x
topology: tpu7x:2x2x1
jax: 0.10.2.dev20260603
libtpu: 0.0.44.dev20260713+nightly
codegen_flags: <defaults>
</compile_context>

<pallas_src>
import functools

import jax
import jax.numpy as jnp
from jax import lax
from jax.experimental import pallas as pl
from jax.experimental.pallas import tpu as pltpu
from jax.experimental.pallas import tpu_sc as plsc

_E = 8
_TOPK = 2
_H = 2048
_I = 1024
_T = 4096

_B = 256
_A = _T * _TOPK
_S = ((_A + _E * (_B - 1) + _B - 1) // _B) * _B
_NB = _S // _B

_NC = 2
_NS = 16
_NW = _NC * _NS

_FR = 64
_FC = 128


def _route_body(fe_ref, slot_ref, be_ref):
  fe = fe_ref[...]
  fef = fe.astype(jnp.float32)
  rr = lax.broadcasted_iota(jnp.int32, (_FC, _FC), 0)
  cc = lax.broadcasted_iota(jnp.int32, (_FC, _FC), 1)
  upper = (rr < cc).astype(jnp.float32)
  r2 = lax.broadcasted_iota(jnp.int32, (_FR, _FR), 0)
  c2 = lax.broadcasted_iota(jnp.int32, (_FR, _FR), 1)
  lower = (c2 < r2).astype(jnp.float32)
  rank = jnp.zeros((_FR, _FC), jnp.float32)
  gmap = jnp.zeros((_FR, _FC), jnp.float32)
  gs = jnp.zeros((), jnp.float32)
  bvec = lax.broadcasted_iota(
      jnp.int32, (1, _FC), 1).astype(jnp.float32) * float(_B)
  be = jnp.zeros((1, _FC), jnp.float32)
  for e in range(_E):
    m = (fef == float(e)).astype(jnp.float32)
    p = jnp.dot(m, upper, preferred_element_type=jnp.float32)
    t = jnp.sum(m, axis=1, keepdims=True)
    o = jnp.dot(lower, t, preferred_element_type=jnp.float32)
    rank = rank + m * (p + o)
    gmap = gmap + m * gs
    cnt = jnp.sum(m)
    padded = jnp.ceil(cnt / float(_B)) * float(_B)
    gs = gs + padded
    be = be + (bvec >= gs).astype(jnp.float32)
  slot_ref[...] = (rank + gmap).astype(jnp.int32)
  be_ref[...] = jnp.minimum(be, float(_E - 1)).astype(jnp.int32)


def _route(expert_indices):
  fe2d = expert_indices.astype(jnp.int32).reshape(_FR, _FC)
  slotmat, bemat = pl.pallas_call(
      _route_body,
      out_shape=(jax.ShapeDtypeStruct((_FR, _FC), jnp.int32),
                 jax.ShapeDtypeStruct((1, _FC), jnp.int32)),
  )(fe2d)
  slotv = slotmat.reshape(_NW, 2 * _T // _NW)
  block_expert = bemat[0, :_NB].copy()
  return block_expert, slotv



_D_CH = 16


def _sc_dispatch(x, slotv):
  tok_per_w = _T // _NW
  n_ch = tok_per_w // _D_CH
  mesh = plsc.VectorSubcoreMesh(core_axis_name="c", subcore_axis_name="s")

  @functools.partial(
      pl.kernel,
      out_type=jax.ShapeDtypeStruct((_S, _H), jnp.float32),
      mesh=mesh,
      scratch_types=[
          pltpu.VMEM((2 * tok_per_w,), jnp.int32),
          pltpu.VMEM((n_ch, _D_CH), jnp.int32),
          pltpu.VMEM((n_ch, _D_CH), jnp.int32),
          pltpu.VMEM((_D_CH, _H), jnp.float32),
          pltpu.VMEM((_D_CH, _H), jnp.float32),
          pltpu.SemaphoreType.DMA,
          pltpu.SemaphoreType.DMA,
          pltpu.SemaphoreType.DMA,
          pltpu.SemaphoreType.DMA,
          pltpu.SemaphoreType.DMA,
          pltpu.SemaphoreType.DMA,
      ],
      compiler_params=pltpu.CompilerParams(needs_layout_passes=False),
  )
  def dispatch_k(x_hbm, p_hbm, xg_hbm, sv, i0, i1, xb0, xb1,
                 si0, si1, sa0, sa1, sb0, sb1):
    wid = lax.axis_index("s") * _NC + lax.axis_index("c")
    base = wid * tok_per_w
    pltpu.sync_copy(p_hbm.at[wid], sv)
    lanes = lax.iota(jnp.int32, 16)
    for j in range(n_ch):
      ev = lanes * 2 + j * 2 * _D_CH
      i0[j] = plsc.load_gather(sv, [ev])
      i1[j] = plsc.load_gather(sv, [ev + 1])
    xbufs, isems = (xb0, xb1), (si0, si1)
    osems = ((sa0, sb0), (sa1, sb1))
    outs = [None] * n_ch

    gin = pltpu.async_copy(x_hbm.at[pl.ds(base, _D_CH)], xb0, si0)
    for i in range(n_ch):
      p = i % 2
      gin.wait()
      if i + 1 < n_ch:
        if i >= 1:
          outs[i - 1][0].wait()
          outs[i - 1][1].wait()
        gin = pltpu.async_copy(
            x_hbm.at[pl.ds(base + (i + 1) * _D_CH, _D_CH)],
            xbufs[1 - p], isems[1 - p])
      outs[i] = (
          pltpu.async_copy(xbufs[p], xg_hbm.at[i0.at[i]], osems[p][0]),
          pltpu.async_copy(xbufs[p], xg_hbm.at[i1.at[i]], osems[p][1]),
      )
    outs[n_ch - 2][0].wait()
    outs[n_ch - 2][1].wait()
    outs[n_ch - 1][0].wait()
    outs[n_ch - 1][1].wait()

  return dispatch_k(x, slotv)




def _tc_gemm_body(be_ref, xg_ref, w1g_ref, w1u_ref, w2_ref, yg_ref):
  del be_ref
  xb = xg_ref[...]
  w1g = w1g_ref[0]
  w1u = w1u_ref[0]
  dn = (((1,), (1,)), ((), ()))
  gate = lax.dot_general(xb, w1g, dn, preferred_element_type=jnp.float32)
  up = lax.dot_general(xb, w1u, dn, preferred_element_type=jnp.float32)
  act = gate * jax.nn.sigmoid(gate) * up
  w2c = w2_ref[0]
  yg_ref[...] = lax.dot_general(act, w2c, (((1,), (1,)), ((), ())),
                                preferred_element_type=jnp.float32)


def _tc_gemm(xg, w1, w2, block_expert):
  spec = pltpu.PrefetchScalarGridSpec(
      num_scalar_prefetch=1,
      grid=(_NB,),
      in_specs=[
          pl.BlockSpec((_B, _H), lambda b, be: (b, 0)),
          pl.BlockSpec((1, _I, _H), lambda b, be: (be[b], 0, 0)),
          pl.BlockSpec((1, _I, _H), lambda b, be: (be[b], 1, 0)),
          pl.BlockSpec((1, _H, _I), lambda b, be: (be[b], 0, 0)),
      ],
      out_specs=pl.BlockSpec((_B, _H), lambda b, be: (b, 0)),
  )
  return pl.pallas_call(
      _tc_gemm_body,
      grid_spec=spec,
      out_shape=jax.ShapeDtypeStruct((_S, _H), jnp.float32),
      compiler_params=pltpu.CompilerParams(
          dimension_semantics=("arbitrary",),
          vmem_limit_bytes=100 * 1024 * 1024,
      ),
  )(block_expert, xg, w1, w1, w2)



_C_CH = 8


def _sc_combine(yg, slotv, ewv):
  tok_per_w = _T // _NW
  n_ch = tok_per_w // _C_CH
  mesh = plsc.VectorSubcoreMesh(core_axis_name="c", subcore_axis_name="s")

  @functools.partial(
      pl.kernel,
      out_type=jax.ShapeDtypeStruct((_T, _H), jnp.float32),
      mesh=mesh,
      scratch_types=[
          pltpu.VMEM((2 * tok_per_w,), jnp.int32),
          pltpu.VMEM((8, 16), jnp.int32),
          pltpu.VMEM((8, 16), jnp.int32),
          pltpu.VMEM((2 * tok_per_w,), jnp.float32),
          pltpu.VMEM((_C_CH, _H), jnp.float32),
          pltpu.VMEM((_C_CH, _H), jnp.float32),
          pltpu.VMEM((_C_CH, _H), jnp.float32),
          pltpu.VMEM((_C_CH, _H), jnp.float32),
          pltpu.SemaphoreType.DMA,
          pltpu.SemaphoreType.DMA,
          pltpu.SemaphoreType.DMA,
          pltpu.SemaphoreType.DMA,
          pltpu.SemaphoreType.DMA,
          pltpu.SemaphoreType.DMA,
      ],
      compiler_params=pltpu.CompilerParams(needs_layout_passes=False),
  )
  def combine_k(yg_hbm, p_hbm, ew_hbm, out_hbm, sv, i0, i1,
                wv, a0, b0, a1, b1, sa0, sb0, sa1, sb1, so0, so1):
    wid = lax.axis_index("s") * _NC + lax.axis_index("c")
    base = wid * tok_per_w
    pltpu.sync_copy(p_hbm.at[wid], sv)
    pltpu.sync_copy(ew_hbm.at[wid], wv)
    lanes = lax.iota(jnp.int32, 16)
    for j in range(tok_per_w // 16):
      ev = lanes * 2 + j * 32
      i0[j] = plsc.load_gather(sv, [ev])
      i1[j] = plsc.load_gather(sv, [ev + 1])
    abufs, bbufs = (a0, a1), (b0, b1)
    asems, bsems, osems = (sa0, sa1), (sb0, sb1), (so0, so1)
    outs = [None] * n_ch

    def start(i):
      p = i % 2
      sl = (i // 2, pl.ds((i % 2) * _C_CH, _C_CH))
      ca = pltpu.async_copy(yg_hbm.at[i0.at[sl]], abufs[p], asems[p])
      cb = pltpu.async_copy(yg_hbm.at[i1.at[sl]], bbufs[p], bsems[p])
      return ca, cb

    g = start(0)
    for i in range(n_ch):
      p = i % 2
      g[0].wait()
      g[1].wait()
      if i + 1 < n_ch:
        if i >= 1:
          outs[i - 1].wait()
        g = start(i + 1)
      ra, rb = abufs[p], bbufs[p]

      def add_row(r, carry, ra=ra, rb=rb, i=i):
        tloc = jnp.full((16,), 2 * (i * _C_CH + r), jnp.int32)
        w0 = plsc.load_gather(wv, [tloc])
        w1 = plsc.load_gather(wv, [tloc + 1])

        @plsc.parallel_loop(0, _H, 16, unroll=8)
        def wadd(j):
          sl = (r, pl.ds(j, 16))
          ra[sl] = ra[sl] * w0 + rb[sl] * w1
        return carry

      lax.fori_loop(0, _C_CH, add_row, 0)
      outs[i] = pltpu.async_copy(
          ra, out_hbm.at[pl.ds(base + i * _C_CH, _C_CH)], osems[p])
    outs[n_ch - 2].wait()
    outs[n_ch - 1].wait()

  return combine_k(yg, slotv, ewv)


def kernel(x, expert_weights, expert_indices, top_k, w1_weight, w2_weight):
  del top_k
  block_expert, slotv = _route(expert_indices)
  ewv = expert_weights.astype(jnp.float32).reshape(_NW, 2 * _T // _NW)
  xg = _sc_dispatch(x, slotv)
  yg = _tc_gemm(xg, w1_weight, w2_weight, block_expert)
  return _sc_combine(yg, slotv, ewv)

# --- scband reference (transcript-rebuilt; emitter-appended) ---
"""Pipeline reference for scband-fused-mo-eexperts-32023276159040 (READ-ONLY COPY).

The authoritative reference and input builder live on the scoring server;
editing this copy changes nothing except your own understanding.
"""

import jax, jax.numpy as jnp
import numpy as np

E = 8
TOPK = 2
H = 2048
I = 1024
T = 4096


def setup_inputs(seed: int = 0) -> dict:
    key = jax.random.key(seed)
    k1, k2, k3, k4, k5 = jax.random.split(key, 5)
    x = jax.random.normal(k1, (T, H), dtype=jnp.float32)
    expert_weights = jax.random.uniform(k2, (T, TOPK), dtype=jnp.float32)
    expert_indices = jax.random.randint(k3, (T, TOPK), 0, E).astype(jnp.int64)
    w1_weight = jax.random.normal(k4, (E, 2 * I, H), dtype=jnp.float32) * 0.02
    w2_weight = jax.random.normal(k5, (E, H, I), dtype=jnp.float32) * 0.02
    return {
        "x": x,
        "expert_weights": expert_weights,
        "expert_indices": expert_indices,
        "top_k": TOPK,
        "w1_weight": w1_weight,
        "w2_weight": w2_weight,
    }


def reference(x, expert_weights, expert_indices, top_k, w1_weight, w2_weight):
    # Faithful (dequantized / fp32) translation of the fused MoE kernel:
    # for each token and each of its top_k experts e:
    #   h = x @ w1[e].T               -> [*, 2I]  (gate | up)
    #   act = silu(gate) * up         -> SwiGLU
    #   y = act @ w2[e].T             -> [*, H]
    # output = sum_k expert_weights[t, k] * y
    Ttok, Hdim = x.shape
    num_experts = w1_weight.shape[0]
    inter = w2_weight.shape[2]
    num_slots = expert_indices.shape[1]
    out = jnp.zeros((Ttok, Hdim), dtype=x.dtype)
    for e in range(num_experts):
        h = x @ w1_weight[e].T                       # [T, 2I]
        gate = h[:, :inter]
        up = h[:, inter:]
        act = jax.nn.silu(gate) * up                 # SwiGLU
        ye = act @ w2_weight[e].T                    # [T, H]
        for k in range(num_slots):
            we = jnp.where(expert_indices[:, k] == e, expert_weights[:, k],
                           jnp.zeros((), dtype=expert_weights.dtype))
            out = out + we[:, None] * ye
    return out

if __name__ == "__main__":
    import jax
    _d = setup_inputs()
    print(jax.jit(kernel)(*tuple(_d.values())))

</pallas_src>

<mosaic_0001>
#map = affine_map<(d0, d1) -> (0, 0)>
module attributes {stable_mosaic.version = 14 : i64} {
  func.func @combine_k(%arg0: i32, %arg1: i32, %arg2: memref<10240x2048xf32, #tpu.memory_space<hbm>>, %arg3: memref<32x256xi32, #tpu.memory_space<hbm>>, %arg4: memref<32x256xf32, #tpu.memory_space<hbm>>, %arg5: memref<4096x2048xf32, #tpu.memory_space<hbm>>, %arg6: memref<256xi32, #tpu.memory_space<vmem>>, %arg7: memref<8x16xi32, #tpu.memory_space<vmem>>, %arg8: memref<8x16xi32, #tpu.memory_space<vmem>>, %arg9: memref<256xf32, #tpu.memory_space<vmem>>, %arg10: memref<8x2048xf32, #tpu.memory_space<vmem>>, %arg11: memref<8x2048xf32, #tpu.memory_space<vmem>>, %arg12: memref<8x2048xf32, #tpu.memory_space<vmem>>, %arg13: memref<8x2048xf32, #tpu.memory_space<vmem>>, %arg14: memref<!tpu.dma_semaphore, #tpu.memory_space<semaphore_mem>>, %arg15: memref<!tpu.dma_semaphore, #tpu.memory_space<semaphore_mem>>, %arg16: memref<!tpu.dma_semaphore, #tpu.memory_space<semaphore_mem>>, %arg17: memref<!tpu.dma_semaphore, #tpu.memory_space<semaphore_mem>>, %arg18: memref<!tpu.dma_semaphore, #tpu.memory_space<semaphore_mem>>, %arg19: memref<!tpu.dma_semaphore, #tpu.memory_space<semaphore_mem>>) attributes {dimension_semantics = [#tpu.dimension_semantics<core_parallel>, #tpu.dimension_semantics<subcore_parallel>], iteration_bounds = array<i64: 2, 16>, scalar_prefetch = 0 : i64, scratch_operands = 14 : i64, tpu.core_type = #tpu.core_type<sc_vector_subcore>, window_params = [{transform_indices = #map}, {transform_indices = #map}, {transform_indices = #map}, {transform_indices = #map}]} {
    %mul3A = arith.constant 2 : i32
    %mul3A_0 = arith.muli %arg1, %mul3A : i32
    %add3A = arith.addi %mul3A_0, %arg0 : i32
    %mul3A_1 = arith.constant 128 : i32
    %mul3A_2 = arith.muli %add3A, %mul3A_1 : i32
    "tpu.region"() ({
      %run_scoped3A = tpu.sem_alloc : memref<!tpu.dma_semaphore, #tpu.memory_space<semaphore_mem>>
      %dma_start3A_854 = arith.constant 0 : i32
      %dma_start3A_855 = tpu.memref_slice %arg3[%add3A, %dma_start3A_854] : memref<32x256xi32, #tpu.memory_space<hbm>> -> memref<1x256xi32, #tpu.memory_space<hbm>>
      %dma_start3A_856 = tpu.memref_squeeze %dma_start3A_855 : memref<1x256xi32, #tpu.memory_space<hbm>> -> memref<256xi32, #tpu.memory_space<hbm>>
      %dma_start3A_857 = arith.constant 0 : i32
      %dma_start3A_858 = tpu.memref_slice %arg3[%add3A, %dma_start3A_857] : memref<32x256xi32, #tpu.memory_space<hbm>> -> memref<1x256xi32, #tpu.memory_space<hbm>>
      %dma_start3A_859 = tpu.memref_squeeze %dma_start3A_858 : memref<1x256xi32, #tpu.memory_space<hbm>> -> memref<256xi32, #tpu.memory_space<hbm>>
      tpu.enqueue_dma source(%dma_start3A_859 : memref<256xi32, #tpu.memory_space<hbm>>) target(%arg6 : memref<256xi32, #tpu.memory_space<vmem>>) target_semaphore(%run_scoped3A : memref<!tpu.dma_semaphore, #tpu.memory_space<semaphore_mem>>)
      %dma_wait3A_860 = arith.constant 0 : i32
      %dma_wait3A_861 = tpu.memref_slice %arg3[%add3A, %dma_wait3A_860] : memref<32x256xi32, #tpu.memory_space<hbm>> -> memref<1x256xi32, #tpu.memory_space<hbm>>
      %dma_wait3A_862 = tpu.memref_squeeze %dma_wait3A_861 : memref<1x256xi32, #tpu.memory_space<hbm>> -> memref<256xi32, #tpu.memory_space<hbm>>
      %dma_wait3A_863 = arith.constant 0 : i32
      %dma_wait3A_864 = tpu.memref_slice %arg3[%add3A, %dma_wait3A_863] : memref<32x256xi32, #tpu.memory_space<hbm>> -> memref<1x256xi32, #tpu.memory_space<hbm>>
      %dma_wait3A_865 = tpu.memref_squeeze %dma_wait3A_864 : memref<1x256xi32, #tpu.memory_space<hbm>> -> memref<256xi32, #tpu.memory_space<hbm>>
      tpu.wait_dma2 semaphore(%run_scoped3A : memref<!tpu.dma_semaphore, #tpu.memory_space<semaphore_mem>>) src(%dma_wait3A_865 : memref<256xi32, #tpu.memory_space<hbm>>) dst(%arg6 : memref<256xi32, #tpu.memory_space<vmem>>)
      tpu.yield
    }) : () -> ()
    "tpu.region"() ({
      %run_scoped3A = tpu.sem_alloc : memref<!tpu.dma_semaphore, #tpu.memory_space<semaphore_mem>>
      %dma_start3A_854 = arith.constant 0 : i32
      %dma_start3A_855 = tpu.memref_slice %arg4[%add3A, %dma_start3A_854] : memref<32x256xf32, #tpu.memory_space<hbm>> -> memref<1x256xf32, #tpu.memory_space<hbm>>
      %dma_start3A_856 = tpu.memref_squeeze %dma_start3A_855 : memref<1x256xf32, #tpu.memory_space<hbm>> -> memref<256xf32, #tpu.memory_space<hbm>>
      %dma_start3A_857 = arith.constant 0 : i32
      %dma_start3A_858 = tpu.memref_slice %arg4[%add3A, %dma_start3A_857] : memref<32x256xf32, #tpu.memory_space<hbm>> -> memref<1x256xf32, #tpu.memory_space<hbm>>
      %dma_start3A_859 = tpu.memref_squeeze %dma_start3A_858 : memref<1x256xf32, #tpu.memory_space<hbm>> -> memref<256xf32, #tpu.memory_space<hbm>>
      tpu.enqueue_dma source(%dma_start3A_859 : memref<256xf32, #tpu.memory_space<hbm>>) target(%arg9 : memref<256xf32, #tpu.memory_space<vmem>>) target_semaphore(%run_scoped3A : memref<!tpu.dma_semaphore, #tpu.memory_space<semaphore_mem>>)
      %dma_wait3A_860 = arith.constant 0 : i32
      %dma_wait3A_861 = tpu.memref_slice %arg4[%add3A, %dma_wait3A_860] : memref<32x256xf32, #tpu.memory_space<hbm>> -> memref<1x256xf32, #tpu.memory_space<hbm>>
      %dma_wait3A_862 = tpu.memref_squeeze %dma_wait3A_861 : memref<1x256xf32, #tpu.memory_space<hbm>> -> memref<256xf32, #tpu.memory_space<hbm>>
      %dma_wait3A_863 = arith.constant 0 : i32
      %dma_wait3A_864 = tpu.memref_slice %arg4[%add3A, %dma_wait3A_863] : memref<32x256xf32, #tpu.memory_space<hbm>> -> memref<1x256xf32, #tpu.memory_space<hbm>>
      %dma_wait3A_865 = tpu.memref_squeeze %dma_wait3A_864 : memref<1x256xf32, #tpu.memory_space<hbm>> -> memref<256xf32, #tpu.memory_space<hbm>>
      tpu.wait_dma2 semaphore(%run_scoped3A : memref<!tpu.dma_semaphore, #tpu.memory_space<semaphore_mem>>) src(%dma_wait3A_865 : memref<256xf32, #tpu.memory_space<hbm>>) dst(%arg9 : memref<256xf32, #tpu.memory_space<vmem>>)
      tpu.yield
    }) : () -> ()
    %iota3A = tpu.iota {dimensions = array<i32: 0>} : vector<16xi32>
    %mul3A_3 = arith.constant 2 : i32
    %mul3A_4 = vector.broadcast %mul3A_3 : i32 to vector<16xi32>
    %mul3A_5 = arith.muli %iota3A, %mul3A_4 : vector<16xi32>
    %add3A_6 = arith.constant 0 : i32
    %add3A_7 = vector.broadcast %add3A_6 : i32 to vector<16xi32>
    %add3A_8 = arith.addi %mul3A_5, %add3A_7 : vector<16xi32>
    %gather3A = tpu.vector_load_idx %arg6[%add3A_8] : memref<256xi32, #tpu.memory_space<vmem>>[vector<16xi32>], vector<16xi32>,
    %swap3A = arith.constant 0 : i32
    %swap3A_9 = arith.index_cast %swap3A : i32 to index
    %swap3A_10 = arith.constant 0 : index
    %swap3A_11 = tpu.vector_load %arg7[%swap3A_9, %swap3A_10] {strides = array<i32>} : memref<8x16xi32, #tpu.memory_space<vmem>>, vector<16xi32>,
    tpu.vector_store %arg7[%swap3A_9, %swap3A_10], %gather3A {strides = array<i32>} : memref<8x16xi32, #tpu.memory_space<vmem>>, vector<16xi32>,
    %add3A_12 = arith.constant 1 : i32
    %add3A_13 = vector.broadcast %add3A_12 : i32 to vector<16xi32>
    %add3A_14 = arith.addi %add3A_8, %add3A_13 : vector<16xi32>
    %gather3A_15 = tpu.vector_load_idx %arg6[%add3A_14] : memref<256xi32, #tpu.memory_space<vmem>>[vector<16xi32>], vector<16xi32>,
    %swap3A_16 = arith.constant 0 : i32
    %swap3A_17 = arith.index_cast %swap3A_16 : i32 to index
    %swap3A_18 = arith.constant 0 : index
    %swap3A_19 = tpu.vector_load %arg8[%swap3A_17, %swap3A_18] {strides = array<i32>} : memref<8x16xi32, #tpu.memory_space<vmem>>, vector<16xi32>,
    tpu.vector_store %arg8[%swap3A_17, %swap3A_18], %gather3A_15 {strides = array<i32>} : memref<8x16xi32, #tpu.memory_space<vmem>>, vector<16xi32>,
    %mul3A_20 = arith.constant 2 : i32
    %mul3A_21 = vector.broadcast %mul3A_20 : i32 to vector<16xi32>
    %mul3A_22 = arith.muli %iota3A, %mul3A_21 : vector<16xi32>
    %add3A_23 = arith.constant 32 : i32
    %add3A_24 = vector.broadcast %add3A_23 : i32 to vector<16xi32>
    %add3A_25 = arith.addi %mul3A_22, %add3A_24 : vector<16xi32>
    %gather3A_26 = tpu.vector_load_idx %arg6[%add3A_25] : memref<256xi32, #tpu.memory_space<vmem>>[vector<16xi32>], vector<16xi32>,
    %swap3A_27 = arith.constant 1 : i32
    %swap3A_28 = arith.index_cast %swap3A_27 : i32 to index
    %swap3A_29 = arith.constant 0 : index
    %swap3A_30 = tpu.vector_load %arg7[%swap3A_28, %swap3A_29] {strides = array<i32>} : memref<8x16xi32, #tpu.memory_space<vmem>>, vector<16xi32>,
    tpu.vector_store %arg7[%swap3A_28, %swap3A_29], %gather3A_26 {strides = array<i32>} : memref<8x16xi32, #tpu.memory_space<vmem>>, vector<16xi32>,
    %add3A_31 = arith.constant 1 : i32
    %add3A_32 = vector.broadcast %add3A_31 : i32 to vector<16xi32>
    %add3A_33 = arith.addi %add3A_25, %add3A_32 : vector<16xi32>
    %gather3A_34 = tpu.vector_load_idx %arg6[%add3A_33] : memref<256xi32, #tpu.memory_space<vmem>>[vector<16xi32>], vector<16xi32>,
    %swap3A_35 = arith.constant 1 : i32
    %swap3A_36 = arith.index_cast %swap3A_35 : i32 to index
    %swap3A_37 = arith.constant 0 : index
    %swap3A_38 = tpu.vector_load %arg8[%swap3A_36, %swap3A_37] {strides = array<i32>} : memref<8x16xi32, #tpu.memory_space<vmem>>, vector<16xi32>,
    tpu.vector_store %arg8[%swap3A_36, %swap3A_37], %gather3A_34 {strides = array<i32>} : memref<8x16xi32, #tpu.memory_space<vmem>>, vector<16xi32>,
    %mul3A_39 = arith.constant 2 : i32
    %mul3A_40 = vector.broadcast %mul3A_39 : i32 to vector<16xi32>
    %mul3A_41 = arith.muli %iota3A, %mul3A_40 : vector<16xi32>
    %add3A_42 = arith.constant 64 : i32
    %add3A_43 = vector.broadcast %add3A_42 : i32 to vector<16xi32>
    %add3A_44 = arith.addi %mul3A_41, %add3A_43 : vector<16xi32>
    %gather3A_45 = tpu.vector_load_idx %arg6[%add3A_44] : memref<256xi32, #tpu.memory_space<vmem>>[vector<16xi32>], vector<16xi32>,
    %swap3A_46 = arith.constant 2 : i32
    %swap3A_47 = arith.index_cast %swap3A_46 : i32 to index
    %swap3A_48 = arith.constant 0 : index
    %swap3A_49 = tpu.vector_load %arg7[%swap3A_47, %swap3A_48] {strides = array<i32>} : memref<8x16xi32, #tpu.memory_space<vmem>>, vector<16xi32>,
    tpu.vector_store %arg7[%swap3A_47, %swap3A_48], %gather3A_45 {strides = array<i32>} : memref<8x16xi32, #tpu.memory_space<vmem>>, vector<16xi32>,
    %add3A_50 = arith.constant 1 : i32
    %add3A_51 = vector.broadcast %add3A_50 : i32 to vector<16xi32>
    %add3A_52 = arith.addi %add3A_44, %add3A_51 : vector<16xi32>
    %gather3A_53 = tpu.vector_load_idx %arg6[%add3A_52] : memref<256xi32, #tpu.memory_space<vmem>>[vector<16xi32>], vector<16xi32>,
    %swap3A_54 = arith.constant 2 : i32
    %swap3A_55 = arith.index_cast %swap3A_54 : i32 to index
    %swap3A_56 = arith.constant 0 : index
    %swap3A_57 = tpu.vector_load %arg8[%swap3A_55, %swap3A_56] {strides = array<i32>} : memref<8x16xi32, #tpu.memory_space<vmem>>, vector<16xi32>,
    tpu.vector_store %arg8[%swap3A_55, %swap3A_56], %gather3A_53 {strides = array<i32>} : memref<8x16xi32, #tpu.memory_space<vmem>>, vector<16xi32>,
    %mul3A_58 = arith.constant 2 : i32
    %mul3A_59 = vector.broadcast %mul3A_58 : i32 to vector<16xi32>
    %mul3A_60 = arith.muli %iota3A, %mul3A_59 : vector<16xi32>
    %add3A_61 = arith.constant 96 : i32
    %add3A_62 = vector.broadcast %add3A_61 : i32 to vector<16xi32>
    %add3A_63 = arith.addi %mul3A_60, %add3A_62 : vector<16xi32>
    %gather3A_64 = tpu.vector_load_idx %arg6[%add3A_63] : memref<256xi32, #tpu.memory_space<vmem>>[vector<16xi32>], vector<16xi32>,
    %swap3A_65 = arith.constant 3 : i32
    %swap3A_66 = arith.index_cast %swap3A_65 : i32 to index
    %swap3A_67 = arith.constant 0 : index
    %swap3A_68 = tpu.vector_load %arg7[%swap3A_66, %swap3A_67] {strides = array<i32>} : memref<8x16xi32, #tpu.memory_space<vmem>>, vector<16xi32>,
    tpu.vector_store %arg7[%swap3A_66, %swap3A_67], %gather3A_64 {strides = array<i32>} : memref<8x16xi32, #tpu.memory_space<vmem>>, vector<16xi32>,
    %add3A_69 = arith.constant 1 : i32
    %add3A_70 = vector.broadcast %add3A_69 : i32 to vector<16xi32>
    %add3A_71 = arith.addi %add3A_63, %add3A_70 : vector<16xi32>
    %gather3A_72 = tpu.vector_load_idx %arg6[%add3A_71] : memref<256xi32, #tpu.memory_space<vmem>>[vector<16xi32>], vector<16xi32>,
    %swap3A_73 = arith.constant 3 : i32
    %swap3A_74 = arith.index_cast %swap3A_73 : i32 to index
    %swap3A_75 = arith.constant 0 : index
    %swap3A_76 = tpu.vector_load %arg8[%swap3A_74, %swap3A_75] {strides = array<i32>} : memref<8x16xi32, #tpu.memory_space<vmem>>, vector<16xi32>,
    tpu.vector_store %arg8[%swap3A_74, %swap3A_75], %gather3A_72 {strides = array<i32>} : memref<8x16xi32, #tpu.memory_space<vmem>>, vector<16xi32>,
    %mul3A_77 = arith.constant 2 : i32
    %mul3A_78 = vector.broadcast %mul3A_77 : i32 to vector<16xi32>
    %mul3A_79 = arith.muli %iota3A, %mul3A_78 : vector<16xi32>
    %add3A_80 = arith.constant 128 : i32
    %add3A_81 = vector.broadcast %add3A_80 : i32 to vector<16xi32>
    %add3A_82 = arith.addi %mul3A_79, %add3A_81 : vector<16xi32>
    %gather3A_83 = tpu.vector_load_idx %arg6[%add3A_82] : memref<256xi32, #tpu.memory_space<vmem>>[vector<16xi32>], vector<16xi32>,
    %swap3A_84 = arith.constant 4 : i32
    %swap3A_85 = arith.index_cast %swap3A_84 : i32 to index
    %swap3A_86 = arith.constant 0 : index
    %swap3A_87 = tpu.vector_load %arg7[%swap3A_85, %swap3A_86] {strides = array<i32>} : memref<8x16xi32, #tpu.memory_space<vmem>>, vector<16xi32>,
    tpu.vector_store %arg7[%swap3A_85, %swap3A_86], %gather3A_83 {strides = array<i32>} : memref<8x16xi32, #tpu.memory_space<vmem>>, vector<16xi32>,
    %add3A_88 = arith.constant 1 : i32
    %add3A_89 = vector.broadcast %add3A_88 : i32 to vector<16xi32>
    %add3A_90 = arith.addi %add3A_82, %add3A_89 : vector<16xi32>
    %gather3A_91 = tpu.vector_load_idx %arg6[%add3A_90] : memref<256xi32, #tpu.memory_space<vmem>>[vector<16xi32>], vector<16xi32>,
    %swap3A_92 = arith.constant 4 : i32
    %swap3A_93 = arith.index_cast %swap3A_92 : i32 to index
    %swap3A_94 = arith.constant 0 : index
    %swap3A_95 = tpu.vector_load %arg8[%swap3A_93, %swap3A_94] {strides = array<i32>} : memref<8x16xi32, #tpu.memory_space<vmem>>, vector<16xi32>,
    tpu.vector_store %arg8[%swap3A_93, %swap3A_94], %gather3A_91 {strides = array<i32>} : memref<8x16xi32, #tpu.memory_space<vmem>>, vector<16xi32>,
    %mul3A_96 = arith.constant 2 : i32
    %mul3A_97 = vector.broadcast %mul3A_96 : i32 to vector<16xi32>
    %mul3A_98 = arith.muli %iota3A, %mul3A_97 : vector<16xi32>
    %add3A_99 = arith.constant 160 : i32
    %add3A_100 = vector.broadcast %add3A_99 : i32 to vector<16xi32>
    %add3A_101 = arith.addi %mul3A_98, %add3A_100 : vector<16xi32>
    %gather3A_102 = tpu.vector_load_idx %arg6[%add3A_101] : memref<256xi32, #tpu.memory_space<vmem>>[vector<16xi32>], vector<16xi32>,
    %swap3A_103 = arith.constant 5 : i32
    %swap3A_104 = arith.index_cast %swap3A_103 : i32 to index
    %swap3A_105 = arith.constant 0 : index
    %swap3A_106 = tpu.vector_load %arg7[%swap3A_104, %swap3A_105] {strides = array<i32>} : memref<8x16xi32, #tpu.memory_space<vmem>>, vector<16xi32>,
    tpu.vector_store %arg7[%swap3A_104, %swap3A_105], %gather3A_102 {strides = array<i32>} : memref<8x16xi32, #tpu.memory_space<vmem>>, vector<16xi32>,
    %add3A_107 = arith.constant 1 : i32
    %add3A_108 = vector.broadcast %add3A_107 : i32 to vector<16xi32>
    %add3A_109 = arith.addi %add3A_101, %add3A_108 : vector<16xi32>
    %gather3A_110 = tpu.vector_load_idx %arg6[%add3A_109] : memref<256xi32, #tpu.memory_space<vmem>>[vector<16xi32>], vector<16xi32>,
    %swap3A_111 = arith.constant 5 : i32
    %swap3A_112 = arith.index_cast %swap3A_111 : i32 to index
    %swap3A_113 = arith.constant 0 : index
    %swap3A_114 = tpu.vector_load %arg8[%swap3A_112, %swap3A_113] {strides = array<i32>} : memref<8x16xi32, #tpu.memory_space<vmem>>, vector<16xi32>,
    tpu.vector_store %arg8[%swap3A_112, %swap3A_113], %gather3A_110 {strides = array<i32>} : memref<8x16xi32, #tpu.memory_space<vmem>>, vector<16xi32>,
    %mul3A_115 = arith.constant 2 : i32
    %mul3A_116 = vector.broadcast %mul3A_115 : i32 to vector<16xi32>
    %mul3A_117 = arith.muli %iota3A, %mul3A_116 : vector<16xi32>
    %add3A_118 = arith.constant 192 : i32
    %add3A_119 = vector.broadcast %add3A_118 : i32 to vector<16xi32>
    %add3A_120 = arith.addi %mul3A_117, %add3A_119 : vector<16xi32>
    %gather3A_121 = tpu.vector_load_idx %arg6[%add3A_120] : memref<256xi32, #tpu.memory_space<vmem>>[vector<16xi32>], vector<16xi32>,
    %swap3A_122 = arith.constant 6 : i32
    %swap3A_123 = arith.index_cast %swap3A_122 : i32 to index
    %swap3A_124 = arith.constant 0 : index
    %swap3A_125 = tpu.vector_load %arg7[%swap3A_123, %swap3A_124] {strides = array<i32>} : memref<8x16xi32, #tpu.memory_space<vmem>>, vector<16xi32>,
    tpu.vector_store %arg7[%swap3A_123, %swap3A_124], %gather3A_121 {strides = array<i32>} : memref<8x16xi32, #tpu.memory_space<vmem>>, vector<16xi32>,
    %add3A_126 = arith.constant 1 : i32
    %add3A_127 = vector.broadcast %add3A_126 : i32 to vector<16xi32>
    %add3A_128 = arith.addi %add3A_120, %add3A_127 : vector<16xi32>
    %gather3A_129 = tpu.vector_load_idx %arg6[%add3A_128] : memref<256xi32, #tpu.memory_space<vmem>>[vector<16xi32>], vector<16xi32>,
    %swap3A_130 = arith.constant 6 : i32
    %swap3A_131 = arith.index_cast %swap3A_130 : i32 to index
    %swap3A_132 = arith.constant 0 : index
    %swap3A_133 = tpu.vector_load %arg8[%swap3A_131, %swap3A_132] {strides = array<i32>} : memref<8x16xi32, #tpu.memory_space<vmem>>, vector<16xi32>,
    tpu.vector_store %arg8[%swap3A_131, %swap3A_132], %gather3A_129 {strides = array<i32>} : memref<8x16xi32, #tpu.memory_space<vmem>>, vector<16xi32>,
    %mul3A_134 = arith.constant 2 : i32
    %mul3A_135 = vector.broadcast %mul3A_134 : i32 to vector<16xi32>
    %mul3A_136 = arith.muli %iota3A, %mul3A_135 : vector<16xi32>
    %add3A_137 = arith.constant 224 : i32
    %add3A_138 = vector.broadcast %add3A_137 : i32 to vector<16xi32>
    %add3A_139 = arith.addi %mul3A_136, %add3A_138 : vector<16xi32>
    %gather3A_140 = tpu.vector_load_idx %arg6[%add3A_139] : memref<256xi32, #tpu.memory_space<vmem>>[vector<16xi32>], vector<16xi32>,
    %swap3A_141 = arith.constant 7 : i32
    %swap3A_142 = arith.index_cast %swap3A_141 : i32 to index
    %swap3A_143 = arith.constant 0 : index
    %swap3A_144 = tpu.vector_load %arg7[%swap3A_142, %swap3A_143] {strides = array<i32>} : memref<8x16xi32, #tpu.memory_space<vmem>>, vector<16xi32>,
    tpu.vector_store %arg7[%swap3A_142, %swap3A_143], %gather3A_140 {strides = array<i32>} : memref<8x16xi32, #tpu.memory_space<vmem>>, vector<16xi32>,
    %add3A_145 = arith.constant 1 : i32
    %add3A_146 = vector.broadcast %add3A_145 : i32 to vector<16xi32>
    %add3A_147 = arith.addi %add3A_139, %add3A_146 : vector<16xi32>
    %gather3A_148 = tpu.vector_load_idx %arg6[%add3A_147] : memref<256xi32, #tpu.memory_space<vmem>>[vector<16xi32>], vector<16xi32>,
    %swap3A_149 = arith.constant 7 : i32
    %swap3A_150 = arith.index_cast %swap3A_149 : i32 to index
    %swap3A_151 = arith.constant 0 : index
    %swap3A_152 = tpu.vector_load %arg8[%swap3A_150, %swap3A_151] {strides = array<i32>} : memref<8x16xi32, #tpu.memory_space<vmem>>, vector<16xi32>,
    tpu.vector_store %arg8[%swap3A_150, %swap3A_151], %gather3A_148 {strides = array<i32>} : memref<8x16xi32, #tpu.memory_space<vmem>>, vector<16xi32>,
    %dma_start3A = arith.constant 0 : i32
    %dma_start3A_153 = arith.constant 0 : i32
    %dma_start3A_154 = tpu.memref_slice %arg7[%dma_start3A, %dma_start3A_153] : memref<8x16xi32, #tpu.memory_space<vmem>> -> memref<1x8xi32, #tpu.memory_space<vmem>>
    %dma_start3A_155 = tpu.memref_squeeze %dma_start3A_154 : memref<1x8xi32, #tpu.memory_space<vmem>> -> memref<8xi32, #tpu.memory_space<vmem>>
    %dma_start3A_156 = arith.constant 0 : i32
    %dma_start3A_157 = arith.constant 0 : i32
    %dma_start3A_158 = tpu.memref_slice %arg2[%dma_start3A_156, %dma_start3A_157] : memref<10240x2048xf32, #tpu.memory_space<hbm>> -> memref<10240x2048xf32, #tpu.memory_space<hbm>>
    tpu.enqueue_indirect_dma source(%dma_start3A_158 : memref<10240x2048xf32, #tpu.memory_space<hbm>>) target(%arg10 : memref<8x2048xf32, #tpu.memory_space<vmem>>) offsets(%dma_start3A_155 : memref<8xi32, #tpu.memory_space<vmem>>) semaphore(%arg14 : memref<!tpu.dma_semaphore, #tpu.memory_space<semaphore_mem>>)
    %dma_start3A_159 = arith.constant 0 : i32
    %dma_start3A_160 = arith.constant 0 : i32
    %dma_start3A_161 = tpu.memref_slice %arg8[%dma_start3A_159, %dma_start3A_160] : memref<8x16xi32, #tpu.memory_space<vmem>> -> memref<1x8xi32, #tpu.memory_space<vmem>>
    %dma_start3A_162 = tpu.memref_squeeze %dma_start3A_161 : memref<1x8xi32, #tpu.memory_space<vmem>> -> memref<8xi32, #tpu.memory_space<vmem>>
    %dma_start3A_163 = arith.constant 0 : i32
    %dma_start3A_164 = arith.constant 0 : i32
    %dma_start3A_165 = tpu.memref_slice %arg2[%dma_start3A_163, %dma_start3A_164] : memref<10240x2048xf32, #tpu.memory_space<hbm>> -> memref<10240x2048xf32, #tpu.memory_space<hbm>>
    tpu.enqueue_indirect_dma source(%dma_start3A_165 : memref<10240x2048xf32, #tpu.memory_space<hbm>>) target(%arg11 : memref<8x2048xf32, #tpu.memory_space<vmem>>) offsets(%dma_start3A_162 : memref<8xi32, #tpu.memory_space<vmem>>) semaphore(%arg15 : memref<!tpu.dma_semaphore, #tpu.memory_space<semaphore_mem>>)
    %dma_wait3A = arith.constant 0 : i32
    %dma_wait3A_166 = arith.constant 0 : i32
    %dma_wait3A_167 = tpu.memref_slice %arg7[%dma_wait3A, %dma_wait3A_166] : memref<8x16xi32, #tpu.memory_space<vmem>> -> memref<1x8xi32, #tpu.memory_space<vmem>>
    %dma_wait3A_168 = tpu.memref_squeeze %dma_wait3A_167 : memref<1x8xi32, #tpu.memory_space<vmem>> -> memref<8xi32, #tpu.memory_space<vmem>>
    %dma_wait3A_169 = arith.constant 0 : i32
    %dma_wait3A_170 = arith.constant 0 : i32
    %dma_wait3A_171 = tpu.memref_slice %arg2[%dma_wait3A_169, %dma_wait3A_170] : memref<10240x2048xf32, #tpu.memory_space<hbm>> -> memref<10240x2048xf32, #tpu.memory_space<hbm>>
    tpu.wait_indirect_dma semaphore(%arg14 : memref<!tpu.dma_semaphore, #tpu.memory_space<semaphore_mem>>) src(%dma_wait3A_171 : memref<10240x2048xf32, #tpu.memory_space<hbm>>) dst(%arg10 : memref<8x2048xf32, #tpu.memory_space<vmem>>)
    %dma_wait3A_172 = arith.constant 0 : i32
    %dma_wait3A_173 = arith.constant 0 : i32
    %dma_wait3A_174 = tpu.memref_slice %arg8[%dma_wait3A_172, %dma_wait3A_173] : memref<8x16xi32, #tpu.memory_space<vmem>> -> memref<1x8xi32, #tpu.memory_space<vmem>>
    %dma_wait3A_175 = tpu.memref_squeeze %dma_wait3A_174 : memref<1x8xi32, #tpu.memory_space<vmem>> -> memref<8xi32, #tpu.memory_space<vmem>>
    %dma_wait3A_176 = arith.constant 0 : i32
    %dma_wait3A_177 = arith.constant 0 : i32
    %dma_wait3A_178 = tpu.memref_slice %arg2[%dma_wait3A_176, %dma_wait3A_177] : memref<10240x2048xf32, #tpu.memory_space<hbm>> -> memref<10240x2048xf32, #tpu.memory_space<hbm>>
    tpu.wait_indirect_dma semaphore(%arg15 : memref<!tpu.dma_semaphore, #tpu.memory_space<semaphore_mem>>) src(%dma_wait3A_178 : memref<10240x2048xf32, #tpu.memory_space<hbm>>) dst(%arg11 : memref<8x2048xf32, #tpu.memory_space<vmem>>)
    %dma_start3A_179 = arith.constant 0 : i32
    %dma_start3A_180 = arith.constant 8 : i32
    %dma_start3A_181 = tpu.memref_slice %arg7[%dma_start3A_179, %dma_start3A_180] : memref<8x16xi32, #tpu.memory_space<vmem>> -> memref<1x8xi32, #tpu.memory_space<vmem>>
    %dma_start3A_182 = tpu.memref_squeeze %dma_start3A_181 : memref<1x8xi32, #tpu.memory_space<vmem>> -> memref<8xi32, #tpu.memory_space<vmem>>
    %dma_start3A_183 = arith.constant 0 : i32
    %dma_start3A_184 = arith.constant 0 : i32
    %dma_start3A_185 = tpu.memref_slice %arg2[%dma_start3A_183, %dma_start3A_184] : memref<10240x2048xf32, #tpu.memory_space<hbm>> -> memref<10240x2048xf32, #tpu.memory_space<hbm>>
    tpu.enqueue_indirect_dma source(%dma_start3A_185 : memref<10240x2048xf32, #tpu.memory_space<hbm>>) target(%arg12 : memref<8x2048xf32, #tpu.memory_space<vmem>>) offsets(%dma_start3A_182 : memref<8xi32, #tpu.memory_space<vmem>>) semaphore(%arg16 : memref<!tpu.dma_semaphore, #tpu.memory_space<semaphore_mem>>)
    %dma_start3A_186 = arith.constant 0 : i32
    %dma_start3A_187 = arith.constant 8 : i32
    %dma_start3A_188 = tpu.memref_slice %arg8[%dma_start3A_186, %dma_start3A_187] : memref<8x16xi32, #tpu.memory_space<vmem>> -> memref<1x8xi32, #tpu.memory_space<vmem>>
    %dma_start3A_189 = tpu.memref_squeeze %dma_start3A_188 : memref<1x8xi32, #tpu.memory_space<vmem>> -> memref<8xi32, #tpu.memory_space<vmem>>
    %dma_start3A_190 = arith.constant 0 : i32
    %dma_start3A_191 = arith.constant 0 : i32
    %dma_start3A_192 = tpu.memref_slice %arg2[%dma_start3A_190, %dma_start3A_191] : memref<10240x2048xf32, #tpu.memory_space<hbm>> -> memref<10240x2048xf32, #tpu.memory_space<hbm>>
    tpu.enqueue_indirect_dma source(%dma_start3A_192 : memref<10240x2048xf32, #tpu.memory_space<hbm>>) target(%arg13 : memref<8x2048xf32, #tpu.memory_space<vmem>>) offsets(%dma_start3A_189 : memref<8xi32, #tpu.memory_space<vmem>>) semaphore(%arg17 : memref<!tpu.dma_semaphore, #tpu.memory_space<semaphore_mem>>)
    %scan3A = arith.constant 0 : i32
    %scan3A_193 = arith.constant 0 : i32
    %scan3A_194 = arith.constant 8 : i32
    %scan3A_195 = arith.addi %scan3A_193, %scan3A_194 : i32
    %scan3A_196 = arith.constant 1 : i32
    scf.for %scan3A_854 = %scan3A_193 to %scan3A_195 step %scan3A_196  : i32 {
      %add3A_855 = arith.constant 0 : i32
      %add3A_856 = arith.addi %add3A_855, %scan3A_854 : i32
      %mul3A_857 = arith.constant 2 : i32
      %mul3A_858 = arith.muli %mul3A_857, %add3A_856 : i32
      %broadcast_in_dim3A = vector.broadcast %mul3A_858 : i32 to vector<16xi32>
      %gather3A_859 = tpu.vector_load_idx %arg9[%broadcast_in_dim3A] : memref<256xf32, #tpu.memory_space<vmem>>[vector<16xi32>], vector<16xf32>,
      %add3A_860 = arith.constant 1 : i32
      %add3A_861 = vector.broadcast %add3A_860 : i32 to vector<16xi32>
      %add3A_862 = arith.addi %broadcast_in_dim3A, %add3A_861 : vector<16xi32>
      %gather3A_863 = tpu.vector_load_idx %arg9[%add3A_862] : memref<256xf32, #tpu.memory_space<vmem>>[vector<16xi32>], vector<16xf32>,
      %parallel_loop3A = arith.constant 0 : i32
      %parallel_loop3A_864 = arith.constant 2048 : i32
      %parallel_loop3A_865 = arith.constant 16 : i32
      scf.for %parallel_loop3A_866 = %parallel_loop3A to %parallel_loop3A_864 step %parallel_loop3A_865  : i32 {
        %parallel_loop3A_867 = arith.index_cast %scan3A_854 : i32 to index
        %parallel_loop3A_868 = arith.index_cast %parallel_loop3A_866 : i32 to index
        %parallel_loop3A_869 = tpu.vector_load %arg10[%parallel_loop3A_867, %parallel_loop3A_868] {strides = array<i32>} : memref<8x2048xf32, #tpu.memory_space<vmem>>, vector<16xf32>,
        %parallel_loop3A_870 = arith.mulf %parallel_loop3A_869, %gather3A_859 : vector<16xf32>
        %parallel_loop3A_871 = arith.index_cast %scan3A_854 : i32 to index
        %parallel_loop3A_872 = arith.index_cast %parallel_loop3A_866 : i32 to index
        %parallel_loop3A_873 = tpu.vector_load %arg11[%parallel_loop3A_871, %parallel_loop3A_872] {strides = array<i32>} : memref<8x2048xf32, #tpu.memory_space<vmem>>, vector<16xf32>,
        %parallel_loop3A_874 = arith.mulf %parallel_loop3A_873, %gather3A_863 : vector<16xf32>
        %parallel_loop3A_875 = arith.addf %parallel_loop3A_870, %parallel_loop3A_874 : vector<16xf32>
        %parallel_loop3A_876 = arith.index_cast %scan3A_854 : i32 to index
        %parallel_loop3A_877 = arith.index_cast %parallel_loop3A_866 : i32 to index
        %parallel_loop3A_878 = tpu.vector_load %arg10[%parallel_loop3A_876, %parallel_loop3A_877] {strides = array<i32>} : memref<8x2048xf32, #tpu.memory_space<vmem>>, vector<16xf32>,
        tpu.vector_store %arg10[%parallel_loop3A_876, %parallel_loop3A_877], %parallel_loop3A_875 {strides = array<i32>} : memref<8x2048xf32, #tpu.memory_space<vmem>>, vector<16xf32>,
      } {sc.loop_unroll_factor = 8 : i64, sc.parallel_access}
    }
    %scan3A_197 = arith.constant 8 : i32
    %add3A_198 = arith.constant 0 : i32
    %add3A_199 = arith.addi %mul3A_2, %add3A_198 : i32
    %dma_start3A_200 = arith.constant 0 : i32
    %dma_start3A_201 = tpu.memref_slice %arg5[%add3A_199, %dma_start3A_200] : memref<4096x2048xf32, #tpu.memory_space<hbm>> -> memref<8x2048xf32, #tpu.memory_space<hbm>>
    %dma_start3A_202 = arith.constant 0 : i32
    %dma_start3A_203 = tpu.memref_slice %arg5[%add3A_199, %dma_start3A_202] : memref<4096x2048xf32, #tpu.memory_space<hbm>> -> memref<8x2048xf32, #tpu.memory_space<hbm>>
    tpu.enqueue_dma source(%arg10 : memref<8x2048xf32, #tpu.memory_space<vmem>>) target(%dma_start3A_203 : memref<8x2048xf32, #tpu.memory_space<hbm>>) target_semaphore(%arg18 : memref<!tpu.dma_semaphore, #tpu.memory_space<semaphore_mem>>)
    %dma_wait3A_204 = arith.constant 0 : i32
    %dma_wait3A_205 = arith.constant 8 : i32
    %dma_wait3A_206 = tpu.memref_slice %arg7[%dma_wait3A_204, %dma_wait3A_205] : memref<8x16xi32, #tpu.memory_space<vmem>> -> memref<1x8xi32, #tpu.memory_space<vmem>>
    %dma_wait3A_207 = tpu.memref_squeeze %dma_wait3A_206 : memref<1x8xi32, #tpu.memory_space<vmem>> -> memref<8xi32, #tpu.memory_space<vmem>>
    %dma_wait3A_208 = arith.constant 0 : i32
    %dma_wait3A_209 = arith.constant 0 : i32
    %dma_wait3A_210 = tpu.memref_slice %arg2[%dma_wait3A_208, %dma_wait3A_209] : memref<10240x2048xf32, #tpu.memory_space<hbm>> -> memref<10240x2048xf32, #tpu.memory_space<hbm>>
    tpu.wait_indirect_dma semaphore(%arg16 : memref<!tpu.dma_semaphore, #tpu.memory_space<semaphore_mem>>) src(%dma_wait3A_210 : memref<10240x2048xf32, #tpu.memory_space<hbm>>) dst(%arg12 : memref<8x2048xf32, #tpu.memory_space<vmem>>)
    %dma_wait3A_211 = arith.constant 0 : i32
    %dma_wait3A_212 = arith.constant 8 : i32
    %dma_wait3A_213 = tpu.memref_slice %arg8[%dma_wait3A_211, %dma_wait3A_212] : memref<8x16xi32, #tpu.memory_space<vmem>> -> memref<1x8xi32, #tpu.memory_space<vmem>>
    %dma_wait3A_214 = tpu.memref_squeeze %dma_wait3A_213 : memref<1x8xi32, #tpu.memory_space<vmem>> -> memref<8xi32, #tpu.memory_space<vmem>>
    %dma_wait3A_215 = arith.constant 0 : i32
    %dma_wait3A_216 = arith.constant 0 : i32
    %dma_wait3A_217 = tpu.memref_slice %arg2[%dma_wait3A_215, %dma_wait3A_216] : memref<10240x2048xf32, #tpu.memory_space<hbm>> -> memref<10240x2048xf32, #tpu.memory_space<hbm>>
    tpu.wait_indirect_dma semaphore(%arg17 : memref<!tpu.dma_semaphore, #tpu.memory_space<semaphore_mem>>) src(%dma_wait3A_217 : memref<10240x2048xf32, #tpu.memory_space<hbm>>) dst(%arg13 : memref<8x2048xf32, #tpu.memory_space<vmem>>)
    %dma_wait3A_218 = arith.constant 0 : i32
    %dma_wait3A_219 = tpu.memref_slice %arg5[%add3A_199, %dma_wait3A_218] : memref<4096x2048xf32, #tpu.memory_space<hbm>> -> memref<8x2048xf32, #tpu.memory_space<hbm>>
    %dma_wait3A_220 = arith.constant 0 : i32
    %dma_wait3A_221 = tpu.memref_slice %arg5[%add3A_199, %dma_wait3A_220] : memref<4096x2048xf32, #tpu.memory_space<hbm>> -> memref<8x2048xf32, #tpu.memory_space<hbm>>
    tpu.wait_dma2 semaphore(%arg18 : memref<!tpu.dma_semaphore, #tpu.memory_space<semaphore_mem>>) src(%arg10 : memref<8x2048xf32, #tpu.memory_space<vmem>>) dst(%dma_wait3A_221 : memref<8x2048xf32, #tpu.memory_space<hbm>>)
    %dma_start3A_222 = arith.constant 1 : i32
    %dma_start3A_223 = arith.constant 0 : i32
    %dma_start3A_224 = tpu.memref_slice %arg7[%dma_start3A_222, %dma_start3A_223] : memref<8x16xi32, #tpu.memory_space<vmem>> -> memref<1x8xi32, #tpu.memory_space<vmem>>
    %dma_start3A_225 = tpu.memref_squeeze %dma_start3A_224 : memref<1x8xi32, #tpu.memory_space<vmem>> -> memref<8xi32, #tpu.memory_space<vmem>>
    %dma_start3A_226 = arith.constant 0 : i32
    %dma_start3A_227 = arith.constant 0 : i32
    %dma_start3A_228 = tpu.memref_slice %arg2[%dma_start3A_226, %dma_start3A_227] : memref<10240x2048xf32, #tpu.memory_space<hbm>> -> memref<10240x2048xf32, #tpu.memory_space<hbm>>
    tpu.enqueue_indirect_dma source(%dma_start3A_228 : memref<10240x2048xf32, #tpu.memory_space<hbm>>) target(%arg10 : memref<8x2048xf32, #tpu.memory_space<vmem>>) offsets(%dma_start3A_225 : memref<8xi32, #tpu.memory_space<vmem>>) semaphore(%arg14 : memref<!tpu.dma_semaphore, #tpu.memory_space<semaphore_mem>>)
    %dma_start3A_229 = arith.constant 1 : i32
    %dma_start3A_230 = arith.constant 0 : i32
    %dma_start3A_231 = tpu.memref_slice %arg8[%dma_start3A_229, %dma_start3A_230] : memref<8x16xi32, #tpu.memory_space<vmem>> -> memref<1x8xi32, #tpu.memory_space<vmem>>
    %dma_start3A_232 = tpu.memref_squeeze %dma_start3A_231 : memref<1x8xi32, #tpu.memory_space<vmem>> -> memref<8xi32, #tpu.memory_space<vmem>>
    %dma_start3A_233 = arith.constant 0 : i32
    %dma_start3A_234 = arith.constant 0 : i32
    %dma_start3A_235 = tpu.memref_slice %arg2[%dma_start3A_233, %dma_start3A_234] : memref<10240x2048xf32, #tpu.memory_space<hbm>> -> memref<10240x2048xf32, #tpu.memory_space<hbm>>
    tpu.enqueue_indirect_dma source(%dma_start3A_235 : memref<10240x2048xf32, #tpu.memory_space<hbm>>) target(%arg11 : memref<8x2048xf32, #tpu.memory_space<vmem>>) offsets(%dma_start3A_232 : memref<8xi32, #tpu.memory_space<vmem>>) semaphore(%arg15 : memref<!tpu.dma_semaphore, #tpu.memory_space<semaphore_mem>>)
    %scan3A_236 = arith.constant 0 : i32
    %scan3A_237 = arith.constant 0 : i32
    %scan3A_238 = arith.constant 8 : i32
    %scan3A_239 = arith.addi %scan3A_237, %scan3A_238 : i32
    %scan3A_240 = arith.constant 1 : i32
    scf.for %scan3A_854 = %scan3A_237 to %scan3A_239 step %scan3A_240  : i32 {
      %add3A_855 = arith.constant 8 : i32
      %add3A_856 = arith.addi %add3A_855, %scan3A_854 : i32
      %mul3A_857 = arith.constant 2 : i32
      %mul3A_858 = arith.muli %mul3A_857, %add3A_856 : i32
      %broadcast_in_dim3A = vector.broadcast %mul3A_858 : i32 to vector<16xi32>
      %gather3A_859 = tpu.vector_load_idx %arg9[%broadcast_in_dim3A] : memref<256xf32, #tpu.memory_space<vmem>>[vector<16xi32>], vector<16xf32>,
      %add3A_860 = arith.constant 1 : i32
      %add3A_861 = vector.broadcast %add3A_860 : i32 to vector<16xi32>
      %add3A_862 = arith.addi %broadcast_in_dim3A, %add3A_861 : vector<16xi32>
      %gather3A_863 = tpu.vector_load_idx %arg9[%add3A_862] : memref<256xf32, #tpu.memory_space<vmem>>[vector<16xi32>], vector<16xf32>,
      %parallel_loop3A = arith.constant 0 : i32
      %parallel_loop3A_864 = arith.constant 2048 : i32
      %parallel_loop3A_865 = arith.constant 16 : i32
      scf.for %parallel_loop3A_866 = %parallel_loop3A to %parallel_loop3A_864 step %parallel_loop3A_865  : i32 {
        %parallel_loop3A_867 = arith.index_cast %scan3A_854 : i32 to index
        %parallel_loop3A_868 = arith.index_cast %parallel_loop3A_866 : i32 to index
        %parallel_loop3A_869 = tpu.vector_load %arg12[%parallel_loop3A_867, %parallel_loop3A_868] {strides = array<i32>} : memref<8x2048xf32, #tpu.memory_space<vmem>>, vector<16xf32>,
        %parallel_loop3A_870 = arith.mulf %parallel_loop3A_869, %gather3A_859 : vector<16xf32>
        %parallel_loop3A_871 = arith.index_cast %scan3A_854 : i32 to index
        %parallel_loop3A_872 = arith.index_cast %parallel_loop3A_866 : i32 to index
        %parallel_loop3A_873 = tpu.vector_load %arg13[%parallel_loop3A_871, %parallel_loop3A_872] {strides = array<i32>} : memref<8x2048xf32, #tpu.memory_space<vmem>>, vector<16xf32>,
        %parallel_loop3A_874 = arith.mulf %parallel_loop3A_873, %gather3A_863 : vector<16xf32>
        %parallel_loop3A_875 = arith.addf %parallel_loop3A_870, %parallel_loop3A_874 : vector<16xf32>
        %parallel_loop3A_876 = arith.index_cast %scan3A_854 : i32 to index
        %parallel_loop3A_877 = arith.index_cast %parallel_loop3A_866 : i32 to index
        %parallel_loop3A_878 = tpu.vector_load %arg12[%parallel_loop3A_876, %parallel_loop3A_877] {strides = array<i32>} : memref<8x2048xf32, #tpu.memory_space<vmem>>, vector<16xf32>,
        tpu.vector_store %arg12[%parallel_loop3A_876, %parallel_loop3A_877], %parallel_loop3A_875 {strides = array<i32>} : memref<8x2048xf32, #tpu.memory_space<vmem>>, vector<16xf32>,
      } {sc.loop_unroll_factor = 8 : i64, sc.parallel_access}
    }
    %scan3A_241 = arith.constant 8 : i32
    %add3A_242 = arith.constant 8 : i32
    %add3A_243 = arith.addi %mul3A_2, %add3A_242 : i32
    %dma_start3A_244 = arith.constant 0 : i32
    %dma_start3A_245 = tpu.memref_slice %arg5[%add3A_243, %dma_start3A_244] : memref<4096x2048xf32, #tpu.memory_space<hbm>> -> memref<8x2048xf32, #tpu.memory_space<hbm>>
    %dma_start3A_246 = arith.constant 0 : i32
    %dma_start3A_247 = tpu.memref_slice %arg5[%add3A_243, %dma_start3A_246] : memref<4096x2048xf32, #tpu.memory_space<hbm>> -> memref<8x2048xf32, #tpu.memory_space<hbm>>
    tpu.enqueue_dma source(%arg12 : memref<8x2048xf32, #tpu.memory_space<vmem>>) target(%dma_start3A_247 : memref<8x2048xf32, #tpu.memory_space<hbm>>) target_semaphore(%arg19 : memref<!tpu.dma_semaphore, #tpu.memory_space<semaphore_mem>>)
    %dma_wait3A_248 = arith.constant 1 : i32
    %dma_wait3A_249 = arith.constant 0 : i32
    %dma_wait3A_250 = tpu.memref_slice %arg7[%dma_wait3A_248, %dma_wait3A_249] : memref<8x16xi32, #tpu.memory_space<vmem>> -> memref<1x8xi32, #tpu.memory_space<vmem>>
    %dma_wait3A_251 = tpu.memref_squeeze %dma_wait3A_250 : memref<1x8xi32, #tpu.memory_space<vmem>> -> memref<8xi32, #tpu.memory_space<vmem>>
    %dma_wait3A_252 = arith.constant 0 : i32
    %dma_wait3A_253 = arith.constant 0 : i32
    %dma_wait3A_254 = tpu.memref_slice %arg2[%dma_wait3A_252, %dma_wait3A_253] : memref<10240x2048xf32, #tpu.memory_space<hbm>> -> memref<10240x2048xf32, #tpu.memory_space<hbm>>
    tpu.wait_indirect_dma semaphore(%arg14 : memref<!tpu.dma_semaphore, #tpu.memory_space<semaphore_mem>>) src(%dma_wait3A_254 : memref<10240x2048xf32, #tpu.memory_space<hbm>>) dst(%arg10 : memref<8x2048xf32, #tpu.memory_space<vmem>>)
    %dma_wait3A_255 = arith.constant 1 : i32
    %dma_wait3A_256 = arith.constant 0 : i32
    %dma_wait3A_257 = tpu.memref_slice %arg8[%dma_wait3A_255, %dma_wait3A_256] : memref<8x16xi32, #tpu.memory_space<vmem>> -> memref<1x8xi32, #tpu.memory_space<vmem>>
    %dma_wait3A_258 = tpu.memref_squeeze %dma_wait3A_257 : memref<1x8xi32, #tpu.memory_space<vmem>> -> memref<8xi32, #tpu.memory_space<vmem>>
    %dma_wait3A_259 = arith.constant 0 : i32
    %dma_wait3A_260 = arith.constant 0 : i32
    %dma_wait3A_261 = tpu.memref_slice %arg2[%dma_wait3A_259, %dma_wait3A_260] : memref<10240x2048xf32, #tpu.memory_space<hbm>> -> memref<10240x2048xf32, #tpu.memory_space<hbm>>
    tpu.wait_indirect_dma semaphore(%arg15 : memref<!tpu.dma_semaphore, #tpu.memory_space<semaphore_mem>>) src(%dma_wait3A_261 : memref<10240x2048xf32, #tpu.memory_space<hbm>>) dst(%arg11 : memref<8x2048xf32, #tpu.memory_space<vmem>>)
    %dma_wait3A_262 = arith.constant 0 : i32
    %dma_wait3A_263 = tpu.memref_slice %arg5[%add3A_243, %dma_wait3A_262] : memref<4096x2048xf32, #tpu.memory_space<hbm>> -> memref<8x2048xf32, #tpu.memory_space<hbm>>
    %dma_wait3A_264 = arith.constant 0 : i32
    %dma_wait3A_265 = tpu.memref_slice %arg5[%add3A_243, %dma_wait3A_264] : memref<4096x2048xf32, #tpu.memory_space<hbm>> -> memref<8x2048xf32, #tpu.memory_space<hbm>>
    tpu.wait_dma2 semaphore(%arg19 : memref<!tpu.dma_semaphore, #tpu.memory_space<semaphore_mem>>) src(%arg12 : memref<8x2048xf32, #tpu.memory_space<vmem>>) dst(%dma_wait3A_265 : memref<8x2048xf32, #tpu.memory_space<hbm>>)
    %dma_start3A_266 = arith.constant 1 : i32
    %dma_start3A_267 = arith.constant 8 : i32
    %dma_start3A_268 = tpu.memref_slice %arg7[%dma_start3A_266, %dma_start3A_267] : memref<8x16xi32, #tpu.memory_space<vmem>> -> memref<1x8xi32, #tpu.memory_space<vmem>>
    %dma_start3A_269 = tpu.memref_squeeze %dma_start3A_268 : memref<1x8xi32, #tpu.memory_space<vmem>> -> memref<8xi32, #tpu.memory_space<vmem>>
    %dma_start3A_270 = arith.constant 0 : i32
    %dma_start3A_271 = arith.constant 0 : i32
    %dma_start3A_272 = tpu.memref_slice %arg2[%dma_start3A_270, %dma_start3A_271] : memref<10240x2048xf32, #tpu.memory_space<hbm>> -> memref<10240x2048xf32, #tpu.memory_space<hbm>>
    tpu.enqueue_indirect_dma source(%dma_start3A_272 : memref<10240x2048xf32, #tpu.memory_space<hbm>>) target(%arg12 : memref<8x2048xf32, #tpu.memory_space<vmem>>) offsets(%dma_start3A_269 : memref<8xi32, #tpu.memory_space<vmem>>) semaphore(%arg16 : memref<!tpu.dma_semaphore, #tpu.memory_space<semaphore_mem>>)
    %dma_start3A_273 = arith.constant 1 : i32
    %dma_start3A_274 = arith.constant 8 : i32
    %dma_start3A_275 = tpu.memref_slice %arg8[%dma_start3A_273, %dma_start3A_274] : memref<8x16xi32, #tpu.memory_space<vmem>> -> memref<1x8xi32, #tpu.memory_space<vmem>>
    %dma_start3A_276 = tpu.memref_squeeze %dma_start3A_275 : memref<1x8xi32, #tpu.memory_space<vmem>> -> memref<8xi32, #tpu.memory_space<vmem>>
    %dma_start3A_277 = arith.constant 0 : i32
    %dma_start3A_278 = arith.constant 0 : i32
    %dma_start3A_279 = tpu.memref_slice %arg2[%dma_start3A_277, %dma_start3A_278] : memref<10240x2048xf32, #tpu.memory_space<hbm>> -> memref<10240x2048xf32, #tpu.memory_space<hbm>>
    tpu.enqueue_indirect_dma source(%dma_start3A_279 : memref<10240x2048xf32, #tpu.memory_space<hbm>>) target(%arg13 : memref<8x2048xf32, #tpu.memory_space<vmem>>) offsets(%dma_start3A_276 : memref<8xi32, #tpu.memory_space<vmem>>) semaphore(%arg17 : memref<!tpu.dma_semaphore, #tpu.memory_space<semaphore_mem>>)
    %scan3A_280 = arith.constant 0 : i32
    %scan3A_281 = arith.constant 0 : i32
    %scan3A_282 = arith.constant 8 : i32
    %scan3A_283 = arith.addi %scan3A_281, %scan3A_282 : i32
    %scan3A_284 = arith.constant 1 : i32
    scf.for %scan3A_854 = %scan3A_281 to %scan3A_283 step %scan3A_284  : i32 {
      %add3A_855 = arith.constant 16 : i32
      %add3A_856 = arith.addi %add3A_855, %scan3A_854 : i32
      %mul3A_857 = arith.constant 2 : i32
      %mul3A_858 = arith.muli %mul3A_857, %add3A_856 : i32
      %broadcast_in_dim3A = vector.broadcast %mul3A_858 : i32 to vector<16xi32>
      %gather3A_859 = tpu.vector_load_idx %arg9[%broadcast_in_dim3A] : memref<256xf32, #tpu.memory_space<vmem>>[vector<16xi32>], vector<16xf32>,
      %add3A_860 = arith.constant 1 : i32
      %add3A_861 = vector.broadcast %add3A_860 : i32 to vector<16xi32>
      %add3A_862 = arith.addi %broadcast_in_dim3A, %add3A_861 : vector<16xi32>
      %gather3A_863 = tpu.vector_load_idx %arg9[%add3A_862] : memref<256xf32, #tpu.memory_space<vmem>>[vector<16xi32>], vector<16xf32>,
      %parallel_loop3A = arith.constant 0 : i32
      %parallel_loop3A_864 = arith.constant 2048 : i32
      %parallel_loop3A_865 = arith.constant 16 : i32
      scf.for %parallel_loop3A_866 = %parallel_loop3A to %parallel_loop3A_864 step %parallel_loop3A_865  : i32 {
        %parallel_loop3A_867 = arith.index_cast %scan3A_854 : i32 to index
        %parallel_loop3A_868 = arith.index_cast %parallel_loop3A_866 : i32 to index
        %parallel_loop3A_869 = tpu.vector_load %arg10[%parallel_loop3A_867, %parallel_loop3A_868] {strides = array<i32>} : memref<8x2048xf32, #tpu.memory_space<vmem>>, vector<16xf32>,
        %parallel_loop3A_870 = arith.mulf %parallel_loop3A_869, %gather3A_859 : vector<16xf32>
        %parallel_loop3A_871 = arith.index_cast %scan3A_854 : i32 to index
        %parallel_loop3A_872 = arith.index_cast %parallel_loop3A_866 : i32 to index
        %parallel_loop3A_873 = tpu.vector_load %arg11[%parallel_loop3A_871, %parallel_loop3A_872] {strides = array<i32>} : memref<8x2048xf32, #tpu.memory_space<vmem>>, vector<16xf32>,
        %parallel_loop3A_874 = arith.mulf %parallel_loop3A_873, %gather3A_863 : vector<16xf32>
        %parallel_loop3A_875 = arith.addf %parallel_loop3A_870, %parallel_loop3A_874 : vector<16xf32>
        %parallel_loop3A_876 = arith.index_cast %scan3A_854 : i32 to index
        %parallel_loop3A_877 = arith.index_cast %parallel_loop3A_866 : i32 to index
        %parallel_loop3A_878 = tpu.vector_load %arg10[%parallel_loop3A_876, %parallel_loop3A_877] {strides = array<i32>} : memref<8x2048xf32, #tpu.memory_space<vmem>>, vector<16xf32>,
        tpu.vector_store %arg10[%parallel_loop3A_876, %parallel_loop3A_877], %parallel_loop3A_875 {strides = array<i32>} : memref<8x2048xf32, #tpu.memory_space<vmem>>, vector<16xf32>,
      } {sc.loop_unroll_factor = 8 : i64, sc.parallel_access}
    }
    %scan3A_285 = arith.constant 8 : i32
    %add3A_286 = arith.constant 16 : i32
    %add3A_287 = arith.addi %mul3A_2, %add3A_286 : i32
    %dma_start3A_288 = arith.constant 0 : i32
    %dma_start3A_289 = tpu.memref_slice %arg5[%add3A_287, %dma_start3A_288] : memref<4096x2048xf32, #tpu.memory_space<hbm>> -> memref<8x2048xf32, #tpu.memory_space<hbm>>
    %dma_start3A_290 = arith.constant 0 : i32
    %dma_start3A_291 = tpu.memref_slice %arg5[%add3A_287, %dma_start3A_290] : memref<4096x2048xf32, #tpu.memory_space<hbm>> -> memref<8x2048xf32, #tpu.memory_space<hbm>>
    tpu.enqueue_dma source(%arg10 : memref<8x2048xf32, #tpu.memory_space<vmem>>) target(%dma_start3A_291 : memref<8x2048xf32, #tpu.memory_space<hbm>>) target_semaphore(%arg18 : memref<!tpu.dma_semaphore, #tpu.memory_space<semaphore_mem>>)
    %dma_wait3A_292 = arith.constant 1 : i32
    %dma_wait3A_293 = arith.constant 8 : i32
    %dma_wait3A_294 = tpu.memref_slice %arg7[%dma_wait3A_292, %dma_wait3A_293] : memref<8x16xi32, #tpu.memory_space<vmem>> -> memref<1x8xi32, #tpu.memory_space<vmem>>
    %dma_wait3A_295 = tpu.memref_squeeze %dma_wait3A_294 : memref<1x8xi32, #tpu.memory_space<vmem>> -> memref<8xi32, #tpu.memory_space<vmem>>
    %dma_wait3A_296 = arith.constant 0 : i32
    %dma_wait3A_297 = arith.constant 0 : i32
    %dma_wait3A_298 = tpu.memref_slice %arg2[%dma_wait3A_296, %dma_wait3A_297] : memref<10240x2048xf32, #tpu.memory_space<hbm>> -> memref<10240x2048xf32, #tpu.memory_space<hbm>>
    tpu.wait_indirect_dma semaphore(%arg16 : memref<!tpu.dma_semaphore, #tpu.memory_space<semaphore_mem>>) src(%dma_wait3A_298 : memref<10240x2048xf32, #tpu.memory_space<hbm>>) dst(%arg12 : memref<8x2048xf32, #tpu.memory_space<vmem>>)
    %dma_wait3A_299 = arith.constant 1 : i32
    %dma_wait3A_300 = arith.constant 8 : i32
    %dma_wait3A_301 = tpu.memref_slice %arg8[%dma_wait3A_299, %dma_wait3A_300] : memref<8x16xi32, #tpu.memory_space<vmem>> -> memref<1x8xi32, #tpu.memory_space<vmem>>
    %dma_wait3A_302 = tpu.memref_squeeze %dma_wait3A_301 : memref<1x8xi32, #tpu.memory_space<vmem>> -> memref<8xi32, #tpu.memory_space<vmem>>
    %dma_wait3A_303 = arith.constant 0 : i32
    %dma_wait3A_304 = arith.constant 0 : i32
    %dma_wait3A_305 = tpu.memref_slice %arg2[%dma_wait3A_303, %dma_wait3A_304] : memref<10240x2048xf32, #tpu.memory_space<hbm>> -> memref<10240x2048xf32, #tpu.memory_space<hbm>>
    tpu.wait_indirect_dma semaphore(%arg17 : memref<!tpu.dma_semaphore, #tpu.memory_space<semaphore_mem>>) src(%dma_wait3A_305 : memref<10240x2048xf32, #tpu.memory_space<hbm>>) dst(%arg13 : memref<8x2048xf32, #tpu.memory_space<vmem>>)
    %dma_wait3A_306 = arith.constant 0 : i32
    %dma_wait3A_307 = tpu.memref_slice %arg5[%add3A_287, %dma_wait3A_306] : memref<4096x2048xf32, #tpu.memory_space<hbm>> -> memref<8x2048xf32, #tpu.memory_space<hbm>>
    %dma_wait3A_308 = arith.constant 0 : i32
    %dma_wait3A_309 = tpu.memref_slice %arg5[%add3A_287, %dma_wait3A_308] : memref<4096x2048xf32, #tpu.memory_space<hbm>> -> memref<8x2048xf32, #tpu.memory_space<hbm>>
    tpu.wait_dma2 semaphore(%arg18 : memref<!tpu.dma_semaphore, #tpu.memory_space<semaphore_mem>>) src(%arg10 : memref<8x2048xf32, #tpu.memory_space<vmem>>) dst(%dma_wait3A_309 : memref<8x2048xf32, #tpu.memory_space<hbm>>)
    %dma_start3A_310 = arith.constant 2 : i32
    %dma_start3A_311 = arith.constant 0 : i32
    %dma_start3A_312 = tpu.memref_slice %arg7[%dma_start3A_310, %dma_start3A_311] : memref<8x16xi32, #tpu.memory_space<vmem>> -> memref<1x8xi32, #tpu.memory_space<vmem>>
    %dma_start3A_313 = tpu.memref_squeeze %dma_start3A_312 : memref<1x8xi32, #tpu.memory_space<vmem>> -> memref<8xi32, #tpu.memory_space<vmem>>
    %dma_start3A_314 = arith.constant 0 : i32
    %dma_start3A_315 = arith.constant 0 : i32
    %dma_start3A_316 = tpu.memref_slice %arg2[%dma_start3A_314, %dma_start3A_315] : memref<10240x2048xf32, #tpu.memory_space<hbm>> -> memref<10240x2048xf32, #tpu.memory_space<hbm>>
    tpu.enqueue_indirect_dma source(%dma_start3A_316 : memref<10240x2048xf32, #tpu.memory_space<hbm>>) target(%arg10 : memref<8x2048xf32, #tpu.memory_space<vmem>>) offsets(%dma_start3A_313 : memref<8xi32, #tpu.memory_space<vmem>>) semaphore(%arg14 : memref<!tpu.dma_semaphore, #tpu.memory_space<semaphore_mem>>)
    %dma_start3A_317 = arith.constant 2 : i32
    %dma_start3A_318 = arith.constant 0 : i32
    %dma_start3A_319 = tpu.memref_slice %arg8[%dma_start3A_317, %dma_start3A_318] : memref<8x16xi32, #tpu.memory_space<vmem>> -> memref<1x8xi32, #tpu.memory_space<vmem>>
    %dma_start3A_320 = tpu.memref_squeeze %dma_start3A_319 : memref<1x8xi32, #tpu.memory_space<vmem>> -> memref<8xi32, #tpu.memory_space<vmem>>
    %dma_start3A_321 = arith.constant 0 : i32
    %dma_start3A_322 = arith.constant 0 : i32
    %dma_start3A_323 = tpu.memref_slice %arg2[%dma_start3A_321, %dma_start3A_322] : memref<10240x2048xf32, #tpu.memory_space<hbm>> -> memref<10240x2048xf32, #tpu.memory_space<hbm>>
    tpu.enqueue_indirect_dma source(%dma_start3A_323 : memref<10240x2048xf32, #tpu.memory_space<hbm>>) target(%arg11 : memref<8x2048xf32, #tpu.memory_space<vmem>>) offsets(%dma_start3A_320 : memref<8xi32, #tpu.memory_space<vmem>>) semaphore(%arg15 : memref<!tpu.dma_semaphore, #tpu.memory_space<semaphore_mem>>)
    %scan3A_324 = arith.constant 0 : i32
    %scan3A_325 = arith.constant 0 : i32
    %scan3A_326 = arith.constant 8 : i32
    %scan3A_327 = arith.addi %scan3A_325, %scan3A_326 : i32
    %scan3A_328 = arith.constant 1 : i32
    scf.for %scan3A_854 = %scan3A_325 to %scan3A_327 step %scan3A_328  : i32 {
      %add3A_855 = arith.constant 24 : i32
      %add3A_856 = arith.addi %add3A_855, %scan3A_854 : i32
      %mul3A_857 = arith.constant 2 : i32
      %mul3A_858 = arith.muli %mul3A_857, %add3A_856 : i32
      %broadcast_in_dim3A = vector.broadcast %mul3A_858 : i32 to vector<16xi32>
      %gather3A_859 = tpu.vector_load_idx %arg9[%broadcast_in_dim3A] : memref<256xf32, #tpu.memory_space<vmem>>[vector<16xi32>], vector<16xf32>,
      %add3A_860 = arith.constant 1 : i32
      %add3A_861 = vector.broadcast %add3A_860 : i32 to vector<16xi32>
      %add3A_862 = arith.addi %broadcast_in_dim3A, %add3A_861 : vector<16xi32>
      %gather3A_863 = tpu.vector_load_idx %arg9[%add3A_862] : memref<256xf32, #tpu.memory_space<vmem>>[vector<16xi32>], vector<16xf32>,
      %parallel_loop3A = arith.constant 0 : i32
      %parallel_loop3A_864 = arith.constant 2048 : i32
      %parallel_loop3A_865 = arith.constant 16 : i32
      scf.for %parallel_loop3A_866 = %parallel_loop3A to %parallel_loop3A_864 step %parallel_loop3A_865  : i32 {
        %parallel_loop3A_867 = arith.index_cast %scan3A_854 : i32 to index
        %parallel_loop3A_868 = arith.index_cast %parallel_loop3A_866 : i32 to index
        %parallel_loop3A_869 = tpu.vector_load %arg12[%parallel_loop3A_867, %parallel_loop3A_868] {strides = array<i32>} : memref<8x2048xf32, #tpu.memory_space<vmem>>, vector<16xf32>,
        %parallel_loop3A_870 = arith.mulf %parallel_loop3A_869, %gather3A_859 : vector<16xf32>
        %parallel_loop3A_871 = arith.index_cast %scan3A_854 : i32 to index
        %parallel_loop3A_872 = arith.index_cast %parallel_loop3A_866 : i32 to index
        %parallel_loop3A_873 = tpu.vector_load %arg13[%parallel_loop3A_871, %parallel_loop3A_872] {strides = array<i32>} : memref<8x2048xf32, #tpu.memory_space<vmem>>, vector<16xf32>,
        %parallel_loop3A_874 = arith.mulf %parallel_loop3A_873, %gather3A_863 : vector<16xf32>
        %parallel_loop3A_875 = arith.addf %parallel_loop3A_870, %parallel_loop3A_874 : vector<16xf32>
        %parallel_loop3A_876 = arith.index_cast %scan3A_854 : i32 to index
        %parallel_loop3A_877 = arith.index_cast %parallel_loop3A_866 : i32 to index
        %parallel_loop3A_878 = tpu.vector_load %arg12[%parallel_loop3A_876, %parallel_loop3A_877] {strides = array<i32>} : memref<8x2048xf32, #tpu.memory_space<vmem>>, vector<16xf32>,
        tpu.vector_store %arg12[%parallel_loop3A_876, %parallel_loop3A_877], %parallel_loop3A_875 {strides = array<i32>} : memref<8x2048xf32, #tpu.memory_space<vmem>>, vector<16xf32>,
      } {sc.loop_unroll_factor = 8 : i64, sc.parallel_access}
    }
    %scan3A_329 = arith.constant 8 : i32
    %add3A_330 = arith.constant 24 : i32
    %add3A_331 = arith.addi %mul3A_2, %add3A_330 : i32
    %dma_start3A_332 = arith.constant 0 : i32
    %dma_start3A_333 = tpu.memref_slice %arg5[%add3A_331, %dma_start3A_332] : memref<4096x2048xf32, #tpu.memory_space<hbm>> -> memref<8x2048xf32, #tpu.memory_space<hbm>>
    %dma_start3A_334 = arith.constant 0 : i32
    %dma_start3A_335 = tpu.memref_slice %arg5[%add3A_331, %dma_start3A_334] : memref<4096x2048xf32, #tpu.memory_space<hbm>> -> memref<8x2048xf32, #tpu.memory_space<hbm>>
    tpu.enqueue_dma source(%arg12 : memref<8x2048xf32, #tpu.memory_space<vmem>>) target(%dma_start3A_335 : memref<8x2048xf32, #tpu.memory_space<hbm>>) target_semaphore(%arg19 : memref<!tpu.dma_semaphore, #tpu.memory_space<semaphore_mem>>)
    %dma_wait3A_336 = arith.constant 2 : i32
    %dma_wait3A_337 = arith.constant 0 : i32
    %dma_wait3A_338 = tpu.memref_slice %arg7[%dma_wait3A_336, %dma_wait3A_337] : memref<8x16xi32, #tpu.memory_space<vmem>> -> memref<1x8xi32, #tpu.memory_space<vmem>>
    %dma_wait3A_339 = tpu.memref_squeeze %dma_wait3A_338 : memref<1x8xi32, #tpu.memory_space<vmem>> -> memref<8xi32, #tpu.memory_space<vmem>>
    %dma_wait3A_340 = arith.constant 0 : i32
    %dma_wait3A_341 = arith.constant 0 : i32
    %dma_wait3A_342 = tpu.memref_slice %arg2[%dma_wait3A_340, %dma_wait3A_341] : memref<10240x2048xf32, #tpu.memory_space<hbm>> -> memref<10240x2048xf32, #tpu.memory_space<hbm>>
    tpu.wait_indirect_dma semaphore(%arg14 : memref<!tpu.dma_semaphore, #tpu.memory_space<semaphore_mem>>) src(%dma_wait3A_342 : memref<10240x2048xf32, #tpu.memory_space<hbm>>) dst(%arg10 : memref<8x2048xf32, #tpu.memory_space<vmem>>)
    %dma_wait3A_343 = arith.constant 2 : i32
    %dma_wait3A_344 = arith.constant 0 : i32
    %dma_wait3A_345 = tpu.memref_slice %arg8[%dma_wait3A_343, %dma_wait3A_344] : memref<8x16xi32, #tpu.memory_space<vmem>> -> memref<1x8xi32, #tpu.memory_space<vmem>>
    %dma_wait3A_346 = tpu.memref_squeeze %dma_wait3A_345 : memref<1x8xi32, #tpu.memory_space<vmem>> -> memref<8xi32, #tpu.memory_space<vmem>>
    %dma_wait3A_347 = arith.constant 0 : i32
    %dma_wait3A_348 = arith.constant 0 : i32
    %dma_wait3A_349 = tpu.memref_slice %arg2[%dma_wait3A_347, %dma_wait3A_348] : memref<10240x2048xf32, #tpu.memory_space<hbm>> -> memref<10240x2048xf32, #tpu.memory_space<hbm>>
    tpu.wait_indirect_dma semaphore(%arg15 : memref<!tpu.dma_semaphore, #tpu.memory_space<semaphore_mem>>) src(%dma_wait3A_349 : memref<10240x2048xf32, #tpu.memory_space<hbm>>) dst(%arg11 : memref<8x2048xf32, #tpu.memory_space<vmem>>)
    %dma_wait3A_350 = arith.constant 0 : i32
    %dma_wait3A_351 = tpu.memref_slice %arg5[%add3A_331, %dma_wait3A_350] : memref<4096x2048xf32, #tpu.memory_space<hbm>> -> memref<8x2048xf32, #tpu.memory_space<hbm>>
    %dma_wait3A_352 = arith.constant 0 : i32
    %dma_wait3A_353 = tpu.memref_slice %arg5[%add3A_331, %dma_wait3A_352] : memref<4096x2048xf32, #tpu.memory_space<hbm>> -> memref<8x2048xf32, #tpu.memory_space<hbm>>
    tpu.wait_dma2 semaphore(%arg19 : memref<!tpu.dma_semaphore, #tpu.memory_space<semaphore_mem>>) src(%arg12 : memref<8x2048xf32, #tpu.memory_space<vmem>>) dst(%dma_wait3A_353 : memref<8x2048xf32, #tpu.memory_space<hbm>>)
    %dma_start3A_354 = arith.constant 2 : i32
    %dma_start3A_355 = arith.constant 8 : i32
    %dma_start3A_356 = tpu.memref_slice %arg7[%dma_start3A_354, %dma_start3A_355] : memref<8x16xi32, #tpu.memory_space<vmem>> -> memref<1x8xi32, #tpu.memory_space<vmem>>
    %dma_start3A_357 = tpu.memref_squeeze %dma_start3A_356 : memref<1x8xi32, #tpu.memory_space<vmem>> -> memref<8xi32, #tpu.memory_space<vmem>>
    %dma_start3A_358 = arith.constant 0 : i32
    %dma_start3A_359 = arith.constant 0 : i32
    %dma_start3A_360 = tpu.memref_slice %arg2[%dma_start3A_358, %dma_start3A_359] : memref<10240x2048xf32, #tpu.memory_space<hbm>> -> memref<10240x2048xf32, #tpu.memory_space<hbm>>
    tpu.enqueue_indirect_dma source(%dma_start3A_360 : memref<10240x2048xf32, #tpu.memory_space<hbm>>) target(%arg12 : memref<8x2048xf32, #tpu.memory_space<vmem>>) offsets(%dma_start3A_357 : memref<8xi32, #tpu.memory_space<vmem>>) semaphore(%arg16 : memref<!tpu.dma_semaphore, #tpu.memory_space<semaphore_mem>>)
    %dma_start3A_361 = arith.constant 2 : i32
    %dma_start3A_362 = arith.constant 8 : i32
    %dma_start3A_363 = tpu.memref_slice %arg8[%dma_start3A_361, %dma_start3A_362] : memref<8x16xi32, #tpu.memory_space<vmem>> -> memref<1x8xi32, #tpu.memory_space<vmem>>
    %dma_start3A_364 = tpu.memref_squeeze %dma_start3A_363 : memref<1x8xi32, #tpu.memory_space<vmem>> -> memref<8xi32, #tpu.memory_space<vmem>>
    %dma_start3A_365 = arith.constant 0 : i32
    %dma_start3A_366 = arith.constant 0 : i32
    %dma_start3A_367 = tpu.memref_slice %arg2[%dma_start3A_365, %dma_start3A_366] : memref<10240x2048xf32, #tpu.memory_space<hbm>> -> memref<10240x2048xf32, #tpu.memory_space<hbm>>
    tpu.enqueue_indirect_dma source(%dma_start3A_367 : memref<10240x2048xf32, #tpu.memory_space<hbm>>) target(%arg13 : memref<8x2048xf32, #tpu.memory_space<vmem>>) offsets(%dma_start3A_364 : memref<8xi32, #tpu.memory_space<vmem>>) semaphore(%arg17 : memref<!tpu.dma_semaphore, #tpu.memory_space<semaphore_mem>>)
    %scan3A_368 = arith.constant 0 : i32
    %scan3A_369 = arith.constant 0 : i32
    %scan3A_370 = arith.constant 8 : i32
    %scan3A_371 = arith.addi %scan3A_369, %scan3A_370 : i32
    %scan3A_372 = arith.constant 1 : i32
    scf.for %scan3A_854 = %scan3A_369 to %scan3A_371 step %scan3A_372  : i32 {
      %add3A_855 = arith.constant 32 : i32
      %add3A_856 = arith.addi %add3A_855, %scan3A_854 : i32
      %mul3A_857 = arith.constant 2 : i32
      %mul3A_858 = arith.muli %mul3A_857, %add3A_856 : i32
      %broadcast_in_dim3A = vector.broadcast %mul3A_858 : i32 to vector<16xi32>
      %gather3A_859 = tpu.vector_load_idx %arg9[%broadcast_in_dim3A] : memref<256xf32, #tpu.memory_space<vmem>>[vector<16xi32>], vector<16xf32>,
      %add3A_860 = arith.constant 1 : i32
      %add3A_861 = vector.broadcast %add3A_860 : i32 to vector<16xi32>
      %add3A_862 = arith.addi %broadcast_in_dim3A, %add3A_861 : vector<16xi32>
      %gather3A_863 = tpu.vector_load_idx %arg9[%add3A_862] : memref<256xf32, #tpu.memory_space<vmem>>[vector<16xi32>], vector<16xf32>,
      %parallel_loop3A = arith.constant 0 : i32
      %parallel_loop3A_864 = arith.constant 2048 : i32
      %parallel_loop3A_865 = arith.constant 16 : i32
      scf.for %parallel_loop3A_866 = %parallel_loop3A to %parallel_loop3A_864 step %parallel_loop3A_865  : i32 {
        %parallel_loop3A_867 = arith.index_cast %scan3A_854 : i32 to index
        %parallel_loop3A_868 = arith.index_cast %parallel_loop3A_866 : i32 to index
        %parallel_loop3A_869 = tpu.vector_load %arg10[%parallel_loop3A_867, %parallel_loop3A_868] {strides = array<i32>} : memref<8x2048xf32, #tpu.memory_space<vmem>>, vector<16xf32>,
        %parallel_loop3A_870 = arith.mulf %parallel_loop3A_869, %gather3A_859 : vector<16xf32>
        %parallel_loop3A_871 = arith.index_cast %scan3A_854 : i32 to index
        %parallel_loop3A_872 = arith.index_cast %parallel_loop3A_866 : i32 to index
        %parallel_loop3A_873 = tpu.vector_load %arg11[%parallel_loop3A_871, %parallel_loop3A_872] {strides = array<i32>} : memref<8x2048xf32, #tpu.memory_space<vmem>>, vector<16xf32>,
        %parallel_loop3A_874 = arith.mulf %parallel_loop3A_873, %gather3A_863 : vector<16xf32>
        %parallel_loop3A_875 = arith.addf %parallel_loop3A_870, %parallel_loop3A_874 : vector<16xf32>
        %parallel_loop3A_876 = arith.index_cast %scan3A_854 : i32 to index
        %parallel_loop3A_877 = arith.index_cast %parallel_loop3A_866 : i32 to index
        %parallel_loop3A_878 = tpu.vector_load %arg10[%parallel_loop3A_876, %parallel_loop3A_877] {strides = array<i32>} : memref<8x2048xf32, #tpu.memory_space<vmem>>, vector<16xf32>,
        tpu.vector_store %arg10[%parallel_loop3A_876, %parallel_loop3A_877], %parallel_loop3A_875 {strides = array<i32>} : memref<8x2048xf32, #tpu.memory_space<vmem>>, vector<16xf32>,
      } {sc.loop_unroll_factor = 8 : i64, sc.parallel_access}
    }
    %scan3A_373 = arith.constant 8 : i32
    %add3A_374 = arith.constant 32 : i32
    %add3A_375 = arith.addi %mul3A_2, %add3A_374 : i32
    %dma_start3A_376 = arith.constant 0 : i32
    %dma_start3A_377 = tpu.memref_slice %arg5[%add3A_375, %dma_start3A_376] : memref<4096x2048xf32, #tpu.memory_space<hbm>> -> memref<8x2048xf32, #tpu.memory_space<hbm>>
    %dma_start3A_378 = arith.constant 0 : i32
    %dma_start3A_379 = tpu.memref_slice %arg5[%add3A_375, %dma_start3A_378] : memref<4096x2048xf32, #tpu.memory_space<hbm>> -> memref<8x2048xf32, #tpu.memory_space<hbm>>
    tpu.enqueue_dma source(%arg10 : memref<8x2048xf32, #tpu.memory_space<vmem>>) target(%dma_start3A_379 : memref<8x2048xf32, #tpu.memory_space<hbm>>) target_semaphore(%arg18 : memref<!tpu.dma_semaphore, #tpu.memory_space<semaphore_mem>>)
    %dma_wait3A_380 = arith.constant 2 : i32
    %dma_wait3A_381 = arith.constant 8 : i32
    %dma_wait3A_382 = tpu.memref_slice %arg7[%dma_wait3A_380, %dma_wait3A_381] : memref<8x16xi32, #tpu.memory_space<vmem>> -> memref<1x8xi32, #tpu.memory_space<vmem>>
    %dma_wait3A_383 = tpu.memref_squeeze %dma_wait3A_382 : memref<1x8xi32, #tpu.memory_space<vmem>> -> memref<8xi32, #tpu.memory_space<vmem>>
    %dma_wait3A_384 = arith.constant 0 : i32
    %dma_wait3A_385 = arith.constant 0 : i32
    %dma_wait3A_386 = tpu.memref_slice %arg2[%dma_wait3A_384, %dma_wait3A_385] : memref<10240x2048xf32, #tpu.memory_space<hbm>> -> memref<10240x2048xf32, #tpu.memory_space<hbm>>
    tpu.wait_indirect_dma semaphore(%arg16 : memref<!tpu.dma_semaphore, #tpu.memory_space<semaphore_mem>>) src(%dma_wait3A_386 : memref<10240x2048xf32, #tpu.memory_space<hbm>>) dst(%arg12 : memref<8x2048xf32, #tpu.memory_space<vmem>>)
    %dma_wait3A_387 = arith.constant 2 : i32
    %dma_wait3A_388 = arith.constant 8 : i32
    %dma_wait3A_389 = tpu.memref_slice %arg8[%dma_wait3A_387, %dma_wait3A_388] : memref<8x16xi32, #tpu.memory_space<vmem>> -> memref<1x8xi32, #tpu.memory_space<vmem>>
    %dma_wait3A_390 = tpu.memref_squeeze %dma_wait3A_389 : memref<1x8xi32, #tpu.memory_space<vmem>> -> memref<8xi32, #tpu.memory_space<vmem>>
    %dma_wait3A_391 = arith.constant 0 : i32
    %dma_wait3A_392 = arith.constant 0 : i32
    %dma_wait3A_393 = tpu.memref_slice %arg2[%dma_wait3A_391, %dma_wait3A_392] : memref<10240x2048xf32, #tpu.memory_space<hbm>> -> memref<10240x2048xf32, #tpu.memory_space<hbm>>
    tpu.wait_indirect_dma semaphore(%arg17 : memref<!tpu.dma_semaphore, #tpu.memory_space<semaphore_mem>>) src(%dma_wait3A_393 : memref<10240x2048xf32, #tpu.memory_space<hbm>>) dst(%arg13 : memref<8x2048xf32, #tpu.memory_space<vmem>>)
    %dma_wait3A_394 = arith.constant 0 : i32
    %dma_wait3A_395 = tpu.memref_slice %arg5[%add3A_375, %dma_wait3A_394] : memref<4096x2048xf32, #tpu.memory_space<hbm>> -> memref<8x2048xf32, #tpu.memory_space<hbm>>
    %dma_wait3A_396 = arith.constant 0 : i32
    %dma_wait3A_397 = tpu.memref_slice %arg5[%add3A_375, %dma_wait3A_396] : memref<4096x2048xf32, #tpu.memory_space<hbm>> -> memref<8x2048xf32, #tpu.memory_space<hbm>>
    tpu.wait_dma2 semaphore(%arg18 : memref<!tpu.dma_semaphore, #tpu.memory_space<semaphore_mem>>) src(%arg10 : memref<8x2048xf32, #tpu.memory_space<vmem>>) dst(%dma_wait3A_397 : memref<8x2048xf32, #tpu.memory_space<hbm>>)
    %dma_start3A_398 = arith.constant 3 : i32
    %dma_start3A_399 = arith.constant 0 : i32
    %dma_start3A_400 = tpu.memref_slice %arg7[%dma_start3A_398, %dma_start3A_399] : memref<8x16xi32, #tpu.memory_space<vmem>> -> memref<1x8xi32, #tpu.memory_space<vmem>>
    %dma_start3A_401 = tpu.memref_squeeze %dma_start3A_400 : memref<1x8xi32, #tpu.memory_space<vmem>> -> memref<8xi32, #tpu.memory_space<vmem>>
    %dma_start3A_402 = arith.constant 0 : i32
    %dma_start3A_403 = arith.constant 0 : i32
    %dma_start3A_404 = tpu.memref_slice %arg2[%dma_start3A_402, %dma_start3A_403] : memref<10240x2048xf32, #tpu.memory_space<hbm>> -> memref<10240x2048xf32, #tpu.memory_space<hbm>>
    tpu.enqueue_indirect_dma source(%dma_start3A_404 : memref<10240x2048xf32, #tpu.memory_space<hbm>>) target(%arg10 : memref<8x2048xf32, #tpu.memory_space<vmem>>) offsets(%dma_start3A_401 : memref<8xi32, #tpu.memory_space<vmem>>) semaphore(%arg14 : memref<!tpu.dma_semaphore, #tpu.memory_space<semaphore_mem>>)
    %dma_start3A_405 = arith.constant 3 : i32
    %dma_start3A_406 = arith.constant 0 : i32
    %dma_start3A_407 = tpu.memref_slice %arg8[%dma_start3A_405, %dma_start3A_406] : memref<8x16xi32, #tpu.memory_space<vmem>> -> memref<1x8xi32, #tpu.memory_space<vmem>>
    %dma_start3A_408 = tpu.memref_squeeze %dma_start3A_407 : memref<1x8xi32, #tpu.memory_space<vmem>> -> memref<8xi32, #tpu.memory_space<vmem>>
    %dma_start3A_409 = arith.constant 0 : i32
    %dma_start3A_410 = arith.constant 0 : i32
    %dma_start3A_411 = tpu.memref_slice %arg2[%dma_start3A_409, %dma_start3A_410] : memref<10240x2048xf32, #tpu.memory_space<hbm>> -> memref<10240x2048xf32, #tpu.memory_space<hbm>>
    tpu.enqueue_indirect_dma source(%dma_start3A_411 : memref<10240x2048xf32, #tpu.memory_space<hbm>>) target(%arg11 : memref<8x2048xf32, #tpu.memory_space<vmem>>) offsets(%dma_start3A_408 : memref<8xi32, #tpu.memory_space<vmem>>) semaphore(%arg15 : memref<!tpu.dma_semaphore, #tpu.memory_space<semaphore_mem>>)
    %scan3A_412 = arith.constant 0 : i32
    %scan3A_413 = arith.constant 0 : i32
    %scan3A_414 = arith.constant 8 : i32
    %scan3A_415 = arith.addi %scan3A_413, %scan3A_414 : i32
    %scan3A_416 = arith.constant 1 : i32
    scf.for %scan3A_854 = %scan3A_413 to %scan3A_415 step %scan3A_416  : i32 {
      %add3A_855 = arith.constant 40 : i32
      %add3A_856 = arith.addi %add3A_855, %scan3A_854 : i32
      %mul3A_857 = arith.constant 2 : i32
      %mul3A_858 = arith.muli %mul3A_857, %add3A_856 : i32
      %broadcast_in_dim3A = vector.broadcast %mul3A_858 : i32 to vector<16xi32>
      %gather3A_859 = tpu.vector_load_idx %arg9[%broadcast_in_dim3A] : memref<256xf32, #tpu.memory_space<vmem>>[vector<16xi32>], vector<16xf32>,
      %add3A_860 = arith.constant 1 : i32
      %add3A_861 = vector.broadcast %add3A_860 : i32 to vector<16xi32>
      %add3A_862 = arith.addi %broadcast_in_dim3A, %add3A_861 : vector<16xi32>
      %gather3A_863 = tpu.vector_load_idx %arg9[%add3A_862] : memref<256xf32, #tpu.memory_space<vmem>>[vector<16xi32>], vector<16xf32>,
      %parallel_loop3A = arith.constant 0 : i32
      %parallel_loop3A_864 = arith.constant 2048 : i32
      %parallel_loop3A_865 = arith.constant 16 : i32
      scf.for %parallel_loop3A_866 = %parallel_loop3A to %parallel_loop3A_864 step %parallel_loop3A_865  : i32 {
        %parallel_loop3A_867 = arith.index_cast %scan3A_854 : i32 to index
        %parallel_loop3A_868 = arith.index_cast %parallel_loop3A_866 : i32 to index
        %parallel_loop3A_869 = tpu.vector_load %arg12[%parallel_loop3A_867, %parallel_loop3A_868] {strides = array<i32>} : memref<8x2048xf32, #tpu.memory_space<vmem>>, vector<16xf32>,
        %parallel_loop3A_870 = arith.mulf %parallel_loop3A_869, %gather3A_859 : vector<16xf32>
        %parallel_loop3A_871 = arith.index_cast %scan3A_854 : i32 to index
        %parallel_loop3A_872 = arith.index_cast %parallel_loop3A_866 : i32 to index
        %parallel_loop3A_873 = tpu.vector_load %arg13[%parallel_loop3A_871, %parallel_loop3A_872] {strides = array<i32>} : memref<8x2048xf32, #tpu.memory_space<vmem>>, vector<16xf32>,
        %parallel_loop3A_874 = arith.mulf %parallel_loop3A_873, %gather3A_863 : vector<16xf32>
        %parallel_loop3A_875 = arith.addf %parallel_loop3A_870, %parallel_loop3A_874 : vector<16xf32>
        %parallel_loop3A_876 = arith.index_cast %scan3A_854 : i32 to index
        %parallel_loop3A_877 = arith.index_cast %parallel_loop3A_866 : i32 to index
        %parallel_loop3A_878 = tpu.vector_load %arg12[%parallel_loop3A_876, %parallel_loop3A_877] {strides = array<i32>} : memref<8x2048xf32, #tpu.memory_space<vmem>>, vector<16xf32>,
        tpu.vector_store %arg12[%parallel_loop3A_876, %parallel_loop3A_877], %parallel_loop3A_875 {strides = array<i32>} : memref<8x2048xf32, #tpu.memory_space<vmem>>, vector<16xf32>,
      } {sc.loop_unroll_factor = 8 : i64, sc.parallel_access}
    }
    %scan3A_417 = arith.constant 8 : i32
    %add3A_418 = arith.constant 40 : i32
    %add3A_419 = arith.addi %mul3A_2, %add3A_418 : i32
    %dma_start3A_420 = arith.constant 0 : i32
    %dma_start3A_421 = tpu.memref_slice %arg5[%add3A_419, %dma_start3A_420] : memref<4096x2048xf32, #tpu.memory_space<hbm>> -> memref<8x2048xf32, #tpu.memory_space<hbm>>
    %dma_start3A_422 = arith.constant 0 : i32
    %dma_start3A_423 = tpu.memref_slice %arg5[%add3A_419, %dma_start3A_422] : memref<4096x2048xf32, #tpu.memory_space<hbm>> -> memref<8x2048xf32, #tpu.memory_space<hbm>>
    tpu.enqueue_dma source(%arg12 : memref<8x2048xf32, #tpu.memory_space<vmem>>) target(%dma_start3A_423 : memref<8x2048xf32, #tpu.memory_space<hbm>>) target_semaphore(%arg19 : memref<!tpu.dma_semaphore, #tpu.memory_space<semaphore_mem>>)
    %dma_wait3A_424 = arith.constant 3 : i32
    %dma_wait3A_425 = arith.constant 0 : i32
    %dma_wait3A_426 = tpu.memref_slice %arg7[%dma_wait3A_424, %dma_wait3A_425] : memref<8x16xi32, #tpu.memory_space<vmem>> -> memref<1x8xi32, #tpu.memory_space<vmem>>
    %dma_wait3A_427 = tpu.memref_squeeze %dma_wait3A_426 : memref<1x8xi32, #tpu.memory_space<vmem>> -> memref<8xi32, #tpu.memory_space<vmem>>
    %dma_wait3A_428 = arith.constant 0 : i32
    %dma_wait3A_429 = arith.constant 0 : i32
    %dma_wait3A_430 = tpu.memref_slice %arg2[%dma_wait3A_428, %dma_wait3A_429] : memref<10240x2048xf32, #tpu.memory_space<hbm>> -> memref<10240x2048xf32, #tpu.memory_space<hbm>>
    tpu.wait_indirect_dma semaphore(%arg14 : memref<!tpu.dma_semaphore, #tpu.memory_space<semaphore_mem>>) src(%dma_wait3A_430 : memref<10240x2048xf32, #tpu.memory_space<hbm>>) dst(%arg10 : memref<8x2048xf32, #tpu.memory_space<vmem>>)
    %dma_wait3A_431 = arith.constant 3 : i32
    %dma_wait3A_432 = arith.constant 0 : i32
    %dma_wait3A_433 = tpu.memref_slice %arg8[%dma_wait3A_431, %dma_wait3A_432] : memref<8x16xi32, #tpu.memory_space<vmem>> -> memref<1x8xi32, #tpu.memory_space<vmem>>
    %dma_wait3A_434 = tpu.memref_squeeze %dma_wait3A_433 : memref<1x8xi32, #tpu.memory_space<vmem>> -> memref<8xi32, #tpu.memory_space<vmem>>
    %dma_wait3A_435 = arith.constant 0 : i32
    %dma_wait3A_436 = arith.constant 0 : i32
    %dma_wait3A_437 = tpu.memref_slice %arg2[%dma_wait3A_435, %dma_wait3A_436] : memref<10240x2048xf32, #tpu.memory_space<hbm>> -> memref<10240x2048xf32, #tpu.memory_space<hbm>>
    tpu.wait_indirect_dma semaphore(%arg15 : memref<!tpu.dma_semaphore, #tpu.memory_space<semaphore_mem>>) src(%dma_wait3A_437 : memref<10240x2048xf32, #tpu.memory_space<hbm>>) dst(%arg11 : memref<8x2048xf32, #tpu.memory_space<vmem>>)
    %dma_wait3A_438 = arith.constant 0 : i32
    %dma_wait3A_439 = tpu.memref_slice %arg5[%add3A_419, %dma_wait3A_438] : memref<4096x2048xf32, #tpu.memory_space<hbm>> -> memref<8x2048xf32, #tpu.memory_space<hbm>>
    %dma_wait3A_440 = arith.constant 0 : i32
    %dma_wait3A_441 = tpu.memref_slice %arg5[%add3A_419, %dma_wait3A_440] : memref<4096x2048xf32, #tpu.memory_space<hbm>> -> memref<8x2048xf32, #tpu.memory_space<hbm>>
    tpu.wait_dma2 semaphore(%arg19 : memref<!tpu.dma_semaphore, #tpu.memory_space<semaphore_mem>>) src(%arg12 : memref<8x2048xf32, #tpu.memory_space<vmem>>) dst(%dma_wait3A_441 : memref<8x2048xf32, #tpu.memory_space<hbm>>)
    %dma_start3A_442 = arith.constant 3 : i32
    %dma_start3A_443 = arith.constant 8 : i32
    %dma_start3A_444 = tpu.memref_slice %arg7[%dma_start3A_442, %dma_start3A_443] : memref<8x16xi32, #tpu.memory_space<vmem>> -> memref<1x8xi32, #tpu.memory_space<vmem>>
    %dma_start3A_445 = tpu.memref_squeeze %dma_start3A_444 : memref<1x8xi32, #tpu.memory_space<vmem>> -> memref<8xi32, #tpu.memory_space<vmem>>
    %dma_start3A_446 = arith.constant 0 : i32
    %dma_start3A_447 = arith.constant 0 : i32
    %dma_start3A_448 = tpu.memref_slice %arg2[%dma_start3A_446, %dma_start3A_447] : memref<10240x2048xf32, #tpu.memory_space<hbm>> -> memref<10240x2048xf32, #tpu.memory_space<hbm>>
    tpu.enqueue_indirect_dma source(%dma_start3A_448 : memref<10240x2048xf32, #tpu.memory_space<hbm>>) target(%arg12 : memref<8x2048xf32, #tpu.memory_space<vmem>>) offsets(%dma_start3A_445 : memref<8xi32, #tpu.memory_space<vmem>>) semaphore(%arg16 : memref<!tpu.dma_semaphore, #tpu.memory_space<semaphore_mem>>)
    %dma_start3A_449 = arith.constant 3 : i32
    %dma_start3A_450 = arith.constant 8 : i32
    %dma_start3A_451 = tpu.memref_slice %arg8[%dma_start3A_449, %dma_start3A_450] : memref<8x16xi32, #tpu.memory_space<vmem>> -> memref<1x8xi32, #tpu.memory_space<vmem>>
    %dma_start3A_452 = tpu.memref_squeeze %dma_start3A_451 : memref<1x8xi32, #tpu.memory_space<vmem>> -> memref<8xi32, #tpu.memory_space<vmem>>
    %dma_start3A_453 = arith.constant 0 : i32
    %dma_start3A_454 = arith.constant 0 : i32
    %dma_start3A_455 = tpu.memref_slice %arg2[%dma_start3A_453, %dma_start3A_454] : memref<10240x2048xf32, #tpu.memory_space<hbm>> -> memref<10240x2048xf32, #tpu.memory_space<hbm>>
    tpu.enqueue_indirect_dma source(%dma_start3A_455 : memref<10240x2048xf32, #tpu.memory_space<hbm>>) target(%arg13 : memref<8x2048xf32, #tpu.memory_space<vmem>>) offsets(%dma_start3A_452 : memref<8xi32, #tpu.memory_space<vmem>>) semaphore(%arg17 : memref<!tpu.dma_semaphore, #tpu.memory_space<semaphore_mem>>)
    %scan3A_456 = arith.constant 0 : i32
    %scan3A_457 = arith.constant 0 : i32
    %scan3A_458 = arith.constant 8 : i32
    %scan3A_459 = arith.addi %scan3A_457, %scan3A_458 : i32
    %scan3A_460 = arith.constant 1 : i32
    scf.for %scan3A_854 = %scan3A_457 to %scan3A_459 step %scan3A_460  : i32 {
      %add3A_855 = arith.constant 48 : i32
      %add3A_856 = arith.addi %add3A_855, %scan3A_854 : i32
      %mul3A_857 = arith.constant 2 : i32
      %mul3A_858 = arith.muli %mul3A_857, %add3A_856 : i32
      %broadcast_in_dim3A = vector.broadcast %mul3A_858 : i32 to vector<16xi32>
      %gather3A_859 = tpu.vector_load_idx %arg9[%broadcast_in_dim3A] : memref<256xf32, #tpu.memory_space<vmem>>[vector<16xi32>], vector<16xf32>,
      %add3A_860 = arith.constant 1 : i32
      %add3A_861 = vector.broadcast %add3A_860 : i32 to vector<16xi32>
      %add3A_862 = arith.addi %broadcast_in_dim3A, %add3A_861 : vector<16xi32>
      %gather3A_863 = tpu.vector_load_idx %arg9[%add3A_862] : memref<256xf32, #tpu.memory_space<vmem>>[vector<16xi32>], vector<16xf32>,
      %parallel_loop3A = arith.constant 0 : i32
      %parallel_loop3A_864 = arith.constant 2048 : i32
      %parallel_loop3A_865 = arith.constant 16 : i32
      scf.for %parallel_loop3A_866 = %parallel_loop3A to %parallel_loop3A_864 step %parallel_loop3A_865  : i32 {
        %parallel_loop3A_867 = arith.index_cast %scan3A_854 : i32 to index
        %parallel_loop3A_868 = arith.index_cast %parallel_loop3A_866 : i32 to index
        %parallel_loop3A_869 = tpu.vector_load %arg10[%parallel_loop3A_867, %parallel_loop3A_868] {strides = array<i32>} : memref<8x2048xf32, #tpu.memory_space<vmem>>, vector<16xf32>,
        %parallel_loop3A_870 = arith.mulf %parallel_loop3A_869, %gather3A_859 : vector<16xf32>
        %parallel_loop3A_871 = arith.index_cast %scan3A_854 : i32 to index
        %parallel_loop3A_872 = arith.index_cast %parallel_loop3A_866 : i32 to index
        %parallel_loop3A_873 = tpu.vector_load %arg11[%parallel_loop3A_871, %parallel_loop3A_872] {strides = array<i32>} : memref<8x2048xf32, #tpu.memory_space<vmem>>, vector<16xf32>,
        %parallel_loop3A_874 = arith.mulf %parallel_loop3A_873, %gather3A_863 : vector<16xf32>
        %parallel_loop3A_875 = arith.addf %parallel_loop3A_870, %parallel_loop3A_874 : vector<16xf32>
        %parallel_loop3A_876 = arith.index_cast %scan3A_854 : i32 to index
        %parallel_loop3A_877 = arith.index_cast %parallel_loop3A_866 : i32 to index
        %parallel_loop3A_878 = tpu.vector_load %arg10[%parallel_loop3A_876, %parallel_loop3A_877] {strides = array<i32>} : memref<8x2048xf32, #tpu.memory_space<vmem>>, vector<16xf32>,
        tpu.vector_store %arg10[%parallel_loop3A_876, %parallel_loop3A_877], %parallel_loop3A_875 {strides = array<i32>} : memref<8x2048xf32, #tpu.memory_space<vmem>>, vector<16xf32>,
      } {sc.loop_unroll_factor = 8 : i64, sc.parallel_access}
    }
    %scan3A_461 = arith.constant 8 : i32
    %add3A_462 = arith.constant 48 : i32
    %add3A_463 = arith.addi %mul3A_2, %add3A_462 : i32
    %dma_start3A_464 = arith.constant 0 : i32
    %dma_start3A_465 = tpu.memref_slice %arg5[%add3A_463, %dma_start3A_464] : memref<4096x2048xf32, #tpu.memory_space<hbm>> -> memref<8x2048xf32, #tpu.memory_space<hbm>>
    %dma_start3A_466 = arith.constant 0 : i32
    %dma_start3A_467 = tpu.memref_slice %arg5[%add3A_463, %dma_start3A_466] : memref<4096x2048xf32, #tpu.memory_space<hbm>> -> memref<8x2048xf32, #tpu.memory_space<hbm>>
    tpu.enqueue_dma source(%arg10 : memref<8x2048xf32, #tpu.memory_space<vmem>>) target(%dma_start3A_467 : memref<8x2048xf32, #tpu.memory_space<hbm>>) target_semaphore(%arg18 : memref<!tpu.dma_semaphore, #tpu.memory_space<semaphore_mem>>)
    %dma_wait3A_468 = arith.constant 3 : i32
    %dma_wait3A_469 = arith.constant 8 : i32
    %dma_wait3A_470 = tpu.memref_slice %arg7[%dma_wait3A_468, %dma_wait3A_469] : memref<8x16xi32, #tpu.memory_space<vmem>> -> memref<1x8xi32, #tpu.memory_space<vmem>>
    %dma_wait3A_471 = tpu.memref_squeeze %dma_wait3A_470 : memref<1x8xi32, #tpu.memory_space<vmem>> -> memref<8xi32, #tpu.memory_space<vmem>>
    %dma_wait3A_472 = arith.constant 0 : i32
    %dma_wait3A_473 = arith.constant 0 : i32
    %dma_wait3A_474 = tpu.memref_slice %arg2[%dma_wait3A_472, %dma_wait3A_473] : memref<10240x2048xf32, #tpu.memory_space<hbm>> -> memref<10240x2048xf32, #tpu.memory_space<hbm>>
    tpu.wait_indirect_dma semaphore(%arg16 : memref<!tpu.dma_semaphore, #tpu.memory_space<semaphore_mem>>) src(%dma_wait3A_474 : memref<10240x2048xf32, #tpu.memory_space<hbm>>) dst(%arg12 : memref<8x2048xf32, #tpu.memory_space<vmem>>)
    %dma_wait3A_475 = arith.constant 3 : i32
    %dma_wait3A_476 = arith.constant 8 : i32
    %dma_wait3A_477 = tpu.memref_slice %arg8[%dma_wait3A_475, %dma_wait3A_476] : memref<8x16xi32, #tpu.memory_space<vmem>> -> memref<1x8xi32, #tpu.memory_space<vmem>>
    %dma_wait3A_478 = tpu.memref_squeeze %dma_wait3A_477 : memref<1x8xi32, #tpu.memory_space<vmem>> -> memref<8xi32, #tpu.memory_space<vmem>>
    %dma_wait3A_479 = arith.constant 0 : i32
    %dma_wait3A_480 = arith.constant 0 : i32
    %dma_wait3A_481 = tpu.memref_slice %arg2[%dma_wait3A_479, %dma_wait3A_480] : memref<10240x2048xf32, #tpu.memory_space<hbm>> -> memref<10240x2048xf32, #tpu.memory_space<hbm>>
    tpu.wait_indirect_dma semaphore(%arg17 : memref<!tpu.dma_semaphore, #tpu.memory_space<semaphore_mem>>) src(%dma_wait3A_481 : memref<10240x2048xf32, #tpu.memory_space<hbm>>) dst(%arg13 : memref<8x2048xf32, #tpu.memory_space<vmem>>)
    %dma_wait3A_482 = arith.constant 0 : i32
    %dma_wait3A_483 = tpu.memref_slice %arg5[%add3A_463, %dma_wait3A_482] : memref<4096x2048xf32, #tpu.memory_space<hbm>> -> memref<8x2048xf32, #tpu.memory_space<hbm>>
    %dma_wait3A_484 = arith.constant 0 : i32
    %dma_wait3A_485 = tpu.memref_slice %arg5[%add3A_463, %dma_wait3A_484] : memref<4096x2048xf32, #tpu.memory_space<hbm>> -> memref<8x2048xf32, #tpu.memory_space<hbm>>
    tpu.wait_dma2 semaphore(%arg18 : memref<!tpu.dma_semaphore, #tpu.memory_space<semaphore_mem>>) src(%arg10 : memref<8x2048xf32, #tpu.memory_space<vmem>>) dst(%dma_wait3A_485 : memref<8x2048xf32, #tpu.memory_space<hbm>>)
    %dma_start3A_486 = arith.constant 4 : i32
    %dma_start3A_487 = arith.constant 0 : i32
    %dma_start3A_488 = tpu.memref_slice %arg7[%dma_start3A_486, %dma_start3A_487] : memref<8x16xi32, #tpu.memory_space<vmem>> -> memref<1x8xi32, #tpu.memory_space<vmem>>
    %dma_start3A_489 = tpu.memref_squeeze %dma_start3A_488 : memref<1x8xi32, #tpu.memory_space<vmem>> -> memref<8xi32, #tpu.memory_space<vmem>>
    %dma_start3A_490 = arith.constant 0 : i32
    %dma_start3A_491 = arith.constant 0 : i32
    %dma_start3A_492 = tpu.memref_slice %arg2[%dma_start3A_490, %dma_start3A_491] : memref<10240x2048xf32, #tpu.memory_space<hbm>> -> memref<10240x2048xf32, #tpu.memory_space<hbm>>
    tpu.enqueue_indirect_dma source(%dma_start3A_492 : memref<10240x2048xf32, #tpu.memory_space<hbm>>) target(%arg10 : memref<8x2048xf32, #tpu.memory_space<vmem>>) offsets(%dma_start3A_489 : memref<8xi32, #tpu.memory_space<vmem>>) semaphore(%arg14 : memref<!tpu.dma_semaphore, #tpu.memory_space<semaphore_mem>>)
    %dma_start3A_493 = arith.constant 4 : i32
    %dma_start3A_494 = arith.constant 0 : i32
    %dma_start3A_495 = tpu.memref_slice %arg8[%dma_start3A_493, %dma_start3A_494] : memref<8x16xi32, #tpu.memory_space<vmem>> -> memref<1x8xi32, #tpu.memory_space<vmem>>
    %dma_start3A_496 = tpu.memref_squeeze %dma_start3A_495 : memref<1x8xi32, #tpu.memory_space<vmem>> -> memref<8xi32, #tpu.memory_space<vmem>>
    %dma_start3A_497 = arith.constant 0 : i32
    %dma_start3A_498 = arith.constant 0 : i32
    %dma_start3A_499 = tpu.memref_slice %arg2[%dma_start3A_497, %dma_start3A_498] : memref<10240x2048xf32, #tpu.memory_space<hbm>> -> memref<10240x2048xf32, #tpu.memory_space<hbm>>
    tpu.enqueue_indirect_dma source(%dma_start3A_499 : memref<10240x2048xf32, #tpu.memory_space<hbm>>) target(%arg11 : memref<8x2048xf32, #tpu.memory_space<vmem>>) offsets(%dma_start3A_496 : memref<8xi32, #tpu.memory_space<vmem>>) semaphore(%arg15 : memref<!tpu.dma_semaphore, #tpu.memory_space<semaphore_mem>>)
    %scan3A_500 = arith.constant 0 : i32
    %scan3A_501 = arith.constant 0 : i32
    %scan3A_502 = arith.constant 8 : i32
    %scan3A_503 = arith.addi %scan3A_501, %scan3A_502 : i32
    %scan3A_504 = arith.constant 1 : i32
    scf.for %scan3A_854 = %scan3A_501 to %scan3A_503 step %scan3A_504  : i32 {
      %add3A_855 = arith.constant 56 : i32
      %add3A_856 = arith.addi %add3A_855, %scan3A_854 : i32
      %mul3A_857 = arith.constant 2 : i32
      %mul3A_858 = arith.muli %mul3A_857, %add3A_856 : i32
      %broadcast_in_dim3A = vector.broadcast %mul3A_858 : i32 to vector<16xi32>
      %gather3A_859 = tpu.vector_load_idx %arg9[%broadcast_in_dim3A] : memref<256xf32, #tpu.memory_space<vmem>>[vector<16xi32>], vector<16xf32>,
      %add3A_860 = arith.constant 1 : i32
      %add3A_861 = vector.broadcast %add3A_860 : i32 to vector<16xi32>
      %add3A_862 = arith.addi %broadcast_in_dim3A, %add3A_861 : vector<16xi32>
      %gather3A_863 = tpu.vector_load_idx %arg9[%add3A_862] : memref<256xf32, #tpu.memory_space<vmem>>[vector<16xi32>], vector<16xf32>,
      %parallel_loop3A = arith.constant 0 : i32
      %parallel_loop3A_864 = arith.constant 2048 : i32
      %parallel_loop3A_865 = arith.constant 16 : i32
      scf.for %parallel_loop3A_866 = %parallel_loop3A to %parallel_loop3A_864 step %parallel_loop3A_865  : i32 {
        %parallel_loop3A_867 = arith.index_cast %scan3A_854 : i32 to index
        %parallel_loop3A_868 = arith.index_cast %parallel_loop3A_866 : i32 to index
        %parallel_loop3A_869 = tpu.vector_load %arg12[%parallel_loop3A_867, %parallel_loop3A_868] {strides = array<i32>} : memref<8x2048xf32, #tpu.memory_space<vmem>>, vector<16xf32>,
        %parallel_loop3A_870 = arith.mulf %parallel_loop3A_869, %gather3A_859 : vector<16xf32>
        %parallel_loop3A_871 = arith.index_cast %scan3A_854 : i32 to index
        %parallel_loop3A_872 = arith.index_cast %parallel_loop3A_866 : i32 to index
        %parallel_loop3A_873 = tpu.vector_load %arg13[%parallel_loop3A_871, %parallel_loop3A_872] {strides = array<i32>} : memref<8x2048xf32, #tpu.memory_space<vmem>>, vector<16xf32>,
        %parallel_loop3A_874 = arith.mulf %parallel_loop3A_873, %gather3A_863 : vector<16xf32>
        %parallel_loop3A_875 = arith.addf %parallel_loop3A_870, %parallel_loop3A_874 : vector<16xf32>
        %parallel_loop3A_876 = arith.index_cast %scan3A_854 : i32 to index
        %parallel_loop3A_877 = arith.index_cast %parallel_loop3A_866 : i32 to index
        %parallel_loop3A_878 = tpu.vector_load %arg12[%parallel_loop3A_876, %parallel_loop3A_877] {strides = array<i32>} : memref<8x2048xf32, #tpu.memory_space<vmem>>, vector<16xf32>,
        tpu.vector_store %arg12[%parallel_loop3A_876, %parallel_loop3A_877], %parallel_loop3A_875 {strides = array<i32>} : memref<8x2048xf32, #tpu.memory_space<vmem>>, vector<16xf32>,
      } {sc.loop_unroll_factor = 8 : i64, sc.parallel_access}
    }
    %scan3A_505 = arith.constant 8 : i32
    %add3A_506 = arith.constant 56 : i32
    %add3A_507 = arith.addi %mul3A_2, %add3A_506 : i32
    %dma_start3A_508 = arith.constant 0 : i32
    %dma_start3A_509 = tpu.memref_slice %arg5[%add3A_507, %dma_start3A_508] : memref<4096x2048xf32, #tpu.memory_space<hbm>> -> memref<8x2048xf32, #tpu.memory_space<hbm>>
    %dma_start3A_510 = arith.constant 0 : i32
    %dma_start3A_511 = tpu.memref_slice %arg5[%add3A_507, %dma_start3A_510] : memref<4096x2048xf32, #tpu.memory_space<hbm>> -> memref<8x2048xf32, #tpu.memory_space<hbm>>
    tpu.enqueue_dma source(%arg12 : memref<8x2048xf32, #tpu.memory_space<vmem>>) target(%dma_start3A_511 : memref<8x2048xf32, #tpu.memory_space<hbm>>) target_semaphore(%arg19 : memref<!tpu.dma_semaphore, #tpu.memory_space<semaphore_mem>>)
    %dma_wait3A_512 = arith.constant 4 : i32
    %dma_wait3A_513 = arith.constant 0 : i32
    %dma_wait3A_514 = tpu.memref_slice %arg7[%dma_wait3A_512, %dma_wait3A_513] : memref<8x16xi32, #tpu.memory_space<vmem>> -> memref<1x8xi32, #tpu.memory_space<vmem>>
    %dma_wait3A_515 = tpu.memref_squeeze %dma_wait3A_514 : memref<1x8xi32, #tpu.memory_space<vmem>> -> memref<8xi32, #tpu.memory_space<vmem>>
    %dma_wait3A_516 = arith.constant 0 : i32
    %dma_wait3A_517 = arith.constant 0 : i32
    %dma_wait3A_518 = tpu.memref_slice %arg2[%dma_wait3A_516, %dma_wait3A_517] : memref<10240x2048xf32, #tpu.memory_space<hbm>> -> memref<10240x2048xf32, #tpu.memory_space<hbm>>
    tpu.wait_indirect_dma semaphore(%arg14 : memref<!tpu.dma_semaphore, #tpu.memory_space<semaphore_mem>>) src(%dma_wait3A_518 : memref<10240x2048xf32, #tpu.memory_space<hbm>>) dst(%arg10 : memref<8x2048xf32, #tpu.memory_space<vmem>>)
    %dma_wait3A_519 = arith.constant 4 : i32
    %dma_wait3A_520 = arith.constant 0 : i32
    %dma_wait3A_521 = tpu.memref_slice %arg8[%dma_wait3A_519, %dma_wait3A_520] : memref<8x16xi32, #tpu.memory_space<vmem>> -> memref<1x8xi32, #tpu.memory_space<vmem>>
    %dma_wait3A_522 = tpu.memref_squeeze %dma_wait3A_521 : memref<1x8xi32, #tpu.memory_space<vmem>> -> memref<8xi32, #tpu.memory_space<vmem>>
    %dma_wait3A_523 = arith.constant 0 : i32
    %dma_wait3A_524 = arith.constant 0 : i32
    %dma_wait3A_525 = tpu.memref_slice %arg2[%dma_wait3A_523, %dma_wait3A_524] : memref<10240x2048xf32, #tpu.memory_space<hbm>> -> memref<10240x2048xf32, #tpu.memory_space<hbm>>
    tpu.wait_indirect_dma semaphore(%arg15 : memref<!tpu.dma_semaphore, #tpu.memory_space<semaphore_mem>>) src(%dma_wait3A_525 : memref<10240x2048xf32, #tpu.memory_space<hbm>>) dst(%arg11 : memref<8x2048xf32, #tpu.memory_space<vmem>>)
    %dma_wait3A_526 = arith.constant 0 : i32
    %dma_wait3A_527 = tpu.memref_slice %arg5[%add3A_507, %dma_wait3A_526] : memref<4096x2048xf32, #tpu.memory_space<hbm>> -> memref<8x2048xf32, #tpu.memory_space<hbm>>
    %dma_wait3A_528 = arith.constant 0 : i32
    %dma_wait3A_529 = tpu.memref_slice %arg5[%add3A_507, %dma_wait3A_528] : memref<4096x2048xf32, #tpu.memory_space<hbm>> -> memref<8x2048xf32, #tpu.memory_space<hbm>>
    tpu.wait_dma2 semaphore(%arg19 : memref<!tpu.dma_semaphore, #tpu.memory_space<semaphore_mem>>) src(%arg12 : memref<8x2048xf32, #tpu.memory_space<vmem>>) dst(%dma_wait3A_529 : memref<8x2048xf32, #tpu.memory_space<hbm>>)
    %dma_start3A_530 = arith.constant 4 : i32
    %dma_start3A_531 = arith.constant 8 : i32
    %dma_start3A_532 = tpu.memref_slice %arg7[%dma_start3A_530, %dma_start3A_531] : memref<8x16xi32, #tpu.memory_space<vmem>> -> memref<1x8xi32, #tpu.memory_space<vmem>>
    %dma_start3A_533 = tpu.memref_squeeze %dma_start3A_532 : memref<1x8xi32, #tpu.memory_space<vmem>> -> memref<8xi32, #tpu.memory_space<vmem>>
    %dma_start3A_534 = arith.constant 0 : i32
    %dma_start3A_535 = arith.constant 0 : i32
    %dma_start3A_536 = tpu.memref_slice %arg2[%dma_start3A_534, %dma_start3A_535] : memref<10240x2048xf32, #tpu.memory_space<hbm>> -> memref<10240x2048xf32, #tpu.memory_space<hbm>>
    tpu.enqueue_indirect_dma source(%dma_start3A_536 : memref<10240x2048xf32, #tpu.memory_space<hbm>>) target(%arg12 : memref<8x2048xf32, #tpu.memory_space<vmem>>) offsets(%dma_start3A_533 : memref<8xi32, #tpu.memory_space<vmem>>) semaphore(%arg16 : memref<!tpu.dma_semaphore, #tpu.memory_space<semaphore_mem>>)
    %dma_start3A_537 = arith.constant 4 : i32
    %dma_start3A_538 = arith.constant 8 : i32
    %dma_start3A_539 = tpu.memref_slice %arg8[%dma_start3A_537, %dma_start3A_538] : memref<8x16xi32, #tpu.memory_space<vmem>> -> memref<1x8xi32, #tpu.memory_space<vmem>>
    %dma_start3A_540 = tpu.memref_squeeze %dma_start3A_539 : memref<1x8xi32, #tpu.memory_space<vmem>> -> memref<8xi32, #tpu.memory_space<vmem>>
    %dma_start3A_541 = arith.constant 0 : i32
    %dma_start3A_542 = arith.constant 0 : i32
    %dma_start3A_543 = tpu.memref_slice %arg2[%dma_start3A_541, %dma_start3A_542] : memref<10240x2048xf32, #tpu.memory_space<hbm>> -> memref<10240x2048xf32, #tpu.memory_space<hbm>>
    tpu.enqueue_indirect_dma source(%dma_start3A_543 : memref<10240x2048xf32, #tpu.memory_space<hbm>>) target(%arg13 : memref<8x2048xf32, #tpu.memory_space<vmem>>) offsets(%dma_start3A_540 : memref<8xi32, #tpu.memory_space<vmem>>) semaphore(%arg17 : memref<!tpu.dma_semaphore, #tpu.memory_space<semaphore_mem>>)
    %scan3A_544 = arith.constant 0 : i32
    %scan3A_545 = arith.constant 0 : i32
    %scan3A_546 = arith.constant 8 : i32
    %scan3A_547 = arith.addi %scan3A_545, %scan3A_546 : i32
    %scan3A_548 = arith.constant 1 : i32
    scf.for %scan3A_854 = %scan3A_545 to %scan3A_547 step %scan3A_548  : i32 {
      %add3A_855 = arith.constant 64 : i32
      %add3A_856 = arith.addi %add3A_855, %scan3A_854 : i32
      %mul3A_857 = arith.constant 2 : i32
      %mul3A_858 = arith.muli %mul3A_857, %add3A_856 : i32
      %broadcast_in_dim3A = vector.broadcast %mul3A_858 : i32 to vector<16xi32>
      %gather3A_859 = tpu.vector_load_idx %arg9[%broadcast_in_dim3A] : memref<256xf32, #tpu.memory_space<vmem>>[vector<16xi32>], vector<16xf32>,
      %add3A_860 = arith.constant 1 : i32
      %add3A_861 = vector.broadcast %add3A_860 : i32 to vector<16xi32>
      %add3A_862 = arith.addi %broadcast_in_dim3A, %add3A_861 : vector<16xi32>
      %gather3A_863 = tpu.vector_load_idx %arg9[%add3A_862] : memref<256xf32, #tpu.memory_space<vmem>>[vector<16xi32>], vector<16xf32>,
      %parallel_loop3A = arith.constant 0 : i32
      %parallel_loop3A_864 = arith.constant 2048 : i32
      %parallel_loop3A_865 = arith.constant 16 : i32
      scf.for %parallel_loop3A_866 = %parallel_loop3A to %parallel_loop3A_864 step %parallel_loop3A_865  : i32 {
        %parallel_loop3A_867 = arith.index_cast %scan3A_854 : i32 to index
        %parallel_loop3A_868 = arith.index_cast %parallel_loop3A_866 : i32 to index
        %parallel_loop3A_869 = tpu.vector_load %arg10[%parallel_loop3A_867, %parallel_loop3A_868] {strides = array<i32>} : memref<8x2048xf32, #tpu.memory_space<vmem>>, vector<16xf32>,
        %parallel_loop3A_870 = arith.mulf %parallel_loop3A_869, %gather3A_859 : vector<16xf32>
        %parallel_loop3A_871 = arith.index_cast %scan3A_854 : i32 to index
        %parallel_loop3A_872 = arith.index_cast %parallel_loop3A_866 : i32 to index
        %parallel_loop3A_873 = tpu.vector_load %arg11[%parallel_loop3A_871, %parallel_loop3A_872] {strides = array<i32>} : memref<8x2048xf32, #tpu.memory_space<vmem>>, vector<16xf32>,
        %parallel_loop3A_874 = arith.mulf %parallel_loop3A_873, %gather3A_863 : vector<16xf32>
        %parallel_loop3A_875 = arith.addf %parallel_loop3A_870, %parallel_loop3A_874 : vector<16xf32>
        %parallel_loop3A_876 = arith.index_cast %scan3A_854 : i32 to index
        %parallel_loop3A_877 = arith.index_cast %parallel_loop3A_866 : i32 to index
        %parallel_loop3A_878 = tpu.vector_load %arg10[%parallel_loop3A_876, %parallel_loop3A_877] {strides = array<i32>} : memref<8x2048xf32, #tpu.memory_space<vmem>>, vector<16xf32>,
        tpu.vector_store %arg10[%parallel_loop3A_876, %parallel_loop3A_877], %parallel_loop3A_875 {strides = array<i32>} : memref<8x2048xf32, #tpu.memory_space<vmem>>, vector<16xf32>,
      } {sc.loop_unroll_factor = 8 : i64, sc.parallel_access}
    }
    %scan3A_549 = arith.constant 8 : i32
    %add3A_550 = arith.constant 64 : i32
    %add3A_551 = arith.addi %mul3A_2, %add3A_550 : i32
    %dma_start3A_552 = arith.constant 0 : i32
    %dma_start3A_553 = tpu.memref_slice %arg5[%add3A_551, %dma_start3A_552] : memref<4096x2048xf32, #tpu.memory_space<hbm>> -> memref<8x2048xf32, #tpu.memory_space<hbm>>
    %dma_start3A_554 = arith.constant 0 : i32
    %dma_start3A_555 = tpu.memref_slice %arg5[%add3A_551, %dma_start3A_554] : memref<4096x2048xf32, #tpu.memory_space<hbm>> -> memref<8x2048xf32, #tpu.memory_space<hbm>>
    tpu.enqueue_dma source(%arg10 : memref<8x2048xf32, #tpu.memory_space<vmem>>) target(%dma_start3A_555 : memref<8x2048xf32, #tpu.memory_space<hbm>>) target_semaphore(%arg18 : memref<!tpu.dma_semaphore, #tpu.memory_space<semaphore_mem>>)
    %dma_wait3A_556 = arith.constant 4 : i32
    %dma_wait3A_557 = arith.constant 8 : i32
    %dma_wait3A_558 = tpu.memref_slice %arg7[%dma_wait3A_556, %dma_wait3A_557] : memref<8x16xi32, #tpu.memory_space<vmem>> -> memref<1x8xi32, #tpu.memory_space<vmem>>
    %dma_wait3A_559 = tpu.memref_squeeze %dma_wait3A_558 : memref<1x8xi32, #tpu.memory_space<vmem>> -> memref<8xi32, #tpu.memory_space<vmem>>
    %dma_wait3A_560 = arith.constant 0 : i32
    %dma_wait3A_561 = arith.constant 0 : i32
    %dma_wait3A_562 = tpu.memref_slice %arg2[%dma_wait3A_560, %dma_wait3A_561] : memref<10240x2048xf32, #tpu.memory_space<hbm>> -> memref<10240x2048xf32, #tpu.memory_space<hbm>>
    tpu.wait_indirect_dma semaphore(%arg16 : memref<!tpu.dma_semaphore, #tpu.memory_space<semaphore_mem>>) src(%dma_wait3A_562 : memref<10240x2048xf32, #tpu.memory_space<hbm>>) dst(%arg12 : memref<8x2048xf32, #tpu.memory_space<vmem>>)
    %dma_wait3A_563 = arith.constant 4 : i32
    %dma_wait3A_564 = arith.constant 8 : i32
    %dma_wait3A_565 = tpu.memref_slice %arg8[%dma_wait3A_563, %dma_wait3A_564] : memref<8x16xi32, #tpu.memory_space<vmem>> -> memref<1x8xi32, #tpu.memory_space<vmem>>
    %dma_wait3A_566 = tpu.memref_squeeze %dma_wait3A_565 : memref<1x8xi32, #tpu.memory_space<vmem>> -> memref<8xi32, #tpu.memory_space<vmem>>
    %dma_wait3A_567 = arith.constant 0 : i32
    %dma_wait3A_568 = arith.constant 0 : i32
    %dma_wait3A_569 = tpu.memref_slice %arg2[%dma_wait3A_567, %dma_wait3A_568] : memref<10240x2048xf32, #tpu.memory_space<hbm>> -> memref<10240x2048xf32, #tpu.memory_space<hbm>>
    tpu.wait_indirect_dma semaphore(%arg17 : memref<!tpu.dma_semaphore, #tpu.memory_space<semaphore_mem>>) src(%dma_wait3A_569 : memref<10240x2048xf32, #tpu.memory_space<hbm>>) dst(%arg13 : memref<8x2048xf32, #tpu.memory_space<vmem>>)
    %dma_wait3A_570 = arith.constant 0 : i32
    %dma_wait3A_571 = tpu.memref_slice %arg5[%add3A_551, %dma_wait3A_570] : memref<4096x2048xf32, #tpu.memory_space<hbm>> -> memref<8x2048xf32, #tpu.memory_space<hbm>>
    %dma_wait3A_572 = arith.constant 0 : i32
    %dma_wait3A_573 = tpu.memref_slice %arg5[%add3A_551, %dma_wait3A_572] : memref<4096x2048xf32, #tpu.memory_space<hbm>> -> memref<8x2048xf32, #tpu.memory_space<hbm>>
    tpu.wait_dma2 semaphore(%arg18 : memref<!tpu.dma_semaphore, #tpu.memory_space<semaphore_mem>>) src(%arg10 : memref<8x2048xf32, #tpu.memory_space<vmem>>) dst(%dma_wait3A_573 : memref<8x2048xf32, #tpu.memory_space<hbm>>)
    %dma_start3A_574 = arith.constant 5 : i32
    %dma_start3A_575 = arith.constant 0 : i32
    %dma_start3A_576 = tpu.memref_slice %arg7[%dma_start3A_574, %dma_start3A_575] : memref<8x16xi32, #tpu.memory_space<vmem>> -> memref<1x8xi32, #tpu.memory_space<vmem>>
    %dma_start3A_577 = tpu.memref_squeeze %dma_start3A_576 : memref<1x8xi32, #tpu.memory_space<vmem>> -> memref<8xi32, #tpu.memory_space<vmem>>
    %dma_start3A_578 = arith.constant 0 : i32
    %dma_start3A_579 = arith.constant 0 : i32
    %dma_start3A_580 = tpu.memref_slice %arg2[%dma_start3A_578, %dma_start3A_579] : memref<10240x2048xf32, #tpu.memory_space<hbm>> -> memref<10240x2048xf32, #tpu.memory_space<hbm>>
    tpu.enqueue_indirect_dma source(%dma_start3A_580 : memref<10240x2048xf32, #tpu.memory_space<hbm>>) target(%arg10 : memref<8x2048xf32, #tpu.memory_space<vmem>>) offsets(%dma_start3A_577 : memref<8xi32, #tpu.memory_space<vmem>>) semaphore(%arg14 : memref<!tpu.dma_semaphore, #tpu.memory_space<semaphore_mem>>)
    %dma_start3A_581 = arith.constant 5 : i32
    %dma_start3A_582 = arith.constant 0 : i32
    %dma_start3A_583 = tpu.memref_slice %arg8[%dma_start3A_581, %dma_start3A_582] : memref<8x16xi32, #tpu.memory_space<vmem>> -> memref<1x8xi32, #tpu.memory_space<vmem>>
    %dma_start3A_584 = tpu.memref_squeeze %dma_start3A_583 : memref<1x8xi32, #tpu.memory_space<vmem>> -> memref<8xi32, #tpu.memory_space<vmem>>
    %dma_start3A_585 = arith.constant 0 : i32
    %dma_start3A_586 = arith.constant 0 : i32
    %dma_start3A_587 = tpu.memref_slice %arg2[%dma_start3A_585, %dma_start3A_586] : memref<10240x2048xf32, #tpu.memory_space<hbm>> -> memref<10240x2048xf32, #tpu.memory_space<hbm>>
    tpu.enqueue_indirect_dma source(%dma_start3A_587 : memref<10240x2048xf32, #tpu.memory_space<hbm>>) target(%arg11 : memref<8x2048xf32, #tpu.memory_space<vmem>>) offsets(%dma_start3A_584 : memref<8xi32, #tpu.memory_space<vmem>>) semaphore(%arg15 : memref<!tpu.dma_semaphore, #tpu.memory_space<semaphore_mem>>)
    %scan3A_588 = arith.constant 0 : i32
    %scan3A_589 = arith.constant 0 : i32
    %scan3A_590 = arith.constant 8 : i32
    %scan3A_591 = arith.addi %scan3A_589, %scan3A_590 : i32
    %scan3A_592 = arith.constant 1 : i32
    scf.for %scan3A_854 = %scan3A_589 to %scan3A_591 step %scan3A_592  : i32 {
      %add3A_855 = arith.constant 72 : i32
      %add3A_856 = arith.addi %add3A_855, %scan3A_854 : i32
      %mul3A_857 = arith.constant 2 : i32
      %mul3A_858 = arith.muli %mul3A_857, %add3A_856 : i32
      %broadcast_in_dim3A = vector.broadcast %mul3A_858 : i32 to vector<16xi32>
      %gather3A_859 = tpu.vector_load_idx %arg9[%broadcast_in_dim3A] : memref<256xf32, #tpu.memory_space<vmem>>[vector<16xi32>], vector<16xf32>,
      %add3A_860 = arith.constant 1 : i32
      %add3A_861 = vector.broadcast %add3A_860 : i32 to vector<16xi32>
      %add3A_862 = arith.addi %broadcast_in_dim3A, %add3A_861 : vector<16xi32>
      %gather3A_863 = tpu.vector_load_idx %arg9[%add3A_862] : memref<256xf32, #tpu.memory_space<vmem>>[vector<16xi32>], vector<16xf32>,
      %parallel_loop3A = arith.constant 0 : i32
      %parallel_loop3A_864 = arith.constant 2048 : i32
      %parallel_loop3A_865 = arith.constant 16 : i32
      scf.for %parallel_loop3A_866 = %parallel_loop3A to %parallel_loop3A_864 step %parallel_loop3A_865  : i32 {
        %parallel_loop3A_867 = arith.index_cast %scan3A_854 : i32 to index
        %parallel_loop3A_868 = arith.index_cast %parallel_loop3A_866 : i32 to index
        %parallel_loop3A_869 = tpu.vector_load %arg12[%parallel_loop3A_867, %parallel_loop3A_868] {strides = array<i32>} : memref<8x2048xf32, #tpu.memory_space<vmem>>, vector<16xf32>,
        %parallel_loop3A_870 = arith.mulf %parallel_loop3A_869, %gather3A_859 : vector<16xf32>
        %parallel_loop3A_871 = arith.index_cast %scan3A_854 : i32 to index
        %parallel_loop3A_872 = arith.index_cast %parallel_loop3A_866 : i32 to index
        %parallel_loop3A_873 = tpu.vector_load %arg13[%parallel_loop3A_871, %parallel_loop3A_872] {strides = array<i32>} : memref<8x2048xf32, #tpu.memory_space<vmem>>, vector<16xf32>,
        %parallel_loop3A_874 = arith.mulf %parallel_loop3A_873, %gather3A_863 : vector<16xf32>
        %parallel_loop3A_875 = arith.addf %parallel_loop3A_870, %parallel_loop3A_874 : vector<16xf32>
        %parallel_loop3A_876 = arith.index_cast %scan3A_854 : i32 to index
        %parallel_loop3A_877 = arith.index_cast %parallel_loop3A_866 : i32 to index
        %parallel_loop3A_878 = tpu.vector_load %arg12[%parallel_loop3A_876, %parallel_loop3A_877] {strides = array<i32>} : memref<8x2048xf32, #tpu.memory_space<vmem>>, vector<16xf32>,
        tpu.vector_store %arg12[%parallel_loop3A_876, %parallel_loop3A_877], %parallel_loop3A_875 {strides = array<i32>} : memref<8x2048xf32, #tpu.memory_space<vmem>>, vector<16xf32>,
      } {sc.loop_unroll_factor = 8 : i64, sc.parallel_access}
    }
    %scan3A_593 = arith.constant 8 : i32
    %add3A_594 = arith.constant 72 : i32
    %add3A_595 = arith.addi %mul3A_2, %add3A_594 : i32
    %dma_start3A_596 = arith.constant 0 : i32
    %dma_start3A_597 = tpu.memref_slice %arg5[%add3A_595, %dma_start3A_596] : memref<4096x2048xf32, #tpu.memory_space<hbm>> -> memref<8x2048xf32, #tpu.memory_space<hbm>>
    %dma_start3A_598 = arith.constant 0 : i32
    %dma_start3A_599 = tpu.memref_slice %arg5[%add3A_595, %dma_start3A_598] : memref<4096x2048xf32, #tpu.memory_space<hbm>> -> memref<8x2048xf32, #tpu.memory_space<hbm>>
    tpu.enqueue_dma source(%arg12 : memref<8x2048xf32, #tpu.memory_space<vmem>>) target(%dma_start3A_599 : memref<8x2048xf32, #tpu.memory_space<hbm>>) target_semaphore(%arg19 : memref<!tpu.dma_semaphore, #tpu.memory_space<semaphore_mem>>)
    %dma_wait3A_600 = arith.constant 5 : i32
    %dma_wait3A_601 = arith.constant 0 : i32
    %dma_wait3A_602 = tpu.memref_slice %arg7[%dma_wait3A_600, %dma_wait3A_601] : memref<8x16xi32, #tpu.memory_space<vmem>> -> memref<1x8xi32, #tpu.memory_space<vmem>>
    %dma_wait3A_603 = tpu.memref_squeeze %dma_wait3A_602 : memref<1x8xi32, #tpu.memory_space<vmem>> -> memref<8xi32, #tpu.memory_space<vmem>>
    %dma_wait3A_604 = arith.constant 0 : i32
    %dma_wait3A_605 = arith.constant 0 : i32
    %dma_wait3A_606 = tpu.memref_slice %arg2[%dma_wait3A_604, %dma_wait3A_605] : memref<10240x2048xf32, #tpu.memory_space<hbm>> -> memref<10240x2048xf32, #tpu.memory_space<hbm>>
    tpu.wait_indirect_dma semaphore(%arg14 : memref<!tpu.dma_semaphore, #tpu.memory_space<semaphore_mem>>) src(%dma_wait3A_606 : memref<10240x2048xf32, #tpu.memory_space<hbm>>) dst(%arg10 : memref<8x2048xf32, #tpu.memory_space<vmem>>)
    %dma_wait3A_607 = arith.constant 5 : i32
    %dma_wait3A_608 = arith.constant 0 : i32
    %dma_wait3A_609 = tpu.memref_slice %arg8[%dma_wait3A_607, %dma_wait3A_608] : memref<8x16xi32, #tpu.memory_space<vmem>> -> memref<1x8xi32, #tpu.memory_space<vmem>>
    %dma_wait3A_610 = tpu.memref_squeeze %dma_wait3A_609 : memref<1x8xi32, #tpu.memory_space<vmem>> -> memref<8xi32, #tpu.memory_space<vmem>>
    %dma_wait3A_611 = arith.constant 0 : i32
    %dma_wait3A_612 = arith.constant 0 : i32
    %dma_wait3A_613 = tpu.memref_slice %arg2[%dma_wait3A_611, %dma_wait3A_612] : memref<10240x2048xf32, #tpu.memory_space<hbm>> -> memref<10240x2048xf32, #tpu.memory_space<hbm>>
    tpu.wait_indirect_dma semaphore(%arg15 : memref<!tpu.dma_semaphore, #tpu.memory_space<semaphore_mem>>) src(%dma_wait3A_613 : memref<10240x2048xf32, #tpu.memory_space<hbm>>) dst(%arg11 : memref<8x2048xf32, #tpu.memory_space<vmem>>)
    %dma_wait3A_614 = arith.constant 0 : i32
    %dma_wait3A_615 = tpu.memref_slice %arg5[%add3A_595, %dma_wait3A_614] : memref<4096x2048xf32, #tpu.memory_space<hbm>> -> memref<8x2048xf32, #tpu.memory_space<hbm>>
    %dma_wait3A_616 = arith.constant 0 : i32
    %dma_wait3A_617 = tpu.memref_slice %arg5[%add3A_595, %dma_wait3A_616] : memref<4096x2048xf32, #tpu.memory_space<hbm>> -> memref<8x2048xf32, #tpu.memory_space<hbm>>
    tpu.wait_dma2 semaphore(%arg19 : memref<!tpu.dma_semaphore, #tpu.memory_space<semaphore_mem>>) src(%arg12 : memref<8x2048xf32, #tpu.memory_space<vmem>>) dst(%dma_wait3A_617 : memref<8x2048xf32, #tpu.memory_space<hbm>>)
    %dma_start3A_618 = arith.constant 5 : i32
    %dma_start3A_619 = arith.constant 8 : i32
    %dma_start3A_620 = tpu.memref_slice %arg7[%dma_start3A_618, %dma_start3A_619] : memref<8x16xi32, #tpu.memory_space<vmem>> -> memref<1x8xi32, #tpu.memory_space<vmem>>
    %dma_start3A_621 = tpu.memref_squeeze %dma_start3A_620 : memref<1x8xi32, #tpu.memory_space<vmem>> -> memref<8xi32, #tpu.memory_space<vmem>>
    %dma_start3A_622 = arith.constant 0 : i32
    %dma_start3A_623 = arith.constant 0 : i32
    %dma_start3A_624 = tpu.memref_slice %arg2[%dma_start3A_622, %dma_start3A_623] : memref<10240x2048xf32, #tpu.memory_space<hbm>> -> memref<10240x2048xf32, #tpu.memory_space<hbm>>
    tpu.enqueue_indirect_dma source(%dma_start3A_624 : memref<10240x2048xf32, #tpu.memory_space<hbm>>) target(%arg12 : memref<8x2048xf32, #tpu.memory_space<vmem>>) offsets(%dma_start3A_621 : memref<8xi32, #tpu.memory_space<vmem>>) semaphore(%arg16 : memref<!tpu.dma_semaphore, #tpu.memory_space<semaphore_mem>>)
    %dma_start3A_625 = arith.constant 5 : i32
    %dma_start3A_626 = arith.constant 8 : i32
    %dma_start3A_627 = tpu.memref_slice %arg8[%dma_start3A_625, %dma_start3A_626] : memref<8x16xi32, #tpu.memory_space<vmem>> -> memref<1x8xi32, #tpu.memory_space<vmem>>
    %dma_start3A_628 = tpu.memref_squeeze %dma_start3A_627 : memref<1x8xi32, #tpu.memory_space<vmem>> -> memref<8xi32, #tpu.memory_space<vmem>>
    %dma_start3A_629 = arith.constant 0 : i32
    %dma_start3A_630 = arith.constant 0 : i32
    %dma_start3A_631 = tpu.memref_slice %arg2[%dma_start3A_629, %dma_start3A_630] : memref<10240x2048xf32, #tpu.memory_space<hbm>> -> memref<10240x2048xf32, #tpu.memory_space<hbm>>
    tpu.enqueue_indirect_dma source(%dma_start3A_631 : memref<10240x2048xf32, #tpu.memory_space<hbm>>) target(%arg13 : memref<8x2048xf32, #tpu.memory_space<vmem>>) offsets(%dma_start3A_628 : memref<8xi32, #tpu.memory_space<vmem>>) semaphore(%arg17 : memref<!tpu.dma_semaphore, #tpu.memory_space<semaphore_mem>>)
    %scan3A_632 = arith.constant 0 : i32
    %scan3A_633 = arith.constant 0 : i32
    %scan3A_634 = arith.constant 8 : i32
    %scan3A_635 = arith.addi %scan3A_633, %scan3A_634 : i32
    %scan3A_636 = arith.constant 1 : i32
    scf.for %scan3A_854 = %scan3A_633 to %scan3A_635 step %scan3A_636  : i32 {
      %add3A_855 = arith.constant 80 : i32
      %add3A_856 = arith.addi %add3A_855, %scan3A_854 : i32
      %mul3A_857 = arith.constant 2 : i32
      %mul3A_858 = arith.muli %mul3A_857, %add3A_856 : i32
      %broadcast_in_dim3A = vector.broadcast %mul3A_858 : i32 to vector<16xi32>
      %gather3A_859 = tpu.vector_load_idx %arg9[%broadcast_in_dim3A] : memref<256xf32, #tpu.memory_space<vmem>>[vector<16xi32>], vector<16xf32>,
      %add3A_860 = arith.constant 1 : i32
      %add3A_861 = vector.broadcast %add3A_860 : i32 to vector<16xi32>
      %add3A_862 = arith.addi %broadcast_in_dim3A, %add3A_861 : vector<16xi32>
      %gather3A_863 = tpu.vector_load_idx %arg9[%add3A_862] : memref<256xf32, #tpu.memory_space<vmem>>[vector<16xi32>], vector<16xf32>,
      %parallel_loop3A = arith.constant 0 : i32
      %parallel_loop3A_864 = arith.constant 2048 : i32
      %parallel_loop3A_865 = arith.constant 16 : i32
      scf.for %parallel_loop3A_866 = %parallel_loop3A to %parallel_loop3A_864 step %parallel_loop3A_865  : i32 {
        %parallel_loop3A_867 = arith.index_cast %scan3A_854 : i32 to index
        %parallel_loop3A_868 = arith.index_cast %parallel_loop3A_866 : i32 to index
        %parallel_loop3A_869 = tpu.vector_load %arg10[%parallel_loop3A_867, %parallel_loop3A_868] {strides = array<i32>} : memref<8x2048xf32, #tpu.memory_space<vmem>>, vector<16xf32>,
        %parallel_loop3A_870 = arith.mulf %parallel_loop3A_869, %gather3A_859 : vector<16xf32>
        %parallel_loop3A_871 = arith.index_cast %scan3A_854 : i32 to index
        %parallel_loop3A_872 = arith.index_cast %parallel_loop3A_866 : i32 to index
        %parallel_loop3A_873 = tpu.vector_load %arg11[%parallel_loop3A_871, %parallel_loop3A_872] {strides = array<i32>} : memref<8x2048xf32, #tpu.memory_space<vmem>>, vector<16xf32>,
        %parallel_loop3A_874 = arith.mulf %parallel_loop3A_873, %gather3A_863 : vector<16xf32>
        %parallel_loop3A_875 = arith.addf %parallel_loop3A_870, %parallel_loop3A_874 : vector<16xf32>
        %parallel_loop3A_876 = arith.index_cast %scan3A_854 : i32 to index
        %parallel_loop3A_877 = arith.index_cast %parallel_loop3A_866 : i32 to index
        %parallel_loop3A_878 = tpu.vector_load %arg10[%parallel_loop3A_876, %parallel_loop3A_877] {strides = array<i32>} : memref<8x2048xf32, #tpu.memory_space<vmem>>, vector<16xf32>,
        tpu.vector_store %arg10[%parallel_loop3A_876, %parallel_loop3A_877], %parallel_loop3A_875 {strides = array<i32>} : memref<8x2048xf32, #tpu.memory_space<vmem>>, vector<16xf32>,
      } {sc.loop_unroll_factor = 8 : i64, sc.parallel_access}
    }
    %scan3A_637 = arith.constant 8 : i32
    %add3A_638 = arith.constant 80 : i32
    %add3A_639 = arith.addi %mul3A_2, %add3A_638 : i32
    %dma_start3A_640 = arith.constant 0 : i32
    %dma_start3A_641 = tpu.memref_slice %arg5[%add3A_639, %dma_start3A_640] : memref<4096x2048xf32, #tpu.memory_space<hbm>> -> memref<8x2048xf32, #tpu.memory_space<hbm>>
    %dma_start3A_642 = arith.constant 0 : i32
    %dma_start3A_643 = tpu.memref_slice %arg5[%add3A_639, %dma_start3A_642] : memref<4096x2048xf32, #tpu.memory_space<hbm>> -> memref<8x2048xf32, #tpu.memory_space<hbm>>
    tpu.enqueue_dma source(%arg10 : memref<8x2048xf32, #tpu.memory_space<vmem>>) target(%dma_start3A_643 : memref<8x2048xf32, #tpu.memory_space<hbm>>) target_semaphore(%arg18 : memref<!tpu.dma_semaphore, #tpu.memory_space<semaphore_mem>>)
    %dma_wait3A_644 = arith.constant 5 : i32
    %dma_wait3A_645 = arith.constant 8 : i32
    %dma_wait3A_646 = tpu.memref_slice %arg7[%dma_wait3A_644, %dma_wait3A_645] : memref<8x16xi32, #tpu.memory_space<vmem>> -> memref<1x8xi32, #tpu.memory_space<vmem>>
    %dma_wait3A_647 = tpu.memref_squeeze %dma_wait3A_646 : memref<1x8xi32, #tpu.memory_space<vmem>> -> memref<8xi32, #tpu.memory_space<vmem>>
    %dma_wait3A_648 = arith.constant 0 : i32
    %dma_wait3A_649 = arith.constant 0 : i32
    %dma_wait3A_650 = tpu.memref_slice %arg2[%dma_wait3A_648, %dma_wait3A_649] : memref<10240x2048xf32, #tpu.memory_space<hbm>> -> memref<10240x2048xf32, #tpu.memory_space<hbm>>
    tpu.wait_indirect_dma semaphore(%arg16 : memref<!tpu.dma_semaphore, #tpu.memory_space<semaphore_mem>>) src(%dma_wait3A_650 : memref<10240x2048xf32, #tpu.memory_space<hbm>>) dst(%arg12 : memref<8x2048xf32, #tpu.memory_space<vmem>>)
    %dma_wait3A_651 = arith.constant 5 : i32
    %dma_wait3A_652 = arith.constant 8 : i32
    %dma_wait3A_653 = tpu.memref_slice %arg8[%dma_wait3A_651, %dma_wait3A_652] : memref<8x16xi32, #tpu.memory_space<vmem>> -> memref<1x8xi32, #tpu.memory_space<vmem>>
    %dma_wait3A_654 = tpu.memref_squeeze %dma_wait3A_653 : memref<1x8xi32, #tpu.memory_space<vmem>> -> memref<8xi32, #tpu.memory_space<vmem>>
    %dma_wait3A_655 = arith.constant 0 : i32
    %dma_wait3A_656 = arith.constant 0 : i32
    %dma_wait3A_657 = tpu.memref_slice %arg2[%dma_wait3A_655, %dma_wait3A_656] : memref<10240x2048xf32, #tpu.memory_space<hbm>> -> memref<10240x2048xf32, #tpu.memory_space<hbm>>
    tpu.wait_indirect_dma semaphore(%arg17 : memref<!tpu.dma_semaphore, #tpu.memory_space<semaphore_mem>>) src(%dma_wait3A_657 : memref<10240x2048xf32, #tpu.memory_space<hbm>>) dst(%arg13 : memref<8x2048xf32, #tpu.memory_space<vmem>>)
    %dma_wait3A_658 = arith.constant 0 : i32
    %dma_wait3A_659 = tpu.memref_slice %arg5[%add3A_639, %dma_wait3A_658] : memref<4096x2048xf32, #tpu.memory_space<hbm>> -> memref<8x2048xf32, #tpu.memory_space<hbm>>
    %dma_wait3A_660 = arith.constant 0 : i32
    %dma_wait3A_661 = tpu.memref_slice %arg5[%add3A_639, %dma_wait3A_660] : memref<4096x2048xf32, #tpu.memory_space<hbm>> -> memref<8x2048xf32, #tpu.memory_space<hbm>>
    tpu.wait_dma2 semaphore(%arg18 : memref<!tpu.dma_semaphore, #tpu.memory_space<semaphore_mem>>) src(%arg10 : memref<8x2048xf32, #tpu.memory_space<vmem>>) dst(%dma_wait3A_661 : memref<8x2048xf32, #tpu.memory_space<hbm>>)
    %dma_start3A_662 = arith.constant 6 : i32
    %dma_start3A_663 = arith.constant 0 : i32
    %dma_start3A_664 = tpu.memref_slice %arg7[%dma_start3A_662, %dma_start3A_663] : memref<8x16xi32, #tpu.memory_space<vmem>> -> memref<1x8xi32, #tpu.memory_space<vmem>>
    %dma_start3A_665 = tpu.memref_squeeze %dma_start3A_664 : memref<1x8xi32, #tpu.memory_space<vmem>> -> memref<8xi32, #tpu.memory_space<vmem>>
    %dma_start3A_666 = arith.constant 0 : i32
    %dma_start3A_667 = arith.constant 0 : i32
    %dma_start3A_668 = tpu.memref_slice %arg2[%dma_start3A_666, %dma_start3A_667] : memref<10240x2048xf32, #tpu.memory_space<hbm>> -> memref<10240x2048xf32, #tpu.memory_space<hbm>>
    tpu.enqueue_indirect_dma source(%dma_start3A_668 : memref<10240x2048xf32, #tpu.memory_space<hbm>>) target(%arg10 : memref<8x2048xf32, #tpu.memory_space<vmem>>) offsets(%dma_start3A_665 : memref<8xi32, #tpu.memory_space<vmem>>) semaphore(%arg14 : memref<!tpu.dma_semaphore, #tpu.memory_space<semaphore_mem>>)
    %dma_start3A_669 = arith.constant 6 : i32
    %dma_start3A_670 = arith.constant 0 : i32
    %dma_start3A_671 = tpu.memref_slice %arg8[%dma_start3A_669, %dma_start3A_670] : memref<8x16xi32, #tpu.memory_space<vmem>> -> memref<1x8xi32, #tpu.memory_space<vmem>>
    %dma_start3A_672 = tpu.memref_squeeze %dma_start3A_671 : memref<1x8xi32, #tpu.memory_space<vmem>> -> memref<8xi32, #tpu.memory_space<vmem>>
    %dma_start3A_673 = arith.constant 0 : i32
    %dma_start3A_674 = arith.constant 0 : i32
    %dma_start3A_675 = tpu.memref_slice %arg2[%dma_start3A_673, %dma_start3A_674] : memref<10240x2048xf32, #tpu.memory_space<hbm>> -> memref<10240x2048xf32, #tpu.memory_space<hbm>>
    tpu.enqueue_indirect_dma source(%dma_start3A_675 : memref<10240x2048xf32, #tpu.memory_space<hbm>>) target(%arg11 : memref<8x2048xf32, #tpu.memory_space<vmem>>) offsets(%dma_start3A_672 : memref<8xi32, #tpu.memory_space<vmem>>) semaphore(%arg15 : memref<!tpu.dma_semaphore, #tpu.memory_space<semaphore_mem>>)
    %scan3A_676 = arith.constant 0 : i32
    %scan3A_677 = arith.constant 0 : i32
    %scan3A_678 = arith.constant 8 : i32
    %scan3A_679 = arith.addi %scan3A_677, %scan3A_678 : i32
    %scan3A_680 = arith.constant 1 : i32
    scf.for %scan3A_854 = %scan3A_677 to %scan3A_679 step %scan3A_680  : i32 {
      %add3A_855 = arith.constant 88 : i32
      %add3A_856 = arith.addi %add3A_855, %scan3A_854 : i32
      %mul3A_857 = arith.constant 2 : i32
      %mul3A_858 = arith.muli %mul3A_857, %add3A_856 : i32
      %broadcast_in_dim3A = vector.broadcast %mul3A_858 : i32 to vector<16xi32>
      %gather3A_859 = tpu.vector_load_idx %arg9[%broadcast_in_dim3A] : memref<256xf32, #tpu.memory_space<vmem>>[vector<16xi32>], vector<16xf32>,
      %add3A_860 = arith.constant 1 : i32
      %add3A_861 = vector.broadcast %add3A_860 : i32 to vector<16xi32>
      %add3A_862 = arith.addi %broadcast_in_dim3A, %add3A_861 : vector<16xi32>
      %gather3A_863 = tpu.vector_load_idx %arg9[%add3A_862] : memref<256xf32, #tpu.memory_space<vmem>>[vector<16xi32>], vector<16xf32>,
      %parallel_loop3A = arith.constant 0 : i32
      %parallel_loop3A_864 = arith.constant 2048 : i32
      %parallel_loop3A_865 = arith.constant 16 : i32
      scf.for %parallel_loop3A_866 = %parallel_loop3A to %parallel_loop3A_864 step %parallel_loop3A_865  : i32 {
        %parallel_loop3A_867 = arith.index_cast %scan3A_854 : i32 to index
        %parallel_loop3A_868 = arith.index_cast %parallel_loop3A_866 : i32 to index
        %parallel_loop3A_869 = tpu.vector_load %arg12[%parallel_loop3A_867, %parallel_loop3A_868] {strides = array<i32>} : memref<8x2048xf32, #tpu.memory_space<vmem>>, vector<16xf32>,
        %parallel_loop3A_870 = arith.mulf %parallel_loop3A_869, %gather3A_859 : vector<16xf32>
        %parallel_loop3A_871 = arith.index_cast %scan3A_854 : i32 to index
        %parallel_loop3A_872 = arith.index_cast %parallel_loop3A_866 : i32 to index
        %parallel_loop3A_873 = tpu.vector_load %arg13[%parallel_loop3A_871, %parallel_loop3A_872] {strides = array<i32>} : memref<8x2048xf32, #tpu.memory_space<vmem>>, vector<16xf32>,
        %parallel_loop3A_874 = arith.mulf %parallel_loop3A_873, %gather3A_863 : vector<16xf32>
        %parallel_loop3A_875 = arith.addf %parallel_loop3A_870, %parallel_loop3A_874 : vector<16xf32>
        %parallel_loop3A_876 = arith.index_cast %scan3A_854 : i32 to index
        %parallel_loop3A_877 = arith.index_cast %parallel_loop3A_866 : i32 to index
        %parallel_loop3A_878 = tpu.vector_load %arg12[%parallel_loop3A_876, %parallel_loop3A_877] {strides = array<i32>} : memref<8x2048xf32, #tpu.memory_space<vmem>>, vector<16xf32>,
        tpu.vector_store %arg12[%parallel_loop3A_876, %parallel_loop3A_877], %parallel_loop3A_875 {strides = array<i32>} : memref<8x2048xf32, #tpu.memory_space<vmem>>, vector<16xf32>,
      } {sc.loop_unroll_factor = 8 : i64, sc.parallel_access}
    }
    %scan3A_681 = arith.constant 8 : i32
    %add3A_682 = arith.constant 88 : i32
    %add3A_683 = arith.addi %mul3A_2, %add3A_682 : i32
    %dma_start3A_684 = arith.constant 0 : i32
    %dma_start3A_685 = tpu.memref_slice %arg5[%add3A_683, %dma_start3A_684] : memref<4096x2048xf32, #tpu.memory_space<hbm>> -> memref<8x2048xf32, #tpu.memory_space<hbm>>
    %dma_start3A_686 = arith.constant 0 : i32
    %dma_start3A_687 = tpu.memref_slice %arg5[%add3A_683, %dma_start3A_686] : memref<4096x2048xf32, #tpu.memory_space<hbm>> -> memref<8x2048xf32, #tpu.memory_space<hbm>>
    tpu.enqueue_dma source(%arg12 : memref<8x2048xf32, #tpu.memory_space<vmem>>) target(%dma_start3A_687 : memref<8x2048xf32, #tpu.memory_space<hbm>>) target_semaphore(%arg19 : memref<!tpu.dma_semaphore, #tpu.memory_space<semaphore_mem>>)
    %dma_wait3A_688 = arith.constant 6 : i32
    %dma_wait3A_689 = arith.constant 0 : i32
    %dma_wait3A_690 = tpu.memref_slice %arg7[%dma_wait3A_688, %dma_wait3A_689] : memref<8x16xi32, #tpu.memory_space<vmem>> -> memref<1x8xi32, #tpu.memory_space<vmem>>
    %dma_wait3A_691 = tpu.memref_squeeze %dma_wait3A_690 : memref<1x8xi32, #tpu.memory_space<vmem>> -> memref<8xi32, #tpu.memory_space<vmem>>
    %dma_wait3A_692 = arith.constant 0 : i32
    %dma_wait3A_693 = arith.constant 0 : i32
    %dma_wait3A_694 = tpu.memref_slice %arg2[%dma_wait3A_692, %dma_wait3A_693] : memref<10240x2048xf32, #tpu.memory_space<hbm>> -> memref<10240x2048xf32, #tpu.memory_space<hbm>>
    tpu.wait_indirect_dma semaphore(%arg14 : memref<!tpu.dma_semaphore, #tpu.memory_space<semaphore_mem>>) src(%dma_wait3A_694 : memref<10240x2048xf32, #tpu.memory_space<hbm>>) dst(%arg10 : memref<8x2048xf32, #tpu.memory_space<vmem>>)
    %dma_wait3A_695 = arith.constant 6 : i32
    %dma_wait3A_696 = arith.constant 0 : i32
    %dma_wait3A_697 = tpu.memref_slice %arg8[%dma_wait3A_695, %dma_wait3A_696] : memref<8x16xi32, #tpu.memory_space<vmem>> -> memref<1x8xi32, #tpu.memory_space<vmem>>
    %dma_wait3A_698 = tpu.memref_squeeze %dma_wait3A_697 : memref<1x8xi32, #tpu.memory_space<vmem>> -> memref<8xi32, #tpu.memory_space<vmem>>
    %dma_wait3A_699 = arith.constant 0 : i32
    %dma_wait3A_700 = arith.constant 0 : i32
    %dma_wait3A_701 = tpu.memref_slice %arg2[%dma_wait3A_699, %dma_wait3A_700] : memref<10240x2048xf32, #tpu.memory_space<hbm>> -> memref<10240x2048xf32, #tpu.memory_space<hbm>>
    tpu.wait_indirect_dma semaphore(%arg15 : memref<!tpu.dma_semaphore, #tpu.memory_space<semaphore_mem>>) src(%dma_wait3A_701 : memref<10240x2048xf32, #tpu.memory_space<hbm>>) dst(%arg11 : memref<8x2048xf32, #tpu.memory_space<vmem>>)
    %dma_wait3A_702 = arith.constant 0 : i32
    %dma_wait3A_703 = tpu.memref_slice %arg5[%add3A_683, %dma_wait3A_702] : memref<4096x2048xf32, #tpu.memory_space<hbm>> -> memref<8x2048xf32, #tpu.memory_space<hbm>>
    %dma_wait3A_704 = arith.constant 0 : i32
    %dma_wait3A_705 = tpu.memref_slice %arg5[%add3A_683, %dma_wait3A_704] : memref<4096x2048xf32, #tpu.memory_space<hbm>> -> memref<8x2048xf32, #tpu.memory_space<hbm>>
    tpu.wait_dma2 semaphore(%arg19 : memref<!tpu.dma_semaphore, #tpu.memory_space<semaphore_mem>>) src(%arg12 : memref<8x2048xf32, #tpu.memory_space<vmem>>) dst(%dma_wait3A_705 : memref<8x2048xf32, #tpu.memory_space<hbm>>)
    %dma_start3A_706 = arith.constant 6 : i32
    %dma_start3A_707 = arith.constant 8 : i32
    %dma_start3A_708 = tpu.memref_slice %arg7[%dma_start3A_706, %dma_start3A_707] : memref<8x16xi32, #tpu.memory_space<vmem>> -> memref<1x8xi32, #tpu.memory_space<vmem>>
    %dma_start3A_709 = tpu.memref_squeeze %dma_start3A_708 : memref<1x8xi32, #tpu.memory_space<vmem>> -> memref<8xi32, #tpu.memory_space<vmem>>
    %dma_start3A_710 = arith.constant 0 : i32
    %dma_start3A_711 = arith.constant 0 : i32
    %dma_start3A_712 = tpu.memref_slice %arg2[%dma_start3A_710, %dma_start3A_711] : memref<10240x2048xf32, #tpu.memory_space<hbm>> -> memref<10240x2048xf32, #tpu.memory_space<hbm>>
    tpu.enqueue_indirect_dma source(%dma_start3A_712 : memref<10240x2048xf32, #tpu.memory_space<hbm>>) target(%arg12 : memref<8x2048xf32, #tpu.memory_space<vmem>>) offsets(%dma_start3A_709 : memref<8xi32, #tpu.memory_space<vmem>>) semaphore(%arg16 : memref<!tpu.dma_semaphore, #tpu.memory_space<semaphore_mem>>)
    %dma_start3A_713 = arith.constant 6 : i32
    %dma_start3A_714 = arith.constant 8 : i32
    %dma_start3A_715 = tpu.memref_slice %arg8[%dma_start3A_713, %dma_start3A_714] : memref<8x16xi32, #tpu.memory_space<vmem>> -> memref<1x8xi32, #tpu.memory_space<vmem>>
    %dma_start3A_716 = tpu.memref_squeeze %dma_start3A_715 : memref<1x8xi32, #tpu.memory_space<vmem>> -> memref<8xi32, #tpu.memory_space<vmem>>
    %dma_start3A_717 = arith.constant 0 : i32
    %dma_start3A_718 = arith.constant 0 : i32
    %dma_start3A_719 = tpu.memref_slice %arg2[%dma_start3A_717, %dma_start3A_718] : memref<10240x2048xf32, #tpu.memory_space<hbm>> -> memref<10240x2048xf32, #tpu.memory_space<hbm>>
    tpu.enqueue_indirect_dma source(%dma_start3A_719 : memref<10240x2048xf32, #tpu.memory_space<hbm>>) target(%arg13 : memref<8x2048xf32, #tpu.memory_space<vmem>>) offsets(%dma_start3A_716 : memref<8xi32, #tpu.memory_space<vmem>>) semaphore(%arg17 : memref<!tpu.dma_semaphore, #tpu.memory_space<semaphore_mem>>)
    %scan3A_720 = arith.constant 0 : i32
    %scan3A_721 = arith.constant 0 : i32
    %scan3A_722 = arith.constant 8 : i32
    %scan3A_723 = arith.addi %scan3A_721, %scan3A_722 : i32
    %scan3A_724 = arith.constant 1 : i32
    scf.for %scan3A_854 = %scan3A_721 to %scan3A_723 step %scan3A_724  : i32 {
      %add3A_855 = arith.constant 96 : i32
      %add3A_856 = arith.addi %add3A_855, %scan3A_854 : i32
      %mul3A_857 = arith.constant 2 : i32
      %mul3A_858 = arith.muli %mul3A_857, %add3A_856 : i32
      %broadcast_in_dim3A = vector.broadcast %mul3A_858 : i32 to vector<16xi32>
      %gather3A_859 = tpu.vector_load_idx %arg9[%broadcast_in_dim3A] : memref<256xf32, #tpu.memory_space<vmem>>[vector<16xi32>], vector<16xf32>,
      %add3A_860 = arith.constant 1 : i32
      %add3A_861 = vector.broadcast %add3A_860 : i32 to vector<16xi32>
      %add3A_862 = arith.addi %broadcast_in_dim3A, %add3A_861 : vector<16xi32>
      %gather3A_863 = tpu.vector_load_idx %arg9[%add3A_862] : memref<256xf32, #tpu.memory_space<vmem>>[vector<16xi32>], vector<16xf32>,
      %parallel_loop3A = arith.constant 0 : i32
      %parallel_loop3A_864 = arith.constant 2048 : i32
      %parallel_loop3A_865 = arith.constant 16 : i32
      scf.for %parallel_loop3A_866 = %parallel_loop3A to %parallel_loop3A_864 step %parallel_loop3A_865  : i32 {
        %parallel_loop3A_867 = arith.index_cast %scan3A_854 : i32 to index
        %parallel_loop3A_868 = arith.index_cast %parallel_loop3A_866 : i32 to index
        %parallel_loop3A_869 = tpu.vector_load %arg10[%parallel_loop3A_867, %parallel_loop3A_868] {strides = array<i32>} : memref<8x2048xf32, #tpu.memory_space<vmem>>, vector<16xf32>,
        %parallel_loop3A_870 = arith.mulf %parallel_loop3A_869, %gather3A_859 : vector<16xf32>
        %parallel_loop3A_871 = arith.index_cast %scan3A_854 : i32 to index
        %parallel_loop3A_872 = arith.index_cast %parallel_loop3A_866 : i32 to index
        %parallel_loop3A_873 = tpu.vector_load %arg11[%parallel_loop3A_871, %parallel_loop3A_872] {strides = array<i32>} : memref<8x2048xf32, #tpu.memory_space<vmem>>, vector<16xf32>,
        %parallel_loop3A_874 = arith.mulf %parallel_loop3A_873, %gather3A_863 : vector<16xf32>
        %parallel_loop3A_875 = arith.addf %parallel_loop3A_870, %parallel_loop3A_874 : vector<16xf32>
        %parallel_loop3A_876 = arith.index_cast %scan3A_854 : i32 to index
        %parallel_loop3A_877 = arith.index_cast %parallel_loop3A_866 : i32 to index
        %parallel_loop3A_878 = tpu.vector_load %arg10[%parallel_loop3A_876, %parallel_loop3A_877] {strides = array<i32>} : memref<8x2048xf32, #tpu.memory_space<vmem>>, vector<16xf32>,
        tpu.vector_store %arg10[%parallel_loop3A_876, %parallel_loop3A_877], %parallel_loop3A_875 {strides = array<i32>} : memref<8x2048xf32, #tpu.memory_space<vmem>>, vector<16xf32>,
      } {sc.loop_unroll_factor = 8 : i64, sc.parallel_access}
    }
    %scan3A_725 = arith.constant 8 : i32
    %add3A_726 = arith.constant 96 : i32
    %add3A_727 = arith.addi %mul3A_2, %add3A_726 : i32
    %dma_start3A_728 = arith.constant 0 : i32
    %dma_start3A_729 = tpu.memref_slice %arg5[%add3A_727, %dma_start3A_728] : memref<4096x2048xf32, #tpu.memory_space<hbm>> -> memref<8x2048xf32, #tpu.memory_space<hbm>>
    %dma_start3A_730 = arith.constant 0 : i32
    %dma_start3A_731 = tpu.memref_slice %arg5[%add3A_727, %dma_start3A_730] : memref<4096x2048xf32, #tpu.memory_space<hbm>> -> memref<8x2048xf32, #tpu.memory_space<hbm>>
    tpu.enqueue_dma source(%arg10 : memref<8x2048xf32, #tpu.memory_space<vmem>>) target(%dma_start3A_731 : memref<8x2048xf32, #tpu.memory_space<hbm>>) target_semaphore(%arg18 : memref<!tpu.dma_semaphore, #tpu.memory_space<semaphore_mem>>)
    %dma_wait3A_732 = arith.constant 6 : i32
    %dma_wait3A_733 = arith.constant 8 : i32
    %dma_wait3A_734 = tpu.memref_slice %arg7[%dma_wait3A_732, %dma_wait3A_733] : memref<8x16xi32, #tpu.memory_space<vmem>> -> memref<1x8xi32, #tpu.memory_space<vmem>>
    %dma_wait3A_735 = tpu.memref_squeeze %dma_wait3A_734 : memref<1x8xi32, #tpu.memory_space<vmem>> -> memref<8xi32, #tpu.memory_space<vmem>>
    %dma_wait3A_736 = arith.constant 0 : i32
    %dma_wait3A_737 = arith.constant 0 : i32
    %dma_wait3A_738 = tpu.memref_slice %arg2[%dma_wait3A_736, %dma_wait3A_737] : memref<10240x2048xf32, #tpu.memory_space<hbm>> -> memref<10240x2048xf32, #tpu.memory_space<hbm>>
    tpu.wait_indirect_dma semaphore(%arg16 : memref<!tpu.dma_semaphore, #tpu.memory_space<semaphore_mem>>) src(%dma_wait3A_738 : memref<10240x2048xf32, #tpu.memory_space<hbm>>) dst(%arg12 : memref<8x2048xf32, #tpu.memory_space<vmem>>)
    %dma_wait3A_739 = arith.constant 6 : i32
    %dma_wait3A_740 = arith.constant 8 : i32
    %dma_wait3A_741 = tpu.memref_slice %arg8[%dma_wait3A_739, %dma_wait3A_740] : memref<8x16xi32, #tpu.memory_space<vmem>> -> memref<1x8xi32, #tpu.memory_space<vmem>>
    %dma_wait3A_742 = tpu.memref_squeeze %dma_wait3A_741 : memref<1x8xi32, #tpu.memory_space<vmem>> -> memref<8xi32, #tpu.memory_space<vmem>>
    %dma_wait3A_743 = arith.constant 0 : i32
    %dma_wait3A_744 = arith.constant 0 : i32
    %dma_wait3A_745 = tpu.memref_slice %arg2[%dma_wait3A_743, %dma_wait3A_744] : memref<10240x2048xf32, #tpu.memory_space<hbm>> -> memref<10240x2048xf32, #tpu.memory_space<hbm>>
    tpu.wait_indirect_dma semaphore(%arg17 : memref<!tpu.dma_semaphore, #tpu.memory_space<semaphore_mem>>) src(%dma_wait3A_745 : memref<10240x2048xf32, #tpu.memory_space<hbm>>) dst(%arg13 : memref<8x2048xf32, #tpu.memory_space<vmem>>)
    %dma_wait3A_746 = arith.constant 0 : i32
    %dma_wait3A_747 = tpu.memref_slice %arg5[%add3A_727, %dma_wait3A_746] : memref<4096x2048xf32, #tpu.memory_space<hbm>> -> memref<8x2048xf32, #tpu.memory_space<hbm>>
    %dma_wait3A_748 = arith.constant 0 : i32
    %dma_wait3A_749 = tpu.memref_slice %arg5[%add3A_727, %dma_wait3A_748] : memref<4096x2048xf32, #tpu.memory_space<hbm>> -> memref<8x2048xf32, #tpu.memory_space<hbm>>
    tpu.wait_dma2 semaphore(%arg18 : memref<!tpu.dma_semaphore, #tpu.memory_space<semaphore_mem>>) src(%arg10 : memref<8x2048xf32, #tpu.memory_space<vmem>>) dst(%dma_wait3A_749 : memref<8x2048xf32, #tpu.memory_space<hbm>>)
    %dma_start3A_750 = arith.constant 7 : i32
    %dma_start3A_751 = arith.constant 0 : i32
    %dma_start3A_752 = tpu.memref_slice %arg7[%dma_start3A_750, %dma_start3A_751] : memref<8x16xi32, #tpu.memory_space<vmem>> -> memref<1x8xi32, #tpu.memory_space<vmem>>
    %dma_start3A_753 = tpu.memref_squeeze %dma_start3A_752 : memref<1x8xi32, #tpu.memory_space<vmem>> -> memref<8xi32, #tpu.memory_space<vmem>>
    %dma_start3A_754 = arith.constant 0 : i32
    %dma_start3A_755 = arith.constant 0 : i32
    %dma_start3A_756 = tpu.memref_slice %arg2[%dma_start3A_754, %dma_start3A_755] : memref<10240x2048xf32, #tpu.memory_space<hbm>> -> memref<10240x2048xf32, #tpu.memory_space<hbm>>
    tpu.enqueue_indirect_dma source(%dma_start3A_756 : memref<10240x2048xf32, #tpu.memory_space<hbm>>) target(%arg10 : memref<8x2048xf32, #tpu.memory_space<vmem>>) offsets(%dma_start3A_753 : memref<8xi32, #tpu.memory_space<vmem>>) semaphore(%arg14 : memref<!tpu.dma_semaphore, #tpu.memory_space<semaphore_mem>>)
    %dma_start3A_757 = arith.constant 7 : i32
    %dma_start3A_758 = arith.constant 0 : i32
    %dma_start3A_759 = tpu.memref_slice %arg8[%dma_start3A_757, %dma_start3A_758] : memref<8x16xi32, #tpu.memory_space<vmem>> -> memref<1x8xi32, #tpu.memory_space<vmem>>
    %dma_start3A_760 = tpu.memref_squeeze %dma_start3A_759 : memref<1x8xi32, #tpu.memory_space<vmem>> -> memref<8xi32, #tpu.memory_space<vmem>>
    %dma_start3A_761 = arith.constant 0 : i32
    %dma_start3A_762 = arith.constant 0 : i32
    %dma_start3A_763 = tpu.memref_slice %arg2[%dma_start3A_761, %dma_start3A_762] : memref<10240x2048xf32, #tpu.memory_space<hbm>> -> memref<10240x2048xf32, #tpu.memory_space<hbm>>
    tpu.enqueue_indirect_dma source(%dma_start3A_763 : memref<10240x2048xf32, #tpu.memory_space<hbm>>) target(%arg11 : memref<8x2048xf32, #tpu.memory_space<vmem>>) offsets(%dma_start3A_760 : memref<8xi32, #tpu.memory_space<vmem>>) semaphore(%arg15 : memref<!tpu.dma_semaphore, #tpu.memory_space<semaphore_mem>>)
    %scan3A_764 = arith.constant 0 : i32
    %scan3A_765 = arith.constant 0 : i32
    %scan3A_766 = arith.constant 8 : i32
    %scan3A_767 = arith.addi %scan3A_765, %scan3A_766 : i32
    %scan3A_768 = arith.constant 1 : i32
    scf.for %scan3A_854 = %scan3A_765 to %scan3A_767 step %scan3A_768  : i32 {
      %add3A_855 = arith.constant 104 : i32
      %add3A_856 = arith.addi %add3A_855, %scan3A_854 : i32
      %mul3A_857 = arith.constant 2 : i32
      %mul3A_858 = arith.muli %mul3A_857, %add3A_856 : i32
      %broadcast_in_dim3A = vector.broadcast %mul3A_858 : i32 to vector<16xi32>
      %gather3A_859 = tpu.vector_load_idx %arg9[%broadcast_in_dim3A] : memref<256xf32, #tpu.memory_space<vmem>>[vector<16xi32>], vector<16xf32>,
      %add3A_860 = arith.constant 1 : i32
      %add3A_861 = vector.broadcast %add3A_860 : i32 to vector<16xi32>
      %add3A_862 = arith.addi %broadcast_in_dim3A, %add3A_861 : vector<16xi32>
      %gather3A_863 = tpu.vector_load_idx %arg9[%add3A_862] : memref<256xf32, #tpu.memory_space<vmem>>[vector<16xi32>], vector<16xf32>,
      %parallel_loop3A = arith.constant 0 : i32
      %parallel_loop3A_864 = arith.constant 2048 : i32
      %parallel_loop3A_865 = arith.constant 16 : i32
      scf.for %parallel_loop3A_866 = %parallel_loop3A to %parallel_loop3A_864 step %parallel_loop3A_865  : i32 {
        %parallel_loop3A_867 = arith.index_cast %scan3A_854 : i32 to index
        %parallel_loop3A_868 = arith.index_cast %parallel_loop3A_866 : i32 to index
        %parallel_loop3A_869 = tpu.vector_load %arg12[%parallel_loop3A_867, %parallel_loop3A_868] {strides = array<i32>} : memref<8x2048xf32, #tpu.memory_space<vmem>>, vector<16xf32>,
        %parallel_loop3A_870 = arith.mulf %parallel_loop3A_869, %gather3A_859 : vector<16xf32>
        %parallel_loop3A_871 = arith.index_cast %scan3A_854 : i32 to index
        %parallel_loop3A_872 = arith.index_cast %parallel_loop3A_866 : i32 to index
        %parallel_loop3A_873 = tpu.vector_load %arg13[%parallel_loop3A_871, %parallel_loop3A_872] {strides = array<i32>} : memref<8x2048xf32, #tpu.memory_space<vmem>>, vector<16xf32>,
        %parallel_loop3A_874 = arith.mulf %parallel_loop3A_873, %gather3A_863 : vector<16xf32>
        %parallel_loop3A_875 = arith.addf %parallel_loop3A_870, %parallel_loop3A_874 : vector<16xf32>
        %parallel_loop3A_876 = arith.index_cast %scan3A_854 : i32 to index
        %parallel_loop3A_877 = arith.index_cast %parallel_loop3A_866 : i32 to index
        %parallel_loop3A_878 = tpu.vector_load %arg12[%parallel_loop3A_876, %parallel_loop3A_877] {strides = array<i32>} : memref<8x2048xf32, #tpu.memory_space<vmem>>, vector<16xf32>,
        tpu.vector_store %arg12[%parallel_loop3A_876, %parallel_loop3A_877], %parallel_loop3A_875 {strides = array<i32>} : memref<8x2048xf32, #tpu.memory_space<vmem>>, vector<16xf32>,
      } {sc.loop_unroll_factor = 8 : i64, sc.parallel_access}
    }
    %scan3A_769 = arith.constant 8 : i32
    %add3A_770 = arith.constant 104 : i32
    %add3A_771 = arith.addi %mul3A_2, %add3A_770 : i32
    %dma_start3A_772 = arith.constant 0 : i32
    %dma_start3A_773 = tpu.memref_slice %arg5[%add3A_771, %dma_start3A_772] : memref<4096x2048xf32, #tpu.memory_space<hbm>> -> memref<8x2048xf32, #tpu.memory_space<hbm>>
    %dma_start3A_774 = arith.constant 0 : i32
    %dma_start3A_775 = tpu.memref_slice %arg5[%add3A_771, %dma_start3A_774] : memref<4096x2048xf32, #tpu.memory_space<hbm>> -> memref<8x2048xf32, #tpu.memory_space<hbm>>
    tpu.enqueue_dma source(%arg12 : memref<8x2048xf32, #tpu.memory_space<vmem>>) target(%dma_start3A_775 : memref<8x2048xf32, #tpu.memory_space<hbm>>) target_semaphore(%arg19 : memref<!tpu.dma_semaphore, #tpu.memory_space<semaphore_mem>>)
    %dma_wait3A_776 = arith.constant 7 : i32
    %dma_wait3A_777 = arith.constant 0 : i32
    %dma_wait3A_778 = tpu.memref_slice %arg7[%dma_wait3A_776, %dma_wait3A_777] : memref<8x16xi32, #tpu.memory_space<vmem>> -> memref<1x8xi32, #tpu.memory_space<vmem>>
    %dma_wait3A_779 = tpu.memref_squeeze %dma_wait3A_778 : memref<1x8xi32, #tpu.memory_space<vmem>> -> memref<8xi32, #tpu.memory_space<vmem>>
    %dma_wait3A_780 = arith.constant 0 : i32
    %dma_wait3A_781 = arith.constant 0 : i32
    %dma_wait3A_782 = tpu.memref_slice %arg2[%dma_wait3A_780, %dma_wait3A_781] : memref<10240x2048xf32, #tpu.memory_space<hbm>> -> memref<10240x2048xf32, #tpu.memory_space<hbm>>
    tpu.wait_indirect_dma semaphore(%arg14 : memref<!tpu.dma_semaphore, #tpu.memory_space<semaphore_mem>>) src(%dma_wait3A_782 : memref<10240x2048xf32, #tpu.memory_space<hbm>>) dst(%arg10 : memref<8x2048xf32, #tpu.memory_space<vmem>>)
    %dma_wait3A_783 = arith.constant 7 : i32
    %dma_wait3A_784 = arith.constant 0 : i32
    %dma_wait3A_785 = tpu.memref_slice %arg8[%dma_wait3A_783, %dma_wait3A_784] : memref<8x16xi32, #tpu.memory_space<vmem>> -> memref<1x8xi32, #tpu.memory_space<vmem>>
    %dma_wait3A_786 = tpu.memref_squeeze %dma_wait3A_785 : memref<1x8xi32, #tpu.memory_space<vmem>> -> memref<8xi32, #tpu.memory_space<vmem>>
    %dma_wait3A_787 = arith.constant 0 : i32
    %dma_wait3A_788 = arith.constant 0 : i32
    %dma_wait3A_789 = tpu.memref_slice %arg2[%dma_wait3A_787, %dma_wait3A_788] : memref<10240x2048xf32, #tpu.memory_space<hbm>> -> memref<10240x2048xf32, #tpu.memory_space<hbm>>
    tpu.wait_indirect_dma semaphore(%arg15 : memref<!tpu.dma_semaphore, #tpu.memory_space<semaphore_mem>>) src(%dma_wait3A_789 : memref<10240x2048xf32, #tpu.memory_space<hbm>>) dst(%arg11 : memref<8x2048xf32, #tpu.memory_space<vmem>>)
    %dma_wait3A_790 = arith.constant 0 : i32
    %dma_wait3A_791 = tpu.memref_slice %arg5[%add3A_771, %dma_wait3A_790] : memref<4096x2048xf32, #tpu.memory_space<hbm>> -> memref<8x2048xf32, #tpu.memory_space<hbm>>
    %dma_wait3A_792 = arith.constant 0 : i32
    %dma_wait3A_793 = tpu.memref_slice %arg5[%add3A_771, %dma_wait3A_792] : memref<4096x2048xf32, #tpu.memory_space<hbm>> -> memref<8x2048xf32, #tpu.memory_space<hbm>>
    tpu.wait_dma2 semaphore(%arg19 : memref<!tpu.dma_semaphore, #tpu.memory_space<semaphore_mem>>) src(%arg12 : memref<8x2048xf32, #tpu.memory_space<vmem>>) dst(%dma_wait3A_793 : memref<8x2048xf32, #tpu.memory_space<hbm>>)
    %dma_start3A_794 = arith.constant 7 : i32
    %dma_start3A_795 = arith.constant 8 : i32
    %dma_start3A_796 = tpu.memref_slice %arg7[%dma_start3A_794, %dma_start3A_795] : memref<8x16xi32, #tpu.memory_space<vmem>> -> memref<1x8xi32, #tpu.memory_space<vmem>>
    %dma_start3A_797 = tpu.memref_squeeze %dma_start3A_796 : memref<1x8xi32, #tpu.memory_space<vmem>> -> memref<8xi32, #tpu.memory_space<vmem>>
    %dma_start3A_798 = arith.constant 0 : i32
    %dma_start3A_799 = arith.constant 0 : i32
    %dma_start3A_800 = tpu.memref_slice %arg2[%dma_start3A_798, %dma_start3A_799] : memref<10240x2048xf32, #tpu.memory_space<hbm>> -> memref<10240x2048xf32, #tpu.memory_space<hbm>>
    tpu.enqueue_indirect_dma source(%dma_start3A_800 : memref<10240x2048xf32, #tpu.memory_space<hbm>>) target(%arg12 : memref<8x2048xf32, #tpu.memory_space<vmem>>) offsets(%dma_start3A_797 : memref<8xi32, #tpu.memory_space<vmem>>) semaphore(%arg16 : memref<!tpu.dma_semaphore, #tpu.memory_space<semaphore_mem>>)
    %dma_start3A_801 = arith.constant 7 : i32
    %dma_start3A_802 = arith.constant 8 : i32
    %dma_start3A_803 = tpu.memref_slice %arg8[%dma_start3A_801, %dma_start3A_802] : memref<8x16xi32, #tpu.memory_space<vmem>> -> memref<1x8xi32, #tpu.memory_space<vmem>>
    %dma_start3A_804 = tpu.memref_squeeze %dma_start3A_803 : memref<1x8xi32, #tpu.memory_space<vmem>> -> memref<8xi32, #tpu.memory_space<vmem>>
    %dma_start3A_805 = arith.constant 0 : i32
    %dma_start3A_806 = arith.constant 0 : i32
    %dma_start3A_807 = tpu.memref_slice %arg2[%dma_start3A_805, %dma_start3A_806] : memref<10240x2048xf32, #tpu.memory_space<hbm>> -> memref<10240x2048xf32, #tpu.memory_space<hbm>>
    tpu.enqueue_indirect_dma source(%dma_start3A_807 : memref<10240x2048xf32, #tpu.memory_space<hbm>>) target(%arg13 : memref<8x2048xf32, #tpu.memory_space<vmem>>) offsets(%dma_start3A_804 : memref<8xi32, #tpu.memory_space<vmem>>) semaphore(%arg17 : memref<!tpu.dma_semaphore, #tpu.memory_space<semaphore_mem>>)
    %scan3A_808 = arith.constant 0 : i32
    %scan3A_809 = arith.constant 0 : i32
    %scan3A_810 = arith.constant 8 : i32
    %scan3A_811 = arith.addi %scan3A_809, %scan3A_810 : i32
    %scan3A_812 = arith.constant 1 : i32
    scf.for %scan3A_854 = %scan3A_809 to %scan3A_811 step %scan3A_812  : i32 {
      %add3A_855 = arith.constant 112 : i32
      %add3A_856 = arith.addi %add3A_855, %scan3A_854 : i32
      %mul3A_857 = arith.constant 2 : i32
      %mul3A_858 = arith.muli %mul3A_857, %add3A_856 : i32
      %broadcast_in_dim3A = vector.broadcast %mul3A_858 : i32 to vector<16xi32>
      %gather3A_859 = tpu.vector_load_idx %arg9[%broadcast_in_dim3A] : memref<256xf32, #tpu.memory_space<vmem>>[vector<16xi32>], vector<16xf32>,
      %add3A_860 = arith.constant 1 : i32
      %add3A_861 = vector.broadcast %add3A_860 : i32 to vector<16xi32>
      %add3A_862 = arith.addi %broadcast_in_dim3A, %add3A_861 : vector<16xi32>
      %gather3A_863 = tpu.vector_load_idx %arg9[%add3A_862] : memref<256xf32, #tpu.memory_space<vmem>>[vector<16xi32>], vector<16xf32>,
      %parallel_loop3A = arith.constant 0 : i32
      %parallel_loop3A_864 = arith.constant 2048 : i32
      %parallel_loop3A_865 = arith.constant 16 : i32
      scf.for %parallel_loop3A_866 = %parallel_loop3A to %parallel_loop3A_864 step %parallel_loop3A_865  : i32 {
        %parallel_loop3A_867 = arith.index_cast %scan3A_854 : i32 to index
        %parallel_loop3A_868 = arith.index_cast %parallel_loop3A_866 : i32 to index
        %parallel_loop3A_869 = tpu.vector_load %arg10[%parallel_loop3A_867, %parallel_loop3A_868] {strides = array<i32>} : memref<8x2048xf32, #tpu.memory_space<vmem>>, vector<16xf32>,
        %parallel_loop3A_870 = arith.mulf %parallel_loop3A_869, %gather3A_859 : vector<16xf32>
        %parallel_loop3A_871 = arith.index_cast %scan3A_854 : i32 to index
        %parallel_loop3A_872 = arith.index_cast %parallel_loop3A_866 : i32 to index
        %parallel_loop3A_873 = tpu.vector_load %arg11[%parallel_loop3A_871, %parallel_loop3A_872] {strides = array<i32>} : memref<8x2048xf32, #tpu.memory_space<vmem>>, vector<16xf32>,
        %parallel_loop3A_874 = arith.mulf %parallel_loop3A_873, %gather3A_863 : vector<16xf32>
        %parallel_loop3A_875 = arith.addf %parallel_loop3A_870, %parallel_loop3A_874 : vector<16xf32>
        %parallel_loop3A_876 = arith.index_cast %scan3A_854 : i32 to index
        %parallel_loop3A_877 = arith.index_cast %parallel_loop3A_866 : i32 to index
        %parallel_loop3A_878 = tpu.vector_load %arg10[%parallel_loop3A_876, %parallel_loop3A_877] {strides = array<i32>} : memref<8x2048xf32, #tpu.memory_space<vmem>>, vector<16xf32>,
        tpu.vector_store %arg10[%parallel_loop3A_876, %parallel_loop3A_877], %parallel_loop3A_875 {strides = array<i32>} : memref<8x2048xf32, #tpu.memory_space<vmem>>, vector<16xf32>,
      } {sc.loop_unroll_factor = 8 : i64, sc.parallel_access}
    }
    %scan3A_813 = arith.constant 8 : i32
    %add3A_814 = arith.constant 112 : i32
    %add3A_815 = arith.addi %mul3A_2, %add3A_814 : i32
    %dma_start3A_816 = arith.constant 0 : i32
    %dma_start3A_817 = tpu.memref_slice %arg5[%add3A_815, %dma_start3A_816] : memref<4096x2048xf32, #tpu.memory_space<hbm>> -> memref<8x2048xf32, #tpu.memory_space<hbm>>
    %dma_start3A_818 = arith.constant 0 : i32
    %dma_start3A_819 = tpu.memref_slice %arg5[%add3A_815, %dma_start3A_818] : memref<4096x2048xf32, #tpu.memory_space<hbm>> -> memref<8x2048xf32, #tpu.memory_space<hbm>>
    tpu.enqueue_dma source(%arg10 : memref<8x2048xf32, #tpu.memory_space<vmem>>) target(%dma_start3A_819 : memref<8x2048xf32, #tpu.memory_space<hbm>>) target_semaphore(%arg18 : memref<!tpu.dma_semaphore, #tpu.memory_space<semaphore_mem>>)
    %dma_wait3A_820 = arith.constant 7 : i32
    %dma_wait3A_821 = arith.constant 8 : i32
    %dma_wait3A_822 = tpu.memref_slice %arg7[%dma_wait3A_820, %dma_wait3A_821] : memref<8x16xi32, #tpu.memory_space<vmem>> -> memref<1x8xi32, #tpu.memory_space<vmem>>
    %dma_wait3A_823 = tpu.memref_squeeze %dma_wait3A_822 : memref<1x8xi32, #tpu.memory_space<vmem>> -> memref<8xi32, #tpu.memory_space<vmem>>
    %dma_wait3A_824 = arith.constant 0 : i32
    %dma_wait3A_825 = arith.constant 0 : i32
    %dma_wait3A_826 = tpu.memref_slice %arg2[%dma_wait3A_824, %dma_wait3A_825] : memref<10240x2048xf32, #tpu.memory_space<hbm>> -> memref<10240x2048xf32, #tpu.memory_space<hbm>>
    tpu.wait_indirect_dma semaphore(%arg16 : memref<!tpu.dma_semaphore, #tpu.memory_space<semaphore_mem>>) src(%dma_wait3A_826 : memref<10240x2048xf32, #tpu.memory_space<hbm>>) dst(%arg12 : memref<8x2048xf32, #tpu.memory_space<vmem>>)
    %dma_wait3A_827 = arith.constant 7 : i32
    %dma_wait3A_828 = arith.constant 8 : i32
    %dma_wait3A_829 = tpu.memref_slice %arg8[%dma_wait3A_827, %dma_wait3A_828] : memref<8x16xi32, #tpu.memory_space<vmem>> -> memref<1x8xi32, #tpu.memory_space<vmem>>
    %dma_wait3A_830 = tpu.memref_squeeze %dma_wait3A_829 : memref<1x8xi32, #tpu.memory_space<vmem>> -> memref<8xi32, #tpu.memory_space<vmem>>
    %dma_wait3A_831 = arith.constant 0 : i32
    %dma_wait3A_832 = arith.constant 0 : i32
    %dma_wait3A_833 = tpu.memref_slice %arg2[%dma_wait3A_831, %dma_wait3A_832] : memref<10240x2048xf32, #tpu.memory_space<hbm>> -> memref<10240x2048xf32, #tpu.memory_space<hbm>>
    tpu.wait_indirect_dma semaphore(%arg17 : memref<!tpu.dma_semaphore, #tpu.memory_space<semaphore_mem>>) src(%dma_wait3A_833 : memref<10240x2048xf32, #tpu.memory_space<hbm>>) dst(%arg13 : memref<8x2048xf32, #tpu.memory_space<vmem>>)
    %scan3A_834 = arith.constant 0 : i32
    %scan3A_835 = arith.constant 0 : i32
    %scan3A_836 = arith.constant 8 : i32
    %scan3A_837 = arith.addi %scan3A_835, %scan3A_836 : i32
    %scan3A_838 = arith.constant 1 : i32
    scf.for %scan3A_854 = %scan3A_835 to %scan3A_837 step %scan3A_838  : i32 {
      %add3A_855 = arith.constant 120 : i32
      %add3A_856 = arith.addi %add3A_855, %scan3A_854 : i32
      %mul3A_857 = arith.constant 2 : i32
      %mul3A_858 = arith.muli %mul3A_857, %add3A_856 : i32
      %broadcast_in_dim3A = vector.broadcast %mul3A_858 : i32 to vector<16xi32>
      %gather3A_859 = tpu.vector_load_idx %arg9[%broadcast_in_dim3A] : memref<256xf32, #tpu.memory_space<vmem>>[vector<16xi32>], vector<16xf32>,
      %add3A_860 = arith.constant 1 : i32
      %add3A_861 = vector.broadcast %add3A_860 : i32 to vector<16xi32>
      %add3A_862 = arith.addi %broadcast_in_dim3A, %add3A_861 : vector<16xi32>
      %gather3A_863 = tpu.vector_load_idx %arg9[%add3A_862] : memref<256xf32, #tpu.memory_space<vmem>>[vector<16xi32>], vector<16xf32>,
      %parallel_loop3A = arith.constant 0 : i32
      %parallel_loop3A_864 = arith.constant 2048 : i32
      %parallel_loop3A_865 = arith.constant 16 : i32
      scf.for %parallel_loop3A_866 = %parallel_loop3A to %parallel_loop3A_864 step %parallel_loop3A_865  : i32 {
        %parallel_loop3A_867 = arith.index_cast %scan3A_854 : i32 to index
        %parallel_loop3A_868 = arith.index_cast %parallel_loop3A_866 : i32 to index
        %parallel_loop3A_869 = tpu.vector_load %arg12[%parallel_loop3A_867, %parallel_loop3A_868] {strides = array<i32>} : memref<8x2048xf32, #tpu.memory_space<vmem>>, vector<16xf32>,
        %parallel_loop3A_870 = arith.mulf %parallel_loop3A_869, %gather3A_859 : vector<16xf32>
        %parallel_loop3A_871 = arith.index_cast %scan3A_854 : i32 to index
        %parallel_loop3A_872 = arith.index_cast %parallel_loop3A_866 : i32 to index
        %parallel_loop3A_873 = tpu.vector_load %arg13[%parallel_loop3A_871, %parallel_loop3A_872] {strides = array<i32>} : memref<8x2048xf32, #tpu.memory_space<vmem>>, vector<16xf32>,
        %parallel_loop3A_874 = arith.mulf %parallel_loop3A_873, %gather3A_863 : vector<16xf32>
        %parallel_loop3A_875 = arith.addf %parallel_loop3A_870, %parallel_loop3A_874 : vector<16xf32>
        %parallel_loop3A_876 = arith.index_cast %scan3A_854 : i32 to index
        %parallel_loop3A_877 = arith.index_cast %parallel_loop3A_866 : i32 to index
        %parallel_loop3A_878 = tpu.vector_load %arg12[%parallel_loop3A_876, %parallel_loop3A_877] {strides = array<i32>} : memref<8x2048xf32, #tpu.memory_space<vmem>>, vector<16xf32>,
        tpu.vector_store %arg12[%parallel_loop3A_876, %parallel_loop3A_877], %parallel_loop3A_875 {strides = array<i32>} : memref<8x2048xf32, #tpu.memory_space<vmem>>, vector<16xf32>,
      } {sc.loop_unroll_factor = 8 : i64, sc.parallel_access}
    }
    %scan3A_839 = arith.constant 8 : i32
    %add3A_840 = arith.constant 120 : i32
    %add3A_841 = arith.addi %mul3A_2, %add3A_840 : i32
    %dma_start3A_842 = arith.constant 0 : i32
    %dma_start3A_843 = tpu.memref_slice %arg5[%add3A_841, %dma_start3A_842] : memref<4096x2048xf32, #tpu.memory_space<hbm>> -> memref<8x2048xf32, #tpu.memory_space<hbm>>
    %dma_start3A_844 = arith.constant 0 : i32
    %dma_start3A_845 = tpu.memref_slice %arg5[%add3A_841, %dma_start3A_844] : memref<4096x2048xf32, #tpu.memory_space<hbm>> -> memref<8x2048xf32, #tpu.memory_space<hbm>>
    tpu.enqueue_dma source(%arg12 : memref<8x2048xf32, #tpu.memory_space<vmem>>) target(%dma_start3A_845 : memref<8x2048xf32, #tpu.memory_space<hbm>>) target_semaphore(%arg19 : memref<!tpu.dma_semaphore, #tpu.memory_space<semaphore_mem>>)
    %dma_wait3A_846 = arith.constant 0 : i32
    %dma_wait3A_847 = tpu.memref_slice %arg5[%add3A_815, %dma_wait3A_846] : memref<4096x2048xf32, #tpu.memory_space<hbm>> -> memref<8x2048xf32, #tpu.memory_space<hbm>>
    %dma_wait3A_848 = arith.constant 0 : i32
    %dma_wait3A_849 = tpu.memref_slice %arg5[%add3A_815, %dma_wait3A_848] : memref<4096x2048xf32, #tpu.memory_space<hbm>> -> memref<8x2048xf32, #tpu.memory_space<hbm>>
    tpu.wait_dma2 semaphore(%arg18 : memref<!tpu.dma_semaphore, #tpu.memory_space<semaphore_mem>>) src(%arg10 : memref<8x2048xf32, #tpu.memory_space<vmem>>) dst(%dma_wait3A_849 : memref<8x2048xf32, #tpu.memory_space<hbm>>)
    %dma_wait3A_850 = arith.constant 0 : i32
    %dma_wait3A_851 = tpu.memref_slice %arg5[%add3A_841, %dma_wait3A_850] : memref<4096x2048xf32, #tpu.memory_space<hbm>> -> memref<8x2048xf32, #tpu.memory_space<hbm>>
    %dma_wait3A_852 = arith.constant 0 : i32
    %dma_wait3A_853 = tpu.memref_slice %arg5[%add3A_841, %dma_wait3A_852] : memref<4096x2048xf32, #tpu.memory_space<hbm>> -> memref<8x2048xf32, #tpu.memory_space<hbm>>
    tpu.wait_dma2 semaphore(%arg19 : memref<!tpu.dma_semaphore, #tpu.memory_space<semaphore_mem>>) src(%arg12 : memref<8x2048xf32, #tpu.memory_space<vmem>>) dst(%dma_wait3A_853 : memref<8x2048xf32, #tpu.memory_space<hbm>>)
    return
  }
}

#map = affine_map<(d0, d1) -> (0, 0)>
module attributes {stable_mosaic.version = 14 : i64} {
  func.func @dispatch_k(%arg0: i32, %arg1: i32, %arg2: memref<4096x2048xf32, #tpu.memory_space<hbm>>, %arg3: memref<32x256xi32, #tpu.memory_space<hbm>>, %arg4: memref<10240x2048xf32, #tpu.memory_space<hbm>>, %arg5: memref<256xi32, #tpu.memory_space<vmem>>, %arg6: memref<8x16xi32, #tpu.memory_space<vmem>>, %arg7: memref<8x16xi32, #tpu.memory_space<vmem>>, %arg8: memref<16x2048xf32, #tpu.memory_space<vmem>>, %arg9: memref<16x2048xf32, #tpu.memory_space<vmem>>, %arg10: memref<!tpu.dma_semaphore, #tpu.memory_space<semaphore_mem>>, %arg11: memref<!tpu.dma_semaphore, #tpu.memory_space<semaphore_mem>>, %arg12: memref<!tpu.dma_semaphore, #tpu.memory_space<semaphore_mem>>, %arg13: memref<!tpu.dma_semaphore, #tpu.memory_space<semaphore_mem>>, %arg14: memref<!tpu.dma_semaphore, #tpu.memory_space<semaphore_mem>>, %arg15: memref<!tpu.dma_semaphore, #tpu.memory_space<semaphore_mem>>) attributes {dimension_semantics = [#tpu.dimension_semantics<core_parallel>, #tpu.dimension_semantics<subcore_parallel>], iteration_bounds = array<i64: 2, 16>, scalar_prefetch = 0 : i64, scratch_operands = 11 : i64, tpu.core_type = #tpu.core_type<sc_vector_subcore>, window_params = [{transform_indices = #map}, {transform_indices = #map}, {transform_indices = #map}]} {
    %mul3A = arith.constant 2 : i32
    %mul3A_0 = arith.muli %arg1, %mul3A : i32
    %add3A = arith.addi %mul3A_0, %arg0 : i32
    %mul3A_1 = arith.constant 128 : i32
    %mul3A_2 = arith.muli %add3A, %mul3A_1 : i32
    "tpu.region"() ({
      %run_scoped3A = tpu.sem_alloc : memref<!tpu.dma_semaphore, #tpu.memory_space<semaphore_mem>>
      %dma_start3A_453 = arith.constant 0 : i32
      %dma_start3A_454 = tpu.memref_slice %arg3[%add3A, %dma_start3A_453] : memref<32x256xi32, #tpu.memory_space<hbm>> -> memref<1x256xi32, #tpu.memory_space<hbm>>
      %dma_start3A_455 = tpu.memref_squeeze %dma_start3A_454 : memref<1x256xi32, #tpu.memory_space<hbm>> -> memref<256xi32, #tpu.memory_space<hbm>>
      %dma_start3A_456 = arith.constant 0 : i32
      %dma_start3A_457 = tpu.memref_slice %arg3[%add3A, %dma_start3A_456] : memref<32x256xi32, #tpu.memory_space<hbm>> -> memref<1x256xi32, #tpu.memory_space<hbm>>
      %dma_start3A_458 = tpu.memref_squeeze %dma_start3A_457 : memref<1x256xi32, #tpu.memory_space<hbm>> -> memref<256xi32, #tpu.memory_space<hbm>>
      tpu.enqueue_dma source(%dma_start3A_458 : memref<256xi32, #tpu.memory_space<hbm>>) target(%arg5 : memref<256xi32, #tpu.memory_space<vmem>>) target_semaphore(%run_scoped3A : memref<!tpu.dma_semaphore, #tpu.memory_space<semaphore_mem>>)
      %dma_wait3A_459 = arith.constant 0 : i32
      %dma_wait3A_460 = tpu.memref_slice %arg3[%add3A, %dma_wait3A_459] : memref<32x256xi32, #tpu.memory_space<hbm>> -> memref<1x256xi32, #tpu.memory_space<hbm>>
      %dma_wait3A_461 = tpu.memref_squeeze %dma_wait3A_460 : memref<1x256xi32, #tpu.memory_space<hbm>> -> memref<256xi32, #tpu.memory_space<hbm>>
      %dma_wait3A_462 = arith.constant 0 : i32
      %dma_wait3A_463 = tpu.memref_slice %arg3[%add3A, %dma_wait3A_462] : memref<32x256xi32, #tpu.memory_space<hbm>> -> memref<1x256xi32, #tpu.memory_space<hbm>>
      %dma_wait3A_464 = tpu.memref_squeeze %dma_wait3A_463 : memref<1x256xi32, #tpu.memory_space<hbm>> -> memref<256xi32, #tpu.memory_space<hbm>>
      tpu.wait_dma2 semaphore(%run_scoped3A : memref<!tpu.dma_semaphore, #tpu.memory_space<semaphore_mem>>) src(%dma_wait3A_464 : memref<256xi32, #tpu.memory_space<hbm>>) dst(%arg5 : memref<256xi32, #tpu.memory_space<vmem>>)
      tpu.yield
    }) : () -> ()
    %iota3A = tpu.iota {dimensions = array<i32: 0>} : vector<16xi32>
    %mul3A_3 = arith.constant 2 : i32
    %mul3A_4 = vector.broadcast %mul3A_3 : i32 to vector<16xi32>
    %mul3A_5 = arith.muli %iota3A, %mul3A_4 : vector<16xi32>
    %add3A_6 = arith.constant 0 : i32
    %add3A_7 = vector.broadcast %add3A_6 : i32 to vector<16xi32>
    %add3A_8 = arith.addi %mul3A_5, %add3A_7 : vector<16xi32>
    %gather3A = tpu.vector_load_idx %arg5[%add3A_8] : memref<256xi32, #tpu.memory_space<vmem>>[vector<16xi32>], vector<16xi32>,
    %swap3A = arith.constant 0 : i32
    %swap3A_9 = arith.index_cast %swap3A : i32 to index
    %swap3A_10 = arith.constant 0 : index
    %swap3A_11 = tpu.vector_load %arg6[%swap3A_9, %swap3A_10] {strides = array<i32>} : memref<8x16xi32, #tpu.memory_space<vmem>>, vector<16xi32>,
    tpu.vector_store %arg6[%swap3A_9, %swap3A_10], %gather3A {strides = array<i32>} : memref<8x16xi32, #tpu.memory_space<vmem>>, vector<16xi32>,
    %add3A_12 = arith.constant 1 : i32
    %add3A_13 = vector.broadcast %add3A_12 : i32 to vector<16xi32>
    %add3A_14 = arith.addi %add3A_8, %add3A_13 : vector<16xi32>
    %gather3A_15 = tpu.vector_load_idx %arg5[%add3A_14] : memref<256xi32, #tpu.memory_space<vmem>>[vector<16xi32>], vector<16xi32>,
    %swap3A_16 = arith.constant 0 : i32
    %swap3A_17 = arith.index_cast %swap3A_16 : i32 to index
    %swap3A_18 = arith.constant 0 : index
    %swap3A_19 = tpu.vector_load %arg7[%swap3A_17, %swap3A_18] {strides = array<i32>} : memref<8x16xi32, #tpu.memory_space<vmem>>, vector<16xi32>,
    tpu.vector_store %arg7[%swap3A_17, %swap3A_18], %gather3A_15 {strides = array<i32>} : memref<8x16xi32, #tpu.memory_space<vmem>>, vector<16xi32>,
    %mul3A_20 = arith.constant 2 : i32
    %mul3A_21 = vector.broadcast %mul3A_20 : i32 to vector<16xi32>
    %mul3A_22 = arith.muli %iota3A, %mul3A_21 : vector<16xi32>
    %add3A_23 = arith.constant 32 : i32
    %add3A_24 = vector.broadcast %add3A_23 : i32 to vector<16xi32>
    %add3A_25 = arith.addi %mul3A_22, %add3A_24 : vector<16xi32>
    %gather3A_26 = tpu.vector_load_idx %arg5[%add3A_25] : memref<256xi32, #tpu.memory_space<vmem>>[vector<16xi32>], vector<16xi32>,
    %swap3A_27 = arith.constant 1 : i32
    %swap3A_28 = arith.index_cast %swap3A_27 : i32 to index
    %swap3A_29 = arith.constant 0 : index
    %swap3A_30 = tpu.vector_load %arg6[%swap3A_28, %swap3A_29] {strides = array<i32>} : memref<8x16xi32, #tpu.memory_space<vmem>>, vector<16xi32>,
    tpu.vector_store %arg6[%swap3A_28, %swap3A_29], %gather3A_26 {strides = array<i32>} : memref<8x16xi32, #tpu.memory_space<vmem>>, vector<16xi32>,
    %add3A_31 = arith.constant 1 : i32
    %add3A_32 = vector.broadcast %add3A_31 : i32 to vector<16xi32>
    %add3A_33 = arith.addi %add3A_25, %add3A_32 : vector<16xi32>
    %gather3A_34 = tpu.vector_load_idx %arg5[%add3A_33] : memref<256xi32, #tpu.memory_space<vmem>>[vector<16xi32>], vector<16xi32>,
    %swap3A_35 = arith.constant 1 : i32
    %swap3A_36 = arith.index_cast %swap3A_35 : i32 to index
    %swap3A_37 = arith.constant 0 : index
    %swap3A_38 = tpu.vector_load %arg7[%swap3A_36, %swap3A_37] {strides = array<i32>} : memref<8x16xi32, #tpu.memory_space<vmem>>, vector<16xi32>,
    tpu.vector_store %arg7[%swap3A_36, %swap3A_37], %gather3A_34 {strides = array<i32>} : memref<8x16xi32, #tpu.memory_space<vmem>>, vector<16xi32>,
    %mul3A_39 = arith.constant 2 : i32
    %mul3A_40 = vector.broadcast %mul3A_39 : i32 to vector<16xi32>
    %mul3A_41 = arith.muli %iota3A, %mul3A_40 : vector<16xi32>
    %add3A_42 = arith.constant 64 : i32
    %add3A_43 = vector.broadcast %add3A_42 : i32 to vector<16xi32>
    %add3A_44 = arith.addi %mul3A_41, %add3A_43 : vector<16xi32>
    %gather3A_45 = tpu.vector_load_idx %arg5[%add3A_44] : memref<256xi32, #tpu.memory_space<vmem>>[vector<16xi32>], vector<16xi32>,
    %swap3A_46 = arith.constant 2 : i32
    %swap3A_47 = arith.index_cast %swap3A_46 : i32 to index
    %swap3A_48 = arith.constant 0 : index
    %swap3A_49 = tpu.vector_load %arg6[%swap3A_47, %swap3A_48] {strides = array<i32>} : memref<8x16xi32, #tpu.memory_space<vmem>>, vector<16xi32>,
    tpu.vector_store %arg6[%swap3A_47, %swap3A_48], %gather3A_45 {strides = array<i32>} : memref<8x16xi32, #tpu.memory_space<vmem>>, vector<16xi32>,
    %add3A_50 = arith.constant 1 : i32
    %add3A_51 = vector.broadcast %add3A_50 : i32 to vector<16xi32>
    %add3A_52 = arith.addi %add3A_44, %add3A_51 : vector<16xi32>
    %gather3A_53 = tpu.vector_load_idx %arg5[%add3A_52] : memref<256xi32, #tpu.memory_space<vmem>>[vector<16xi32>], vector<16xi32>,
    %swap3A_54 = arith.constant 2 : i32
    %swap3A_55 = arith.index_cast %swap3A_54 : i32 to index
    %swap3A_56 = arith.constant 0 : index
    %swap3A_57 = tpu.vector_load %arg7[%swap3A_55, %swap3A_56] {strides = array<i32>} : memref<8x16xi32, #tpu.memory_space<vmem>>, vector<16xi32>,
    tpu.vector_store %arg7[%swap3A_55, %swap3A_56], %gather3A_53 {strides = array<i32>} : memref<8x16xi32, #tpu.memory_space<vmem>>, vector<16xi32>,
    %mul3A_58 = arith.constant 2 : i32
    %mul3A_59 = vector.broadcast %mul3A_58 : i32 to vector<16xi32>
    %mul3A_60 = arith.muli %iota3A, %mul3A_59 : vector<16xi32>
    %add3A_61 = arith.constant 96 : i32
    %add3A_62 = vector.broadcast %add3A_61 : i32 to vector<16xi32>
    %add3A_63 = arith.addi %mul3A_60, %add3A_62 : vector<16xi32>
    %gather3A_64 = tpu.vector_load_idx %arg5[%add3A_63] : memref<256xi32, #tpu.memory_space<vmem>>[vector<16xi32>], vector<16xi32>,
    %swap3A_65 = arith.constant 3 : i32
    %swap3A_66 = arith.index_cast %swap3A_65 : i32 to index
    %swap3A_67 = arith.constant 0 : index
    %swap3A_68 = tpu.vector_load %arg6[%swap3A_66, %swap3A_67] {strides = array<i32>} : memref<8x16xi32, #tpu.memory_space<vmem>>, vector<16xi32>,
    tpu.vector_store %arg6[%swap3A_66, %swap3A_67], %gather3A_64 {strides = array<i32>} : memref<8x16xi32, #tpu.memory_space<vmem>>, vector<16xi32>,
    %add3A_69 = arith.constant 1 : i32
    %add3A_70 = vector.broadcast %add3A_69 : i32 to vector<16xi32>
    %add3A_71 = arith.addi %add3A_63, %add3A_70 : vector<16xi32>
    %gather3A_72 = tpu.vector_load_idx %arg5[%add3A_71] : memref<256xi32, #tpu.memory_space<vmem>>[vector<16xi32>], vector<16xi32>,
    %swap3A_73 = arith.constant 3 : i32
    %swap3A_74 = arith.index_cast %swap3A_73 : i32 to index
    %swap3A_75 = arith.constant 0 : index
    %swap3A_76 = tpu.vector_load %arg7[%swap3A_74, %swap3A_75] {strides = array<i32>} : memref<8x16xi32, #tpu.memory_space<vmem>>, vector<16xi32>,
    tpu.vector_store %arg7[%swap3A_74, %swap3A_75], %gather3A_72 {strides = array<i32>} : memref<8x16xi32, #tpu.memory_space<vmem>>, vector<16xi32>,
    %mul3A_77 = arith.constant 2 : i32
    %mul3A_78 = vector.broadcast %mul3A_77 : i32 to vector<16xi32>
    %mul3A_79 = arith.muli %iota3A, %mul3A_78 : vector<16xi32>
    %add3A_80 = arith.constant 128 : i32
    %add3A_81 = vector.broadcast %add3A_80 : i32 to vector<16xi32>
    %add3A_82 = arith.addi %mul3A_79, %add3A_81 : vector<16xi32>
    %gather3A_83 = tpu.vector_load_idx %arg5[%add3A_82] : memref<256xi32, #tpu.memory_space<vmem>>[vector<16xi32>], vector<16xi32>,
    %swap3A_84 = arith.constant 4 : i32
    %swap3A_85 = arith.index_cast %swap3A_84 : i32 to index
    %swap3A_86 = arith.constant 0 : index
    %swap3A_87 = tpu.vector_load %arg6[%swap3A_85, %swap3A_86] {strides = array<i32>} : memref<8x16xi32, #tpu.memory_space<vmem>>, vector<16xi32>,
    tpu.vector_store %arg6[%swap3A_85, %swap3A_86], %gather3A_83 {strides = array<i32>} : memref<8x16xi32, #tpu.memory_space<vmem>>, vector<16xi32>,
    %add3A_88 = arith.constant 1 : i32
    %add3A_89 = vector.broadcast %add3A_88 : i32 to vector<16xi32>
    %add3A_90 = arith.addi %add3A_82, %add3A_89 : vector<16xi32>
    %gather3A_91 = tpu.vector_load_idx %arg5[%add3A_90] : memref<256xi32, #tpu.memory_space<vmem>>[vector<16xi32>], vector<16xi32>,
    %swap3A_92 = arith.constant 4 : i32
    %swap3A_93 = arith.index_cast %swap3A_92 : i32 to index
    %swap3A_94 = arith.constant 0 : index
    %swap3A_95 = tpu.vector_load %arg7[%swap3A_93, %swap3A_94] {strides = array<i32>} : memref<8x16xi32, #tpu.memory_space<vmem>>, vector<16xi32>,
    tpu.vector_store %arg7[%swap3A_93, %swap3A_94], %gather3A_91 {strides = array<i32>} : memref<8x16xi32, #tpu.memory_space<vmem>>, vector<16xi32>,
    %mul3A_96 = arith.constant 2 : i32
    %mul3A_97 = vector.broadcast %mul3A_96 : i32 to vector<16xi32>
    %mul3A_98 = arith.muli %iota3A, %mul3A_97 : vector<16xi32>
    %add3A_99 = arith.constant 160 : i32
    %add3A_100 = vector.broadcast %add3A_99 : i32 to vector<16xi32>
    %add3A_101 = arith.addi %mul3A_98, %add3A_100 : vector<16xi32>
    %gather3A_102 = tpu.vector_load_idx %arg5[%add3A_101] : memref<256xi32, #tpu.memory_space<vmem>>[vector<16xi32>], vector<16xi32>,
    %swap3A_103 = arith.constant 5 : i32
    %swap3A_104 = arith.index_cast %swap3A_103 : i32 to index
    %swap3A_105 = arith.constant 0 : index
    %swap3A_106 = tpu.vector_load %arg6[%swap3A_104, %swap3A_105] {strides = array<i32>} : memref<8x16xi32, #tpu.memory_space<vmem>>, vector<16xi32>,
    tpu.vector_store %arg6[%swap3A_104, %swap3A_105], %gather3A_102 {strides = array<i32>} : memref<8x16xi32, #tpu.memory_space<vmem>>, vector<16xi32>,
    %add3A_107 = arith.constant 1 : i32
    %add3A_108 = vector.broadcast %add3A_107 : i32 to vector<16xi32>
    %add3A_109 = arith.addi %add3A_101, %add3A_108 : vector<16xi32>
    %gather3A_110 = tpu.vector_load_idx %arg5[%add3A_109] : memref<256xi32, #tpu.memory_space<vmem>>[vector<16xi32>], vector<16xi32>,
    %swap3A_111 = arith.constant 5 : i32
    %swap3A_112 = arith.index_cast %swap3A_111 : i32 to index
    %swap3A_113 = arith.constant 0 : index
    %swap3A_114 = tpu.vector_load %arg7[%swap3A_112, %swap3A_113] {strides = array<i32>} : memref<8x16xi32, #tpu.memory_space<vmem>>, vector<16xi32>,
    tpu.vector_store %arg7[%swap3A_112, %swap3A_113], %gather3A_110 {strides = array<i32>} : memref<8x16xi32, #tpu.memory_space<vmem>>, vector<16xi32>,
    %mul3A_115 = arith.constant 2 : i32
    %mul3A_116 = vector.broadcast %mul3A_115 : i32 to vector<16xi32>
    %mul3A_117 = arith.muli %iota3A, %mul3A_116 : vector<16xi32>
    %add3A_118 = arith.constant 192 : i32
    %add3A_119 = vector.broadcast %add3A_118 : i32 to vector<16xi32>
    %add3A_120 = arith.addi %mul3A_117, %add3A_119 : vector<16xi32>
    %gather3A_121 = tpu.vector_load_idx %arg5[%add3A_120] : memref<256xi32, #tpu.memory_space<vmem>>[vector<16xi32>], vector<16xi32>,
    %swap3A_122 = arith.constant 6 : i32
    %swap3A_123 = arith.index_cast %swap3A_122 : i32 to index
    %swap3A_124 = arith.constant 0 : index
    %swap3A_125 = tpu.vector_load %arg6[%swap3A_123, %swap3A_124] {strides = array<i32>} : memref<8x16xi32, #tpu.memory_space<vmem>>, vector<16xi32>,
    tpu.vector_store %arg6[%swap3A_123, %swap3A_124], %gather3A_121 {strides = array<i32>} : memref<8x16xi32, #tpu.memory_space<vmem>>, vector<16xi32>,
    %add3A_126 = arith.constant 1 : i32
    %add3A_127 = vector.broadcast %add3A_126 : i32 to vector<16xi32>
    %add3A_128 = arith.addi %add3A_120, %add3A_127 : vector<16xi32>
    %gather3A_129 = tpu.vector_load_idx %arg5[%add3A_128] : memref<256xi32, #tpu.memory_space<vmem>>[vector<16xi32>], vector<16xi32>,
    %swap3A_130 = arith.constant 6 : i32
    %swap3A_131 = arith.index_cast %swap3A_130 : i32 to index
    %swap3A_132 = arith.constant 0 : index
    %swap3A_133 = tpu.vector_load %arg7[%swap3A_131, %swap3A_132] {strides = array<i32>} : memref<8x16xi32, #tpu.memory_space<vmem>>, vector<16xi32>,
    tpu.vector_store %arg7[%swap3A_131, %swap3A_132], %gather3A_129 {strides = array<i32>} : memref<8x16xi32, #tpu.memory_space<vmem>>, vector<16xi32>,
    %mul3A_134 = arith.constant 2 : i32
    %mul3A_135 = vector.broadcast %mul3A_134 : i32 to vector<16xi32>
    %mul3A_136 = arith.muli %iota3A, %mul3A_135 : vector<16xi32>
    %add3A_137 = arith.constant 224 : i32
    %add3A_138 = vector.broadcast %add3A_137 : i32 to vector<16xi32>
    %add3A_139 = arith.addi %mul3A_136, %add3A_138 : vector<16xi32>
    %gather3A_140 = tpu.vector_load_idx %arg5[%add3A_139] : memref<256xi32, #tpu.memory_space<vmem>>[vector<16xi32>], vector<16xi32>,
    %swap3A_141 = arith.constant 7 : i32
    %swap3A_142 = arith.index_cast %swap3A_141 : i32 to index
    %swap3A_143 = arith.constant 0 : index
    %swap3A_144 = tpu.vector_load %arg6[%swap3A_142, %swap3A_143] {strides = array<i32>} : memref<8x16xi32, #tpu.memory_space<vmem>>, vector<16xi32>,
    tpu.vector_store %arg6[%swap3A_142, %swap3A_143], %gather3A_140 {strides = array<i32>} : memref<8x16xi32, #tpu.memory_space<vmem>>, vector<16xi32>,
    %add3A_145 = arith.constant 1 : i32
    %add3A_146 = vector.broadcast %add3A_145 : i32 to vector<16xi32>
    %add3A_147 = arith.addi %add3A_139, %add3A_146 : vector<16xi32>
    %gather3A_148 = tpu.vector_load_idx %arg5[%add3A_147] : memref<256xi32, #tpu.memory_space<vmem>>[vector<16xi32>], vector<16xi32>,
    %swap3A_149 = arith.constant 7 : i32
    %swap3A_150 = arith.index_cast %swap3A_149 : i32 to index
    %swap3A_151 = arith.constant 0 : index
    %swap3A_152 = tpu.vector_load %arg7[%swap3A_150, %swap3A_151] {strides = array<i32>} : memref<8x16xi32, #tpu.memory_space<vmem>>, vector<16xi32>,
    tpu.vector_store %arg7[%swap3A_150, %swap3A_151], %gather3A_148 {strides = array<i32>} : memref<8x16xi32, #tpu.memory_space<vmem>>, vector<16xi32>,
    %dma_start3A = arith.constant 0 : i32
    %dma_start3A_153 = tpu.memref_slice %arg2[%mul3A_2, %dma_start3A] : memref<4096x2048xf32, #tpu.memory_space<hbm>> -> memref<16x2048xf32, #tpu.memory_space<hbm>>
    %dma_start3A_154 = arith.constant 0 : i32
    %dma_start3A_155 = tpu.memref_slice %arg2[%mul3A_2, %dma_start3A_154] : memref<4096x2048xf32, #tpu.memory_space<hbm>> -> memref<16x2048xf32, #tpu.memory_space<hbm>>
    tpu.enqueue_dma source(%dma_start3A_155 : memref<16x2048xf32, #tpu.memory_space<hbm>>) target(%arg8 : memref<16x2048xf32, #tpu.memory_space<vmem>>) target_semaphore(%arg10 : memref<!tpu.dma_semaphore, #tpu.memory_space<semaphore_mem>>)
    %dma_wait3A = arith.constant 0 : i32
    %dma_wait3A_156 = tpu.memref_slice %arg2[%mul3A_2, %dma_wait3A] : memref<4096x2048xf32, #tpu.memory_space<hbm>> -> memref<16x2048xf32, #tpu.memory_space<hbm>>
    %dma_wait3A_157 = arith.constant 0 : i32
    %dma_wait3A_158 = tpu.memref_slice %arg2[%mul3A_2, %dma_wait3A_157] : memref<4096x2048xf32, #tpu.memory_space<hbm>> -> memref<16x2048xf32, #tpu.memory_space<hbm>>
    tpu.wait_dma2 semaphore(%arg10 : memref<!tpu.dma_semaphore, #tpu.memory_space<semaphore_mem>>) src(%dma_wait3A_158 : memref<16x2048xf32, #tpu.memory_space<hbm>>) dst(%arg8 : memref<16x2048xf32, #tpu.memory_space<vmem>>)
    %add3A_159 = arith.constant 16 : i32
    %add3A_160 = arith.addi %mul3A_2, %add3A_159 : i32
    %dma_start3A_161 = arith.constant 0 : i32
    %dma_start3A_162 = tpu.memref_slice %arg2[%add3A_160, %dma_start3A_161] : memref<4096x2048xf32, #tpu.memory_space<hbm>> -> memref<16x2048xf32, #tpu.memory_space<hbm>>
    %dma_start3A_163 = arith.constant 0 : i32
    %dma_start3A_164 = tpu.memref_slice %arg2[%add3A_160, %dma_start3A_163] : memref<4096x2048xf32, #tpu.memory_space<hbm>> -> memref<16x2048xf32, #tpu.memory_space<hbm>>
    tpu.enqueue_dma source(%dma_start3A_164 : memref<16x2048xf32, #tpu.memory_space<hbm>>) target(%arg9 : memref<16x2048xf32, #tpu.memory_space<vmem>>) target_semaphore(%arg11 : memref<!tpu.dma_semaphore, #tpu.memory_space<semaphore_mem>>)
    %dma_start3A_165 = arith.constant 0 : i32
    %dma_start3A_166 = arith.constant 0 : i32
    %dma_start3A_167 = tpu.memref_slice %arg6[%dma_start3A_165, %dma_start3A_166] : memref<8x16xi32, #tpu.memory_space<vmem>> -> memref<1x16xi32, #tpu.memory_space<vmem>>
    %dma_start3A_168 = tpu.memref_squeeze %dma_start3A_167 : memref<1x16xi32, #tpu.memory_space<vmem>> -> memref<16xi32, #tpu.memory_space<vmem>>
    %dma_start3A_169 = arith.constant 0 : i32
    %dma_start3A_170 = arith.constant 0 : i32
    %dma_start3A_171 = tpu.memref_slice %arg4[%dma_start3A_169, %dma_start3A_170] : memref<10240x2048xf32, #tpu.memory_space<hbm>> -> memref<10240x2048xf32, #tpu.memory_space<hbm>>
    tpu.enqueue_indirect_dma source(%arg8 : memref<16x2048xf32, #tpu.memory_space<vmem>>) target(%dma_start3A_171 : memref<10240x2048xf32, #tpu.memory_space<hbm>>) offsets(%dma_start3A_168 : memref<16xi32, #tpu.memory_space<vmem>>) semaphore(%arg12 : memref<!tpu.dma_semaphore, #tpu.memory_space<semaphore_mem>>)
    %dma_start3A_172 = arith.constant 0 : i32
    %dma_start3A_173 = arith.constant 0 : i32
    %dma_start3A_174 = tpu.memref_slice %arg7[%dma_start3A_172, %dma_start3A_173] : memref<8x16xi32, #tpu.memory_space<vmem>> -> memref<1x16xi32, #tpu.memory_space<vmem>>
    %dma_start3A_175 = tpu.memref_squeeze %dma_start3A_174 : memref<1x16xi32, #tpu.memory_space<vmem>> -> memref<16xi32, #tpu.memory_space<vmem>>
    %dma_start3A_176 = arith.constant 0 : i32
    %dma_start3A_177 = arith.constant 0 : i32
    %dma_start3A_178 = tpu.memref_slice %arg4[%dma_start3A_176, %dma_start3A_177] : memref<10240x2048xf32, #tpu.memory_space<hbm>> -> memref<10240x2048xf32, #tpu.memory_space<hbm>>
    tpu.enqueue_indirect_dma source(%arg8 : memref<16x2048xf32, #tpu.memory_space<vmem>>) target(%dma_start3A_178 : memref<10240x2048xf32, #tpu.memory_space<hbm>>) offsets(%dma_start3A_175 : memref<16xi32, #tpu.memory_space<vmem>>) semaphore(%arg14 : memref<!tpu.dma_semaphore, #tpu.memory_space<semaphore_mem>>)
    %dma_wait3A_179 = arith.constant 0 : i32
    %dma_wait3A_180 = tpu.memref_slice %arg2[%add3A_160, %dma_wait3A_179] : memref<4096x2048xf32, #tpu.memory_space<hbm>> -> memref<16x2048xf32, #tpu.memory_space<hbm>>
    %dma_wait3A_181 = arith.constant 0 : i32
    %dma_wait3A_182 = tpu.memref_slice %arg2[%add3A_160, %dma_wait3A_181] : memref<4096x2048xf32, #tpu.memory_space<hbm>> -> memref<16x2048xf32, #tpu.memory_space<hbm>>
    tpu.wait_dma2 semaphore(%arg11 : memref<!tpu.dma_semaphore, #tpu.memory_space<semaphore_mem>>) src(%dma_wait3A_182 : memref<16x2048xf32, #tpu.memory_space<hbm>>) dst(%arg9 : memref<16x2048xf32, #tpu.memory_space<vmem>>)
    %dma_wait3A_183 = arith.constant 0 : i32
    %dma_wait3A_184 = arith.constant 0 : i32
    %dma_wait3A_185 = tpu.memref_slice %arg6[%dma_wait3A_183, %dma_wait3A_184] : memref<8x16xi32, #tpu.memory_space<vmem>> -> memref<1x16xi32, #tpu.memory_space<vmem>>
    %dma_wait3A_186 = tpu.memref_squeeze %dma_wait3A_185 : memref<1x16xi32, #tpu.memory_space<vmem>> -> memref<16xi32, #tpu.memory_space<vmem>>
    %dma_wait3A_187 = arith.constant 0 : i32
    %dma_wait3A_188 = arith.constant 0 : i32
    %dma_wait3A_189 = tpu.memref_slice %arg4[%dma_wait3A_187, %dma_wait3A_188] : memref<10240x2048xf32, #tpu.memory_space<hbm>> -> memref<10240x2048xf32, #tpu.memory_space<hbm>>
    tpu.wait_indirect_dma semaphore(%arg12 : memref<!tpu.dma_semaphore, #tpu.memory_space<semaphore_mem>>) src(%arg8 : memref<16x2048xf32, #tpu.memory_space<vmem>>) dst(%dma_wait3A_189 : memref<10240x2048xf32, #tpu.memory_space<hbm>>)
    %dma_wait3A_190 = arith.constant 0 : i32
    %dma_wait3A_191 = arith.constant 0 : i32
    %dma_wait3A_192 = tpu.memref_slice %arg7[%dma_wait3A_190, %dma_wait3A_191] : memref<8x16xi32, #tpu.memory_space<vmem>> -> memref<1x16xi32, #tpu.memory_space<vmem>>
    %dma_wait3A_193 = tpu.memref_squeeze %dma_wait3A_192 : memref<1x16xi32, #tpu.memory_space<vmem>> -> memref<16xi32, #tpu.memory_space<vmem>>
    %dma_wait3A_194 = arith.constant 0 : i32
    %dma_wait3A_195 = arith.constant 0 : i32
    %dma_wait3A_196 = tpu.memref_slice %arg4[%dma_wait3A_194, %dma_wait3A_195] : memref<10240x2048xf32, #tpu.memory_space<hbm>> -> memref<10240x2048xf32, #tpu.memory_space<hbm>>
    tpu.wait_indirect_dma semaphore(%arg14 : memref<!tpu.dma_semaphore, #tpu.memory_space<semaphore_mem>>) src(%arg8 : memref<16x2048xf32, #tpu.memory_space<vmem>>) dst(%dma_wait3A_196 : memref<10240x2048xf32, #tpu.memory_space<hbm>>)
    %add3A_197 = arith.constant 32 : i32
    %add3A_198 = arith.addi %mul3A_2, %add3A_197 : i32
    %dma_start3A_199 = arith.constant 0 : i32
    %dma_start3A_200 = tpu.memref_slice %arg2[%add3A_198, %dma_start3A_199] : memref<4096x2048xf32, #tpu.memory_space<hbm>> -> memref<16x2048xf32, #tpu.memory_space<hbm>>
    %dma_start3A_201 = arith.constant 0 : i32
    %dma_start3A_202 = tpu.memref_slice %arg2[%add3A_198, %dma_start3A_201] : memref<4096x2048xf32, #tpu.memory_space<hbm>> -> memref<16x2048xf32, #tpu.memory_space<hbm>>
    tpu.enqueue_dma source(%dma_start3A_202 : memref<16x2048xf32, #tpu.memory_space<hbm>>) target(%arg8 : memref<16x2048xf32, #tpu.memory_space<vmem>>) target_semaphore(%arg10 : memref<!tpu.dma_semaphore, #tpu.memory_space<semaphore_mem>>)
    %dma_start3A_203 = arith.constant 1 : i32
    %dma_start3A_204 = arith.constant 0 : i32
    %dma_start3A_205 = tpu.memref_slice %arg6[%dma_start3A_203, %dma_start3A_204] : memref<8x16xi32, #tpu.memory_space<vmem>> -> memref<1x16xi32, #tpu.memory_space<vmem>>
    %dma_start3A_206 = tpu.memref_squeeze %dma_start3A_205 : memref<1x16xi32, #tpu.memory_space<vmem>> -> memref<16xi32, #tpu.memory_space<vmem>>
    %dma_start3A_207 = arith.constant 0 : i32
    %dma_start3A_208 = arith.constant 0 : i32
    %dma_start3A_209 = tpu.memref_slice %arg4[%dma_start3A_207, %dma_start3A_208] : memref<10240x2048xf32, #tpu.memory_space<hbm>> -> memref<10240x2048xf32, #tpu.memory_space<hbm>>
    tpu.enqueue_indirect_dma source(%arg9 : memref<16x2048xf32, #tpu.memory_space<vmem>>) target(%dma_start3A_209 : memref<10240x2048xf32, #tpu.memory_space<hbm>>) offsets(%dma_start3A_206 : memref<16xi32, #tpu.memory_space<vmem>>) semaphore(%arg13 : memref<!tpu.dma_semaphore, #tpu.memory_space<semaphore_mem>>)
    %dma_start3A_210 = arith.constant 1 : i32
    %dma_start3A_211 = arith.constant 0 : i32
    %dma_start3A_212 = tpu.memref_slice %arg7[%dma_start3A_210, %dma_start3A_211] : memref<8x16xi32, #tpu.memory_space<vmem>> -> memref<1x16xi32, #tpu.memory_space<vmem>>
    %dma_start3A_213 = tpu.memref_squeeze %dma_start3A_212 : memref<1x16xi32, #tpu.memory_space<vmem>> -> memref<16xi32, #tpu.memory_space<vmem>>
    %dma_start3A_214 = arith.constant 0 : i32
    %dma_start3A_215 = arith.constant 0 : i32
    %dma_start3A_216 = tpu.memref_slice %arg4[%dma_start3A_214, %dma_start3A_215] : memref<10240x2048xf32, #tpu.memory_space<hbm>> -> memref<10240x2048xf32, #tpu.memory_space<hbm>>
    tpu.enqueue_indirect_dma source(%arg9 : memref<16x2048xf32, #tpu.memory_space<vmem>>) target(%dma_start3A_216 : memref<10240x2048xf32, #tpu.memory_space<hbm>>) offsets(%dma_start3A_213 : memref<16xi32, #tpu.memory_space<vmem>>) semaphore(%arg15 : memref<!tpu.dma_semaphore, #tpu.memory_space<semaphore_mem>>)
    %dma_wait3A_217 = arith.constant 0 : i32
    %dma_wait3A_218 = tpu.memref_slice %arg2[%add3A_198, %dma_wait3A_217] : memref<4096x2048xf32, #tpu.memory_space<hbm>> -> memref<16x2048xf32, #tpu.memory_space<hbm>>
    %dma_wait3A_219 = arith.constant 0 : i32
    %dma_wait3A_220 = tpu.memref_slice %arg2[%add3A_198, %dma_wait3A_219] : memref<4096x2048xf32, #tpu.memory_space<hbm>> -> memref<16x2048xf32, #tpu.memory_space<hbm>>
    tpu.wait_dma2 semaphore(%arg10 : memref<!tpu.dma_semaphore, #tpu.memory_space<semaphore_mem>>) src(%dma_wait3A_220 : memref<16x2048xf32, #tpu.memory_space<hbm>>) dst(%arg8 : memref<16x2048xf32, #tpu.memory_space<vmem>>)
    %dma_wait3A_221 = arith.constant 1 : i32
    %dma_wait3A_222 = arith.constant 0 : i32
    %dma_wait3A_223 = tpu.memref_slice %arg6[%dma_wait3A_221, %dma_wait3A_222] : memref<8x16xi32, #tpu.memory_space<vmem>> -> memref<1x16xi32, #tpu.memory_space<vmem>>
    %dma_wait3A_224 = tpu.memref_squeeze %dma_wait3A_223 : memref<1x16xi32, #tpu.memory_space<vmem>> -> memref<16xi32, #tpu.memory_space<vmem>>
    %dma_wait3A_225 = arith.constant 0 : i32
    %dma_wait3A_226 = arith.constant 0 : i32
    %dma_wait3A_227 = tpu.memref_slice %arg4[%dma_wait3A_225, %dma_wait3A_226] : memref<10240x2048xf32, #tpu.memory_space<hbm>> -> memref<10240x2048xf32, #tpu.memory_space<hbm>>
    tpu.wait_indirect_dma semaphore(%arg13 : memref<!tpu.dma_semaphore, #tpu.memory_space<semaphore_mem>>) src(%arg9 : memref<16x2048xf32, #tpu.memory_space<vmem>>) dst(%dma_wait3A_227 : memref<10240x2048xf32, #tpu.memory_space<hbm>>)
    %dma_wait3A_228 = arith.constant 1 : i32
    %dma_wait3A_229 = arith.constant 0 : i32
    %dma_wait3A_230 = tpu.memref_slice %arg7[%dma_wait3A_228, %dma_wait3A_229] : memref<8x16xi32, #tpu.memory_space<vmem>> -> memref<1x16xi32, #tpu.memory_space<vmem>>
    %dma_wait3A_231 = tpu.memref_squeeze %dma_wait3A_230 : memref<1x16xi32, #tpu.memory_space<vmem>> -> memref<16xi32, #tpu.memory_space<vmem>>
    %dma_wait3A_232 = arith.constant 0 : i32
    %dma_wait3A_233 = arith.constant 0 : i32
    %dma_wait3A_234 = tpu.memref_slice %arg4[%dma_wait3A_232, %dma_wait3A_233] : memref<10240x2048xf32, #tpu.memory_space<hbm>> -> memref<10240x2048xf32, #tpu.memory_space<hbm>>
    tpu.wait_indirect_dma semaphore(%arg15 : memref<!tpu.dma_semaphore, #tpu.memory_space<semaphore_mem>>) src(%arg9 : memref<16x2048xf32, #tpu.memory_space<vmem>>) dst(%dma_wait3A_234 : memref<10240x2048xf32, #tpu.memory_space<hbm>>)
    %add3A_235 = arith.constant 48 : i32
    %add3A_236 = arith.addi %mul3A_2, %add3A_235 : i32
    %dma_start3A_237 = arith.constant 0 : i32
    %dma_start3A_238 = tpu.memref_slice %arg2[%add3A_236, %dma_start3A_237] : memref<4096x2048xf32, #tpu.memory_space<hbm>> -> memref<16x2048xf32, #tpu.memory_space<hbm>>
    %dma_start3A_239 = arith.constant 0 : i32
    %dma_start3A_240 = tpu.memref_slice %arg2[%add3A_236, %dma_start3A_239] : memref<4096x2048xf32, #tpu.memory_space<hbm>> -> memref<16x2048xf32, #tpu.memory_space<hbm>>
    tpu.enqueue_dma source(%dma_start3A_240 : memref<16x2048xf32, #tpu.memory_space<hbm>>) target(%arg9 : memref<16x2048xf32, #tpu.memory_space<vmem>>) target_semaphore(%arg11 : memref<!tpu.dma_semaphore, #tpu.memory_space<semaphore_mem>>)
    %dma_start3A_241 = arith.constant 2 : i32
    %dma_start3A_242 = arith.constant 0 : i32
    %dma_start3A_243 = tpu.memref_slice %arg6[%dma_start3A_241, %dma_start3A_242] : memref<8x16xi32, #tpu.memory_space<vmem>> -> memref<1x16xi32, #tpu.memory_space<vmem>>
    %dma_start3A_244 = tpu.memref_squeeze %dma_start3A_243 : memref<1x16xi32, #tpu.memory_space<vmem>> -> memref<16xi32, #tpu.memory_space<vmem>>
    %dma_start3A_245 = arith.constant 0 : i32
    %dma_start3A_246 = arith.constant 0 : i32
    %dma_start3A_247 = tpu.memref_slice %arg4[%dma_start3A_245, %dma_start3A_246] : memref<10240x2048xf32, #tpu.memory_space<hbm>> -> memref<10240x2048xf32, #tpu.memory_space<hbm>>
    tpu.enqueue_indirect_dma source(%arg8 : memref<16x2048xf32, #tpu.memory_space<vmem>>) target(%dma_start3A_247 : memref<10240x2048xf32, #tpu.memory_space<hbm>>) offsets(%dma_start3A_244 : memref<16xi32, #tpu.memory_space<vmem>>) semaphore(%arg12 : memref<!tpu.dma_semaphore, #tpu.memory_space<semaphore_mem>>)
    %dma_start3A_248 = arith.constant 2 : i32
    %dma_start3A_249 = arith.constant 0 : i32
    %dma_start3A_250 = tpu.memref_slice %arg7[%dma_start3A_248, %dma_start3A_249] : memref<8x16xi32, #tpu.memory_space<vmem>> -> memref<1x16xi32, #tpu.memory_space<vmem>>
    %dma_start3A_251 = tpu.memref_squeeze %dma_start3A_250 : memref<1x16xi32, #tpu.memory_space<vmem>> -> memref<16xi32, #tpu.memory_space<vmem>>
    %dma_start3A_252 = arith.constant 0 : i32
    %dma_start3A_253 = arith.constant 0 : i32
    %dma_start3A_254 = tpu.memref_slice %arg4[%dma_start3A_252, %dma_start3A_253] : memref<10240x2048xf32, #tpu.memory_space<hbm>> -> memref<10240x2048xf32, #tpu.memory_space<hbm>>
    tpu.enqueue_indirect_dma source(%arg8 : memref<16x2048xf32, #tpu.memory_space<vmem>>) target(%dma_start3A_254 : memref<10240x2048xf32, #tpu.memory_space<hbm>>) offsets(%dma_start3A_251 : memref<16xi32, #tpu.memory_space<vmem>>) semaphore(%arg14 : memref<!tpu.dma_semaphore, #tpu.memory_space<semaphore_mem>>)
    %dma_wait3A_255 = arith.constant 0 : i32
    %dma_wait3A_256 = tpu.memref_slice %arg2[%add3A_236, %dma_wait3A_255] : memref<4096x2048xf32, #tpu.memory_space<hbm>> -> memref<16x2048xf32, #tpu.memory_space<hbm>>
    %dma_wait3A_257 = arith.constant 0 : i32
    %dma_wait3A_258 = tpu.memref_slice %arg2[%add3A_236, %dma_wait3A_257] : memref<4096x2048xf32, #tpu.memory_space<hbm>> -> memref<16x2048xf32, #tpu.memory_space<hbm>>
    tpu.wait_dma2 semaphore(%arg11 : memref<!tpu.dma_semaphore, #tpu.memory_space<semaphore_mem>>) src(%dma_wait3A_258 : memref<16x2048xf32, #tpu.memory_space<hbm>>) dst(%arg9 : memref<16x2048xf32, #tpu.memory_space<vmem>>)
    %dma_wait3A_259 = arith.constant 2 : i32
    %dma_wait3A_260 = arith.constant 0 : i32
    %dma_wait3A_261 = tpu.memref_slice %arg6[%dma_wait3A_259, %dma_wait3A_260] : memref<8x16xi32, #tpu.memory_space<vmem>> -> memref<1x16xi32, #tpu.memory_space<vmem>>
    %dma_wait3A_262 = tpu.memref_squeeze %dma_wait3A_261 : memref<1x16xi32, #tpu.memory_space<vmem>> -> memref<16xi32, #tpu.memory_space<vmem>>
    %dma_wait3A_263 = arith.constant 0 : i32
    %dma_wait3A_264 = arith.constant 0 : i32
    %dma_wait3A_265 = tpu.memref_slice %arg4[%dma_wait3A_263, %dma_wait3A_264] : memref<10240x2048xf32, #tpu.memory_space<hbm>> -> memref<10240x2048xf32, #tpu.memory_space<hbm>>
    tpu.wait_indirect_dma semaphore(%arg12 : memref<!tpu.dma_semaphore, #tpu.memory_space<semaphore_mem>>) src(%arg8 : memref<16x2048xf32, #tpu.memory_space<vmem>>) dst(%dma_wait3A_265 : memref<10240x2048xf32, #tpu.memory_space<hbm>>)
    %dma_wait3A_266 = arith.constant 2 : i32
    %dma_wait3A_267 = arith.constant 0 : i32
    %dma_wait3A_268 = tpu.memref_slice %arg7[%dma_wait3A_266, %dma_wait3A_267] : memref<8x16xi32, #tpu.memory_space<vmem>> -> memref<1x16xi32, #tpu.memory_space<vmem>>
    %dma_wait3A_269 = tpu.memref_squeeze %dma_wait3A_268 : memref<1x16xi32, #tpu.memory_space<vmem>> -> memref<16xi32, #tpu.memory_space<vmem>>
    %dma_wait3A_270 = arith.constant 0 : i32
    %dma_wait3A_271 = arith.constant 0 : i32
    %dma_wait3A_272 = tpu.memref_slice %arg4[%dma_wait3A_270, %dma_wait3A_271] : memref<10240x2048xf32, #tpu.memory_space<hbm>> -> memref<10240x2048xf32, #tpu.memory_space<hbm>>
    tpu.wait_indirect_dma semaphore(%arg14 : memref<!tpu.dma_semaphore, #tpu.memory_space<semaphore_mem>>) src(%arg8 : memref<16x2048xf32, #tpu.memory_space<vmem>>) dst(%dma_wait3A_272 : memref<10240x2048xf32, #tpu.memory_space<hbm>>)
    %add3A_273 = arith.constant 64 : i32
    %add3A_274 = arith.addi %mul3A_2, %add3A_273 : i32
    %dma_start3A_275 = arith.constant 0 : i32
    %dma_start3A_276 = tpu.memref_slice %arg2[%add3A_274, %dma_start3A_275] : memref<4096x2048xf32, #tpu.memory_space<hbm>> -> memref<16x2048xf32, #tpu.memory_space<hbm>>
    %dma_start3A_277 = arith.constant 0 : i32
    %dma_start3A_278 = tpu.memref_slice %arg2[%add3A_274, %dma_start3A_277] : memref<4096x2048xf32, #tpu.memory_space<hbm>> -> memref<16x2048xf32, #tpu.memory_space<hbm>>
    tpu.enqueue_dma source(%dma_start3A_278 : memref<16x2048xf32, #tpu.memory_space<hbm>>) target(%arg8 : memref<16x2048xf32, #tpu.memory_space<vmem>>) target_semaphore(%arg10 : memref<!tpu.dma_semaphore, #tpu.memory_space<semaphore_mem>>)
    %dma_start3A_279 = arith.constant 3 : i32
    %dma_start3A_280 = arith.constant 0 : i32
    %dma_start3A_281 = tpu.memref_slice %arg6[%dma_start3A_279, %dma_start3A_280] : memref<8x16xi32, #tpu.memory_space<vmem>> -> memref<1x16xi32, #tpu.memory_space<vmem>>
    %dma_start3A_282 = tpu.memref_squeeze %dma_start3A_281 : memref<1x16xi32, #tpu.memory_space<vmem>> -> memref<16xi32, #tpu.memory_space<vmem>>
    %dma_start3A_283 = arith.constant 0 : i32
    %dma_start3A_284 = arith.constant 0 : i32
    %dma_start3A_285 = tpu.memref_slice %arg4[%dma_start3A_283, %dma_start3A_284] : memref<10240x2048xf32, #tpu.memory_space<hbm>> -> memref<10240x2048xf32, #tpu.memory_space<hbm>>
    tpu.enqueue_indirect_dma source(%arg9 : memref<16x2048xf32, #tpu.memory_space<vmem>>) target(%dma_start3A_285 : memref<10240x2048xf32, #tpu.memory_space<hbm>>) offsets(%dma_start3A_282 : memref<16xi32, #tpu.memory_space<vmem>>) semaphore(%arg13 : memref<!tpu.dma_semaphore, #tpu.memory_space<semaphore_mem>>)
    %dma_start3A_286 = arith.constant 3 : i32
    %dma_start3A_287 = arith.constant 0 : i32
    %dma_start3A_288 = tpu.memref_slice %arg7[%dma_start3A_286, %dma_start3A_287] : memref<8x16xi32, #tpu.memory_space<vmem>> -> memref<1x16xi32, #tpu.memory_space<vmem>>
    %dma_start3A_289 = tpu.memref_squeeze %dma_start3A_288 : memref<1x16xi32, #tpu.memory_space<vmem>> -> memref<16xi32, #tpu.memory_space<vmem>>
    %dma_start3A_290 = arith.constant 0 : i32
    %dma_start3A_291 = arith.constant 0 : i32
    %dma_start3A_292 = tpu.memref_slice %arg4[%dma_start3A_290, %dma_start3A_291] : memref<10240x2048xf32, #tpu.memory_space<hbm>> -> memref<10240x2048xf32, #tpu.memory_space<hbm>>
    tpu.enqueue_indirect_dma source(%arg9 : memref<16x2048xf32, #tpu.memory_space<vmem>>) target(%dma_start3A_292 : memref<10240x2048xf32, #tpu.memory_space<hbm>>) offsets(%dma_start3A_289 : memref<16xi32, #tpu.memory_space<vmem>>) semaphore(%arg15 : memref<!tpu.dma_semaphore, #tpu.memory_space<semaphore_mem>>)
    %dma_wait3A_293 = arith.constant 0 : i32
    %dma_wait3A_294 = tpu.memref_slice %arg2[%add3A_274, %dma_wait3A_293] : memref<4096x2048xf32, #tpu.memory_space<hbm>> -> memref<16x2048xf32, #tpu.memory_space<hbm>>
    %dma_wait3A_295 = arith.constant 0 : i32
    %dma_wait3A_296 = tpu.memref_slice %arg2[%add3A_274, %dma_wait3A_295] : memref<4096x2048xf32, #tpu.memory_space<hbm>> -> memref<16x2048xf32, #tpu.memory_space<hbm>>
    tpu.wait_dma2 semaphore(%arg10 : memref<!tpu.dma_semaphore, #tpu.memory_space<semaphore_mem>>) src(%dma_wait3A_296 : memref<16x2048xf32, #tpu.memory_space<hbm>>) dst(%arg8 : memref<16x2048xf32, #tpu.memory_space<vmem>>)
    %dma_wait3A_297 = arith.constant 3 : i32
    %dma_wait3A_298 = arith.constant 0 : i32
    %dma_wait3A_299 = tpu.memref_slice %arg6[%dma_wait3A_297, %dma_wait3A_298] : memref<8x16xi32, #tpu.memory_space<vmem>> -> memref<1x16xi32, #tpu.memory_space<vmem>>
    %dma_wait3A_300 = tpu.memref_squeeze %dma_wait3A_299 : memref<1x16xi32, #tpu.memory_space<vmem>> -> memref<16xi32, #tpu.memory_space<vmem>>
    %dma_wait3A_301 = arith.constant 0 : i32
    %dma_wait3A_302 = arith.constant 0 : i32
    %dma_wait3A_303 = tpu.memref_slice %arg4[%dma_wait3A_301, %dma_wait3A_302] : memref<10240x2048xf32, #tpu.memory_space<hbm>> -> memref<10240x2048xf32, #tpu.memory_space<hbm>>
    tpu.wait_indirect_dma semaphore(%arg13 : memref<!tpu.dma_semaphore, #tpu.memory_space<semaphore_mem>>) src(%arg9 : memref<16x2048xf32, #tpu.memory_space<vmem>>) dst(%dma_wait3A_303 : memref<10240x2048xf32, #tpu.memory_space<hbm>>)
    %dma_wait3A_304 = arith.constant 3 : i32
    %dma_wait3A_305 = arith.constant 0 : i32
    %dma_wait3A_306 = tpu.memref_slice %arg7[%dma_wait3A_304, %dma_wait3A_305] : memref<8x16xi32, #tpu.memory_space<vmem>> -> memref<1x16xi32, #tpu.memory_space<vmem>>
    %dma_wait3A_307 = tpu.memref_squeeze %dma_wait3A_306 : memref<1x16xi32, #tpu.memory_space<vmem>> -> memref<16xi32, #tpu.memory_space<vmem>>
    %dma_wait3A_308 = arith.constant 0 : i32
    %dma_wait3A_309 = arith.constant 0 : i32
    %dma_wait3A_310 = tpu.memref_slice %arg4[%dma_wait3A_308, %dma_wait3A_309] : memref<10240x2048xf32, #tpu.memory_space<hbm>> -> memref<10240x2048xf32, #tpu.memory_space<hbm>>
    tpu.wait_indirect_dma semaphore(%arg15 : memref<!tpu.dma_semaphore, #tpu.memory_space<semaphore_mem>>) src(%arg9 : memref<16x2048xf32, #tpu.memory_space<vmem>>) dst(%dma_wait3A_310 : memref<10240x2048xf32, #tpu.memory_space<hbm>>)
    %add3A_311 = arith.constant 80 : i32
    %add3A_312 = arith.addi %mul3A_2, %add3A_311 : i32
    %dma_start3A_313 = arith.constant 0 : i32
    %dma_start3A_314 = tpu.memref_slice %arg2[%add3A_312, %dma_start3A_313] : memref<4096x2048xf32, #tpu.memory_space<hbm>> -> memref<16x2048xf32, #tpu.memory_space<hbm>>
    %dma_start3A_315 = arith.constant 0 : i32
    %dma_start3A_316 = tpu.memref_slice %arg2[%add3A_312, %dma_start3A_315] : memref<4096x2048xf32, #tpu.memory_space<hbm>> -> memref<16x2048xf32, #tpu.memory_space<hbm>>
    tpu.enqueue_dma source(%dma_start3A_316 : memref<16x2048xf32, #tpu.memory_space<hbm>>) target(%arg9 : memref<16x2048xf32, #tpu.memory_space<vmem>>) target_semaphore(%arg11 : memref<!tpu.dma_semaphore, #tpu.memory_space<semaphore_mem>>)
    %dma_start3A_317 = arith.constant 4 : i32
    %dma_start3A_318 = arith.constant 0 : i32
    %dma_start3A_319 = tpu.memref_slice %arg6[%dma_start3A_317, %dma_start3A_318] : memref<8x16xi32, #tpu.memory_space<vmem>> -> memref<1x16xi32, #tpu.memory_space<vmem>>
    %dma_start3A_320 = tpu.memref_squeeze %dma_start3A_319 : memref<1x16xi32, #tpu.memory_space<vmem>> -> memref<16xi32, #tpu.memory_space<vmem>>
    %dma_start3A_321 = arith.constant 0 : i32
    %dma_start3A_322 = arith.constant 0 : i32
    %dma_start3A_323 = tpu.memref_slice %arg4[%dma_start3A_321, %dma_start3A_322] : memref<10240x2048xf32, #tpu.memory_space<hbm>> -> memref<10240x2048xf32, #tpu.memory_space<hbm>>
    tpu.enqueue_indirect_dma source(%arg8 : memref<16x2048xf32, #tpu.memory_space<vmem>>) target(%dma_start3A_323 : memref<10240x2048xf32, #tpu.memory_space<hbm>>) offsets(%dma_start3A_320 : memref<16xi32, #tpu.memory_space<vmem>>) semaphore(%arg12 : memref<!tpu.dma_semaphore, #tpu.memory_space<semaphore_mem>>)
    %dma_start3A_324 = arith.constant 4 : i32
    %dma_start3A_325 = arith.constant 0 : i32
    %dma_start3A_326 = tpu.memref_slice %arg7[%dma_start3A_324, %dma_start3A_325] : memref<8x16xi32, #tpu.memory_space<vmem>> -> memref<1x16xi32, #tpu.memory_space<vmem>>
    %dma_start3A_327 = tpu.memref_squeeze %dma_start3A_326 : memref<1x16xi32, #tpu.memory_space<vmem>> -> memref<16xi32, #tpu.memory_space<vmem>>
    %dma_start3A_328 = arith.constant 0 : i32
    %dma_start3A_329 = arith.constant 0 : i32
    %dma_start3A_330 = tpu.memref_slice %arg4[%dma_start3A_328, %dma_start3A_329] : memref<10240x2048xf32, #tpu.memory_space<hbm>> -> memref<10240x2048xf32, #tpu.memory_space<hbm>>
    tpu.enqueue_indirect_dma source(%arg8 : memref<16x2048xf32, #tpu.memory_space<vmem>>) target(%dma_start3A_330 : memref<10240x2048xf32, #tpu.memory_space<hbm>>) offsets(%dma_start3A_327 : memref<16xi32, #tpu.memory_space<vmem>>) semaphore(%arg14 : memref<!tpu.dma_semaphore, #tpu.memory_space<semaphore_mem>>)
    %dma_wait3A_331 = arith.constant 0 : i32
    %dma_wait3A_332 = tpu.memref_slice %arg2[%add3A_312, %dma_wait3A_331] : memref<4096x2048xf32, #tpu.memory_space<hbm>> -> memref<16x2048xf32, #tpu.memory_space<hbm>>
    %dma_wait3A_333 = arith.constant 0 : i32
    %dma_wait3A_334 = tpu.memref_slice %arg2[%add3A_312, %dma_wait3A_333] : memref<4096x2048xf32, #tpu.memory_space<hbm>> -> memref<16x2048xf32, #tpu.memory_space<hbm>>
    tpu.wait_dma2 semaphore(%arg11 : memref<!tpu.dma_semaphore, #tpu.memory_space<semaphore_mem>>) src(%dma_wait3A_334 : memref<16x2048xf32, #tpu.memory_space<hbm>>) dst(%arg9 : memref<16x2048xf32, #tpu.memory_space<vmem>>)
    %dma_wait3A_335 = arith.constant 4 : i32
    %dma_wait3A_336 = arith.constant 0 : i32
    %dma_wait3A_337 = tpu.memref_slice %arg6[%dma_wait3A_335, %dma_wait3A_336] : memref<8x16xi32, #tpu.memory_space<vmem>> -> memref<1x16xi32, #tpu.memory_space<vmem>>
    %dma_wait3A_338 = tpu.memref_squeeze %dma_wait3A_337 : memref<1x16xi32, #tpu.memory_space<vmem>> -> memref<16xi32, #tpu.memory_space<vmem>>
    %dma_wait3A_339 = arith.constant 0 : i32
    %dma_wait3A_340 = arith.constant 0 : i32
    %dma_wait3A_341 = tpu.memref_slice %arg4[%dma_wait3A_339, %dma_wait3A_340] : memref<10240x2048xf32, #tpu.memory_space<hbm>> -> memref<10240x2048xf32, #tpu.memory_space<hbm>>
    tpu.wait_indirect_dma semaphore(%arg12 : memref<!tpu.dma_semaphore, #tpu.memory_space<semaphore_mem>>) src(%arg8 : memref<16x2048xf32, #tpu.memory_space<vmem>>) dst(%dma_wait3A_341 : memref<10240x2048xf32, #tpu.memory_space<hbm>>)
    %dma_wait3A_342 = arith.constant 4 : i32
    %dma_wait3A_343 = arith.constant 0 : i32
    %dma_wait3A_344 = tpu.memref_slice %arg7[%dma_wait3A_342, %dma_wait3A_343] : memref<8x16xi32, #tpu.memory_space<vmem>> -> memref<1x16xi32, #tpu.memory_space<vmem>>
    %dma_wait3A_345 = tpu.memref_squeeze %dma_wait3A_344 : memref<1x16xi32, #tpu.memory_space<vmem>> -> memref<16xi32, #tpu.memory_space<vmem>>
    %dma_wait3A_346 = arith.constant 0 : i32
    %dma_wait3A_347 = arith.constant 0 : i32
    %dma_wait3A_348 = tpu.memref_slice %arg4[%dma_wait3A_346, %dma_wait3A_347] : memref<10240x2048xf32, #tpu.memory_space<hbm>> -> memref<10240x2048xf32, #tpu.memory_space<hbm>>
    tpu.wait_indirect_dma semaphore(%arg14 : memref<!tpu.dma_semaphore, #tpu.memory_space<semaphore_mem>>) src(%arg8 : memref<16x2048xf32, #tpu.memory_space<vmem>>) dst(%dma_wait3A_348 : memref<10240x2048xf32, #tpu.memory_space<hbm>>)
    %add3A_349 = arith.constant 96 : i32
    %add3A_350 = arith.addi %mul3A_2, %add3A_349 : i32
    %dma_start3A_351 = arith.constant 0 : i32
    %dma_start3A_352 = tpu.memref_slice %arg2[%add3A_350, %dma_start3A_351] : memref<4096x2048xf32, #tpu.memory_space<hbm>> -> memref<16x2048xf32, #tpu.memory_space<hbm>>
    %dma_start3A_353 = arith.constant 0 : i32
    %dma_start3A_354 = tpu.memref_slice %arg2[%add3A_350, %dma_start3A_353] : memref<4096x2048xf32, #tpu.memory_space<hbm>> -> memref<16x2048xf32, #tpu.memory_space<hbm>>
    tpu.enqueue_dma source(%dma_start3A_354 : memref<16x2048xf32, #tpu.memory_space<hbm>>) target(%arg8 : memref<16x2048xf32, #tpu.memory_space<vmem>>) target_semaphore(%arg10 : memref<!tpu.dma_semaphore, #tpu.memory_space<semaphore_mem>>)
    %dma_start3A_355 = arith.constant 5 : i32
    %dma_start3A_356 = arith.constant 0 : i32
    %dma_start3A_357 = tpu.memref_slice %arg6[%dma_start3A_355, %dma_start3A_356] : memref<8x16xi32, #tpu.memory_space<vmem>> -> memref<1x16xi32, #tpu.memory_space<vmem>>
    %dma_start3A_358 = tpu.memref_squeeze %dma_start3A_357 : memref<1x16xi32, #tpu.memory_space<vmem>> -> memref<16xi32, #tpu.memory_space<vmem>>
    %dma_start3A_359 = arith.constant 0 : i32
    %dma_start3A_360 = arith.constant 0 : i32
    %dma_start3A_361 = tpu.memref_slice %arg4[%dma_start3A_359, %dma_start3A_360] : memref<10240x2048xf32, #tpu.memory_space<hbm>> -> memref<10240x2048xf32, #tpu.memory_space<hbm>>
    tpu.enqueue_indirect_dma source(%arg9 : memref<16x2048xf32, #tpu.memory_space<vmem>>) target(%dma_start3A_361 : memref<10240x2048xf32, #tpu.memory_space<hbm>>) offsets(%dma_start3A_358 : memref<16xi32, #tpu.memory_space<vmem>>) semaphore(%arg13 : memref<!tpu.dma_semaphore, #tpu.memory_space<semaphore_mem>>)
    %dma_start3A_362 = arith.constant 5 : i32
    %dma_start3A_363 = arith.constant 0 : i32
    %dma_start3A_364 = tpu.memref_slice %arg7[%dma_start3A_362, %dma_start3A_363] : memref<8x16xi32, #tpu.memory_space<vmem>> -> memref<1x16xi32, #tpu.memory_space<vmem>>
    %dma_start3A_365 = tpu.memref_squeeze %dma_start3A_364 : memref<1x16xi32, #tpu.memory_space<vmem>> -> memref<16xi32, #tpu.memory_space<vmem>>
    %dma_start3A_366 = arith.constant 0 : i32
    %dma_start3A_367 = arith.constant 0 : i32
    %dma_start3A_368 = tpu.memref_slice %arg4[%dma_start3A_366, %dma_start3A_367] : memref<10240x2048xf32, #tpu.memory_space<hbm>> -> memref<10240x2048xf32, #tpu.memory_space<hbm>>
    tpu.enqueue_indirect_dma source(%arg9 : memref<16x2048xf32, #tpu.memory_space<vmem>>) target(%dma_start3A_368 : memref<10240x2048xf32, #tpu.memory_space<hbm>>) offsets(%dma_start3A_365 : memref<16xi32, #tpu.memory_space<vmem>>) semaphore(%arg15 : memref<!tpu.dma_semaphore, #tpu.memory_space<semaphore_mem>>)
    %dma_wait3A_369 = arith.constant 0 : i32
    %dma_wait3A_370 = tpu.memref_slice %arg2[%add3A_350, %dma_wait3A_369] : memref<4096x2048xf32, #tpu.memory_space<hbm>> -> memref<16x2048xf32, #tpu.memory_space<hbm>>
    %dma_wait3A_371 = arith.constant 0 : i32
    %dma_wait3A_372 = tpu.memref_slice %arg2[%add3A_350, %dma_wait3A_371] : memref<4096x2048xf32, #tpu.memory_space<hbm>> -> memref<16x2048xf32, #tpu.memory_space<hbm>>
    tpu.wait_dma2 semaphore(%arg10 : memref<!tpu.dma_semaphore, #tpu.memory_space<semaphore_mem>>) src(%dma_wait3A_372 : memref<16x2048xf32, #tpu.memory_space<hbm>>) dst(%arg8 : memref<16x2048xf32, #tpu.memory_space<vmem>>)
    %dma_wait3A_373 = arith.constant 5 : i32
    %dma_wait3A_374 = arith.constant 0 : i32
    %dma_wait3A_375 = tpu.memref_slice %arg6[%dma_wait3A_373, %dma_wait3A_374] : memref<8x16xi32, #tpu.memory_space<vmem>> -> memref<1x16xi32, #tpu.memory_space<vmem>>
    %dma_wait3A_376 = tpu.memref_squeeze %dma_wait3A_375 : memref<1x16xi32, #tpu.memory_space<vmem>> -> memref<16xi32, #tpu.memory_space<vmem>>
    %dma_wait3A_377 = arith.constant 0 : i32
    %dma_wait3A_378 = arith.constant 0 : i32
    %dma_wait3A_379 = tpu.memref_slice %arg4[%dma_wait3A_377, %dma_wait3A_378] : memref<10240x2048xf32, #tpu.memory_space<hbm>> -> memref<10240x2048xf32, #tpu.memory_space<hbm>>
    tpu.wait_indirect_dma semaphore(%arg13 : memref<!tpu.dma_semaphore, #tpu.memory_space<semaphore_mem>>) src(%arg9 : memref<16x2048xf32, #tpu.memory_space<vmem>>) dst(%dma_wait3A_379 : memref<10240x2048xf32, #tpu.memory_space<hbm>>)
    %dma_wait3A_380 = arith.constant 5 : i32
    %dma_wait3A_381 = arith.constant 0 : i32
    %dma_wait3A_382 = tpu.memref_slice %arg7[%dma_wait3A_380, %dma_wait3A_381] : memref<8x16xi32, #tpu.memory_space<vmem>> -> memref<1x16xi32, #tpu.memory_space<vmem>>
    %dma_wait3A_383 = tpu.memref_squeeze %dma_wait3A_382 : memref<1x16xi32, #tpu.memory_space<vmem>> -> memref<16xi32, #tpu.memory_space<vmem>>
    %dma_wait3A_384 = arith.constant 0 : i32
    %dma_wait3A_385 = arith.constant 0 : i32
    %dma_wait3A_386 = tpu.memref_slice %arg4[%dma_wait3A_384, %dma_wait3A_385] : memref<10240x2048xf32, #tpu.memory_space<hbm>> -> memref<10240x2048xf32, #tpu.memory_space<hbm>>
    tpu.wait_indirect_dma semaphore(%arg15 : memref<!tpu.dma_semaphore, #tpu.memory_space<semaphore_mem>>) src(%arg9 : memref<16x2048xf32, #tpu.memory_space<vmem>>) dst(%dma_wait3A_386 : memref<10240x2048xf32, #tpu.memory_space<hbm>>)
    %add3A_387 = arith.constant 112 : i32
    %add3A_388 = arith.addi %mul3A_2, %add3A_387 : i32
    %dma_start3A_389 = arith.constant 0 : i32
    %dma_start3A_390 = tpu.memref_slice %arg2[%add3A_388, %dma_start3A_389] : memref<4096x2048xf32, #tpu.memory_space<hbm>> -> memref<16x2048xf32, #tpu.memory_space<hbm>>
    %dma_start3A_391 = arith.constant 0 : i32
    %dma_start3A_392 = tpu.memref_slice %arg2[%add3A_388, %dma_start3A_391] : memref<4096x2048xf32, #tpu.memory_space<hbm>> -> memref<16x2048xf32, #tpu.memory_space<hbm>>
    tpu.enqueue_dma source(%dma_start3A_392 : memref<16x2048xf32, #tpu.memory_space<hbm>>) target(%arg9 : memref<16x2048xf32, #tpu.memory_space<vmem>>) target_semaphore(%arg11 : memref<!tpu.dma_semaphore, #tpu.memory_space<semaphore_mem>>)
    %dma_start3A_393 = arith.constant 6 : i32
    %dma_start3A_394 = arith.constant 0 : i32
    %dma_start3A_395 = tpu.memref_slice %arg6[%dma_start3A_393, %dma_start3A_394] : memref<8x16xi32, #tpu.memory_space<vmem>> -> memref<1x16xi32, #tpu.memory_space<vmem>>
    %dma_start3A_396 = tpu.memref_squeeze %dma_start3A_395 : memref<1x16xi32, #tpu.memory_space<vmem>> -> memref<16xi32, #tpu.memory_space<vmem>>
    %dma_start3A_397 = arith.constant 0 : i32
    %dma_start3A_398 = arith.constant 0 : i32
    %dma_start3A_399 = tpu.memref_slice %arg4[%dma_start3A_397, %dma_start3A_398] : memref<10240x2048xf32, #tpu.memory_space<hbm>> -> memref<10240x2048xf32, #tpu.memory_space<hbm>>
    tpu.enqueue_indirect_dma source(%arg8 : memref<16x2048xf32, #tpu.memory_space<vmem>>) target(%dma_start3A_399 : memref<10240x2048xf32, #tpu.memory_space<hbm>>) offsets(%dma_start3A_396 : memref<16xi32, #tpu.memory_space<vmem>>) semaphore(%arg12 : memref<!tpu.dma_semaphore, #tpu.memory_space<semaphore_mem>>)
    %dma_start3A_400 = arith.constant 6 : i32
    %dma_start3A_401 = arith.constant 0 : i32
    %dma_start3A_402 = tpu.memref_slice %arg7[%dma_start3A_400, %dma_start3A_401] : memref<8x16xi32, #tpu.memory_space<vmem>> -> memref<1x16xi32, #tpu.memory_space<vmem>>
    %dma_start3A_403 = tpu.memref_squeeze %dma_start3A_402 : memref<1x16xi32, #tpu.memory_space<vmem>> -> memref<16xi32, #tpu.memory_space<vmem>>
    %dma_start3A_404 = arith.constant 0 : i32
    %dma_start3A_405 = arith.constant 0 : i32
    %dma_start3A_406 = tpu.memref_slice %arg4[%dma_start3A_404, %dma_start3A_405] : memref<10240x2048xf32, #tpu.memory_space<hbm>> -> memref<10240x2048xf32, #tpu.memory_space<hbm>>
    tpu.enqueue_indirect_dma source(%arg8 : memref<16x2048xf32, #tpu.memory_space<vmem>>) target(%dma_start3A_406 : memref<10240x2048xf32, #tpu.memory_space<hbm>>) offsets(%dma_start3A_403 : memref<16xi32, #tpu.memory_space<vmem>>) semaphore(%arg14 : memref<!tpu.dma_semaphore, #tpu.memory_space<semaphore_mem>>)
    %dma_wait3A_407 = arith.constant 0 : i32
    %dma_wait3A_408 = tpu.memref_slice %arg2[%add3A_388, %dma_wait3A_407] : memref<4096x2048xf32, #tpu.memory_space<hbm>> -> memref<16x2048xf32, #tpu.memory_space<hbm>>
    %dma_wait3A_409 = arith.constant 0 : i32
    %dma_wait3A_410 = tpu.memref_slice %arg2[%add3A_388, %dma_wait3A_409] : memref<4096x2048xf32, #tpu.memory_space<hbm>> -> memref<16x2048xf32, #tpu.memory_space<hbm>>
    tpu.wait_dma2 semaphore(%arg11 : memref<!tpu.dma_semaphore, #tpu.memory_space<semaphore_mem>>) src(%dma_wait3A_410 : memref<16x2048xf32, #tpu.memory_space<hbm>>) dst(%arg9 : memref<16x2048xf32, #tpu.memory_space<vmem>>)
    %dma_start3A_411 = arith.constant 7 : i32
    %dma_start3A_412 = arith.constant 0 : i32
    %dma_start3A_413 = tpu.memref_slice %arg6[%dma_start3A_411, %dma_start3A_412] : memref<8x16xi32, #tpu.memory_space<vmem>> -> memref<1x16xi32, #tpu.memory_space<vmem>>
    %dma_start3A_414 = tpu.memref_squeeze %dma_start3A_413 : memref<1x16xi32, #tpu.memory_space<vmem>> -> memref<16xi32, #tpu.memory_space<vmem>>
    %dma_start3A_415 = arith.constant 0 : i32
    %dma_start3A_416 = arith.constant 0 : i32
    %dma_start3A_417 = tpu.memref_slice %arg4[%dma_start3A_415, %dma_start3A_416] : memref<10240x2048xf32, #tpu.memory_space<hbm>> -> memref<10240x2048xf32, #tpu.memory_space<hbm>>
    tpu.enqueue_indirect_dma source(%arg9 : memref<16x2048xf32, #tpu.memory_space<vmem>>) target(%dma_start3A_417 : memref<10240x2048xf32, #tpu.memory_space<hbm>>) offsets(%dma_start3A_414 : memref<16xi32, #tpu.memory_space<vmem>>) semaphore(%arg13 : memref<!tpu.dma_semaphore, #tpu.memory_space<semaphore_mem>>)
    %dma_start3A_418 = arith.constant 7 : i32
    %dma_start3A_419 = arith.constant 0 : i32
    %dma_start3A_420 = tpu.memref_slice %arg7[%dma_start3A_418, %dma_start3A_419] : memref<8x16xi32, #tpu.memory_space<vmem>> -> memref<1x16xi32, #tpu.memory_space<vmem>>
    %dma_start3A_421 = tpu.memref_squeeze %dma_start3A_420 : memref<1x16xi32, #tpu.memory_space<vmem>> -> memref<16xi32, #tpu.memory_space<vmem>>
    %dma_start3A_422 = arith.constant 0 : i32
    %dma_start3A_423 = arith.constant 0 : i32
    %dma_start3A_424 = tpu.memref_slice %arg4[%dma_start3A_422, %dma_start3A_423] : memref<10240x2048xf32, #tpu.memory_space<hbm>> -> memref<10240x2048xf32, #tpu.memory_space<hbm>>
    tpu.enqueue_indirect_dma source(%arg9 : memref<16x2048xf32, #tpu.memory_space<vmem>>) target(%dma_start3A_424 : memref<10240x2048xf32, #tpu.memory_space<hbm>>) offsets(%dma_start3A_421 : memref<16xi32, #tpu.memory_space<vmem>>) semaphore(%arg15 : memref<!tpu.dma_semaphore, #tpu.memory_space<semaphore_mem>>)
    %dma_wait3A_425 = arith.constant 6 : i32
    %dma_wait3A_426 = arith.constant 0 : i32
    %dma_wait3A_427 = tpu.memref_slice %arg6[%dma_wait3A_425, %dma_wait3A_426] : memref<8x16xi32, #tpu.memory_space<vmem>> -> memref<1x16xi32, #tpu.memory_space<vmem>>
    %dma_wait3A_428 = tpu.memref_squeeze %dma_wait3A_427 : memref<1x16xi32, #tpu.memory_space<vmem>> -> memref<16xi32, #tpu.memory_space<vmem>>
    %dma_wait3A_429 = arith.constant 0 : i32
    %dma_wait3A_430 = arith.constant 0 : i32
    %dma_wait3A_431 = tpu.memref_slice %arg4[%dma_wait3A_429, %dma_wait3A_430] : memref<10240x2048xf32, #tpu.memory_space<hbm>> -> memref<10240x2048xf32, #tpu.memory_space<hbm>>
    tpu.wait_indirect_dma semaphore(%arg12 : memref<!tpu.dma_semaphore, #tpu.memory_space<semaphore_mem>>) src(%arg8 : memref<16x2048xf32, #tpu.memory_space<vmem>>) dst(%dma_wait3A_431 : memref<10240x2048xf32, #tpu.memory_space<hbm>>)
    %dma_wait3A_432 = arith.constant 6 : i32
    %dma_wait3A_433 = arith.constant 0 : i32
    %dma_wait3A_434 = tpu.memref_slice %arg7[%dma_wait3A_432, %dma_wait3A_433] : memref<8x16xi32, #tpu.memory_space<vmem>> -> memref<1x16xi32, #tpu.memory_space<vmem>>
    %dma_wait3A_435 = tpu.memref_squeeze %dma_wait3A_434 : memref<1x16xi32, #tpu.memory_space<vmem>> -> memref<16xi32, #tpu.memory_space<vmem>>
    %dma_wait3A_436 = arith.constant 0 : i32
    %dma_wait3A_437 = arith.constant 0 : i32
    %dma_wait3A_438 = tpu.memref_slice %arg4[%dma_wait3A_436, %dma_wait3A_437] : memref<10240x2048xf32, #tpu.memory_space<hbm>> -> memref<10240x2048xf32, #tpu.memory_space<hbm>>
    tpu.wait_indirect_dma semaphore(%arg14 : memref<!tpu.dma_semaphore, #tpu.memory_space<semaphore_mem>>) src(%arg8 : memref<16x2048xf32, #tpu.memory_space<vmem>>) dst(%dma_wait3A_438 : memref<10240x2048xf32, #tpu.memory_space<hbm>>)
    %dma_wait3A_439 = arith.constant 7 : i32
    %dma_wait3A_440 = arith.constant 0 : i32
    %dma_wait3A_441 = tpu.memref_slice %arg6[%dma_wait3A_439, %dma_wait3A_440] : memref<8x16xi32, #tpu.memory_space<vmem>> -> memref<1x16xi32, #tpu.memory_space<vmem>>
    %dma_wait3A_442 = tpu.memref_squeeze %dma_wait3A_441 : memref<1x16xi32, #tpu.memory_space<vmem>> -> memref<16xi32, #tpu.memory_space<vmem>>
    %dma_wait3A_443 = arith.constant 0 : i32
    %dma_wait3A_444 = arith.constant 0 : i32
    %dma_wait3A_445 = tpu.memref_slice %arg4[%dma_wait3A_443, %dma_wait3A_444] : memref<10240x2048xf32, #tpu.memory_space<hbm>> -> memref<10240x2048xf32, #tpu.memory_space<hbm>>
    tpu.wait_indirect_dma semaphore(%arg13 : memref<!tpu.dma_semaphore, #tpu.memory_space<semaphore_mem>>) src(%arg9 : memref<16x2048xf32, #tpu.memory_space<vmem>>) dst(%dma_wait3A_445 : memref<10240x2048xf32, #tpu.memory_space<hbm>>)
    %dma_wait3A_446 = arith.constant 7 : i32
    %dma_wait3A_447 = arith.constant 0 : i32
    %dma_wait3A_448 = tpu.memref_slice %arg7[%dma_wait3A_446, %dma_wait3A_447] : memref<8x16xi32, #tpu.memory_space<vmem>> -> memref<1x16xi32, #tpu.memory_space<vmem>>
    %dma_wait3A_449 = tpu.memref_squeeze %dma_wait3A_448 : memref<1x16xi32, #tpu.memory_space<vmem>> -> memref<16xi32, #tpu.memory_space<vmem>>
    %dma_wait3A_450 = arith.constant 0 : i32
    %dma_wait3A_451 = arith.constant 0 : i32
    %dma_wait3A_452 = tpu.memref_slice %arg4[%dma_wait3A_450, %dma_wait3A_451] : memref<10240x2048xf32, #tpu.memory_space<hbm>> -> memref<10240x2048xf32, #tpu.memory_space<hbm>>
    tpu.wait_indirect_dma semaphore(%arg15 : memref<!tpu.dma_semaphore, #tpu.memory_space<semaphore_mem>>) src(%arg9 : memref<16x2048xf32, #tpu.memory_space<vmem>>) dst(%dma_wait3A_452 : memref<10240x2048xf32, #tpu.memory_space<hbm>>)
    return
  }
}

module attributes {stable_mosaic.version = 14 : i64} {
  func.func @_route_body(%arg0: memref<64x128xi32, #tpu.memory_space<vmem>>, %arg1: memref<64x128xi32, #tpu.memory_space<vmem>>, %arg2: memref<1x128xi32, #tpu.memory_space<vmem>>) attributes {dimension_semantics = [], scalar_prefetch = 0 : i64, scratch_operands = 0 : i64, tpu.core_type = #tpu.core_type<tc>} {
    %get3A = arith.constant 0 : index
    %get3A_0 = arith.constant 0 : index
    %get3A_1 = vector.load %arg0[%get3A, %get3A_0] : memref<64x128xi32, #tpu.memory_space<vmem>>, vector<64x128xi32>
    %convert_element_type3A = arith.sitofp %get3A_1 : vector<64x128xi32> to vector<64x128xf32>
    %iota3A = tpu.iota {dimensions = array<i32: 0>} : vector<128x128xi32>
    %iota3A_2 = tpu.iota {dimensions = array<i32: 1>} : vector<128x128xi32>
    %lt3A = arith.cmpi slt, %iota3A, %iota3A_2 : vector<128x128xi32>
    %convert_element_type3A_3 = arith.extui %lt3A : vector<128x128xi1> to vector<128x128xi32>
    %convert_element_type3A_4 = arith.sitofp %convert_element_type3A_3 : vector<128x128xi32> to vector<128x128xf32>
    %iota3A_5 = tpu.iota {dimensions = array<i32: 0>} : vector<64x64xi32>
    %iota3A_6 = tpu.iota {dimensions = array<i32: 1>} : vector<64x64xi32>
    %lt3A_7 = arith.cmpi slt, %iota3A_6, %iota3A_5 : vector<64x64xi32>
    %convert_element_type3A_8 = arith.extui %lt3A_7 : vector<64x64xi1> to vector<64x64xi32>
    %convert_element_type3A_9 = arith.sitofp %convert_element_type3A_8 : vector<64x64xi32> to vector<64x64xf32>
    %broadcast_in_dim3A = arith.constant 0.000000e+00 : f32
    %broadcast_in_dim3A_10 = vector.broadcast %broadcast_in_dim3A : f32 to vector<64x128xf32>
    %broadcast_in_dim3A_11 = arith.constant 0.000000e+00 : f32
    %broadcast_in_dim3A_12 = vector.broadcast %broadcast_in_dim3A_11 : f32 to vector<64x128xf32>
    %iota3A_13 = tpu.iota {dimensions = array<i32: 1>} : vector<1x128xi32>
    %convert_element_type3A_14 = arith.sitofp %iota3A_13 : vector<1x128xi32> to vector<1x128xf32>
    %mul3A = arith.constant 2.560000e+02 : f32
    %mul3A_15 = vector.broadcast %mul3A : f32 to vector<1x128xf32>
    %mul3A_16 = arith.mulf %convert_element_type3A_14, %mul3A_15 : vector<1x128xf32>
    %broadcast_in_dim3A_17 = arith.constant 0.000000e+00 : f32
    %broadcast_in_dim3A_18 = vector.broadcast %broadcast_in_dim3A_17 : f32 to vector<1x128xf32>
    %eq3A = arith.constant 0.000000e+00 : f32
    %eq3A_19 = vector.broadcast %eq3A : f32 to vector<64x128xf32>
    %eq3A_20 = arith.cmpf oeq, %convert_element_type3A, %eq3A_19 : vector<64x128xf32>
    %convert_element_type3A_21 = arith.extui %eq3A_20 : vector<64x128xi1> to vector<64x128xi32>
    %convert_element_type3A_22 = arith.sitofp %convert_element_type3A_21 : vector<64x128xi32> to vector<64x128xf32>
    %dot_general3A = arith.constant dense<0.000000e+00> : vector<64x128xf32>
    %dot_general3A_23 = tpu.matmul %convert_element_type3A_22, %convert_element_type3A_4, %dot_general3A {dimension_numbers = #tpu.dot_dimension_numbers<[1], [0], [0], [1], [0, 0, 1, 1], [], []>, transpose_lhs_hint = false} : vector<64x128xf32>, vector<128x128xf32>, vector<64x128xf32> -> vector<64x128xf32>
    %reduce_sum3A = arith.constant dense<0.000000e+00> : vector<64xf32>
    %reduce_sum3A_24 = vector.multi_reduction <add>, %convert_element_type3A_22, %reduce_sum3A [1] : vector<64x128xf32> to vector<64xf32>
    %broadcast_in_dim3A_25 = vector.shape_cast %reduce_sum3A_24 : vector<64xf32> to vector<64x1xf32>
    %dot_general3A_26 = arith.constant dense<0.000000e+00> : vector<64x1xf32>
    %dot_general3A_27 = tpu.matmul %convert_element_type3A_9, %broadcast_in_dim3A_25, %dot_general3A_26 {dimension_numbers = #tpu.dot_dimension_numbers<[1], [0], [0], [1], [0, 0, 1, 1], [], []>, transpose_lhs_hint = false} : vector<64x64xf32>, vector<64x1xf32>, vector<64x1xf32> -> vector<64x1xf32>
    %add3A = vector.broadcast %dot_general3A_27 : vector<64x1xf32> to vector<64x128xf32>
    %add3A_28 = arith.addf %dot_general3A_23, %add3A : vector<64x128xf32>
    %mul3A_29 = arith.mulf %convert_element_type3A_22, %add3A_28 : vector<64x128xf32>
    %add3A_30 = arith.addf %broadcast_in_dim3A_10, %mul3A_29 : vector<64x128xf32>
    %mul3A_31 = arith.constant 0.000000e+00 : f32
    %mul3A_32 = vector.broadcast %mul3A_31 : f32 to vector<64x128xf32>
    %mul3A_33 = arith.mulf %convert_element_type3A_22, %mul3A_32 : vector<64x128xf32>
    %add3A_34 = arith.addf %broadcast_in_dim3A_12, %mul3A_33 : vector<64x128xf32>
    %reduce_sum3A_35 = vector.shape_cast %convert_element_type3A_22 : vector<64x128xf32> to vector<1x64x128xf32>
    %reduce_sum3A_36 = arith.constant dense<0.000000e+00> : vector<1xf32>
    %reduce_sum3A_37 = vector.multi_reduction <add>, %reduce_sum3A_35, %reduce_sum3A_36 [1, 2] : vector<1x64x128xf32> to vector<1xf32>
    %reduce_sum3A_38 = vector.shape_cast %reduce_sum3A_37 : vector<1xf32> to vector<1x1x1xf32>
    %reduce_sum3A_39 = vector.extract %reduce_sum3A_38[0, 0, 0] : f32 from vector<1x1x1xf32>
    %div3A = arith.constant 2.560000e+02 : f32
    %div3A_40 = arith.divf %reduce_sum3A_39, %div3A : f32
    %ceil3A = math.ceil %div3A_40 : f32
    %mul3A_41 = arith.constant 2.560000e+02 : f32
    %mul3A_42 = arith.mulf %ceil3A, %mul3A_41 : f32
    %add3A_43 = arith.constant 0.000000e+00 : f32
    %add3A_44 = arith.addf %add3A_43, %mul3A_42 : f32
    %ge3A = vector.broadcast %add3A_44 : f32 to vector<1x128xf32>
    %ge3A_45 = arith.cmpf oge, %mul3A_16, %ge3A : vector<1x128xf32>
    %convert_element_type3A_46 = arith.extui %ge3A_45 : vector<1x128xi1> to vector<1x128xi32>
    %convert_element_type3A_47 = arith.sitofp %convert_element_type3A_46 : vector<1x128xi32> to vector<1x128xf32>
    %add3A_48 = arith.addf %broadcast_in_dim3A_18, %convert_element_type3A_47 : vector<1x128xf32>
    %eq3A_49 = arith.constant 1.000000e+00 : f32
    %eq3A_50 = vector.broadcast %eq3A_49 : f32 to vector<64x128xf32>
    %eq3A_51 = arith.cmpf oeq, %convert_element_type3A, %eq3A_50 : vector<64x128xf32>
    %convert_element_type3A_52 = arith.extui %eq3A_51 : vector<64x128xi1> to vector<64x128xi32>
    %convert_element_type3A_53 = arith.sitofp %convert_element_type3A_52 : vector<64x128xi32> to vector<64x128xf32>
    %dot_general3A_54 = arith.constant dense<0.000000e+00> : vector<64x128xf32>
    %dot_general3A_55 = tpu.matmul %convert_element_type3A_53, %convert_element_type3A_4, %dot_general3A_54 {dimension_numbers = #tpu.dot_dimension_numbers<[1], [0], [0], [1], [0, 0, 1, 1], [], []>, transpose_lhs_hint = false} : vector<64x128xf32>, vector<128x128xf32>, vector<64x128xf32> -> vector<64x128xf32>
    %reduce_sum3A_56 = arith.constant dense<0.000000e+00> : vector<64xf32>
    %reduce_sum3A_57 = vector.multi_reduction <add>, %convert_element_type3A_53, %reduce_sum3A_56 [1] : vector<64x128xf32> to vector<64xf32>
    %broadcast_in_dim3A_58 = vector.shape_cast %reduce_sum3A_57 : vector<64xf32> to vector<64x1xf32>
    %dot_general3A_59 = arith.constant dense<0.000000e+00> : vector<64x1xf32>
    %dot_general3A_60 = tpu.matmul %convert_element_type3A_9, %broadcast_in_dim3A_58, %dot_general3A_59 {dimension_numbers = #tpu.dot_dimension_numbers<[1], [0], [0], [1], [0, 0, 1, 1], [], []>, transpose_lhs_hint = false} : vector<64x64xf32>, vector<64x1xf32>, vector<64x1xf32> -> vector<64x1xf32>
    %add3A_61 = vector.broadcast %dot_general3A_60 : vector<64x1xf32> to vector<64x128xf32>
    %add3A_62 = arith.addf %dot_general3A_55, %add3A_61 : vector<64x128xf32>
    %mul3A_63 = arith.mulf %convert_element_type3A_53, %add3A_62 : vector<64x128xf32>
    %add3A_64 = arith.addf %add3A_30, %mul3A_63 : vector<64x128xf32>
    %mul3A_65 = vector.broadcast %add3A_44 : f32 to vector<64x128xf32>
    %mul3A_66 = arith.mulf %convert_element_type3A_53, %mul3A_65 : vector<64x128xf32>
    %add3A_67 = arith.addf %add3A_34, %mul3A_66 : vector<64x128xf32>
    %reduce_sum3A_68 = vector.shape_cast %convert_element_type3A_53 : vector<64x128xf32> to vector<1x64x128xf32>
    %reduce_sum3A_69 = arith.constant dense<0.000000e+00> : vector<1xf32>
    %reduce_sum3A_70 = vector.multi_reduction <add>, %reduce_sum3A_68, %reduce_sum3A_69 [1, 2] : vector<1x64x128xf32> to vector<1xf32>
    %reduce_sum3A_71 = vector.shape_cast %reduce_sum3A_70 : vector<1xf32> to vector<1x1x1xf32>
    %reduce_sum3A_72 = vector.extract %reduce_sum3A_71[0, 0, 0] : f32 from vector<1x1x1xf32>
    %div3A_73 = arith.constant 2.560000e+02 : f32
    %div3A_74 = arith.divf %reduce_sum3A_72, %div3A_73 : f32
    %ceil3A_75 = math.ceil %div3A_74 : f32
    %mul3A_76 = arith.constant 2.560000e+02 : f32
    %mul3A_77 = arith.mulf %ceil3A_75, %mul3A_76 : f32
    %add3A_78 = arith.addf %add3A_44, %mul3A_77 : f32
    %ge3A_79 = vector.broadcast %add3A_78 : f32 to vector<1x128xf32>
    %ge3A_80 = arith.cmpf oge, %mul3A_16, %ge3A_79 : vector<1x128xf32>
    %convert_element_type3A_81 = arith.extui %ge3A_80 : vector<1x128xi1> to vector<1x128xi32>
    %convert_element_type3A_82 = arith.sitofp %convert_element_type3A_81 : vector<1x128xi32> to vector<1x128xf32>
    %add3A_83 = arith.addf %add3A_48, %convert_element_type3A_82 : vector<1x128xf32>
    %eq3A_84 = arith.constant 2.000000e+00 : f32
    %eq3A_85 = vector.broadcast %eq3A_84 : f32 to vector<64x128xf32>
    %eq3A_86 = arith.cmpf oeq, %convert_element_type3A, %eq3A_85 : vector<64x128xf32>
    %convert_element_type3A_87 = arith.extui %eq3A_86 : vector<64x128xi1> to vector<64x128xi32>
    %convert_element_type3A_88 = arith.sitofp %convert_element_type3A_87 : vector<64x128xi32> to vector<64x128xf32>
    %dot_general3A_89 = arith.constant dense<0.000000e+00> : vector<64x128xf32>
    %dot_general3A_90 = tpu.matmul %convert_element_type3A_88, %convert_element_type3A_4, %dot_general3A_89 {dimension_numbers = #tpu.dot_dimension_numbers<[1], [0], [0], [1], [0, 0, 1, 1], [], []>, transpose_lhs_hint = false} : vector<64x128xf32>, vector<128x128xf32>, vector<64x128xf32> -> vector<64x128xf32>
    %reduce_sum3A_91 = arith.constant dense<0.000000e+00> : vector<64xf32>
    %reduce_sum3A_92 = vector.multi_reduction <add>, %convert_element_type3A_88, %reduce_sum3A_91 [1] : vector<64x128xf32> to vector<64xf32>
    %broadcast_in_dim3A_93 = vector.shape_cast %reduce_sum3A_92 : vector<64xf32> to vector<64x1xf32>
    %dot_general3A_94 = arith.constant dense<0.000000e+00> : vector<64x1xf32>
    %dot_general3A_95 = tpu.matmul %convert_element_type3A_9, %broadcast_in_dim3A_93, %dot_general3A_94 {dimension_numbers = #tpu.dot_dimension_numbers<[1], [0], [0], [1], [0, 0, 1, 1], [], []>, transpose_lhs_hint = false} : vector<64x64xf32>, vector<64x1xf32>, vector<64x1xf32> -> vector<64x1xf32>
    %add3A_96 = vector.broadcast %dot_general3A_95 : vector<64x1xf32> to vector<64x128xf32>
    %add3A_97 = arith.addf %dot_general3A_90, %add3A_96 : vector<64x128xf32>
    %mul3A_98 = arith.mulf %convert_element_type3A_88, %add3A_97 : vector<64x128xf32>
    %add3A_99 = arith.addf %add3A_64, %mul3A_98 : vector<64x128xf32>
    %mul3A_100 = vector.broadcast %add3A_78 : f32 to vector<64x128xf32>
    %mul3A_101 = arith.mulf %convert_element_type3A_88, %mul3A_100 : vector<64x128xf32>
    %add3A_102 = arith.addf %add3A_67, %mul3A_101 : vector<64x128xf32>
    %reduce_sum3A_103 = vector.shape_cast %convert_element_type3A_88 : vector<64x128xf32> to vector<1x64x128xf32>
    %reduce_sum3A_104 = arith.constant dense<0.000000e+00> : vector<1xf32>
    %reduce_sum3A_105 = vector.multi_reduction <add>, %reduce_sum3A_103, %reduce_sum3A_104 [1, 2] : vector<1x64x128xf32> to vector<1xf32>
    %reduce_sum3A_106 = vector.shape_cast %reduce_sum3A_105 : vector<1xf32> to vector<1x1x1xf32>
    %reduce_sum3A_107 = vector.extract %reduce_sum3A_106[0, 0, 0] : f32 from vector<1x1x1xf32>
    %div3A_108 = arith.constant 2.560000e+02 : f32
    %div3A_109 = arith.divf %reduce_sum3A_107, %div3A_108 : f32
    %ceil3A_110 = math.ceil %div3A_109 : f32
    %mul3A_111 = arith.constant 2.560000e+02 : f32
    %mul3A_112 = arith.mulf %ceil3A_110, %mul3A_111 : f32
    %add3A_113 = arith.addf %add3A_78, %mul3A_112 : f32
    %ge3A_114 = vector.broadcast %add3A_113 : f32 to vector<1x128xf32>
    %ge3A_115 = arith.cmpf oge, %mul3A_16, %ge3A_114 : vector<1x128xf32>
    %convert_element_type3A_116 = arith.extui %ge3A_115 : vector<1x128xi1> to vector<1x128xi32>
    %convert_element_type3A_117 = arith.sitofp %convert_element_type3A_116 : vector<1x128xi32> to vector<1x128xf32>
    %add3A_118 = arith.addf %add3A_83, %convert_element_type3A_117 : vector<1x128xf32>
    %eq3A_119 = arith.constant 3.000000e+00 : f32
    %eq3A_120 = vector.broadcast %eq3A_119 : f32 to vector<64x128xf32>
    %eq3A_121 = arith.cmpf oeq, %convert_element_type3A, %eq3A_120 : vector<64x128xf32>
    %convert_element_type3A_122 = arith.extui %eq3A_121 : vector<64x128xi1> to vector<64x128xi32>
    %convert_element_type3A_123 = arith.sitofp %convert_element_type3A_122 : vector<64x128xi32> to vector<64x128xf32>
    %dot_general3A_124 = arith.constant dense<0.000000e+00> : vector<64x128xf32>
    %dot_general3A_125 = tpu.matmul %convert_element_type3A_123, %convert_element_type3A_4, %dot_general3A_124 {dimension_numbers = #tpu.dot_dimension_numbers<[1], [0], [0], [1], [0, 0, 1, 1], [], []>, transpose_lhs_hint = false} : vector<64x128xf32>, vector<128x128xf32>, vector<64x128xf32> -> vector<64x128xf32>
    %reduce_sum3A_126 = arith.constant dense<0.000000e+00> : vector<64xf32>
    %reduce_sum3A_127 = vector.multi_reduction <add>, %convert_element_type3A_123, %reduce_sum3A_126 [1] : vector<64x128xf32> to vector<64xf32>
    %broadcast_in_dim3A_128 = vector.shape_cast %reduce_sum3A_127 : vector<64xf32> to vector<64x1xf32>
    %dot_general3A_129 = arith.constant dense<0.000000e+00> : vector<64x1xf32>
    %dot_general3A_130 = tpu.matmul %convert_element_type3A_9, %broadcast_in_dim3A_128, %dot_general3A_129 {dimension_numbers = #tpu.dot_dimension_numbers<[1], [0], [0], [1], [0, 0, 1, 1], [], []>, transpose_lhs_hint = false} : vector<64x64xf32>, vector<64x1xf32>, vector<64x1xf32> -> vector<64x1xf32>
    %add3A_131 = vector.broadcast %dot_general3A_130 : vector<64x1xf32> to vector<64x128xf32>
    %add3A_132 = arith.addf %dot_general3A_125, %add3A_131 : vector<64x128xf32>
    %mul3A_133 = arith.mulf %convert_element_type3A_123, %add3A_132 : vector<64x128xf32>
    %add3A_134 = arith.addf %add3A_99, %mul3A_133 : vector<64x128xf32>
    %mul3A_135 = vector.broadcast %add3A_113 : f32 to vector<64x128xf32>
    %mul3A_136 = arith.mulf %convert_element_type3A_123, %mul3A_135 : vector<64x128xf32>
    %add3A_137 = arith.addf %add3A_102, %mul3A_136 : vector<64x128xf32>
    %reduce_sum3A_138 = vector.shape_cast %convert_element_type3A_123 : vector<64x128xf32> to vector<1x64x128xf32>
    %reduce_sum3A_139 = arith.constant dense<0.000000e+00> : vector<1xf32>
    %reduce_sum3A_140 = vector.multi_reduction <add>, %reduce_sum3A_138, %reduce_sum3A_139 [1, 2] : vector<1x64x128xf32> to vector<1xf32>
    %reduce_sum3A_141 = vector.shape_cast %reduce_sum3A_140 : vector<1xf32> to vector<1x1x1xf32>
    %reduce_sum3A_142 = vector.extract %reduce_sum3A_141[0, 0, 0] : f32 from vector<1x1x1xf32>
    %div3A_143 = arith.constant 2.560000e+02 : f32
    %div3A_144 = arith.divf %reduce_sum3A_142, %div3A_143 : f32
    %ceil3A_145 = math.ceil %div3A_144 : f32
    %mul3A_146 = arith.constant 2.560000e+02 : f32
    %mul3A_147 = arith.mulf %ceil3A_145, %mul3A_146 : f32
    %add3A_148 = arith.addf %add3A_113, %mul3A_147 : f32
    %ge3A_149 = vector.broadcast %add3A_148 : f32 to vector<1x128xf32>
    %ge3A_150 = arith.cmpf oge, %mul3A_16, %ge3A_149 : vector<1x128xf32>
    %convert_element_type3A_151 = arith.extui %ge3A_150 : vector<1x128xi1> to vector<1x128xi32>
    %convert_element_type3A_152 = arith.sitofp %convert_element_type3A_151 : vector<1x128xi32> to vector<1x128xf32>
    %add3A_153 = arith.addf %add3A_118, %convert_element_type3A_152 : vector<1x128xf32>
    %eq3A_154 = arith.constant 4.000000e+00 : f32
    %eq3A_155 = vector.broadcast %eq3A_154 : f32 to vector<64x128xf32>
    %eq3A_156 = arith.cmpf oeq, %convert_element_type3A, %eq3A_155 : vector<64x128xf32>
    %convert_element_type3A_157 = arith.extui %eq3A_156 : vector<64x128xi1> to vector<64x128xi32>
    %convert_element_type3A_158 = arith.sitofp %convert_element_type3A_157 : vector<64x128xi32> to vector<64x128xf32>
    %dot_general3A_159 = arith.constant dense<0.000000e+00> : vector<64x128xf32>
    %dot_general3A_160 = tpu.matmul %convert_element_type3A_158, %convert_element_type3A_4, %dot_general3A_159 {dimension_numbers = #tpu.dot_dimension_numbers<[1], [0], [0], [1], [0, 0, 1, 1], [], []>, transpose_lhs_hint = false} : vector<64x128xf32>, vector<128x128xf32>, vector<64x128xf32> -> vector<64x128xf32>
    %reduce_sum3A_161 = arith.constant dense<0.000000e+00> : vector<64xf32>
    %reduce_sum3A_162 = vector.multi_reduction <add>, %convert_element_type3A_158, %reduce_sum3A_161 [1] : vector<64x128xf32> to vector<64xf32>
    %broadcast_in_dim3A_163 = vector.shape_cast %reduce_sum3A_162 : vector<64xf32> to vector<64x1xf32>
    %dot_general3A_164 = arith.constant dense<0.000000e+00> : vector<64x1xf32>
    %dot_general3A_165 = tpu.matmul %convert_element_type3A_9, %broadcast_in_dim3A_163, %dot_general3A_164 {dimension_numbers = #tpu.dot_dimension_numbers<[1], [0], [0], [1], [0, 0, 1, 1], [], []>, transpose_lhs_hint = false} : vector<64x64xf32>, vector<64x1xf32>, vector<64x1xf32> -> vector<64x1xf32>
    %add3A_166 = vector.broadcast %dot_general3A_165 : vector<64x1xf32> to vector<64x128xf32>
    %add3A_167 = arith.addf %dot_general3A_160, %add3A_166 : vector<64x128xf32>
    %mul3A_168 = arith.mulf %convert_element_type3A_158, %add3A_167 : vector<64x128xf32>
    %add3A_169 = arith.addf %add3A_134, %mul3A_168 : vector<64x128xf32>
    %mul3A_170 = vector.broadcast %add3A_148 : f32 to vector<64x128xf32>
    %mul3A_171 = arith.mulf %convert_element_type3A_158, %mul3A_170 : vector<64x128xf32>
    %add3A_172 = arith.addf %add3A_137, %mul3A_171 : vector<64x128xf32>
    %reduce_sum3A_173 = vector.shape_cast %convert_element_type3A_158 : vector<64x128xf32> to vector<1x64x128xf32>
    %reduce_sum3A_174 = arith.constant dense<0.000000e+00> : vector<1xf32>
    %reduce_sum3A_175 = vector.multi_reduction <add>, %reduce_sum3A_173, %reduce_sum3A_174 [1, 2] : vector<1x64x128xf32> to vector<1xf32>
    %reduce_sum3A_176 = vector.shape_cast %reduce_sum3A_175 : vector<1xf32> to vector<1x1x1xf32>
    %reduce_sum3A_177 = vector.extract %reduce_sum3A_176[0, 0, 0] : f32 from vector<1x1x1xf32>
    %div3A_178 = arith.constant 2.560000e+02 : f32
    %div3A_179 = arith.divf %reduce_sum3A_177, %div3A_178 : f32
    %ceil3A_180 = math.ceil %div3A_179 : f32
    %mul3A_181 = arith.constant 2.560000e+02 : f32
    %mul3A_182 = arith.mulf %ceil3A_180, %mul3A_181 : f32
    %add3A_183 = arith.addf %add3A_148, %mul3A_182 : f32
    %ge3A_184 = vector.broadcast %add3A_183 : f32 to vector<1x128xf32>
    %ge3A_185 = arith.cmpf oge, %mul3A_16, %ge3A_184 : vector<1x128xf32>
    %convert_element_type3A_186 = arith.extui %ge3A_185 : vector<1x128xi1> to vector<1x128xi32>
    %convert_element_type3A_187 = arith.sitofp %convert_element_type3A_186 : vector<1x128xi32> to vector<1x128xf32>
    %add3A_188 = arith.addf %add3A_153, %convert_element_type3A_187 : vector<1x128xf32>
    %eq3A_189 = arith.constant 5.000000e+00 : f32
    %eq3A_190 = vector.broadcast %eq3A_189 : f32 to vector<64x128xf32>
    %eq3A_191 = arith.cmpf oeq, %convert_element_type3A, %eq3A_190 : vector<64x128xf32>
    %convert_element_type3A_192 = arith.extui %eq3A_191 : vector<64x128xi1> to vector<64x128xi32>
    %convert_element_type3A_193 = arith.sitofp %convert_element_type3A_192 : vector<64x128xi32> to vector<64x128xf32>
    %dot_general3A_194 = arith.constant dense<0.000000e+00> : vector<64x128xf32>
    %dot_general3A_195 = tpu.matmul %convert_element_type3A_193, %convert_element_type3A_4, %dot_general3A_194 {dimension_numbers = #tpu.dot_dimension_numbers<[1], [0], [0], [1], [0, 0, 1, 1], [], []>, transpose_lhs_hint = false} : vector<64x128xf32>, vector<128x128xf32>, vector<64x128xf32> -> vector<64x128xf32>
    %reduce_sum3A_196 = arith.constant dense<0.000000e+00> : vector<64xf32>
    %reduce_sum3A_197 = vector.multi_reduction <add>, %convert_element_type3A_193, %reduce_sum3A_196 [1] : vector<64x128xf32> to vector<64xf32>
    %broadcast_in_dim3A_198 = vector.shape_cast %reduce_sum3A_197 : vector<64xf32> to vector<64x1xf32>
    %dot_general3A_199 = arith.constant dense<0.000000e+00> : vector<64x1xf32>
    %dot_general3A_200 = tpu.matmul %convert_element_type3A_9, %broadcast_in_dim3A_198, %dot_general3A_199 {dimension_numbers = #tpu.dot_dimension_numbers<[1], [0], [0], [1], [0, 0, 1, 1], [], []>, transpose_lhs_hint = false} : vector<64x64xf32>, vector<64x1xf32>, vector<64x1xf32> -> vector<64x1xf32>
    %add3A_201 = vector.broadcast %dot_general3A_200 : vector<64x1xf32> to vector<64x128xf32>
    %add3A_202 = arith.addf %dot_general3A_195, %add3A_201 : vector<64x128xf32>
    %mul3A_203 = arith.mulf %convert_element_type3A_193, %add3A_202 : vector<64x128xf32>
    %add3A_204 = arith.addf %add3A_169, %mul3A_203 : vector<64x128xf32>
    %mul3A_205 = vector.broadcast %add3A_183 : f32 to vector<64x128xf32>
    %mul3A_206 = arith.mulf %convert_element_type3A_193, %mul3A_205 : vector<64x128xf32>
    %add3A_207 = arith.addf %add3A_172, %mul3A_206 : vector<64x128xf32>
    %reduce_sum3A_208 = vector.shape_cast %convert_element_type3A_193 : vector<64x128xf32> to vector<1x64x128xf32>
    %reduce_sum3A_209 = arith.constant dense<0.000000e+00> : vector<1xf32>
    %reduce_sum3A_210 = vector.multi_reduction <add>, %reduce_sum3A_208, %reduce_sum3A_209 [1, 2] : vector<1x64x128xf32> to vector<1xf32>
    %reduce_sum3A_211 = vector.shape_cast %reduce_sum3A_210 : vector<1xf32> to vector<1x1x1xf32>
    %reduce_sum3A_212 = vector.extract %reduce_sum3A_211[0, 0, 0] : f32 from vector<1x1x1xf32>
    %div3A_213 = arith.constant 2.560000e+02 : f32
    %div3A_214 = arith.divf %reduce_sum3A_212, %div3A_213 : f32
    %ceil3A_215 = math.ceil %div3A_214 : f32
    %mul3A_216 = arith.constant 2.560000e+02 : f32
    %mul3A_217 = arith.mulf %ceil3A_215, %mul3A_216 : f32
    %add3A_218 = arith.addf %add3A_183, %mul3A_217 : f32
    %ge3A_219 = vector.broadcast %add3A_218 : f32 to vector<1x128xf32>
    %ge3A_220 = arith.cmpf oge, %mul3A_16, %ge3A_219 : vector<1x128xf32>
    %convert_element_type3A_221 = arith.extui %ge3A_220 : vector<1x128xi1> to vector<1x128xi32>
    %convert_element_type3A_222 = arith.sitofp %convert_element_type3A_221 : vector<1x128xi32> to vector<1x128xf32>
    %add3A_223 = arith.addf %add3A_188, %convert_element_type3A_222 : vector<1x128xf32>
    %eq3A_224 = arith.constant 6.000000e+00 : f32
    %eq3A_225 = vector.broadcast %eq3A_224 : f32 to vector<64x128xf32>
    %eq3A_226 = arith.cmpf oeq, %convert_element_type3A, %eq3A_225 : vector<64x128xf32>
    %convert_element_type3A_227 = arith.extui %eq3A_226 : vector<64x128xi1> to vector<64x128xi32>
    %convert_element_type3A_228 = arith.sitofp %convert_element_type3A_227 : vector<64x128xi32> to vector<64x128xf32>
    %dot_general3A_229 = arith.constant dense<0.000000e+00> : vector<64x128xf32>
    %dot_general3A_230 = tpu.matmul %convert_element_type3A_228, %convert_element_type3A_4, %dot_general3A_229 {dimension_numbers = #tpu.dot_dimension_numbers<[1], [0], [0], [1], [0, 0, 1, 1], [], []>, transpose_lhs_hint = false} : vector<64x128xf32>, vector<128x128xf32>, vector<64x128xf32> -> vector<64x128xf32>
    %reduce_sum3A_231 = arith.constant dense<0.000000e+00> : vector<64xf32>
    %reduce_sum3A_232 = vector.multi_reduction <add>, %convert_element_type3A_228, %reduce_sum3A_231 [1] : vector<64x128xf32> to vector<64xf32>
    %broadcast_in_dim3A_233 = vector.shape_cast %reduce_sum3A_232 : vector<64xf32> to vector<64x1xf32>
    %dot_general3A_234 = arith.constant dense<0.000000e+00> : vector<64x1xf32>
    %dot_general3A_235 = tpu.matmul %convert_element_type3A_9, %broadcast_in_dim3A_233, %dot_general3A_234 {dimension_numbers = #tpu.dot_dimension_numbers<[1], [0], [0], [1], [0, 0, 1, 1], [], []>, transpose_lhs_hint = false} : vector<64x64xf32>, vector<64x1xf32>, vector<64x1xf32> -> vector<64x1xf32>
    %add3A_236 = vector.broadcast %dot_general3A_235 : vector<64x1xf32> to vector<64x128xf32>
    %add3A_237 = arith.addf %dot_general3A_230, %add3A_236 : vector<64x128xf32>
    %mul3A_238 = arith.mulf %convert_element_type3A_228, %add3A_237 : vector<64x128xf32>
    %add3A_239 = arith.addf %add3A_204, %mul3A_238 : vector<64x128xf32>
    %mul3A_240 = vector.broadcast %add3A_218 : f32 to vector<64x128xf32>
    %mul3A_241 = arith.mulf %convert_element_type3A_228, %mul3A_240 : vector<64x128xf32>
    %add3A_242 = arith.addf %add3A_207, %mul3A_241 : vector<64x128xf32>
    %reduce_sum3A_243 = vector.shape_cast %convert_element_type3A_228 : vector<64x128xf32> to vector<1x64x128xf32>
    %reduce_sum3A_244 = arith.constant dense<0.000000e+00> : vector<1xf32>
    %reduce_sum3A_245 = vector.multi_reduction <add>, %reduce_sum3A_243, %reduce_sum3A_244 [1, 2] : vector<1x64x128xf32> to vector<1xf32>
    %reduce_sum3A_246 = vector.shape_cast %reduce_sum3A_245 : vector<1xf32> to vector<1x1x1xf32>
    %reduce_sum3A_247 = vector.extract %reduce_sum3A_246[0, 0, 0] : f32 from vector<1x1x1xf32>
    %div3A_248 = arith.constant 2.560000e+02 : f32
    %div3A_249 = arith.divf %reduce_sum3A_247, %div3A_248 : f32
    %ceil3A_250 = math.ceil %div3A_249 : f32
    %mul3A_251 = arith.constant 2.560000e+02 : f32
    %mul3A_252 = arith.mulf %ceil3A_250, %mul3A_251 : f32
    %add3A_253 = arith.addf %add3A_218, %mul3A_252 : f32
    %ge3A_254 = vector.broadcast %add3A_253 : f32 to vector<1x128xf32>
    %ge3A_255 = arith.cmpf oge, %mul3A_16, %ge3A_254 : vector<1x128xf32>
    %convert_element_type3A_256 = arith.extui %ge3A_255 : vector<1x128xi1> to vector<1x128xi32>
    %convert_element_type3A_257 = arith.sitofp %convert_element_type3A_256 : vector<1x128xi32> to vector<1x128xf32>
    %add3A_258 = arith.addf %add3A_223, %convert_element_type3A_257 : vector<1x128xf32>
    %eq3A_259 = arith.constant 7.000000e+00 : f32
    %eq3A_260 = vector.broadcast %eq3A_259 : f32 to vector<64x128xf32>
    %eq3A_261 = arith.cmpf oeq, %convert_element_type3A, %eq3A_260 : vector<64x128xf32>
    %convert_element_type3A_262 = arith.extui %eq3A_261 : vector<64x128xi1> to vector<64x128xi32>
    %convert_element_type3A_263 = arith.sitofp %convert_element_type3A_262 : vector<64x128xi32> to vector<64x128xf32>
    %dot_general3A_264 = arith.constant dense<0.000000e+00> : vector<64x128xf32>
    %dot_general3A_265 = tpu.matmul %convert_element_type3A_263, %convert_element_type3A_4, %dot_general3A_264 {dimension_numbers = #tpu.dot_dimension_numbers<[1], [0], [0], [1], [0, 0, 1, 1], [], []>, transpose_lhs_hint = false} : vector<64x128xf32>, vector<128x128xf32>, vector<64x128xf32> -> vector<64x128xf32>
    %reduce_sum3A_266 = arith.constant dense<0.000000e+00> : vector<64xf32>
    %reduce_sum3A_267 = vector.multi_reduction <add>, %convert_element_type3A_263, %reduce_sum3A_266 [1] : vector<64x128xf32> to vector<64xf32>
    %broadcast_in_dim3A_268 = vector.shape_cast %reduce_sum3A_267 : vector<64xf32> to vector<64x1xf32>
    %dot_general3A_269 = arith.constant dense<0.000000e+00> : vector<64x1xf32>
    %dot_general3A_270 = tpu.matmul %convert_element_type3A_9, %broadcast_in_dim3A_268, %dot_general3A_269 {dimension_numbers = #tpu.dot_dimension_numbers<[1], [0], [0], [1], [0, 0, 1, 1], [], []>, transpose_lhs_hint = false} : vector<64x64xf32>, vector<64x1xf32>, vector<64x1xf32> -> vector<64x1xf32>
    %add3A_271 = vector.broadcast %dot_general3A_270 : vector<64x1xf32> to vector<64x128xf32>
    %add3A_272 = arith.addf %dot_general3A_265, %add3A_271 : vector<64x128xf32>
    %mul3A_273 = arith.mulf %convert_element_type3A_263, %add3A_272 : vector<64x128xf32>
    %add3A_274 = arith.addf %add3A_239, %mul3A_273 : vector<64x128xf32>
    %mul3A_275 = vector.broadcast %add3A_253 : f32 to vector<64x128xf32>
    %mul3A_276 = arith.mulf %convert_element_type3A_263, %mul3A_275 : vector<64x128xf32>
    %add3A_277 = arith.addf %add3A_242, %mul3A_276 : vector<64x128xf32>
    %reduce_sum3A_278 = vector.shape_cast %convert_element_type3A_263 : vector<64x128xf32> to vector<1x64x128xf32>
    %reduce_sum3A_279 = arith.constant dense<0.000000e+00> : vector<1xf32>
    %reduce_sum3A_280 = vector.multi_reduction <add>, %reduce_sum3A_278, %reduce_sum3A_279 [1, 2] : vector<1x64x128xf32> to vector<1xf32>
    %reduce_sum3A_281 = vector.shape_cast %reduce_sum3A_280 : vector<1xf32> to vector<1x1x1xf32>
    %reduce_sum3A_282 = vector.extract %reduce_sum3A_281[0, 0, 0] : f32 from vector<1x1x1xf32>
    %div3A_283 = arith.constant 2.560000e+02 : f32
    %div3A_284 = arith.divf %reduce_sum3A_282, %div3A_283 : f32
    %ceil3A_285 = math.ceil %div3A_284 : f32
    %mul3A_286 = arith.constant 2.560000e+02 : f32
    %mul3A_287 = arith.mulf %ceil3A_285, %mul3A_286 : f32
    %add3A_288 = arith.addf %add3A_253, %mul3A_287 : f32
    %ge3A_289 = vector.broadcast %add3A_288 : f32 to vector<1x128xf32>
    %ge3A_290 = arith.cmpf oge, %mul3A_16, %ge3A_289 : vector<1x128xf32>
    %convert_element_type3A_291 = arith.extui %ge3A_290 : vector<1x128xi1> to vector<1x128xi32>
    %convert_element_type3A_292 = arith.sitofp %convert_element_type3A_291 : vector<1x128xi32> to vector<1x128xf32>
    %add3A_293 = arith.addf %add3A_258, %convert_element_type3A_292 : vector<1x128xf32>
    %add3A_294 = arith.addf %add3A_274, %add3A_277 : vector<64x128xf32>
    %convert_element_type3A_295 = arith.fptosi %add3A_294 : vector<64x128xf32> to vector<64x128xi32>
    %swap3A = arith.constant 0 : index
    %swap3A_296 = arith.constant 0 : index
    %swap3A_297 = vector.load %arg1[%swap3A, %swap3A_296] : memref<64x128xi32, #tpu.memory_space<vmem>>, vector<64x128xi32>
    tpu.vector_store %arg1[%swap3A, %swap3A_296], %convert_element_type3A_295 {strides = array<i32>} : memref<64x128xi32, #tpu.memory_space<vmem>>, vector<64x128xi32>,
    %min3A = arith.constant 7.000000e+00 : f32
    %min3A_298 = vector.broadcast %min3A : f32 to vector<1x128xf32>
    %min3A_299 = arith.minimumf %add3A_293, %min3A_298 : vector<1x128xf32>
    %convert_element_type3A_300 = arith.fptosi %min3A_299 : vector<1x128xf32> to vector<1x128xi32>
    %swap3A_301 = arith.constant 0 : index
    %swap3A_302 = arith.constant 0 : index
    %swap3A_303 = vector.load %arg2[%swap3A_301, %swap3A_302] : memref<1x128xi32, #tpu.memory_space<vmem>>, vector<1x128xi32>
    tpu.vector_store %arg2[%swap3A_301, %swap3A_302], %convert_element_type3A_300 {strides = array<i32>} : memref<1x128xi32, #tpu.memory_space<vmem>>, vector<1x128xi32>,
    return
  }
}

module attributes {stable_mosaic.version = 14 : i64} {
  func.func @_tc_gemm_body(%arg0: i32, %arg1: memref<40xi32, #tpu.memory_space<smem>>, %arg2: memref<256x2048xf32, #tpu.memory_space<vmem>>, %arg3: memref<1x1024x2048xf32, #tpu.memory_space<vmem>>, %arg4: memref<1x1024x2048xf32, #tpu.memory_space<vmem>>, %arg5: memref<1x2048x1024xf32, #tpu.memory_space<vmem>>, %arg6: memref<256x2048xf32, #tpu.memory_space<vmem>>) attributes {dimension_semantics = [#tpu.dimension_semantics<arbitrary>], iteration_bounds = array<i64: 40>, scalar_prefetch = 1 : i64, scratch_operands = 0 : i64, tpu.core_type = #tpu.core_type<tc>, window_params = [{transform_indices = @transform_0, window_bounds = array<i64: 256, 2048>}, {transform_indices = @transform_1, window_bounds = array<i64: 1, 1024, 2048>}, {transform_indices = @transform_2, window_bounds = array<i64: 1, 1024, 2048>}, {transform_indices = @transform_3, window_bounds = array<i64: 1, 2048, 1024>}, {transform_indices = @transform_4, window_bounds = array<i64: 256, 2048>}]} {
    %get3A = arith.constant 0 : index
    %get3A_0 = arith.constant 0 : index
    %get3A_1 = vector.load %arg2[%get3A, %get3A_0] : memref<256x2048xf32, #tpu.memory_space<vmem>>, vector<256x2048xf32>
    %get3A_2 = arith.constant 0 : index
    %get3A_3 = arith.constant 0 : index
    %get3A_4 = arith.constant 0 : index
    %get3A_5 = vector.load %arg3[%get3A_2, %get3A_3, %get3A_4] : memref<1x1024x2048xf32, #tpu.memory_space<vmem>>, vector<1x1024x2048xf32>
    %get3A_6 = vector.shape_cast %get3A_5 : vector<1x1024x2048xf32> to vector<1024x2048xf32>
    %get3A_7 = arith.constant 0 : index
    %get3A_8 = arith.constant 0 : index
    %get3A_9 = arith.constant 0 : index
    %get3A_10 = vector.load %arg4[%get3A_7, %get3A_8, %get3A_9] : memref<1x1024x2048xf32, #tpu.memory_space<vmem>>, vector<1x1024x2048xf32>
    %get3A_11 = vector.shape_cast %get3A_10 : vector<1x1024x2048xf32> to vector<1024x2048xf32>
    %dot_general3A = arith.constant dense<0.000000e+00> : vector<256x1024xf32>
    %dot_general3A_12 = tpu.matmul %get3A_1, %get3A_6, %dot_general3A {dimension_numbers = #tpu.dot_dimension_numbers<[1], [1], [0], [0], [0, 0, 1, 0], [], []>, transpose_lhs_hint = false} : vector<256x2048xf32>, vector<1024x2048xf32>, vector<256x1024xf32> -> vector<256x1024xf32>
    %dot_general3A_13 = arith.constant dense<0.000000e+00> : vector<256x1024xf32>
    %dot_general3A_14 = tpu.matmul %get3A_1, %get3A_11, %dot_general3A_13 {dimension_numbers = #tpu.dot_dimension_numbers<[1], [1], [0], [0], [0, 0, 1, 0], [], []>, transpose_lhs_hint = false} : vector<256x2048xf32>, vector<1024x2048xf32>, vector<256x1024xf32> -> vector<256x1024xf32>
    %logistic3A = arith.negf %dot_general3A_12 : vector<256x1024xf32>
    %logistic3A_15 = math.exp %logistic3A : vector<256x1024xf32>
    %logistic3A_16 = arith.constant 1.000000e+00 : f32
    %logistic3A_17 = vector.broadcast %logistic3A_16 : f32 to vector<256x1024xf32>
    %logistic3A_18 = arith.addf %logistic3A_17, %logistic3A_15 : vector<256x1024xf32>
    %logistic3A_19 = arith.divf %logistic3A_17, %logistic3A_18 : vector<256x1024xf32>
    %mul3A = arith.mulf %dot_general3A_12, %logistic3A_19 : vector<256x1024xf32>
    %mul3A_20 = arith.mulf %mul3A, %dot_general3A_14 : vector<256x1024xf32>
    %get3A_21 = arith.constant 0 : index
    %get3A_22 = arith.constant 0 : index
    %get3A_23 = arith.constant 0 : index
    %get3A_24 = vector.load %arg5[%get3A_21, %get3A_22, %get3A_23] : memref<1x2048x1024xf32, #tpu.memory_space<vmem>>, vector<1x2048x1024xf32>
    %get3A_25 = vector.shape_cast %get3A_24 : vector<1x2048x1024xf32> to vector<2048x1024xf32>
    %dot_general3A_26 = arith.constant dense<0.000000e+00> : vector<256x2048xf32>
    %dot_general3A_27 = tpu.matmul %mul3A_20, %get3A_25, %dot_general3A_26 {dimension_numbers = #tpu.dot_dimension_numbers<[1], [1], [0], [0], [0, 0, 1, 0], [], []>, transpose_lhs_hint = false} : vector<256x1024xf32>, vector<2048x1024xf32>, vector<256x2048xf32> -> vector<256x2048xf32>
    %swap3A = arith.constant 0 : index
    %swap3A_28 = arith.constant 0 : index
    %swap3A_29 = vector.load %arg6[%swap3A, %swap3A_28] : memref<256x2048xf32, #tpu.memory_space<vmem>>, vector<256x2048xf32>
    tpu.vector_store %arg6[%swap3A, %swap3A_28], %dot_general3A_27 {strides = array<i32>} : memref<256x2048xf32, #tpu.memory_space<vmem>>, vector<256x2048xf32>,
    return
  }
  func.func @transform_0(%arg0: i32, %arg1: memref<40xi32, #tpu.memory_space<smem>>) -> (i32, i32) {
    %c0_i32 = arith.constant 0 : i32
    %c0_i32_0 = arith.constant 0 : i32
    return %arg0, %c0_i32 : i32, i32
  }
  func.func @transform_1(%arg0: i32, %arg1: memref<40xi32, #tpu.memory_space<smem>>) -> (i32, i32, i32) {
    %get3A = arith.index_cast %arg0 : i32 to index
    %get3A_0 = memref.load %arg1[%get3A] : memref<40xi32, #tpu.memory_space<smem>>
    %c0_i32 = arith.constant 0 : i32
    %c0_i32_1 = arith.constant 0 : i32
    %c0_i32_2 = arith.constant 0 : i32
    return %get3A_0, %c0_i32, %c0_i32_1 : i32, i32, i32
  }
  func.func @transform_2(%arg0: i32, %arg1: memref<40xi32, #tpu.memory_space<smem>>) -> (i32, i32, i32) {
    %get3A = arith.index_cast %arg0 : i32 to index
    %get3A_0 = memref.load %arg1[%get3A] : memref<40xi32, #tpu.memory_space<smem>>
    %c1_i32 = arith.constant 1 : i32
    %c0_i32 = arith.constant 0 : i32
    %c0_i32_1 = arith.constant 0 : i32
    return %get3A_0, %c1_i32, %c0_i32 : i32, i32, i32
  }
  func.func @transform_3(%arg0: i32, %arg1: memref<40xi32, #tpu.memory_space<smem>>) -> (i32, i32, i32) {
    %get3A = arith.index_cast %arg0 : i32 to index
    %get3A_0 = memref.load %arg1[%get3A] : memref<40xi32, #tpu.memory_space<smem>>
    %c0_i32 = arith.constant 0 : i32
    %c0_i32_1 = arith.constant 0 : i32
    %c0_i32_2 = arith.constant 0 : i32
    return %get3A_0, %c0_i32, %c0_i32_1 : i32, i32, i32
  }
  func.func @transform_4(%arg0: i32, %arg1: memref<40xi32, #tpu.memory_space<smem>>) -> (i32, i32) {
    %c0_i32 = arith.constant 0 : i32
    %c0_i32_0 = arith.constant 0 : i32
    return %arg0, %c0_i32 : i32, i32
  }
}

</mosaic_0001>

<sc_bundles>
// kernel: kernel.6.cloned.1.call-start
scs
__scs_entry_jumppad:
0x0: {  	(pc) =	sbr.rel $0x88, $3  }
0x1: {  	(tag) =	ssettag $0x0;
	lr =	simm.s32 $0x1  }
0x2: {  	[smem:$0x3F9C] =	sst lr;
	_ =	strace $0xD0000000  }
0x3: {  	_ = 	snop  }
0x4: {  	_ = 	snop  }
0x5: {  	_ = 	snop  }
0x6: {  	_ = 	snop  }
0x7: {  	_ = 	snop  }
__scs_overlays_trampoline_lowered:
0x8: {  	[smem:$0x3FAB] =	sst s0  }
0x9: {  	[smem:$0x3FAC] =	sst s1  }
0xa: {  	[smem:$0x3FAD] =	sst s2  }
0xb: {  	[smem:$0x3FAE] =	sst s3  }
0xc: {  	[smem:$0x3FAF] =	sst s4  }
0xd: {  	[smem:$0x3FB0] =	sst s5  }
0xe: {  	[smem:$0x3FB1] =	sst s6  }
0xf: {  	[smem:$0x3FB2] =	sst s7  }
0x10: {  	[smem:$0x3FB3] =	sst s8  }
0x11: {  	[smem:$0x3FB4] =	sst s9;
	s0 =	simm.s32 @!p0 $0x0  }
0x12: {  	s1 =	sld [smem:$0x3F9A];
	s0 =	simm.s32 @p0 $0x1  }
0x13: {  	[smem:$0x3FB5] =	sst s0;
	s0 =	simm.s32 @!p1 $0x0  }
0x14: {  	s2 =	sld [smem:$0x3F99];
	s0 =	simm.s32 @p1 $0x1  }
0x15: {  	[smem:$0x3FB6] =	sst s0;
	s0 =	simm.s32 @!p2 $0x0  }
0x16: {  	s3 =	sld [smem:$0x3FDB];
	s0 =	simm.s32 @p2 $0x1  }
0x17: {  	s4 =	simm.s32 $0x1BF5;
	[smem:$0x3FB8] =	sst s0  }
0x18: {  	s0 =	sld [smem:$0x3F9B];
	_ =	swait.ge [sflag:s4], $0x0  }
0x19: {  	s7 =	sld [smem:$0x3F9C]  }
0x1a: {  	s8 =	sadd.s32 $0xFFFFE003, lr  }
0x1b: {  	s9 =	sadd.s32 $0xFFFFFEF7, lr;
	s5 =	simm.s32 $0xFFFFFFFF;
	p2 =	slt.u32 s8, $0xFFFFF086  }
0x1c: {  	p1 =	slt.u32 s9, $0xF7A;
	s5 =	simm.s32 @!p2 $0x0  }
0x1d: {  	s5 =	simm.s32 @p1 $0x1;
	p0 =	seq.s32 s7, s2  }
0x1e: {  	s7 =	smul.u32 @!p0 $0xF7A, s2;
	p2 =	seq.s32 @!p0 s5, $0x0  }
0x1f: {  	s9 =	smul.u32 $0xF7A, s1;
	s8 =	simm.s32 @!p0 $0x1BF5;
	p2 =	por !p2, p0  }
0x20: {  	[sflag:s8] =	ssyncset.s32 @!p0 $0xFFFFF086;
	s6 =	sadd.s32 @!p0 s3, s7;
	s7 =	simm.s32 @!p0 $0x108  }
0x21: {  	s3 =	sadd.s32 s3, s9;
	s6 =	sadd.s32 @!p0 $0x88, s6;
	s7 =	simm.s32 @p2 $0x1082  }
0x22: {  	[simem:s7], [sflag:s8] =	dma.local @!p0 [hbm:s6], $0xF7A  }
0x23: {  	s9 =	sor.u32 $0xD0000000, s2;
	s6 =	simm.s32 $0x108;
	_ =	swait.ge @!p0 [sflag:s8], $0x0  }
0x24: {  	s3 =	sadd.s32 $0x88, s3;
	s6 =	simm.s32 @!p1 $0x1082;
	[sflag:s4] =	ssyncset.s32 $0xFFFFF086  }
0x25: {  	[simem:s6], [sflag:s4] =	dma.local [hbm:s3], $0xF7A  }
0x26: {  	[smem:$0x3F9C] =	sst s1;
	(tag) =	ssettag s2;
	_ =	strace s9  }
0x27: {  	s1 =	sld [smem:$0x3FAC]  }
0x28: {  	s2 =	sld [smem:$0x3FAD]  }
0x29: {  	s4 =	sld [smem:$0x3FAF]  }
0x2a: {  	p0 =	seq.s32 s5, $0x0;
	s5 =	sld [smem:$0x3FB0]  }
0x2b: {  	s6 =	sld [smem:$0x3FB1]  }
0x2c: {  	s7 =	sld [smem:$0x3FB2]  }
0x2d: {  	s3 =	simm.s32 $0x108;
	s8 =	sld [smem:$0x3FB3]  }
0x2e: {  	s3 =	simm.s32 @!p0 $0x1082;
	s9 =	sld [smem:$0x3FB4]  }
0x2f: {  	lr =	sadd.s32 s0, s3;
	s0 =	sld [smem:$0x3FAB]  }
0x30: {  	s3 =	sld [smem:$0x3FAE]  }
0x31: {  	[smem:$0x3FB7] =	sst s10  }
0x32: {  	s10 =	sld [smem:$0x3FB5];
	_ =	sdelay $0x3  }
0x33: {  	p0 =	seq.s32 s10, $0x1;
	s10 =	sld [smem:$0x3FB7];
	_ =	sdelay $0x3  }
0x34: {  	[smem:$0x3FB7] =	sst s10  }
0x35: {  	s10 =	sld [smem:$0x3FB6];
	_ =	sdelay $0x3  }
0x36: {  	p1 =	seq.s32 s10, $0x1;
	s10 =	sld [smem:$0x3FB7];
	_ =	sdelay $0x3  }
0x37: {  	[smem:$0x3FB7] =	sst s10  }
0x38: {  	s10 =	sld [smem:$0x3FB8]  }
0x39: {  	_ = 	snop;
	(pc) =	sbr.ind lr, $3  }
0x3a: {  	_ = 	snop  }
0x3b: {  	_ = 	snop  }
0x3c: {  	p2 =	seq.s32 s10, $0x1;
	s10 =	sld [smem:$0x3FB7]  }
0x3d: {  	_ =	shalt  }
0x3e: {  	_ =	shalt  }
0x3f: {  	_ =	shalt  }
0x40: {  	_ =	shalt  }
0x41: {  	_ =	shalt  }
0x42: {  	_ =	shalt  }
0x43: {  	_ =	shalt  }
0x44: {  	_ =	shalt  }
0x45: {  	_ =	shalt  }
0x46: {  	_ =	shalt  }
0x47: {  	_ =	shalt  }
0x48: {  	_ =	shalt  }
0x49: {  	_ =	shalt  }
0x4a: {  	_ =	shalt  }
0x4b: {  	_ =	shalt  }
0x4c: {  	_ =	shalt  }
0x4d: {  	_ =	shalt  }
0x4e: {  	_ =	shalt  }
0x4f: {  	_ =	shalt  }
0x50: {  	_ =	shalt  }
0x51: {  	_ =	shalt  }
0x52: {  	_ =	shalt  }
0x53: {  	_ =	shalt  }
0x54: {  	_ =	shalt  }
0x55: {  	_ =	shalt  }
0x56: {  	_ =	shalt  }
0x57: {  	_ =	shalt  }
0x58: {  	_ =	shalt  }
0x59: {  	_ =	shalt  }
0x5a: {  	_ =	shalt  }
0x5b: {  	_ =	shalt  }
0x5c: {  	_ =	shalt  }
0x5d: {  	_ =	shalt  }
0x5e: {  	_ =	shalt  }
0x5f: {  	_ =	shalt  }
0x60: {  	_ =	shalt  }
0x61: {  	_ =	shalt  }
0x62: {  	_ =	shalt  }
0x63: {  	_ =	shalt  }
0x64: {  	_ =	shalt  }
0x65: {  	_ =	shalt  }
0x66: {  	_ =	shalt  }
0x67: {  	_ =	shalt  }
0x68: {  	_ =	shalt  }
0x69: {  	_ =	shalt  }
0x6a: {  	_ =	shalt  }
0x6b: {  	_ =	shalt  }
0x6c: {  	_ =	shalt  }
0x6d: {  	_ =	shalt  }
0x6e: {  	_ =	shalt  }
0x6f: {  	_ =	shalt  }
0x70: {  	_ =	shalt  }
0x71: {  	_ =	shalt  }
0x72: {  	_ =	shalt  }
0x73: {  	_ =	shalt  }
0x74: {  	_ =	shalt  }
0x75: {  	_ =	shalt  }
0x76: {  	_ =	shalt  }
0x77: {  	_ =	shalt  }
0x78: {  	_ =	shalt  }
0x79: {  	_ =	shalt  }
0x7a: {  	_ =	shalt  }
0x7b: {  	_ =	shalt  }
0x7c: {  	_ =	shalt  }
0x7d: {  	_ =	shalt  }
0x7e: {  	_ =	shalt  }
0x7f: {  	_ =	shalt  }
0x80: {  	_ =	shalt  }
0x81: {  	_ =	shalt  }
0x82: {  	_ =	shalt  }
0x83: {  	_ =	shalt  }
0x84: {  	_ =	shalt  }
0x85: {  	_ =	shalt  }
0x86: {  	_ =	shalt  }
0x87: {  	_ =	shalt  }
.Lfunc_end0:
.L_simem_size_0:
called_computation_lowered:
.L_overlay_start_0:
0x88: {  	s2 =	sld [smem:$0x3FD9]  }
0x89: {  	s3 =	sld [smem:$0x3FFE];
	_ =	sdelay $0x1  }
0x8a: {  	s1 =	srdreg.scid  }
0x8b: {  	s0 =	sand.u32 $0x1, s1  }
0x8c: {  	s17 =	sshll.u32 s0, $0xA;
	s2 =	sadd.s32 s3, s2  }
0x8d: {  	s2 =	sadd.s32 s2, s17  }
0x8e: {  	[smem:$0x3FC3] =	sst s2  }
0x8f: {  	_ = 	snop  }
0x90: {  	s2 =	sld [smem:$0x3FC9];
	(tm) =	ssettm $0x1  }
0x91: {  	s18 =	sld [smem:$0x3FFB];
	_ =	sdelay $0x3  }
0x92: {  	_ =	strace s18  }
0x93: {  	s3 =	sld [smem:$0x3FFC];
	_ =	sdelay $0x3  }
0x94: {  	_ =	strace s3  }
0x95: {  	s3 =	sld [smem:$0x3FFD];
	_ =	sdelay $0x3  }
0x96: {  	_ =	strace s3  }
0x97: {  	_ =	strace $0x8FFFFFFF  }
0x98: {  	s19 =	sld [smem:$0x3FDB];
	_ =	sdelay $0x1  }
0x99: {  	s4 =	simm.s32 $_scs_section_size  }
0x9a: {  	s5 =	simm.s32 $_size__tile_overlayer_lowered;
	s6 =	simm.s32 $_tile_overlayer_lowered  }
0x9b: {  	s22 =	simm.s32 $0x1BFF;
	s21 =	sshll.u32 s6, $0x1;
	s3 =	sadd.s32 s4, s19  }
0x9c: {  	s7 =	simm.s32 $0x0;
	s20 =	sshll.u32 s5, $0x1;
	s5 =	sadd.s32 s21, s3  }
0x9d: {  	[timem:s7], [sflag:s22] =	dma.local [hbm:s5], s20  }
0x9e: {  	_ =	swait.ge [sflag:s22], s20  }
0x9f: {  	s4 =	ssub.s32 $0x0, s20;
	[sflag:s22] =	ssyncset.done $0x0  }
0xa0: {  	[sflag:s22] =	ssyncadd.s32 s4;
	_ =	sdelay $0x1  }
0xa1: {  	s23 =	simm.s32 $0x1B8B  }
0xa2: {  	_ =	swait.ge [sflag:s23], $0x1  }
0xa3: {  	[sflag:s23] =	ssyncset.done $0x0  }
0xa4: {  	s25 =	simm.s32 $0x1B8E;
	s24 =	sld [smem:$0x3FFE];
	[sflag:s23] =	ssyncadd.s32 $0xFFFFFFFF  }
0xa5: {  	s26 =	simm.s32 $execute0_lowered;
	[smem:$0x3FD2] =	sst s25  }
0xa6: {  	s5 =	sshll.u32 s26, $0x1;
	_ =	strace $0x80000046;
	[dreg:$0x1] =	wrdreg $0xFFFFFFFF  }
0xa7: {  	s28 =	simm.s32 $_size_execute0_lowered;
	s3 =	sadd.s32 s3, s5;
	[dreg:$0x0] =	wrdreg $0x0  }
0xa8: {  	s5 =	sshll.u32 s28, $0x1;
	[dreg:$0x2] =	wrdreg s3  }
0xa9: {  	[dreg:$0x3] =	wrdreg s5  }
0xaa: {  	[dreg:$0x4] =	wrdreg $0xC0  }
0xab: {  	_ =	task [dreg:s7], $0x5FFFF  }
0xac: {  	[dreg:$0x1] =	wrdreg $0xFFFFFFFF  }
0xad: {  	[dreg:$0x0] =	wrdreg $0x60  }
0xae: {  	[dreg:$0x2] =	wrdreg s2  }
0xaf: {  	[dreg:$0x3] =	wrdreg s24  }
0xb0: {  	[dreg:$0x4] =	wrdreg $0x9  }
0xb1: {  	_ =	task.clear_ibuf [dreg:s7], $0x5FFFF;
	_ =	strace $0x90000046  }
0xb2: {  	s29 =	simm.s32 $0x9;
	_ =	strace $0x80000048  }
0xb3: {  	_ =	swait.ge [sflag:s29], $0x1  }
0xb4: {  	[sflag:s29] =	ssyncadd.s32 $0xFFFFFFFF  }
0xb5: {  	_ =	strace $0x90000048  }
0xb6: {  	_ =	sfence  }
0xb7: {  	s30 =	sld [smem:$0x0];
	_ =	sdelay $0x2  }
0xb8: {  	s31 =	sshll.u32 s1, $0xD;
	s1 =	sshrl.u32 s1, $0x2  }
0xb9: {  	s3 =	sand.u32 $0x4000, s31;
	s1 =	sadd.s32 s1, s30  }
0xba: {  	s0 =	sor.u32 s3, s0;
	s1 =	sshll.u32 s1, $0x11  }
0xbb: {  	s0 =	sor.u32 s1, s0  }
0xbc: {  	s0 =	sadd.s32 $0x8F2B, s0  }
0xbd: {  	[sflag:s0] =	ssyncadd.remote.s32 $0x1  }
0xbe: {  	_ =	sfence.sel $0xFFFF  }
0xbf: {  	[dreg:$0x0] =	wrdreg $0xFFFFFFFF;
	(pc) =	sbr.abs _section_cstart, $3  }
0xc0: {  	[dreg:$0x1] =	wrdreg $0xFFFFFFFF  }
0xc1: {  	_ =	task.clear_ibuf [dreg:s7], $0x2FFFF;
	_ =	strace $0x9FFFFFFF  }
0xc2: {  	(tm) =	ssettm $0x7FFFFFFF  }
0xc3: {  	_ =	shalt  }
tec
execute0_lowered:
.L_overlay_start_1:
0x0: {  	(tag) =	ssettag $0x1  }
0x1: {  	s0 =	rddreg [dreg:$0x0]  }
0x2: {  	s3 =	stileid.u32;
	s1 =	srdreg.scid  }
0x3: {  	s4 =	rddreg [dreg:$0x1];
	s31 =	simm.s32 $0x80;
	s12 =	simm.s32 $0x400  }
0x4: {  	s1 =	sand.u32 $0x1, s1;
	s2 =	sshll.u32 s3, $0x1;
	s3 =	sshll.u32 s3, $0x6  }
0x5: {  	s7 =	sadd.s32 $0x1300, s4;
	s8 =	sadd.s32 $0x1400, s4;
	s10 =	sadd.s32 $0x1600, s4  }
0x6: {  	s11 =	sadd.s32 $0x1700, s4;
	s5 =	sor.u32 s1, s2;
	s2 =	simm.s32 $0x0  }
0x7: {  	s3 =	sand.u32 $0x300, s3;
	s6 =	sshll.u32 s5, $0x4;
	[smem:$0x7FF] =	sst s2  }
0x8: {  	s5 =	sshll.u32 s5, $0xF;
	_ =	strace $0x80000047;
	[dreg:$0xb] =	wrdreg s31  }
0x9: {  	s21 =	ssub.s32 $0x2, s1;
	s9 =	sadd.s32 s0, s5;
	[dreg:$0xc] =	wrdreg s12  }
0xa: {  	s3 =	sadd.s32 s3, s4;
	s22 =	sadd.s32 $0x1000, s9;
	[dreg:$0xd] =	wrdreg s9  }
0xb: {  	v18 =	vlaneseq.u32;
	s23 =	sshrl.u32 s21, $0x1;
	s24 =	sadd.s32 $0x2000, s9;
	[dreg:$0x4] =	wrdreg s22  }
0xc: {  	vm0 =	vmmov $0xffff;
	v0 =	vmul.u32 $0x2, v18;
	v17 =	vshrl.u32 v18, $0x3;
	s6 =	sand.u32 $0x70, s6;
	s25 =	sadd.s32 $0x3000, s9;
	[dreg:$0x5] =	wrdreg s24  }
0xd: {  	v16 =	vand.u32 $0x7, v18;
	v18 =	vor.u32 $0x8, v18;
	v17 =	vmul.u32 $0x8, v17;
	s0 =	ssub.s32 s21, s23;
	s26 =	sadd.s32 $0x4000, s9;
	[dreg:$0x6] =	wrdreg s25  }
0xe: {  	v1 =	vor.u32 $0x1, v0;
	v2 =	vor.u32 $0x20, v0;
	v3 =	vor.u32 $0x21, v0;
	s5 =	sadd.s32 $0x1100, s4;
	s28 =	sadd.s32 $0x5000, s9;
	[dreg:$0x7] =	wrdreg s26  }
0xf: {  	v4 =	vor.u32 $0x40, v0;
	v5 =	vor.u32 $0x41, v0;
	v6 =	vor.u32 $0x60, v0;
	s6 =	sadd.s32 s6, s3;
	s29 =	sadd.s32 $0x6000, s9;
	[dreg:$0x8] =	wrdreg s28  }
0x10: {  	v7 =	vor.u32 $0x61, v0;
	v8 =	vor.u32 $0x80, v0;
	v9 =	vor.u32 $0x81, v0;
	s3 =	sadd.s32 $0x1000, s4;
	s30 =	sadd.s32 $0x7000, s9;
	[dreg:$0x9] =	wrdreg s29  }
0x11: {  	v10 =	vor.u32 $0xA0, v0;
	v11 =	vor.u32 $0xA1, v0;
	v12 =	vor.u32 $0xC0, v0;
	s9 =	sadd.s32 $0x1500, s4;
	s6 =	sadd.s32 $0xC00, s6;
	[dreg:$0xa] =	wrdreg s30  }
0x12: {  	v13 =	vor.u32 $0xC1, v0;
	v14 =	vor.u32 $0xE0, v0;
	v15 =	vor.u32 $0xE1, v0;
	s0 =	smax.u32 s0, $0x1;
	[dreg:$0x3] =	wrdreg s6;
	s6 =	sadd.s32 $0x1200, s4  }
.LBB2_1:
0x13: {  	[dreg:$0xe] =	wrdreg s0  }
0x14: {  	s19 =	rddreg [dreg:$0x3]  }
0x15: {  	s20 =	rddreg [dreg:$0xb]  }
0x16: {  	s21 =	rddreg [dreg:$0xc];
	s22 =	simm.s32 $0x7  }
0x17: {  	[tilespmem:s2], [sflag:$0x7] =	stream.strided.gather [hbm4b:s19+s20], $0x100, s21, s20, $0x38;
	[tilespmem:$0x10900] =	vst v63  }
0x18: {  	_ =	swait.ge [sflag:s22], $0x100  }
0x19: {  	[sflag:s22] =	ssyncset.done $0x0  }
0x1a: {  	[sflag:s22] =	ssyncadd.s32 $0xFFFFFF00  }
0x1b: {  	v19 =	vld.idx.msk [tilespmem:v0+s2+$0x0], $0xffff;
	_ =	sdelay $0x4  }
0x1c: {  	[tilespmem:$0x100] =	vst v19  }
0x1d: {  	v19 =	vld.idx.msk [tilespmem:v1+s2+$0x0], $0xffff;
	_ =	sdelay $0x4  }
0x1e: {  	[tilespmem:$0x500] =	vst v19  }
0x1f: {  	v19 =	vld.idx.msk [tilespmem:v2+s2+$0x0], $0xffff;
	_ =	sdelay $0x4  }
0x20: {  	[tilespmem:$0x180] =	vst v19  }
0x21: {  	v19 =	vld.idx.msk [tilespmem:v3+s2+$0x0], $0xffff;
	_ =	sdelay $0x4  }
0x22: {  	[tilespmem:$0x580] =	vst v19  }
0x23: {  	v19 =	vld.idx.msk [tilespmem:v4+s2+$0x0], $0xffff;
	_ =	sdelay $0x4  }
0x24: {  	[tilespmem:$0x200] =	vst v19  }
0x25: {  	v19 =	vld.idx.msk [tilespmem:v5+s2+$0x0], $0xffff;
	_ =	sdelay $0x4  }
0x26: {  	[tilespmem:$0x600] =	vst v19  }
0x27: {  	v19 =	vld.idx.msk [tilespmem:v6+s2+$0x0], $0xffff;
	_ =	sdelay $0x4  }
0x28: {  	[tilespmem:$0x280] =	vst v19  }
0x29: {  	v19 =	vld.idx.msk [tilespmem:v7+s2+$0x0], $0xffff;
	_ =	sdelay $0x4  }
0x2a: {  	[tilespmem:$0x680] =	vst v19  }
0x2b: {  	v19 =	vld.idx.msk [tilespmem:v8+s2+$0x0], $0xffff;
	_ =	sdelay $0x4  }
0x2c: {  	[tilespmem:$0x300] =	vst v19  }
0x2d: {  	v19 =	vld.idx.msk [tilespmem:v9+s2+$0x0], $0xffff;
	_ =	sdelay $0x4  }
0x2e: {  	[tilespmem:$0x700] =	vst v19  }
0x2f: {  	v19 =	vld.idx.msk [tilespmem:v10+s2+$0x0], $0xffff;
	_ =	sdelay $0x4  }
0x30: {  	[tilespmem:$0x380] =	vst v19  }
0x31: {  	v19 =	vld.idx.msk [tilespmem:v11+s2+$0x0], $0xffff;
	_ =	sdelay $0x4  }
0x32: {  	[tilespmem:$0x780] =	vst v19  }
0x33: {  	v19 =	vld.idx.msk [tilespmem:v12+s2+$0x0], $0xffff;
	_ =	sdelay $0x4  }
0x34: {  	[tilespmem:$0x400] =	vst v19  }
0x35: {  	v19 =	vld.idx.msk [tilespmem:v13+s2+$0x0], $0xffff;
	_ =	sdelay $0x4  }
0x36: {  	[tilespmem:$0x800] =	vst v19  }
0x37: {  	v19 =	vld.idx.msk [tilespmem:v14+s2+$0x0], $0xffff;
	_ =	sdelay $0x4  }
0x38: {  	[tilespmem:$0x480] =	vst v19  }
0x39: {  	v19 =	vld.idx.msk [tilespmem:v15+s2+$0x0], $0xffff;
	_ =	sdelay $0x4  }
0x3a: {  	s24 =	simm.s32 $0x900;
	s25 =	simm.s32 $0x1;
	s23 =	rddreg [dreg:$0xd];
	[tilespmem:$0x880] =	vst v19  }
0x3b: {  	[tilespmem:s24], [sflag:$0x1] =	stream.linear.gather [hbm4b:s23+s2], $0x8000, $0x38;
	[tilespmem:$0x10900] =	vst v63  }
0x3c: {  	_ =	swait.ge [sflag:s25], $0x8000  }
0x3d: {  	[sflag:s25] =	ssyncset.done $0x0  }
0x3e: {  	s28 =	simm.s32 $0x8900;
	s26 =	rddreg [dreg:$0x4];
	[sflag:s25] =	ssyncadd.s32 $0xFFFF8000  }
0x3f: {  	[tilespmem:s28], [sflag:$0x2] =	stream.linear.gather [hbm4b:s26+s2], $0x8000, $0x38;
	[tilespmem:$0x10900] =	vst v63  }
0x40: {  	v19 =	vld [tilespmem:$0x100];
	_ =	sdelay $0x4  }
0x41: {  	v20 =	vshll.u32 v19, $0x4  }
0x42: {  	v19 =	vand.u32 $0x7, v19;
	v20 =	vand.u32 $0xFFFFFF80, v20  }
0x43: {  	v19 =	vor.u32 v19, v20  }
0x44: {  	v20 =	vperm.xlane v19, v16;
	_ =	sdelay $0x1  }
0x45: {  	v20 =	vadd.s32 v17, v20;
	_ =	sdelay $0x3  }
0x46: {  	s1 =	simm.s32 $0x900  }
0x47: {  	[hbm4b:s3+s2] =	stream.indirect_vreg.scatter [tilespmem:s1], [sflag:$0x3], $0x80, v20, vm0, $0xb8;
	[tilespmem:$0x10900] =	vst v63  }
0x48: {  	s29 =	simm.s32 $0x1100  }
0x49: {  	[hbm4b:s5+s2] =	stream.indirect_vreg.scatter [tilespmem:s29], [sflag:$0x3], $0x80, v20, vm0, $0xb8;
	[tilespmem:$0x10900] =	vst v63  }
0x4a: {  	s30 =	simm.s32 $0x1900  }
0x4b: {  	[hbm4b:s6+s2] =	stream.indirect_vreg.scatter [tilespmem:s30], [sflag:$0x3], $0x80, v20, vm0, $0xb8;
	[tilespmem:$0x10900] =	vst v63  }
0x4c: {  	s31 =	simm.s32 $0x2100  }
0x4d: {  	[hbm4b:s7+s2] =	stream.indirect_vreg.scatter [tilespmem:s31], [sflag:$0x3], $0x80, v20, vm0, $0xb8;
	[tilespmem:$0x10900] =	vst v63  }
0x4e: {  	s4 =	simm.s32 $0x2900  }
0x4f: {  	[hbm4b:s8+s2] =	stream.indirect_vreg.scatter [tilespmem:s4], [sflag:$0x3], $0x80, v20, vm0, $0xb8;
	[tilespmem:$0x10900] =	vst v63  }
0x50: {  	s12 =	simm.s32 $0x3100;
	v19 =	vperm.xlane v19, v18  }
0x51: {  	[hbm4b:s9+s2] =	stream.indirect_vreg.scatter [tilespmem:s12], [sflag:$0x3], $0x80, v20, vm0, $0xb8;
	[tilespmem:$0x10900] =	vst v63  }
0x52: {  	s17 =	simm.s32 $0x3900;
	v19 =	vadd.s32 v17, v19  }
0x53: {  	[hbm4b:s10+s2] =	stream.indirect_vreg.scatter [tilespmem:s17], [sflag:$0x3], $0x80, v20, vm0, $0xb8;
	[tilespmem:$0x10900] =	vst v63  }
0x54: {  	s18 =	simm.s32 $0x4100  }
0x55: {  	[hbm4b:s11+s2] =	stream.indirect_vreg.scatter [tilespmem:s18], [sflag:$0x3], $0x80, v20, vm0, $0xb8;
	[tilespmem:$0x10900] =	vst v63  }
0x56: {  	s19 =	simm.s32 $0x4900  }
0x57: {  	[hbm4b:s3+s2] =	stream.indirect_vreg.scatter [tilespmem:s19], [sflag:$0x3], $0x80, v19, vm0, $0xb8;
	[tilespmem:$0x10900] =	vst v63  }
0x58: {  	s21 =	simm.s32 $0x5100  }
0x59: {  	[hbm4b:s5+s2] =	stream.indirect_vreg.scatter [tilespmem:s21], [sflag:$0x3], $0x80, v19, vm0, $0xb8;
	[tilespmem:$0x10900] =	vst v63  }
0x5a: {  	s22 =	simm.s32 $0x5900  }
0x5b: {  	[hbm4b:s6+s2] =	stream.indirect_vreg.scatter [tilespmem:s22], [sflag:$0x3], $0x80, v19, vm0, $0xb8;
	[tilespmem:$0x10900] =	vst v63  }
0x5c: {  	s23 =	simm.s32 $0x6100  }
0x5d: {  	[hbm4b:s7+s2] =	stream.indirect_vreg.scatter [tilespmem:s23], [sflag:$0x3], $0x80, v19, vm0, $0xb8;
	[tilespmem:$0x10900] =	vst v63  }
0x5e: {  	s24 =	simm.s32 $0x6900  }
0x5f: {  	[hbm4b:s8+s2] =	stream.indirect_vreg.scatter [tilespmem:s24], [sflag:$0x3], $0x80, v19, vm0, $0xb8;
	[tilespmem:$0x10900] =	vst v63  }
0x60: {  	s25 =	simm.s32 $0x7100  }
0x61: {  	[hbm4b:s9+s2] =	stream.indirect_vreg.scatter [tilespmem:s25], [sflag:$0x3], $0x80, v19, vm0, $0xb8;
	[tilespmem:$0x10900] =	vst v63  }
0x62: {  	s29 =	simm.s32 $0x7900  }
0x63: {  	[hbm4b:s10+s2] =	stream.indirect_vreg.scatter [tilespmem:s29], [sflag:$0x3], $0x80, v19, vm0, $0xb8;
	[tilespmem:$0x10900] =	vst v63  }
0x64: {  	s30 =	simm.s32 $0x8100  }
0x65: {  	[hbm4b:s11+s2] =	stream.indirect_vreg.scatter [tilespmem:s30], [sflag:$0x3], $0x80, v19, vm0, $0xb8;
	[tilespmem:$0x10900] =	vst v63  }
0x66: {  	v19 =	vld [tilespmem:$0x500];
	_ =	sdelay $0x4  }
0x67: {  	v20 =	vshll.u32 v19, $0x4  }
0x68: {  	v19 =	vand.u32 $0x7, v19;
	v20 =	vand.u32 $0xFFFFFF80, v20  }
0x69: {  	v19 =	vor.u32 v19, v20  }
0x6a: {  	v20 =	vperm.xlane v19, v16;
	_ =	sdelay $0x1  }
0x6b: {  	v20 =	vadd.s32 v17, v20;
	_ =	sdelay $0x3  }
0x6c: {  	s20 =	simm.s32 $0x900  }
0x6d: {  	[hbm4b:s3+s2] =	stream.indirect_vreg.scatter [tilespmem:s20], [sflag:$0x5], $0x80, v20, vm0, $0xb8;
	[tilespmem:$0x10900] =	vst v63  }
0x6e: {  	s13 =	simm.s32 $0x1100  }
0x6f: {  	[hbm4b:s5+s2] =	stream.indirect_vreg.scatter [tilespmem:s13], [sflag:$0x5], $0x80, v20, vm0, $0xb8;
	[tilespmem:$0x10900] =	vst v63  }
0x70: {  	s14 =	simm.s32 $0x1900  }
0x71: {  	[hbm4b:s6+s2] =	stream.indirect_vreg.scatter [tilespmem:s14], [sflag:$0x5], $0x80, v20, vm0, $0xb8;
	[tilespmem:$0x10900] =	vst v63  }
0x72: {  	s15 =	simm.s32 $0x2100  }
0x73: {  	[hbm4b:s7+s2] =	stream.indirect_vreg.scatter [tilespmem:s15], [sflag:$0x5], $0x80, v20, vm0, $0xb8;
	[tilespmem:$0x10900] =	vst v63  }
0x74: {  	s26 =	simm.s32 $0x2900  }
0x75: {  	[hbm4b:s8+s2] =	stream.indirect_vreg.scatter [tilespmem:s26], [sflag:$0x5], $0x80, v20, vm0, $0xb8;
	[tilespmem:$0x10900] =	vst v63  }
0x76: {  	s28 =	simm.s32 $0x3100;
	v19 =	vperm.xlane v19, v18  }
0x77: {  	[hbm4b:s9+s2] =	stream.indirect_vreg.scatter [tilespmem:s28], [sflag:$0x5], $0x80, v20, vm0, $0xb8;
	[tilespmem:$0x10900] =	vst v63  }
0x78: {  	s4 =	simm.s32 $0x3900;
	v19 =	vadd.s32 v17, v19  }
0x79: {  	[hbm4b:s10+s2] =	stream.indirect_vreg.scatter [tilespmem:s4], [sflag:$0x5], $0x80, v20, vm0, $0xb8;
	[tilespmem:$0x10900] =	vst v63  }
0x7a: {  	s12 =	simm.s32 $0x4100  }
0x7b: {  	[hbm4b:s11+s2] =	stream.indirect_vreg.scatter [tilespmem:s12], [sflag:$0x5], $0x80, v20, vm0, $0xb8;
	[tilespmem:$0x10900] =	vst v63  }
0x7c: {  	s17 =	simm.s32 $0x4900  }
0x7d: {  	[hbm4b:s3+s2] =	stream.indirect_vreg.scatter [tilespmem:s17], [sflag:$0x5], $0x80, v19, vm0, $0xb8;
	[tilespmem:$0x10900] =	vst v63  }
0x7e: {  	s18 =	simm.s32 $0x5100  }
0x7f: {  	[hbm4b:s5+s2] =	stream.indirect_vreg.scatter [tilespmem:s18], [sflag:$0x5], $0x80, v19, vm0, $0xb8;
	[tilespmem:$0x10900] =	vst v63  }
0x80: {  	s19 =	simm.s32 $0x5900  }
0x81: {  	[hbm4b:s6+s2] =	stream.indirect_vreg.scatter [tilespmem:s19], [sflag:$0x5], $0x80, v19, vm0, $0xb8;
	[tilespmem:$0x10900] =	vst v63  }
0x82: {  	s21 =	simm.s32 $0x6100  }
0x83: {  	[hbm4b:s7+s2] =	stream.indirect_vreg.scatter [tilespmem:s21], [sflag:$0x5], $0x80, v19, vm0, $0xb8;
	[tilespmem:$0x10900] =	vst v63  }
0x84: {  	s23 =	simm.s32 $0x6900  }
0x85: {  	[hbm4b:s8+s2] =	stream.indirect_vreg.scatter [tilespmem:s23], [sflag:$0x5], $0x80, v19, vm0, $0xb8;
	[tilespmem:$0x10900] =	vst v63  }
0x86: {  	s24 =	simm.s32 $0x7100  }
0x87: {  	[hbm4b:s9+s2] =	stream.indirect_vreg.scatter [tilespmem:s24], [sflag:$0x5], $0x80, v19, vm0, $0xb8;
	[tilespmem:$0x10900] =	vst v63  }
0x88: {  	s25 =	simm.s32 $0x7900  }
0x89: {  	[hbm4b:s10+s2] =	stream.indirect_vreg.scatter [tilespmem:s25], [sflag:$0x5], $0x80, v19, vm0, $0xb8;
	[tilespmem:$0x10900] =	vst v63  }
0x8a: {  	s31 =	simm.s32 $0x8100;
	s28 =	simm.s32 $0x2  }
0x8b: {  	[hbm4b:s11+s2] =	stream.indirect_vreg.scatter [tilespmem:s31], [sflag:$0x5], $0x80, v19, vm0, $0xb8;
	[tilespmem:$0x10900] =	vst v63  }
0x8c: {  	_ =	swait.ge [sflag:s28], $0x8000  }
0x8d: {  	[sflag:s28] =	ssyncset.done $0x0  }
0x8e: {  	s29 =	simm.s32 $0x3;
	[sflag:s28] =	ssyncadd.s32 $0xFFFF8000  }
0x8f: {  	_ =	swait.ge [sflag:s29], $0x8000  }
0x90: {  	[sflag:s29] =	ssyncset.done $0x0  }
0x91: {  	s30 =	simm.s32 $0x5;
	[sflag:s29] =	ssyncadd.s32 $0xFFFF8000  }
0x92: {  	_ =	swait.ge [sflag:s30], $0x8000  }
0x93: {  	[sflag:s30] =	ssyncset.done $0x0  }
0x94: {  	s22 =	simm.s32 $0x900;
	s31 =	rddreg [dreg:$0x5];
	[sflag:s30] =	ssyncadd.s32 $0xFFFF8000  }
0x95: {  	[tilespmem:s22], [sflag:$0x1] =	stream.linear.gather [hbm4b:s31+s2], $0x8000, $0x38;
	[tilespmem:$0x10900] =	vst v63  }
0x96: {  	v19 =	vld [tilespmem:$0x180];
	_ =	sdelay $0x4  }
0x97: {  	v20 =	vshll.u32 v19, $0x4  }
0x98: {  	v19 =	vand.u32 $0x7, v19;
	v20 =	vand.u32 $0xFFFFFF80, v20  }
0x99: {  	v19 =	vor.u32 v19, v20  }
0x9a: {  	v20 =	vperm.xlane v19, v16;
	_ =	sdelay $0x1  }
0x9b: {  	v20 =	vadd.s32 v17, v20;
	_ =	sdelay $0x3  }
0x9c: {  	s0 =	simm.s32 $0x8900  }
0x9d: {  	[hbm4b:s3+s2] =	stream.indirect_vreg.scatter [tilespmem:s0], [sflag:$0x4], $0x80, v20, vm0, $0xb8;
	[tilespmem:$0x10900] =	vst v63  }
0x9e: {  	s0 =	simm.s32 $0x9100  }
0x9f: {  	[hbm4b:s5+s2] =	stream.indirect_vreg.scatter [tilespmem:s0], [sflag:$0x4], $0x80, v20, vm0, $0xb8;
	[tilespmem:$0x10900] =	vst v63  }
0xa0: {  	s4 =	simm.s32 $0x9900  }
0xa1: {  	[hbm4b:s6+s2] =	stream.indirect_vreg.scatter [tilespmem:s4], [sflag:$0x4], $0x80, v20, vm0, $0xb8;
	[tilespmem:$0x10900] =	vst v63  }
0xa2: {  	s12 =	simm.s32 $0xA100  }
0xa3: {  	[hbm4b:s7+s2] =	stream.indirect_vreg.scatter [tilespmem:s12], [sflag:$0x4], $0x80, v20, vm0, $0xb8;
	[tilespmem:$0x10900] =	vst v63  }
0xa4: {  	s13 =	simm.s32 $0xA900  }
0xa5: {  	[hbm4b:s8+s2] =	stream.indirect_vreg.scatter [tilespmem:s13], [sflag:$0x4], $0x80, v20, vm0, $0xb8;
	[tilespmem:$0x10900] =	vst v63  }
0xa6: {  	s14 =	simm.s32 $0xB100;
	v19 =	vperm.xlane v19, v18  }
0xa7: {  	[hbm4b:s9+s2] =	stream.indirect_vreg.scatter [tilespmem:s14], [sflag:$0x4], $0x80, v20, vm0, $0xb8;
	[tilespmem:$0x10900] =	vst v63  }
0xa8: {  	s15 =	simm.s32 $0xB900;
	v19 =	vadd.s32 v17, v19  }
0xa9: {  	[hbm4b:s10+s2] =	stream.indirect_vreg.scatter [tilespmem:s15], [sflag:$0x4], $0x80, v20, vm0, $0xb8;
	[tilespmem:$0x10900] =	vst v63  }
0xaa: {  	s17 =	simm.s32 $0xC100  }
0xab: {  	[hbm4b:s11+s2] =	stream.indirect_vreg.scatter [tilespmem:s17], [sflag:$0x4], $0x80, v20, vm0, $0xb8;
	[tilespmem:$0x10900] =	vst v63  }
0xac: {  	s18 =	simm.s32 $0xC900  }
0xad: {  	[hbm4b:s3+s2] =	stream.indirect_vreg.scatter [tilespmem:s18], [sflag:$0x4], $0x80, v19, vm0, $0xb8;
	[tilespmem:$0x10900] =	vst v63  }
0xae: {  	s20 =	simm.s32 $0xD100  }
0xaf: {  	[hbm4b:s5+s2] =	stream.indirect_vreg.scatter [tilespmem:s20], [sflag:$0x4], $0x80, v19, vm0, $0xb8;
	[tilespmem:$0x10900] =	vst v63  }
0xb0: {  	s26 =	simm.s32 $0xD900  }
0xb1: {  	[hbm4b:s6+s2] =	stream.indirect_vreg.scatter [tilespmem:s26], [sflag:$0x4], $0x80, v19, vm0, $0xb8;
	[tilespmem:$0x10900] =	vst v63  }
0xb2: {  	s29 =	simm.s32 $0xE100  }
0xb3: {  	[hbm4b:s7+s2] =	stream.indirect_vreg.scatter [tilespmem:s29], [sflag:$0x4], $0x80, v19, vm0, $0xb8;
	[tilespmem:$0x10900] =	vst v63  }
0xb4: {  	s30 =	simm.s32 $0xE900  }
0xb5: {  	[hbm4b:s8+s2] =	stream.indirect_vreg.scatter [tilespmem:s30], [sflag:$0x4], $0x80, v19, vm0, $0xb8;
	[tilespmem:$0x10900] =	vst v63  }
0xb6: {  	s0 =	simm.s32 $0xF100  }
0xb7: {  	[hbm4b:s9+s2] =	stream.indirect_vreg.scatter [tilespmem:s0], [sflag:$0x4], $0x80, v19, vm0, $0xb8;
	[tilespmem:$0x10900] =	vst v63  }
0xb8: {  	s14 =	simm.s32 $0xF900  }
0xb9: {  	[hbm4b:s10+s2] =	stream.indirect_vreg.scatter [tilespmem:s14], [sflag:$0x4], $0x80, v19, vm0, $0xb8;
	[tilespmem:$0x10900] =	vst v63  }
0xba: {  	s26 =	simm.s32 $0x10100  }
0xbb: {  	[hbm4b:s11+s2] =	stream.indirect_vreg.scatter [tilespmem:s26], [sflag:$0x4], $0x80, v19, vm0, $0xb8;
	[tilespmem:$0x10900] =	vst v63  }
0xbc: {  	v19 =	vld [tilespmem:$0x580];
	_ =	sdelay $0x4  }
0xbd: {  	v20 =	vshll.u32 v19, $0x4  }
0xbe: {  	v19 =	vand.u32 $0x7, v19;
	v20 =	vand.u32 $0xFFFFFF80, v20  }
0xbf: {  	v19 =	vor.u32 v19, v20  }
0xc0: {  	v20 =	vperm.xlane v19, v16;
	_ =	sdelay $0x1  }
0xc1: {  	v20 =	vadd.s32 v17, v20;
	_ =	sdelay $0x3  }
0xc2: {  	s14 =	simm.s32 $0x8900  }
0xc3: {  	[hbm4b:s3+s2] =	stream.indirect_vreg.scatter [tilespmem:s14], [sflag:$0x6], $0x80, v20, vm0, $0xb8;
	[tilespmem:$0x10900] =	vst v63  }
0xc4: {  	s25 =	simm.s32 $0x9100  }
0xc5: {  	[hbm4b:s5+s2] =	stream.indirect_vreg.scatter [tilespmem:s25], [sflag:$0x6], $0x80, v20, vm0, $0xb8;
	[tilespmem:$0x10900] =	vst v63  }
0xc6: {  	s4 =	simm.s32 $0x9900  }
0xc7: {  	[hbm4b:s6+s2] =	stream.indirect_vreg.scatter [tilespmem:s4], [sflag:$0x6], $0x80, v20, vm0, $0xb8;
	[tilespmem:$0x10900] =	vst v63  }
0xc8: {  	s19 =	simm.s32 $0xA100  }
0xc9: {  	[hbm4b:s7+s2] =	stream.indirect_vreg.scatter [tilespmem:s19], [sflag:$0x6], $0x80, v20, vm0, $0xb8;
	[tilespmem:$0x10900] =	vst v63  }
0xca: {  	s24 =	simm.s32 $0xA900  }
0xcb: {  	[hbm4b:s8+s2] =	stream.indirect_vreg.scatter [tilespmem:s24], [sflag:$0x6], $0x80, v20, vm0, $0xb8;
	[tilespmem:$0x10900] =	vst v63  }
0xcc: {  	s31 =	simm.s32 $0xB100;
	v19 =	vperm.xlane v19, v18  }
0xcd: {  	[hbm4b:s9+s2] =	stream.indirect_vreg.scatter [tilespmem:s31], [sflag:$0x6], $0x80, v20, vm0, $0xb8;
	[tilespmem:$0x10900] =	vst v63  }
0xce: {  	s22 =	simm.s32 $0xB900;
	v19 =	vadd.s32 v17, v19  }
0xcf: {  	[hbm4b:s10+s2] =	stream.indirect_vreg.scatter [tilespmem:s22], [sflag:$0x6], $0x80, v20, vm0, $0xb8;
	[tilespmem:$0x10900] =	vst v63  }
0xd0: {  	s12 =	simm.s32 $0xC100  }
0xd1: {  	[hbm4b:s11+s2] =	stream.indirect_vreg.scatter [tilespmem:s12], [sflag:$0x6], $0x80, v20, vm0, $0xb8;
	[tilespmem:$0x10900] =	vst v63  }
0xd2: {  	s17 =	simm.s32 $0xC900  }
0xd3: {  	[hbm4b:s3+s2] =	stream.indirect_vreg.scatter [tilespmem:s17], [sflag:$0x6], $0x80, v19, vm0, $0xb8;
	[tilespmem:$0x10900] =	vst v63  }
0xd4: {  	s18 =	simm.s32 $0xD100  }
0xd5: {  	[hbm4b:s5+s2] =	stream.indirect_vreg.scatter [tilespmem:s18], [sflag:$0x6], $0x80, v19, vm0, $0xb8;
	[tilespmem:$0x10900] =	vst v63  }
0xd6: {  	s15 =	simm.s32 $0xD900  }
0xd7: {  	[hbm4b:s6+s2] =	stream.indirect_vreg.scatter [tilespmem:s15], [sflag:$0x6], $0x80, v19, vm0, $0xb8;
	[tilespmem:$0x10900] =	vst v63  }
0xd8: {  	s20 =	simm.s32 $0xE100  }
0xd9: {  	[hbm4b:s7+s2] =	stream.indirect_vreg.scatter [tilespmem:s20], [sflag:$0x6], $0x80, v19, vm0, $0xb8;
	[tilespmem:$0x10900] =	vst v63  }
0xda: {  	s13 =	simm.s32 $0xE900  }
0xdb: {  	[hbm4b:s8+s2] =	stream.indirect_vreg.scatter [tilespmem:s13], [sflag:$0x6], $0x80, v19, vm0, $0xb8;
	[tilespmem:$0x10900] =	vst v63  }
0xdc: {  	s29 =	simm.s32 $0xF100  }
0xdd: {  	[hbm4b:s9+s2] =	stream.indirect_vreg.scatter [tilespmem:s29], [sflag:$0x6], $0x80, v19, vm0, $0xb8;
	[tilespmem:$0x10900] =	vst v63  }
0xde: {  	s30 =	simm.s32 $0xF900  }
0xdf: {  	[hbm4b:s10+s2] =	stream.indirect_vreg.scatter [tilespmem:s30], [sflag:$0x6], $0x80, v19, vm0, $0xb8;
	[tilespmem:$0x10900] =	vst v63  }
0xe0: {  	s16 =	simm.s32 $0x1;
	s0 =	simm.s32 $0x10100  }
0xe1: {  	[hbm4b:s11+s2] =	stream.indirect_vreg.scatter [tilespmem:s0], [sflag:$0x6], $0x80, v19, vm0, $0xb8;
	[tilespmem:$0x10900] =	vst v63  }
0xe2: {  	_ =	swait.ge [sflag:s16], $0x8000  }
0xe3: {  	[sflag:s16] =	ssyncset.done $0x0  }
0xe4: {  	s24 =	simm.s32 $0x4;
	[sflag:s16] =	ssyncadd.s32 $0xFFFF8000  }
0xe5: {  	_ =	swait.ge [sflag:s24], $0x8000  }
0xe6: {  	[sflag:s24] =	ssyncset.done $0x0  }
0xe7: {  	s26 =	simm.s32 $0x6;
	[sflag:s24] =	ssyncadd.s32 $0xFFFF8000  }
0xe8: {  	_ =	swait.ge [sflag:s26], $0x8000  }
0xe9: {  	[sflag:s26] =	ssyncset.done $0x0  }
0xea: {  	s4 =	rddreg [dreg:$0x6];
	[sflag:s26] =	ssyncadd.s32 $0xFFFF8000  }
0xeb: {  	[tilespmem:s14], [sflag:$0x2] =	stream.linear.gather [hbm4b:s4+s2], $0x8000, $0x38;
	[tilespmem:$0x10900] =	vst v63  }
0xec: {  	v19 =	vld [tilespmem:$0x200];
	_ =	sdelay $0x4  }
0xed: {  	v20 =	vshll.u32 v19, $0x4  }
0xee: {  	v19 =	vand.u32 $0x7, v19;
	v20 =	vand.u32 $0xFFFFFF80, v20  }
0xef: {  	v19 =	vor.u32 v19, v20  }
0xf0: {  	v20 =	vperm.xlane v19, v16;
	_ =	sdelay $0x1  }
0xf1: {  	v20 =	vadd.s32 v17, v20;
	_ =	sdelay $0x3  }
0xf2: {  	s21 =	simm.s32 $0x900  }
0xf3: {  	[hbm4b:s3+s2] =	stream.indirect_vreg.scatter [tilespmem:s21], [sflag:$0x3], $0x80, v20, vm0, $0xb8;
	[tilespmem:$0x10900] =	vst v63  }
0xf4: {  	s20 =	simm.s32 $0x1100  }
0xf5: {  	[hbm4b:s5+s2] =	stream.indirect_vreg.scatter [tilespmem:s20], [sflag:$0x3], $0x80, v20, vm0, $0xb8;
	[tilespmem:$0x10900] =	vst v63  }
0xf6: {  	s16 =	simm.s32 $0x1900  }
0xf7: {  	[hbm4b:s6+s2] =	stream.indirect_vreg.scatter [tilespmem:s16], [sflag:$0x3], $0x80, v20, vm0, $0xb8;
	[tilespmem:$0x10900] =	vst v63  }
0xf8: {  	s14 =	simm.s32 $0x2100  }
0xf9: {  	[hbm4b:s7+s2] =	stream.indirect_vreg.scatter [tilespmem:s14], [sflag:$0x3], $0x80, v20, vm0, $0xb8;
	[tilespmem:$0x10900] =	vst v63  }
0xfa: {  	s12 =	simm.s32 $0x2900  }
0xfb: {  	[hbm4b:s8+s2] =	stream.indirect_vreg.scatter [tilespmem:s12], [sflag:$0x3], $0x80, v20, vm0, $0xb8;
	[tilespmem:$0x10900] =	vst v63  }
0xfc: {  	s13 =	simm.s32 $0x3100;
	v19 =	vperm.xlane v19, v18  }
0xfd: {  	[hbm4b:s9+s2] =	stream.indirect_vreg.scatter [tilespmem:s13], [sflag:$0x3], $0x80, v20, vm0, $0xb8;
	[tilespmem:$0x10900] =	vst v63  }
0xfe: {  	s19 =	simm.s32 $0x3900;
	v19 =	vadd.s32 v17, v19  }
0xff: {  	[hbm4b:s10+s2] =	stream.indirect_vreg.scatter [tilespmem:s19], [sflag:$0x3], $0x80, v20, vm0, $0xb8;
	[tilespmem:$0x10900] =	vst v63  }
0x100: {  	s29 =	simm.s32 $0x4100  }
0x101: {  	[hbm4b:s11+s2] =	stream.indirect_vreg.scatter [tilespmem:s29], [sflag:$0x3], $0x80, v20, vm0, $0xb8;
	[tilespmem:$0x10900] =	vst v63  }
0x102: {  	s30 =	simm.s32 $0x4900  }
0x103: {  	[hbm4b:s3+s2] =	stream.indirect_vreg.scatter [tilespmem:s30], [sflag:$0x3], $0x80, v19, vm0, $0xb8;
	[tilespmem:$0x10900] =	vst v63  }
0x104: {  	s31 =	simm.s32 $0x5100  }
0x105: {  	[hbm4b:s5+s2] =	stream.indirect_vreg.scatter [tilespmem:s31], [sflag:$0x3], $0x80, v19, vm0, $0xb8;
	[tilespmem:$0x10900] =	vst v63  }
0x106: {  	s0 =	simm.s32 $0x5900  }
0x107: {  	[hbm4b:s6+s2] =	stream.indirect_vreg.scatter [tilespmem:s0], [sflag:$0x3], $0x80, v19, vm0, $0xb8;
	[tilespmem:$0x10900] =	vst v63  }
0x108: {  	s1 =	simm.s32 $0x6100  }
0x109: {  	[hbm4b:s7+s2] =	stream.indirect_vreg.scatter [tilespmem:s1], [sflag:$0x3], $0x80, v19, vm0, $0xb8;
	[tilespmem:$0x10900] =	vst v63  }
0x10a: {  	s15 =	simm.s32 $0x6900  }
0x10b: {  	[hbm4b:s8+s2] =	stream.indirect_vreg.scatter [tilespmem:s15], [sflag:$0x3], $0x80, v19, vm0, $0xb8;
	[tilespmem:$0x10900] =	vst v63  }
0x10c: {  	s23 =	simm.s32 $0x7100  }
0x10d: {  	[hbm4b:s9+s2] =	stream.indirect_vreg.scatter [tilespmem:s23], [sflag:$0x3], $0x80, v19, vm0, $0xb8;
	[tilespmem:$0x10900] =	vst v63  }
0x10e: {  	s4 =	simm.s32 $0x7900  }
0x10f: {  	[hbm4b:s10+s2] =	stream.indirect_vreg.scatter [tilespmem:s4], [sflag:$0x3], $0x80, v19, vm0, $0xb8;
	[tilespmem:$0x10900] =	vst v63  }
0x110: {  	s22 =	simm.s32 $0x8100  }
0x111: {  	[hbm4b:s11+s2] =	stream.indirect_vreg.scatter [tilespmem:s22], [sflag:$0x3], $0x80, v19, vm0, $0xb8;
	[tilespmem:$0x10900] =	vst v63  }
0x112: {  	v19 =	vld [tilespmem:$0x600];
	_ =	sdelay $0x4  }
0x113: {  	v20 =	vshll.u32 v19, $0x4  }
0x114: {  	v19 =	vand.u32 $0x7, v19;
	v20 =	vand.u32 $0xFFFFFF80, v20  }
0x115: {  	v19 =	vor.u32 v19, v20  }
0x116: {  	v20 =	vperm.xlane v19, v16;
	_ =	sdelay $0x1  }
0x117: {  	v20 =	vadd.s32 v17, v20;
	_ =	sdelay $0x4  }
0x118: {  	[hbm4b:s3+s2] =	stream.indirect_vreg.scatter [tilespmem:s21], [sflag:$0x5], $0x80, v20, vm0, $0xb8;
	[tilespmem:$0x10900] =	vst v63  }
0x119: {  	_ = 	snop  }
0x11a: {  	[hbm4b:s5+s2] =	stream.indirect_vreg.scatter [tilespmem:s20], [sflag:$0x5], $0x80, v20, vm0, $0xb8;
	[tilespmem:$0x10900] =	vst v63  }
0x11b: {  	_ = 	snop  }
0x11c: {  	[hbm4b:s6+s2] =	stream.indirect_vreg.scatter [tilespmem:s16], [sflag:$0x5], $0x80, v20, vm0, $0xb8;
	[tilespmem:$0x10900] =	vst v63  }
0x11d: {  	_ = 	snop  }
0x11e: {  	[hbm4b:s7+s2] =	stream.indirect_vreg.scatter [tilespmem:s14], [sflag:$0x5], $0x80, v20, vm0, $0xb8;
	[tilespmem:$0x10900] =	vst v63  }
0x11f: {  	_ = 	snop  }
0x120: {  	[hbm4b:s8+s2] =	stream.indirect_vreg.scatter [tilespmem:s12], [sflag:$0x5], $0x80, v20, vm0, $0xb8;
	[tilespmem:$0x10900] =	vst v63  }
0x121: {  	v19 =	vperm.xlane v19, v18  }
0x122: {  	[hbm4b:s9+s2] =	stream.indirect_vreg.scatter [tilespmem:s13], [sflag:$0x5], $0x80, v20, vm0, $0xb8;
	[tilespmem:$0x10900] =	vst v63  }
0x123: {  	v19 =	vadd.s32 v17, v19  }
0x124: {  	[hbm4b:s10+s2] =	stream.indirect_vreg.scatter [tilespmem:s19], [sflag:$0x5], $0x80, v20, vm0, $0xb8;
	[tilespmem:$0x10900] =	vst v63  }
0x125: {  	_ = 	snop  }
0x126: {  	[hbm4b:s11+s2] =	stream.indirect_vreg.scatter [tilespmem:s29], [sflag:$0x5], $0x80, v20, vm0, $0xb8;
	[tilespmem:$0x10900] =	vst v63  }
0x127: {  	_ = 	snop  }
0x128: {  	[hbm4b:s3+s2] =	stream.indirect_vreg.scatter [tilespmem:s30], [sflag:$0x5], $0x80, v19, vm0, $0xb8;
	[tilespmem:$0x10900] =	vst v63  }
0x129: {  	_ = 	snop  }
0x12a: {  	[hbm4b:s5+s2] =	stream.indirect_vreg.scatter [tilespmem:s31], [sflag:$0x5], $0x80, v19, vm0, $0xb8;
	[tilespmem:$0x10900] =	vst v63  }
0x12b: {  	_ = 	snop  }
0x12c: {  	[hbm4b:s6+s2] =	stream.indirect_vreg.scatter [tilespmem:s0], [sflag:$0x5], $0x80, v19, vm0, $0xb8;
	[tilespmem:$0x10900] =	vst v63  }
0x12d: {  	_ = 	snop  }
0x12e: {  	[hbm4b:s7+s2] =	stream.indirect_vreg.scatter [tilespmem:s1], [sflag:$0x5], $0x80, v19, vm0, $0xb8;
	[tilespmem:$0x10900] =	vst v63  }
0x12f: {  	_ = 	snop  }
0x130: {  	[hbm4b:s8+s2] =	stream.indirect_vreg.scatter [tilespmem:s15], [sflag:$0x5], $0x80, v19, vm0, $0xb8;
	[tilespmem:$0x10900] =	vst v63  }
0x131: {  	_ = 	snop  }
0x132: {  	[hbm4b:s9+s2] =	stream.indirect_vreg.scatter [tilespmem:s23], [sflag:$0x5], $0x80, v19, vm0, $0xb8;
	[tilespmem:$0x10900] =	vst v63  }
0x133: {  	_ = 	snop  }
0x134: {  	[hbm4b:s10+s2] =	stream.indirect_vreg.scatter [tilespmem:s4], [sflag:$0x5], $0x80, v19, vm0, $0xb8;
	[tilespmem:$0x10900] =	vst v63  }
0x135: {  	_ = 	snop  }
0x136: {  	[hbm4b:s11+s2] =	stream.indirect_vreg.scatter [tilespmem:s22], [sflag:$0x5], $0x80, v19, vm0, $0xb8;
	[tilespmem:$0x10900] =	vst v63  }
0x137: {  	_ =	swait.ge [sflag:s28], $0x8000  }
0x138: {  	[sflag:s28] =	ssyncset.done $0x0  }
0x139: {  	s12 =	simm.s32 $0x3;
	[sflag:s28] =	ssyncadd.s32 $0xFFFF8000  }
0x13a: {  	_ =	swait.ge [sflag:s12], $0x8000  }
0x13b: {  	[sflag:s12] =	ssyncset.done $0x0  }
0x13c: {  	s13 =	simm.s32 $0x5;
	[sflag:s12] =	ssyncadd.s32 $0xFFFF8000  }
0x13d: {  	_ =	swait.ge [sflag:s13], $0x8000  }
0x13e: {  	[sflag:s13] =	ssyncset.done $0x0  }
0x13f: {  	s14 =	rddreg [dreg:$0x7];
	[sflag:s13] =	ssyncadd.s32 $0xFFFF8000  }
0x140: {  	[tilespmem:s21], [sflag:$0x1] =	stream.linear.gather [hbm4b:s14+s2], $0x8000, $0x38;
	[tilespmem:$0x10900] =	vst v63  }
0x141: {  	v19 =	vld [tilespmem:$0x280];
	_ =	sdelay $0x4  }
0x142: {  	v20 =	vshll.u32 v19, $0x4  }
0x143: {  	v19 =	vand.u32 $0x7, v19;
	v20 =	vand.u32 $0xFFFFFF80, v20  }
0x144: {  	v19 =	vor.u32 v19, v20  }
0x145: {  	v20 =	vperm.xlane v19, v16;
	_ =	sdelay $0x1  }
0x146: {  	v20 =	vadd.s32 v17, v20;
	_ =	sdelay $0x3  }
0x147: {  	s17 =	simm.s32 $0x8900  }
0x148: {  	[hbm4b:s3+s2] =	stream.indirect_vreg.scatter [tilespmem:s17], [sflag:$0x4], $0x80, v20, vm0, $0xb8;
	[tilespmem:$0x10900] =	vst v63  }
0x149: {  	_ = 	snop  }
0x14a: {  	[hbm4b:s5+s2] =	stream.indirect_vreg.scatter [tilespmem:s25], [sflag:$0x4], $0x80, v20, vm0, $0xb8;
	[tilespmem:$0x10900] =	vst v63  }
0x14b: {  	s13 =	simm.s32 $0x9900  }
0x14c: {  	[hbm4b:s6+s2] =	stream.indirect_vreg.scatter [tilespmem:s13], [sflag:$0x4], $0x80, v20, vm0, $0xb8;
	[tilespmem:$0x10900] =	vst v63  }
0x14d: {  	s14 =	simm.s32 $0xA100  }
0x14e: {  	[hbm4b:s7+s2] =	stream.indirect_vreg.scatter [tilespmem:s14], [sflag:$0x4], $0x80, v20, vm0, $0xb8;
	[tilespmem:$0x10900] =	vst v63  }
0x14f: {  	s30 =	simm.s32 $0xA900  }
0x150: {  	[hbm4b:s8+s2] =	stream.indirect_vreg.scatter [tilespmem:s30], [sflag:$0x4], $0x80, v20, vm0, $0xb8;
	[tilespmem:$0x10900] =	vst v63  }
0x151: {  	s21 =	simm.s32 $0xB100;
	v19 =	vperm.xlane v19, v18  }
0x152: {  	[hbm4b:s9+s2] =	stream.indirect_vreg.scatter [tilespmem:s21], [sflag:$0x4], $0x80, v20, vm0, $0xb8;
	[tilespmem:$0x10900] =	vst v63  }
0x153: {  	s19 =	simm.s32 $0xB900;
	v19 =	vadd.s32 v17, v19  }
0x154: {  	[hbm4b:s10+s2] =	stream.indirect_vreg.scatter [tilespmem:s19], [sflag:$0x4], $0x80, v20, vm0, $0xb8;
	[tilespmem:$0x10900] =	vst v63  }
0x155: {  	s4 =	simm.s32 $0xC100  }
0x156: {  	[hbm4b:s11+s2] =	stream.indirect_vreg.scatter [tilespmem:s4], [sflag:$0x4], $0x80, v20, vm0, $0xb8;
	[tilespmem:$0x10900] =	vst v63  }
0x157: {  	s22 =	simm.s32 $0xC900  }
0x158: {  	[hbm4b:s3+s2] =	stream.indirect_vreg.scatter [tilespmem:s22], [sflag:$0x4], $0x80, v19, vm0, $0xb8;
	[tilespmem:$0x10900] =	vst v63  }
0x159: {  	s15 =	simm.s32 $0xD100  }
0x15a: {  	[hbm4b:s5+s2] =	stream.indirect_vreg.scatter [tilespmem:s15], [sflag:$0x4], $0x80, v19, vm0, $0xb8;
	[tilespmem:$0x10900] =	vst v63  }
0x15b: {  	s18 =	simm.s32 $0xD900  }
0x15c: {  	[hbm4b:s6+s2] =	stream.indirect_vreg.scatter [tilespmem:s18], [sflag:$0x4], $0x80, v19, vm0, $0xb8;
	[tilespmem:$0x10900] =	vst v63  }
0x15d: {  	s12 =	simm.s32 $0xE100  }
0x15e: {  	[hbm4b:s7+s2] =	stream.indirect_vreg.scatter [tilespmem:s12], [sflag:$0x4], $0x80, v19, vm0, $0xb8;
	[tilespmem:$0x10900] =	vst v63  }
0x15f: {  	s0 =	simm.s32 $0xE900  }
0x160: {  	[hbm4b:s8+s2] =	stream.indirect_vreg.scatter [tilespmem:s0], [sflag:$0x4], $0x80, v19, vm0, $0xb8;
	[tilespmem:$0x10900] =	vst v63  }
0x161: {  	s1 =	simm.s32 $0xF100  }
0x162: {  	[hbm4b:s9+s2] =	stream.indirect_vreg.scatter [tilespmem:s1], [sflag:$0x4], $0x80, v19, vm0, $0xb8;
	[tilespmem:$0x10900] =	vst v63  }
0x163: {  	s16 =	simm.s32 $0xF900  }
0x164: {  	[hbm4b:s10+s2] =	stream.indirect_vreg.scatter [tilespmem:s16], [sflag:$0x4], $0x80, v19, vm0, $0xb8;
	[tilespmem:$0x10900] =	vst v63  }
0x165: {  	s23 =	simm.s32 $0x10100  }
0x166: {  	[hbm4b:s11+s2] =	stream.indirect_vreg.scatter [tilespmem:s23], [sflag:$0x4], $0x80, v19, vm0, $0xb8;
	[tilespmem:$0x10900] =	vst v63  }
0x167: {  	v19 =	vld [tilespmem:$0x680];
	_ =	sdelay $0x4  }
0x168: {  	v20 =	vshll.u32 v19, $0x4  }
0x169: {  	v19 =	vand.u32 $0x7, v19;
	v20 =	vand.u32 $0xFFFFFF80, v20  }
0x16a: {  	v19 =	vor.u32 v19, v20  }
0x16b: {  	v20 =	vperm.xlane v19, v16;
	_ =	sdelay $0x1  }
0x16c: {  	v20 =	vadd.s32 v17, v20;
	_ =	sdelay $0x4  }
0x16d: {  	[hbm4b:s3+s2] =	stream.indirect_vreg.scatter [tilespmem:s17], [sflag:$0x6], $0x80, v20, vm0, $0xb8;
	[tilespmem:$0x10900] =	vst v63  }
0x16e: {  	_ = 	snop  }
0x16f: {  	[hbm4b:s5+s2] =	stream.indirect_vreg.scatter [tilespmem:s25], [sflag:$0x6], $0x80, v20, vm0, $0xb8;
	[tilespmem:$0x10900] =	vst v63  }
0x170: {  	_ = 	snop  }
0x171: {  	[hbm4b:s6+s2] =	stream.indirect_vreg.scatter [tilespmem:s13], [sflag:$0x6], $0x80, v20, vm0, $0xb8;
	[tilespmem:$0x10900] =	vst v63  }
0x172: {  	_ = 	snop  }
0x173: {  	[hbm4b:s7+s2] =	stream.indirect_vreg.scatter [tilespmem:s14], [sflag:$0x6], $0x80, v20, vm0, $0xb8;
	[tilespmem:$0x10900] =	vst v63  }
0x174: {  	_ = 	snop  }
0x175: {  	[hbm4b:s8+s2] =	stream.indirect_vreg.scatter [tilespmem:s30], [sflag:$0x6], $0x80, v20, vm0, $0xb8;
	[tilespmem:$0x10900] =	vst v63  }
0x176: {  	v19 =	vperm.xlane v19, v18  }
0x177: {  	[hbm4b:s9+s2] =	stream.indirect_vreg.scatter [tilespmem:s21], [sflag:$0x6], $0x80, v20, vm0, $0xb8;
	[tilespmem:$0x10900] =	vst v63  }
0x178: {  	v19 =	vadd.s32 v17, v19  }
0x179: {  	[hbm4b:s10+s2] =	stream.indirect_vreg.scatter [tilespmem:s19], [sflag:$0x6], $0x80, v20, vm0, $0xb8;
	[tilespmem:$0x10900] =	vst v63  }
0x17a: {  	_ = 	snop  }
0x17b: {  	[hbm4b:s11+s2] =	stream.indirect_vreg.scatter [tilespmem:s4], [sflag:$0x6], $0x80, v20, vm0, $0xb8;
	[tilespmem:$0x10900] =	vst v63  }
0x17c: {  	_ = 	snop  }
0x17d: {  	[hbm4b:s3+s2] =	stream.indirect_vreg.scatter [tilespmem:s22], [sflag:$0x6], $0x80, v19, vm0, $0xb8;
	[tilespmem:$0x10900] =	vst v63  }
0x17e: {  	_ = 	snop  }
0x17f: {  	[hbm4b:s5+s2] =	stream.indirect_vreg.scatter [tilespmem:s15], [sflag:$0x6], $0x80, v19, vm0, $0xb8;
	[tilespmem:$0x10900] =	vst v63  }
0x180: {  	_ = 	snop  }
0x181: {  	[hbm4b:s6+s2] =	stream.indirect_vreg.scatter [tilespmem:s18], [sflag:$0x6], $0x80, v19, vm0, $0xb8;
	[tilespmem:$0x10900] =	vst v63  }
0x182: {  	_ = 	snop  }
0x183: {  	[hbm4b:s7+s2] =	stream.indirect_vreg.scatter [tilespmem:s12], [sflag:$0x6], $0x80, v19, vm0, $0xb8;
	[tilespmem:$0x10900] =	vst v63  }
0x184: {  	_ = 	snop  }
0x185: {  	[hbm4b:s8+s2] =	stream.indirect_vreg.scatter [tilespmem:s0], [sflag:$0x6], $0x80, v19, vm0, $0xb8;
	[tilespmem:$0x10900] =	vst v63  }
0x186: {  	_ = 	snop  }
0x187: {  	[hbm4b:s9+s2] =	stream.indirect_vreg.scatter [tilespmem:s1], [sflag:$0x6], $0x80, v19, vm0, $0xb8;
	[tilespmem:$0x10900] =	vst v63  }
0x188: {  	_ = 	snop  }
0x189: {  	[hbm4b:s10+s2] =	stream.indirect_vreg.scatter [tilespmem:s16], [sflag:$0x6], $0x80, v19, vm0, $0xb8;
	[tilespmem:$0x10900] =	vst v63  }
0x18a: {  	s16 =	simm.s32 $0x1  }
0x18b: {  	[hbm4b:s11+s2] =	stream.indirect_vreg.scatter [tilespmem:s23], [sflag:$0x6], $0x80, v19, vm0, $0xb8;
	[tilespmem:$0x10900] =	vst v63  }
0x18c: {  	_ =	swait.ge [sflag:s16], $0x8000  }
0x18d: {  	[sflag:s16] =	ssyncset.done $0x0  }
0x18e: {  	[sflag:s16] =	ssyncadd.s32 $0xFFFF8000  }
0x18f: {  	_ =	swait.ge [sflag:s24], $0x8000  }
0x190: {  	[sflag:s24] =	ssyncset.done $0x0  }
0x191: {  	[sflag:s24] =	ssyncadd.s32 $0xFFFF8000  }
0x192: {  	_ =	swait.ge [sflag:s26], $0x8000  }
0x193: {  	[sflag:s26] =	ssyncset.done $0x0  }
0x194: {  	s18 =	rddreg [dreg:$0x8];
	[sflag:s26] =	ssyncadd.s32 $0xFFFF8000  }
0x195: {  	[tilespmem:s17], [sflag:$0x2] =	stream.linear.gather [hbm4b:s18+s2], $0x8000, $0x38;
	[tilespmem:$0x10900] =	vst v63  }
0x196: {  	v19 =	vld [tilespmem:$0x300];
	_ =	sdelay $0x4  }
0x197: {  	v20 =	vshll.u32 v19, $0x4  }
0x198: {  	v19 =	vand.u32 $0x7, v19;
	v20 =	vand.u32 $0xFFFFFF80, v20  }
0x199: {  	v19 =	vor.u32 v19, v20  }
0x19a: {  	v20 =	vperm.xlane v19, v16;
	_ =	sdelay $0x1  }
0x19b: {  	v20 =	vadd.s32 v17, v20;
	_ =	sdelay $0x3  }
0x19c: {  	s18 =	simm.s32 $0x900  }
0x19d: {  	[hbm4b:s3+s2] =	stream.indirect_vreg.scatter [tilespmem:s18], [sflag:$0x3], $0x80, v20, vm0, $0xb8;
	[tilespmem:$0x10900] =	vst v63  }
0x19e: {  	s13 =	simm.s32 $0x1100  }
0x19f: {  	[hbm4b:s5+s2] =	stream.indirect_vreg.scatter [tilespmem:s13], [sflag:$0x3], $0x80, v20, vm0, $0xb8;
	[tilespmem:$0x10900] =	vst v63  }
0x1a0: {  	s14 =	simm.s32 $0x1900  }
0x1a1: {  	[hbm4b:s6+s2] =	stream.indirect_vreg.scatter [tilespmem:s14], [sflag:$0x3], $0x80, v20, vm0, $0xb8;
	[tilespmem:$0x10900] =	vst v63  }
0x1a2: {  	s19 =	simm.s32 $0x2100  }
0x1a3: {  	[hbm4b:s7+s2] =	stream.indirect_vreg.scatter [tilespmem:s19], [sflag:$0x3], $0x80, v20, vm0, $0xb8;
	[tilespmem:$0x10900] =	vst v63  }
0x1a4: {  	s21 =	simm.s32 $0x2900  }
0x1a5: {  	[hbm4b:s8+s2] =	stream.indirect_vreg.scatter [tilespmem:s21], [sflag:$0x3], $0x80, v20, vm0, $0xb8;
	[tilespmem:$0x10900] =	vst v63  }
0x1a6: {  	s23 =	simm.s32 $0x3100;
	v19 =	vperm.xlane v19, v18  }
0x1a7: {  	[hbm4b:s9+s2] =	stream.indirect_vreg.scatter [tilespmem:s23], [sflag:$0x3], $0x80, v20, vm0, $0xb8;
	[tilespmem:$0x10900] =	vst v63  }
0x1a8: {  	s1 =	simm.s32 $0x3900;
	v19 =	vadd.s32 v17, v19  }
0x1a9: {  	[hbm4b:s10+s2] =	stream.indirect_vreg.scatter [tilespmem:s1], [sflag:$0x3], $0x80, v20, vm0, $0xb8;
	[tilespmem:$0x10900] =	vst v63  }
0x1aa: {  	s22 =	simm.s32 $0x4100  }
0x1ab: {  	[hbm4b:s11+s2] =	stream.indirect_vreg.scatter [tilespmem:s22], [sflag:$0x3], $0x80, v20, vm0, $0xb8;
	[tilespmem:$0x10900] =	vst v63  }
0x1ac: {  	s25 =	simm.s32 $0x4900  }
0x1ad: {  	[hbm4b:s3+s2] =	stream.indirect_vreg.scatter [tilespmem:s25], [sflag:$0x3], $0x80, v19, vm0, $0xb8;
	[tilespmem:$0x10900] =	vst v63  }
0x1ae: {  	s29 =	simm.s32 $0x5100  }
0x1af: {  	[hbm4b:s5+s2] =	stream.indirect_vreg.scatter [tilespmem:s29], [sflag:$0x3], $0x80, v19, vm0, $0xb8;
	[tilespmem:$0x10900] =	vst v63  }
0x1b0: {  	s30 =	simm.s32 $0x5900  }
0x1b1: {  	[hbm4b:s6+s2] =	stream.indirect_vreg.scatter [tilespmem:s30], [sflag:$0x3], $0x80, v19, vm0, $0xb8;
	[tilespmem:$0x10900] =	vst v63  }
0x1b2: {  	s31 =	simm.s32 $0x6100  }
0x1b3: {  	[hbm4b:s7+s2] =	stream.indirect_vreg.scatter [tilespmem:s31], [sflag:$0x3], $0x80, v19, vm0, $0xb8;
	[tilespmem:$0x10900] =	vst v63  }
0x1b4: {  	s0 =	simm.s32 $0x6900  }
0x1b5: {  	[hbm4b:s8+s2] =	stream.indirect_vreg.scatter [tilespmem:s0], [sflag:$0x3], $0x80, v19, vm0, $0xb8;
	[tilespmem:$0x10900] =	vst v63  }
0x1b6: {  	s4 =	simm.s32 $0x7100  }
0x1b7: {  	[hbm4b:s9+s2] =	stream.indirect_vreg.scatter [tilespmem:s4], [sflag:$0x3], $0x80, v19, vm0, $0xb8;
	[tilespmem:$0x10900] =	vst v63  }
0x1b8: {  	s20 =	simm.s32 $0x7900  }
0x1b9: {  	[hbm4b:s10+s2] =	stream.indirect_vreg.scatter [tilespmem:s20], [sflag:$0x3], $0x80, v19, vm0, $0xb8;
	[tilespmem:$0x10900] =	vst v63  }
0x1ba: {  	s12 =	simm.s32 $0x8100  }
0x1bb: {  	[hbm4b:s11+s2] =	stream.indirect_vreg.scatter [tilespmem:s12], [sflag:$0x3], $0x80, v19, vm0, $0xb8;
	[tilespmem:$0x10900] =	vst v63  }
0x1bc: {  	v19 =	vld [tilespmem:$0x700];
	_ =	sdelay $0x4  }
0x1bd: {  	v20 =	vshll.u32 v19, $0x4  }
0x1be: {  	v19 =	vand.u32 $0x7, v19;
	v20 =	vand.u32 $0xFFFFFF80, v20  }
0x1bf: {  	v19 =	vor.u32 v19, v20  }
0x1c0: {  	v20 =	vperm.xlane v19, v16;
	_ =	sdelay $0x1  }
0x1c1: {  	v20 =	vadd.s32 v17, v20;
	_ =	sdelay $0x4  }
0x1c2: {  	[hbm4b:s3+s2] =	stream.indirect_vreg.scatter [tilespmem:s18], [sflag:$0x5], $0x80, v20, vm0, $0xb8;
	[tilespmem:$0x10900] =	vst v63  }
0x1c3: {  	_ = 	snop  }
0x1c4: {  	[hbm4b:s5+s2] =	stream.indirect_vreg.scatter [tilespmem:s13], [sflag:$0x5], $0x80, v20, vm0, $0xb8;
	[tilespmem:$0x10900] =	vst v63  }
0x1c5: {  	_ = 	snop  }
0x1c6: {  	[hbm4b:s6+s2] =	stream.indirect_vreg.scatter [tilespmem:s14], [sflag:$0x5], $0x80, v20, vm0, $0xb8;
	[tilespmem:$0x10900] =	vst v63  }
0x1c7: {  	_ = 	snop  }
0x1c8: {  	[hbm4b:s7+s2] =	stream.indirect_vreg.scatter [tilespmem:s19], [sflag:$0x5], $0x80, v20, vm0, $0xb8;
	[tilespmem:$0x10900] =	vst v63  }
0x1c9: {  	_ = 	snop  }
0x1ca: {  	[hbm4b:s8+s2] =	stream.indirect_vreg.scatter [tilespmem:s21], [sflag:$0x5], $0x80, v20, vm0, $0xb8;
	[tilespmem:$0x10900] =	vst v63  }
0x1cb: {  	v19 =	vperm.xlane v19, v18  }
0x1cc: {  	[hbm4b:s9+s2] =	stream.indirect_vreg.scatter [tilespmem:s23], [sflag:$0x5], $0x80, v20, vm0, $0xb8;
	[tilespmem:$0x10900] =	vst v63  }
0x1cd: {  	v19 =	vadd.s32 v17, v19  }
0x1ce: {  	[hbm4b:s10+s2] =	stream.indirect_vreg.scatter [tilespmem:s1], [sflag:$0x5], $0x80, v20, vm0, $0xb8;
	[tilespmem:$0x10900] =	vst v63  }
0x1cf: {  	_ = 	snop  }
0x1d0: {  	[hbm4b:s11+s2] =	stream.indirect_vreg.scatter [tilespmem:s22], [sflag:$0x5], $0x80, v20, vm0, $0xb8;
	[tilespmem:$0x10900] =	vst v63  }
0x1d1: {  	_ = 	snop  }
0x1d2: {  	[hbm4b:s3+s2] =	stream.indirect_vreg.scatter [tilespmem:s25], [sflag:$0x5], $0x80, v19, vm0, $0xb8;
	[tilespmem:$0x10900] =	vst v63  }
0x1d3: {  	_ = 	snop  }
0x1d4: {  	[hbm4b:s5+s2] =	stream.indirect_vreg.scatter [tilespmem:s29], [sflag:$0x5], $0x80, v19, vm0, $0xb8;
	[tilespmem:$0x10900] =	vst v63  }
0x1d5: {  	_ = 	snop  }
0x1d6: {  	[hbm4b:s6+s2] =	stream.indirect_vreg.scatter [tilespmem:s30], [sflag:$0x5], $0x80, v19, vm0, $0xb8;
	[tilespmem:$0x10900] =	vst v63  }
0x1d7: {  	_ = 	snop  }
0x1d8: {  	[hbm4b:s7+s2] =	stream.indirect_vreg.scatter [tilespmem:s31], [sflag:$0x5], $0x80, v19, vm0, $0xb8;
	[tilespmem:$0x10900] =	vst v63  }
0x1d9: {  	_ = 	snop  }
0x1da: {  	[hbm4b:s8+s2] =	stream.indirect_vreg.scatter [tilespmem:s0], [sflag:$0x5], $0x80, v19, vm0, $0xb8;
	[tilespmem:$0x10900] =	vst v63  }
0x1db: {  	_ = 	snop  }
0x1dc: {  	[hbm4b:s9+s2] =	stream.indirect_vreg.scatter [tilespmem:s4], [sflag:$0x5], $0x80, v19, vm0, $0xb8;
	[tilespmem:$0x10900] =	vst v63  }
0x1dd: {  	_ = 	snop  }
0x1de: {  	[hbm4b:s10+s2] =	stream.indirect_vreg.scatter [tilespmem:s20], [sflag:$0x5], $0x80, v19, vm0, $0xb8;
	[tilespmem:$0x10900] =	vst v63  }
0x1df: {  	_ = 	snop  }
0x1e0: {  	[hbm4b:s11+s2] =	stream.indirect_vreg.scatter [tilespmem:s12], [sflag:$0x5], $0x80, v19, vm0, $0xb8;
	[tilespmem:$0x10900] =	vst v63  }
0x1e1: {  	_ =	swait.ge [sflag:s28], $0x8000  }
0x1e2: {  	[sflag:s28] =	ssyncset.done $0x0  }
0x1e3: {  	s19 =	simm.s32 $0x3;
	[sflag:s28] =	ssyncadd.s32 $0xFFFF8000  }
0x1e4: {  	_ =	swait.ge [sflag:s19], $0x8000  }
0x1e5: {  	[sflag:s19] =	ssyncset.done $0x0  }
0x1e6: {  	s20 =	simm.s32 $0x5;
	[sflag:s19] =	ssyncadd.s32 $0xFFFF8000  }
0x1e7: {  	_ =	swait.ge [sflag:s20], $0x8000  }
0x1e8: {  	[sflag:s20] =	ssyncset.done $0x0  }
0x1e9: {  	s18 =	simm.s32 $0x900;
	s21 =	rddreg [dreg:$0x9];
	[sflag:s20] =	ssyncadd.s32 $0xFFFF8000  }
0x1ea: {  	[tilespmem:s18], [sflag:$0x1] =	stream.linear.gather [hbm4b:s21+s2], $0x8000, $0x38;
	[tilespmem:$0x10900] =	vst v63  }
0x1eb: {  	v19 =	vld [tilespmem:$0x380];
	_ =	sdelay $0x4  }
0x1ec: {  	v20 =	vshll.u32 v19, $0x4  }
0x1ed: {  	v19 =	vand.u32 $0x7, v19;
	v20 =	vand.u32 $0xFFFFFF80, v20  }
0x1ee: {  	v19 =	vor.u32 v19, v20  }
0x1ef: {  	v20 =	vperm.xlane v19, v16;
	_ =	sdelay $0x1  }
0x1f0: {  	v20 =	vadd.s32 v17, v20;
	_ =	sdelay $0x4  }
0x1f1: {  	[hbm4b:s3+s2] =	stream.indirect_vreg.scatter [tilespmem:s17], [sflag:$0x4], $0x80, v20, vm0, $0xb8;
	[tilespmem:$0x10900] =	vst v63  }
0x1f2: {  	s19 =	simm.s32 $0x9100  }
0x1f3: {  	[hbm4b:s5+s2] =	stream.indirect_vreg.scatter [tilespmem:s19], [sflag:$0x4], $0x80, v20, vm0, $0xb8;
	[tilespmem:$0x10900] =	vst v63  }
0x1f4: {  	s1 =	simm.s32 $0x9900  }
0x1f5: {  	[hbm4b:s6+s2] =	stream.indirect_vreg.scatter [tilespmem:s1], [sflag:$0x4], $0x80, v20, vm0, $0xb8;
	[tilespmem:$0x10900] =	vst v63  }
0x1f6: {  	s4 =	simm.s32 $0xA100  }
0x1f7: {  	[hbm4b:s7+s2] =	stream.indirect_vreg.scatter [tilespmem:s4], [sflag:$0x4], $0x80, v20, vm0, $0xb8;
	[tilespmem:$0x10900] =	vst v63  }
0x1f8: {  	s21 =	simm.s32 $0xA900  }
0x1f9: {  	[hbm4b:s8+s2] =	stream.indirect_vreg.scatter [tilespmem:s21], [sflag:$0x4], $0x80, v20, vm0, $0xb8;
	[tilespmem:$0x10900] =	vst v63  }
0x1fa: {  	s0 =	simm.s32 $0xB100;
	v19 =	vperm.xlane v19, v18  }
0x1fb: {  	[hbm4b:s9+s2] =	stream.indirect_vreg.scatter [tilespmem:s0], [sflag:$0x4], $0x80, v20, vm0, $0xb8;
	[tilespmem:$0x10900] =	vst v63  }
0x1fc: {  	s29 =	simm.s32 $0xB900;
	v19 =	vadd.s32 v17, v19  }
0x1fd: {  	[hbm4b:s10+s2] =	stream.indirect_vreg.scatter [tilespmem:s29], [sflag:$0x4], $0x80, v20, vm0, $0xb8;
	[tilespmem:$0x10900] =	vst v63  }
0x1fe: {  	s12 =	simm.s32 $0xC100  }
0x1ff: {  	[hbm4b:s11+s2] =	stream.indirect_vreg.scatter [tilespmem:s12], [sflag:$0x4], $0x80, v20, vm0, $0xb8;
	[tilespmem:$0x10900] =	vst v63  }
0x200: {  	s13 =	simm.s32 $0xC900  }
0x201: {  	[hbm4b:s3+s2] =	stream.indirect_vreg.scatter [tilespmem:s13], [sflag:$0x4], $0x80, v19, vm0, $0xb8;
	[tilespmem:$0x10900] =	vst v63  }
0x202: {  	s14 =	simm.s32 $0xD100  }
0x203: {  	[hbm4b:s5+s2] =	stream.indirect_vreg.scatter [tilespmem:s14], [sflag:$0x4], $0x80, v19, vm0, $0xb8;
	[tilespmem:$0x10900] =	vst v63  }
0x204: {  	s18 =	simm.s32 $0xD900  }
0x205: {  	[hbm4b:s6+s2] =	stream.indirect_vreg.scatter [tilespmem:s18], [sflag:$0x4], $0x80, v19, vm0, $0xb8;
	[tilespmem:$0x10900] =	vst v63  }
0x206: {  	s15 =	simm.s32 $0xE100  }
0x207: {  	[hbm4b:s7+s2] =	stream.indirect_vreg.scatter [tilespmem:s15], [sflag:$0x4], $0x80, v19, vm0, $0xb8;
	[tilespmem:$0x10900] =	vst v63  }
0x208: {  	s20 =	simm.s32 $0xE900  }
0x209: {  	[hbm4b:s8+s2] =	stream.indirect_vreg.scatter [tilespmem:s20], [sflag:$0x4], $0x80, v19, vm0, $0xb8;
	[tilespmem:$0x10900] =	vst v63  }
0x20a: {  	s30 =	simm.s32 $0xF100  }
0x20b: {  	[hbm4b:s9+s2] =	stream.indirect_vreg.scatter [tilespmem:s30], [sflag:$0x4], $0x80, v19, vm0, $0xb8;
	[tilespmem:$0x10900] =	vst v63  }
0x20c: {  	s22 =	simm.s32 $0xF900  }
0x20d: {  	[hbm4b:s10+s2] =	stream.indirect_vreg.scatter [tilespmem:s22], [sflag:$0x4], $0x80, v19, vm0, $0xb8;
	[tilespmem:$0x10900] =	vst v63  }
0x20e: {  	s23 =	simm.s32 $0x10100  }
0x20f: {  	[hbm4b:s11+s2] =	stream.indirect_vreg.scatter [tilespmem:s23], [sflag:$0x4], $0x80, v19, vm0, $0xb8;
	[tilespmem:$0x10900] =	vst v63  }
0x210: {  	v19 =	vld [tilespmem:$0x780];
	_ =	sdelay $0x4  }
0x211: {  	v20 =	vshll.u32 v19, $0x4  }
0x212: {  	v19 =	vand.u32 $0x7, v19;
	v20 =	vand.u32 $0xFFFFFF80, v20  }
0x213: {  	v19 =	vor.u32 v19, v20  }
0x214: {  	v20 =	vperm.xlane v19, v16;
	_ =	sdelay $0x1  }
0x215: {  	v20 =	vadd.s32 v17, v20;
	_ =	sdelay $0x4  }
0x216: {  	[hbm4b:s3+s2] =	stream.indirect_vreg.scatter [tilespmem:s17], [sflag:$0x6], $0x80, v20, vm0, $0xb8;
	[tilespmem:$0x10900] =	vst v63  }
0x217: {  	_ = 	snop  }
0x218: {  	[hbm4b:s5+s2] =	stream.indirect_vreg.scatter [tilespmem:s19], [sflag:$0x6], $0x80, v20, vm0, $0xb8;
	[tilespmem:$0x10900] =	vst v63  }
0x219: {  	_ = 	snop  }
0x21a: {  	[hbm4b:s6+s2] =	stream.indirect_vreg.scatter [tilespmem:s1], [sflag:$0x6], $0x80, v20, vm0, $0xb8;
	[tilespmem:$0x10900] =	vst v63  }
0x21b: {  	_ = 	snop  }
0x21c: {  	[hbm4b:s7+s2] =	stream.indirect_vreg.scatter [tilespmem:s4], [sflag:$0x6], $0x80, v20, vm0, $0xb8;
	[tilespmem:$0x10900] =	vst v63  }
0x21d: {  	_ = 	snop  }
0x21e: {  	[hbm4b:s8+s2] =	stream.indirect_vreg.scatter [tilespmem:s21], [sflag:$0x6], $0x80, v20, vm0, $0xb8;
	[tilespmem:$0x10900] =	vst v63  }
0x21f: {  	v19 =	vperm.xlane v19, v18  }
0x220: {  	[hbm4b:s9+s2] =	stream.indirect_vreg.scatter [tilespmem:s0], [sflag:$0x6], $0x80, v20, vm0, $0xb8;
	[tilespmem:$0x10900] =	vst v63  }
0x221: {  	v19 =	vadd.s32 v17, v19  }
0x222: {  	[hbm4b:s10+s2] =	stream.indirect_vreg.scatter [tilespmem:s29], [sflag:$0x6], $0x80, v20, vm0, $0xb8;
	[tilespmem:$0x10900] =	vst v63  }
0x223: {  	_ = 	snop  }
0x224: {  	[hbm4b:s11+s2] =	stream.indirect_vreg.scatter [tilespmem:s12], [sflag:$0x6], $0x80, v20, vm0, $0xb8;
	[tilespmem:$0x10900] =	vst v63  }
0x225: {  	_ = 	snop  }
0x226: {  	[hbm4b:s3+s2] =	stream.indirect_vreg.scatter [tilespmem:s13], [sflag:$0x6], $0x80, v19, vm0, $0xb8;
	[tilespmem:$0x10900] =	vst v63  }
0x227: {  	_ = 	snop  }
0x228: {  	[hbm4b:s5+s2] =	stream.indirect_vreg.scatter [tilespmem:s14], [sflag:$0x6], $0x80, v19, vm0, $0xb8;
	[tilespmem:$0x10900] =	vst v63  }
0x229: {  	_ = 	snop  }
0x22a: {  	[hbm4b:s6+s2] =	stream.indirect_vreg.scatter [tilespmem:s18], [sflag:$0x6], $0x80, v19, vm0, $0xb8;
	[tilespmem:$0x10900] =	vst v63  }
0x22b: {  	_ = 	snop  }
0x22c: {  	[hbm4b:s7+s2] =	stream.indirect_vreg.scatter [tilespmem:s15], [sflag:$0x6], $0x80, v19, vm0, $0xb8;
	[tilespmem:$0x10900] =	vst v63  }
0x22d: {  	_ = 	snop  }
0x22e: {  	[hbm4b:s8+s2] =	stream.indirect_vreg.scatter [tilespmem:s20], [sflag:$0x6], $0x80, v19, vm0, $0xb8;
	[tilespmem:$0x10900] =	vst v63  }
0x22f: {  	_ = 	snop  }
0x230: {  	[hbm4b:s9+s2] =	stream.indirect_vreg.scatter [tilespmem:s30], [sflag:$0x6], $0x80, v19, vm0, $0xb8;
	[tilespmem:$0x10900] =	vst v63  }
0x231: {  	_ = 	snop  }
0x232: {  	[hbm4b:s10+s2] =	stream.indirect_vreg.scatter [tilespmem:s22], [sflag:$0x6], $0x80, v19, vm0, $0xb8;
	[tilespmem:$0x10900] =	vst v63  }
0x233: {  	s16 =	simm.s32 $0x1  }
0x234: {  	[hbm4b:s11+s2] =	stream.indirect_vreg.scatter [tilespmem:s23], [sflag:$0x6], $0x80, v19, vm0, $0xb8;
	[tilespmem:$0x10900] =	vst v63  }
0x235: {  	_ =	swait.ge [sflag:s16], $0x8000  }
0x236: {  	[sflag:s16] =	ssyncset.done $0x0  }
0x237: {  	[sflag:s16] =	ssyncadd.s32 $0xFFFF8000  }
0x238: {  	_ =	swait.ge [sflag:s24], $0x8000  }
0x239: {  	[sflag:s24] =	ssyncset.done $0x0  }
0x23a: {  	[sflag:s24] =	ssyncadd.s32 $0xFFFF8000  }
0x23b: {  	_ =	swait.ge [sflag:s26], $0x8000  }
0x23c: {  	[sflag:s26] =	ssyncset.done $0x0  }
0x23d: {  	s15 =	rddreg [dreg:$0xa];
	[sflag:s26] =	ssyncadd.s32 $0xFFFF8000  }
0x23e: {  	[tilespmem:s17], [sflag:$0x2] =	stream.linear.gather [hbm4b:s15+s2], $0x8000, $0x38;
	[tilespmem:$0x10900] =	vst v63  }
0x23f: {  	v19 =	vld [tilespmem:$0x400];
	_ =	sdelay $0x4  }
0x240: {  	v20 =	vshll.u32 v19, $0x4  }
0x241: {  	v19 =	vand.u32 $0x7, v19;
	v20 =	vand.u32 $0xFFFFFF80, v20  }
0x242: {  	v19 =	vor.u32 v19, v20  }
0x243: {  	v20 =	vperm.xlane v19, v16;
	_ =	sdelay $0x1  }
0x244: {  	v20 =	vadd.s32 v17, v20;
	_ =	sdelay $0x3  }
0x245: {  	s25 =	simm.s32 $0x900  }
0x246: {  	[hbm4b:s3+s2] =	stream.indirect_vreg.scatter [tilespmem:s25], [sflag:$0x3], $0x80, v20, vm0, $0xb8;
	[tilespmem:$0x10900] =	vst v63  }
0x247: {  	s13 =	simm.s32 $0x1100  }
0x248: {  	[hbm4b:s5+s2] =	stream.indirect_vreg.scatter [tilespmem:s13], [sflag:$0x3], $0x80, v20, vm0, $0xb8;
	[tilespmem:$0x10900] =	vst v63  }
0x249: {  	s14 =	simm.s32 $0x1900  }
0x24a: {  	[hbm4b:s6+s2] =	stream.indirect_vreg.scatter [tilespmem:s14], [sflag:$0x3], $0x80, v20, vm0, $0xb8;
	[tilespmem:$0x10900] =	vst v63  }
0x24b: {  	s12 =	simm.s32 $0x2100  }
0x24c: {  	[hbm4b:s7+s2] =	stream.indirect_vreg.scatter [tilespmem:s12], [sflag:$0x3], $0x80, v20, vm0, $0xb8;
	[tilespmem:$0x10900] =	vst v63  }
0x24d: {  	s4 =	simm.s32 $0x2900  }
0x24e: {  	[hbm4b:s8+s2] =	stream.indirect_vreg.scatter [tilespmem:s4], [sflag:$0x3], $0x80, v20, vm0, $0xb8;
	[tilespmem:$0x10900] =	vst v63  }
0x24f: {  	s1 =	simm.s32 $0x3100;
	v19 =	vperm.xlane v19, v18  }
0x250: {  	[hbm4b:s9+s2] =	stream.indirect_vreg.scatter [tilespmem:s1], [sflag:$0x3], $0x80, v20, vm0, $0xb8;
	[tilespmem:$0x10900] =	vst v63  }
0x251: {  	s15 =	simm.s32 $0x3900;
	v19 =	vadd.s32 v17, v19  }
0x252: {  	[hbm4b:s10+s2] =	stream.indirect_vreg.scatter [tilespmem:s15], [sflag:$0x3], $0x80, v20, vm0, $0xb8;
	[tilespmem:$0x10900] =	vst v63  }
0x253: {  	s18 =	simm.s32 $0x4100  }
0x254: {  	[hbm4b:s11+s2] =	stream.indirect_vreg.scatter [tilespmem:s18], [sflag:$0x3], $0x80, v20, vm0, $0xb8;
	[tilespmem:$0x10900] =	vst v63  }
0x255: {  	s20 =	simm.s32 $0x4900  }
0x256: {  	[hbm4b:s3+s2] =	stream.indirect_vreg.scatter [tilespmem:s20], [sflag:$0x3], $0x80, v19, vm0, $0xb8;
	[tilespmem:$0x10900] =	vst v63  }
0x257: {  	s21 =	simm.s32 $0x5100  }
0x258: {  	[hbm4b:s5+s2] =	stream.indirect_vreg.scatter [tilespmem:s21], [sflag:$0x3], $0x80, v19, vm0, $0xb8;
	[tilespmem:$0x10900] =	vst v63  }
0x259: {  	s22 =	simm.s32 $0x5900  }
0x25a: {  	[hbm4b:s6+s2] =	stream.indirect_vreg.scatter [tilespmem:s22], [sflag:$0x3], $0x80, v19, vm0, $0xb8;
	[tilespmem:$0x10900] =	vst v63  }
0x25b: {  	s23 =	simm.s32 $0x6100  }
0x25c: {  	[hbm4b:s7+s2] =	stream.indirect_vreg.scatter [tilespmem:s23], [sflag:$0x3], $0x80, v19, vm0, $0xb8;
	[tilespmem:$0x10900] =	vst v63  }
0x25d: {  	s16 =	simm.s32 $0x6900  }
0x25e: {  	[hbm4b:s8+s2] =	stream.indirect_vreg.scatter [tilespmem:s16], [sflag:$0x3], $0x80, v19, vm0, $0xb8;
	[tilespmem:$0x10900] =	vst v63  }
0x25f: {  	s19 =	simm.s32 $0x7100  }
0x260: {  	[hbm4b:s9+s2] =	stream.indirect_vreg.scatter [tilespmem:s19], [sflag:$0x3], $0x80, v19, vm0, $0xb8;
	[tilespmem:$0x10900] =	vst v63  }
0x261: {  	s0 =	simm.s32 $0x7900  }
0x262: {  	[hbm4b:s10+s2] =	stream.indirect_vreg.scatter [tilespmem:s0], [sflag:$0x3], $0x80, v19, vm0, $0xb8;
	[tilespmem:$0x10900] =	vst v63  }
0x263: {  	s17 =	simm.s32 $0x8100  }
0x264: {  	[hbm4b:s11+s2] =	stream.indirect_vreg.scatter [tilespmem:s17], [sflag:$0x3], $0x80, v19, vm0, $0xb8;
	[tilespmem:$0x10900] =	vst v63  }
0x265: {  	v19 =	vld [tilespmem:$0x800];
	_ =	sdelay $0x4  }
0x266: {  	v20 =	vshll.u32 v19, $0x4  }
0x267: {  	v19 =	vand.u32 $0x7, v19;
	v20 =	vand.u32 $0xFFFFFF80, v20  }
0x268: {  	v19 =	vor.u32 v19, v20  }
0x269: {  	v20 =	vperm.xlane v19, v16;
	_ =	sdelay $0x1  }
0x26a: {  	v20 =	vadd.s32 v17, v20;
	_ =	sdelay $0x4  }
0x26b: {  	[hbm4b:s3+s2] =	stream.indirect_vreg.scatter [tilespmem:s25], [sflag:$0x5], $0x80, v20, vm0, $0xb8;
	[tilespmem:$0x10900] =	vst v63  }
0x26c: {  	_ = 	snop  }
0x26d: {  	[hbm4b:s5+s2] =	stream.indirect_vreg.scatter [tilespmem:s13], [sflag:$0x5], $0x80, v20, vm0, $0xb8;
	[tilespmem:$0x10900] =	vst v63  }
0x26e: {  	_ = 	snop  }
0x26f: {  	[hbm4b:s6+s2] =	stream.indirect_vreg.scatter [tilespmem:s14], [sflag:$0x5], $0x80, v20, vm0, $0xb8;
	[tilespmem:$0x10900] =	vst v63  }
0x270: {  	_ = 	snop  }
0x271: {  	[hbm4b:s7+s2] =	stream.indirect_vreg.scatter [tilespmem:s12], [sflag:$0x5], $0x80, v20, vm0, $0xb8;
	[tilespmem:$0x10900] =	vst v63  }
0x272: {  	_ = 	snop  }
0x273: {  	[hbm4b:s8+s2] =	stream.indirect_vreg.scatter [tilespmem:s4], [sflag:$0x5], $0x80, v20, vm0, $0xb8;
	[tilespmem:$0x10900] =	vst v63  }
0x274: {  	v19 =	vperm.xlane v19, v18  }
0x275: {  	[hbm4b:s9+s2] =	stream.indirect_vreg.scatter [tilespmem:s1], [sflag:$0x5], $0x80, v20, vm0, $0xb8;
	[tilespmem:$0x10900] =	vst v63  }
0x276: {  	v19 =	vadd.s32 v17, v19  }
0x277: {  	[hbm4b:s10+s2] =	stream.indirect_vreg.scatter [tilespmem:s15], [sflag:$0x5], $0x80, v20, vm0, $0xb8;
	[tilespmem:$0x10900] =	vst v63  }
0x278: {  	_ = 	snop  }
0x279: {  	[hbm4b:s11+s2] =	stream.indirect_vreg.scatter [tilespmem:s18], [sflag:$0x5], $0x80, v20, vm0, $0xb8;
	[tilespmem:$0x10900] =	vst v63  }
0x27a: {  	_ = 	snop  }
0x27b: {  	[hbm4b:s3+s2] =	stream.indirect_vreg.scatter [tilespmem:s20], [sflag:$0x5], $0x80, v19, vm0, $0xb8;
	[tilespmem:$0x10900] =	vst v63  }
0x27c: {  	_ = 	snop  }
0x27d: {  	[hbm4b:s5+s2] =	stream.indirect_vreg.scatter [tilespmem:s21], [sflag:$0x5], $0x80, v19, vm0, $0xb8;
	[tilespmem:$0x10900] =	vst v63  }
0x27e: {  	_ = 	snop  }
0x27f: {  	[hbm4b:s6+s2] =	stream.indirect_vreg.scatter [tilespmem:s22], [sflag:$0x5], $0x80, v19, vm0, $0xb8;
	[tilespmem:$0x10900] =	vst v63  }
0x280: {  	_ = 	snop  }
0x281: {  	[hbm4b:s7+s2] =	stream.indirect_vreg.scatter [tilespmem:s23], [sflag:$0x5], $0x80, v19, vm0, $0xb8;
	[tilespmem:$0x10900] =	vst v63  }
0x282: {  	_ = 	snop  }
0x283: {  	[hbm4b:s8+s2] =	stream.indirect_vreg.scatter [tilespmem:s16], [sflag:$0x5], $0x80, v19, vm0, $0xb8;
	[tilespmem:$0x10900] =	vst v63  }
0x284: {  	_ = 	snop  }
0x285: {  	[hbm4b:s9+s2] =	stream.indirect_vreg.scatter [tilespmem:s19], [sflag:$0x5], $0x80, v19, vm0, $0xb8;
	[tilespmem:$0x10900] =	vst v63  }
0x286: {  	_ = 	snop  }
0x287: {  	[hbm4b:s10+s2] =	stream.indirect_vreg.scatter [tilespmem:s0], [sflag:$0x5], $0x80, v19, vm0, $0xb8;
	[tilespmem:$0x10900] =	vst v63  }
0x288: {  	_ = 	snop  }
0x289: {  	[hbm4b:s11+s2] =	stream.indirect_vreg.scatter [tilespmem:s17], [sflag:$0x5], $0x80, v19, vm0, $0xb8;
	[tilespmem:$0x10900] =	vst v63  }
0x28a: {  	_ =	swait.ge [sflag:s28], $0x8000  }
0x28b: {  	[sflag:s28] =	ssyncset.done $0x0  }
0x28c: {  	[sflag:s28] =	ssyncadd.s32 $0xFFFF8000  }
0x28d: {  	v19 =	vld [tilespmem:$0x480];
	_ =	sdelay $0x4  }
0x28e: {  	v20 =	vshll.u32 v19, $0x4  }
0x28f: {  	v19 =	vand.u32 $0x7, v19;
	v20 =	vand.u32 $0xFFFFFF80, v20  }
0x290: {  	v19 =	vor.u32 v19, v20  }
0x291: {  	v20 =	vperm.xlane v19, v16;
	_ =	sdelay $0x1  }
0x292: {  	v20 =	vadd.s32 v17, v20;
	_ =	sdelay $0x3  }
0x293: {  	s16 =	simm.s32 $0x8900  }
0x294: {  	[hbm4b:s3+s2] =	stream.indirect_vreg.scatter [tilespmem:s16], [sflag:$0x4], $0x80, v20, vm0, $0xb8;
	[tilespmem:$0x10900] =	vst v63  }
0x295: {  	s17 =	simm.s32 $0x9100  }
0x296: {  	[hbm4b:s5+s2] =	stream.indirect_vreg.scatter [tilespmem:s17], [sflag:$0x4], $0x80, v20, vm0, $0xb8;
	[tilespmem:$0x10900] =	vst v63  }
0x297: {  	s18 =	simm.s32 $0x9900  }
0x298: {  	[hbm4b:s6+s2] =	stream.indirect_vreg.scatter [tilespmem:s18], [sflag:$0x4], $0x80, v20, vm0, $0xb8;
	[tilespmem:$0x10900] =	vst v63  }
0x299: {  	s19 =	simm.s32 $0xA100  }
0x29a: {  	[hbm4b:s7+s2] =	stream.indirect_vreg.scatter [tilespmem:s19], [sflag:$0x4], $0x80, v20, vm0, $0xb8;
	[tilespmem:$0x10900] =	vst v63  }
0x29b: {  	s20 =	simm.s32 $0xA900  }
0x29c: {  	[hbm4b:s8+s2] =	stream.indirect_vreg.scatter [tilespmem:s20], [sflag:$0x4], $0x80, v20, vm0, $0xb8;
	[tilespmem:$0x10900] =	vst v63  }
0x29d: {  	s21 =	simm.s32 $0xB100;
	v19 =	vperm.xlane v19, v18  }
0x29e: {  	[hbm4b:s9+s2] =	stream.indirect_vreg.scatter [tilespmem:s21], [sflag:$0x4], $0x80, v20, vm0, $0xb8;
	[tilespmem:$0x10900] =	vst v63  }
0x29f: {  	s29 =	simm.s32 $0xB900;
	v19 =	vadd.s32 v17, v19  }
0x2a0: {  	[hbm4b:s10+s2] =	stream.indirect_vreg.scatter [tilespmem:s29], [sflag:$0x4], $0x80, v20, vm0, $0xb8;
	[tilespmem:$0x10900] =	vst v63  }
0x2a1: {  	s1 =	simm.s32 $0xC100  }
0x2a2: {  	[hbm4b:s11+s2] =	stream.indirect_vreg.scatter [tilespmem:s1], [sflag:$0x4], $0x80, v20, vm0, $0xb8;
	[tilespmem:$0x10900] =	vst v63  }
0x2a3: {  	s4 =	simm.s32 $0xC900  }
0x2a4: {  	[hbm4b:s3+s2] =	stream.indirect_vreg.scatter [tilespmem:s4], [sflag:$0x4], $0x80, v19, vm0, $0xb8;
	[tilespmem:$0x10900] =	vst v63  }
0x2a5: {  	s13 =	simm.s32 $0xD100  }
0x2a6: {  	[hbm4b:s5+s2] =	stream.indirect_vreg.scatter [tilespmem:s13], [sflag:$0x4], $0x80, v19, vm0, $0xb8;
	[tilespmem:$0x10900] =	vst v63  }
0x2a7: {  	s15 =	simm.s32 $0xD900  }
0x2a8: {  	[hbm4b:s6+s2] =	stream.indirect_vreg.scatter [tilespmem:s15], [sflag:$0x4], $0x80, v19, vm0, $0xb8;
	[tilespmem:$0x10900] =	vst v63  }
0x2a9: {  	s22 =	simm.s32 $0xE100  }
0x2aa: {  	[hbm4b:s7+s2] =	stream.indirect_vreg.scatter [tilespmem:s22], [sflag:$0x4], $0x80, v19, vm0, $0xb8;
	[tilespmem:$0x10900] =	vst v63  }
0x2ab: {  	s23 =	simm.s32 $0xE900  }
0x2ac: {  	[hbm4b:s8+s2] =	stream.indirect_vreg.scatter [tilespmem:s23], [sflag:$0x4], $0x80, v19, vm0, $0xb8;
	[tilespmem:$0x10900] =	vst v63  }
0x2ad: {  	s30 =	simm.s32 $0xF100  }
0x2ae: {  	[hbm4b:s9+s2] =	stream.indirect_vreg.scatter [tilespmem:s30], [sflag:$0x4], $0x80, v19, vm0, $0xb8;
	[tilespmem:$0x10900] =	vst v63  }
0x2af: {  	s31 =	simm.s32 $0xF900  }
0x2b0: {  	[hbm4b:s10+s2] =	stream.indirect_vreg.scatter [tilespmem:s31], [sflag:$0x4], $0x80, v19, vm0, $0xb8;
	[tilespmem:$0x10900] =	vst v63  }
0x2b1: {  	s25 =	simm.s32 $0x10100  }
0x2b2: {  	[hbm4b:s11+s2] =	stream.indirect_vreg.scatter [tilespmem:s25], [sflag:$0x4], $0x80, v19, vm0, $0xb8;
	[tilespmem:$0x10900] =	vst v63  }
0x2b3: {  	v19 =	vld [tilespmem:$0x880];
	_ =	sdelay $0x4  }
0x2b4: {  	v20 =	vshll.u32 v19, $0x4  }
0x2b5: {  	v19 =	vand.u32 $0x7, v19;
	v20 =	vand.u32 $0xFFFFFF80, v20  }
0x2b6: {  	v19 =	vor.u32 v19, v20  }
0x2b7: {  	v20 =	vperm.xlane v19, v16;
	_ =	sdelay $0x1  }
0x2b8: {  	v20 =	vadd.s32 v17, v20;
	_ =	sdelay $0x4  }
0x2b9: {  	[hbm4b:s3+s2] =	stream.indirect_vreg.scatter [tilespmem:s16], [sflag:$0x6], $0x80, v20, vm0, $0xb8;
	[tilespmem:$0x10900] =	vst v63  }
0x2ba: {  	_ = 	snop  }
0x2bb: {  	[hbm4b:s5+s2] =	stream.indirect_vreg.scatter [tilespmem:s17], [sflag:$0x6], $0x80, v20, vm0, $0xb8;
	[tilespmem:$0x10900] =	vst v63  }
0x2bc: {  	_ = 	snop  }
0x2bd: {  	[hbm4b:s6+s2] =	stream.indirect_vreg.scatter [tilespmem:s18], [sflag:$0x6], $0x80, v20, vm0, $0xb8;
	[tilespmem:$0x10900] =	vst v63  }
0x2be: {  	_ = 	snop  }
0x2bf: {  	[hbm4b:s7+s2] =	stream.indirect_vreg.scatter [tilespmem:s19], [sflag:$0x6], $0x80, v20, vm0, $0xb8;
	[tilespmem:$0x10900] =	vst v63  }
0x2c0: {  	_ = 	snop  }
0x2c1: {  	[hbm4b:s8+s2] =	stream.indirect_vreg.scatter [tilespmem:s20], [sflag:$0x6], $0x80, v20, vm0, $0xb8;
	[tilespmem:$0x10900] =	vst v63  }
0x2c2: {  	v19 =	vperm.xlane v19, v18  }
0x2c3: {  	[hbm4b:s9+s2] =	stream.indirect_vreg.scatter [tilespmem:s21], [sflag:$0x6], $0x80, v20, vm0, $0xb8;
	[tilespmem:$0x10900] =	vst v63  }
0x2c4: {  	v19 =	vadd.s32 v17, v19  }
0x2c5: {  	[hbm4b:s10+s2] =	stream.indirect_vreg.scatter [tilespmem:s29], [sflag:$0x6], $0x80, v20, vm0, $0xb8;
	[tilespmem:$0x10900] =	vst v63  }
0x2c6: {  	_ = 	snop  }
0x2c7: {  	[hbm4b:s11+s2] =	stream.indirect_vreg.scatter [tilespmem:s1], [sflag:$0x6], $0x80, v20, vm0, $0xb8;
	[tilespmem:$0x10900] =	vst v63  }
0x2c8: {  	_ = 	snop  }
0x2c9: {  	[hbm4b:s3+s2] =	stream.indirect_vreg.scatter [tilespmem:s4], [sflag:$0x6], $0x80, v19, vm0, $0xb8;
	[tilespmem:$0x10900] =	vst v63  }
0x2ca: {  	_ = 	snop  }
0x2cb: {  	[hbm4b:s5+s2] =	stream.indirect_vreg.scatter [tilespmem:s13], [sflag:$0x6], $0x80, v19, vm0, $0xb8;
	[tilespmem:$0x10900] =	vst v63  }
0x2cc: {  	_ = 	snop  }
0x2cd: {  	[hbm4b:s6+s2] =	stream.indirect_vreg.scatter [tilespmem:s15], [sflag:$0x6], $0x80, v19, vm0, $0xb8;
	[tilespmem:$0x10900] =	vst v63  }
0x2ce: {  	_ = 	snop  }
0x2cf: {  	[hbm4b:s7+s2] =	stream.indirect_vreg.scatter [tilespmem:s22], [sflag:$0x6], $0x80, v19, vm0, $0xb8;
	[tilespmem:$0x10900] =	vst v63  }
0x2d0: {  	_ = 	snop  }
0x2d1: {  	[hbm4b:s8+s2] =	stream.indirect_vreg.scatter [tilespmem:s23], [sflag:$0x6], $0x80, v19, vm0, $0xb8;
	[tilespmem:$0x10900] =	vst v63  }
0x2d2: {  	_ = 	snop  }
0x2d3: {  	[hbm4b:s9+s2] =	stream.indirect_vreg.scatter [tilespmem:s30], [sflag:$0x6], $0x80, v19, vm0, $0xb8;
	[tilespmem:$0x10900] =	vst v63  }
0x2d4: {  	_ = 	snop  }
0x2d5: {  	[hbm4b:s10+s2] =	stream.indirect_vreg.scatter [tilespmem:s31], [sflag:$0x6], $0x80, v19, vm0, $0xb8;
	[tilespmem:$0x10900] =	vst v63  }
0x2d6: {  	s30 =	simm.s32 $0x3  }
0x2d7: {  	[hbm4b:s11+s2] =	stream.indirect_vreg.scatter [tilespmem:s25], [sflag:$0x6], $0x80, v19, vm0, $0xb8;
	[tilespmem:$0x10900] =	vst v63  }
0x2d8: {  	s28 =	rddreg [dreg:$0xe];
	_ =	swait.ge [sflag:s30], $0x8000  }
0x2d9: {  	[sflag:s30] =	ssyncset.done $0x0  }
0x2da: {  	s31 =	simm.s32 $0x5;
	[sflag:s30] =	ssyncadd.s32 $0xFFFF8000  }
0x2db: {  	_ =	swait.ge [sflag:s31], $0x8000  }
0x2dc: {  	[sflag:s31] =	ssyncset.done $0x0  }
0x2dd: {  	[sflag:s31] =	ssyncadd.s32 $0xFFFF8000  }
0x2de: {  	p0 =	sne.s32 s28, $0x1;
	_ =	swait.ge [sflag:s24], $0x8000  }
.Ltmp0:
0x2df: {  	[sflag:s24] =	ssyncset.done $0x0;
	(pc) =	sbr.rel @p0 .LBB2_1-.Ltmp0, $4  }
0x2e0: {  	[sflag:s24] =	ssyncadd.s32 $0xFFFF8000  }
0x2e1: {  	_ =	swait.ge [sflag:s26], $0x8000  }
0x2e2: {  	[sflag:s26] =	ssyncset.done $0x0  }
0x2e3: {  	s0 =	sadd.s32 $0xFFFFFFFF, s28;
	[sflag:s26] =	ssyncadd.s32 $0xFFFF8000  }
0x2e4: {  	_ =	sfence.sel $0x180000  }
0x2e5: {  	[bflag:$0x0] =	sbarrier.arrive $0xFFFF  }
0x2e6: {  	_ =	strace $0x90000047  }
0x2e7: {  	s0 =	stileid.u32;
	[bflag:$0x2] =	sbarrier.arrive $0xFFFF  }
0x2e8: {  	p0 =	sne.s32 s0, $0x0;
	s0 =	rddreg [dreg:$0x2]  }
0x2e9: {  	s0 =	sadd.s32 @!p0 $0x100000, s0  }
0x2ea: {  	[sflag:s0] =	ssyncadd.tile.s32 @!p0 $0x1;
	_ =	shalt  }
.Lfunc_end2:
_tile_overlayer_lowered:
.L_overlay_start_2:
0x2eb: {  	(tag) =	ssettag $0x2  }
0x2ec: {  	s0 =	rddreg [dreg:$0x0];
	s2 =	stileid.u32  }
0x2ed: {  	s1 =	rddreg [dreg:$0x1];
	p0 =	sne.s32 s2, $0x0  }
0x2ee: {  	s3 =	rddreg [dreg:$0x2];
	[bflag:$0x3] =	sbarrier.arrive $0xFFFF;
	s2 =	simm.s32 @!p0 $0x1C07  }
0x2ef: {  	[timem:s3], [sflag:s2] =	dma.local @!p0 [hbm:s0], s1  }
0x2f0: {  	s0 =	simm.s32 @!p0 $0x7  }
0x2f1: {  	_ =	swait.ge @!p0 [sflag:s0], s1  }
0x2f2: {  	s1 =	ssub.s32 @!p0 $0x0, s1;
	[sflag:s0] =	ssyncset.done @!p0 $0x0  }
0x2f3: {  	[sflag:s0] =	ssyncadd.s32 @!p0 s1  }
0x2f4: {  	[bflag:$0x3] =	sbarrier.arrive $0xFFFF  }
0x2f5: {  	_ =	shalt  }

// kernel: kernel.9.cloned.1.call-start
scs
__scs_entry_jumppad:
0x0: {  	(pc) =	sbr.rel $0x88, $3  }
0x1: {  	(tag) =	ssettag $0x0;
	lr =	simm.s32 $0x1  }
0x2: {  	[smem:$0x3F9C] =	sst lr;
	_ =	strace $0xD0000000  }
0x3: {  	_ = 	snop  }
0x4: {  	_ = 	snop  }
0x5: {  	_ = 	snop  }
0x6: {  	_ = 	snop  }
0x7: {  	_ = 	snop  }
__scs_overlays_trampoline_lowered:
0x8: {  	[smem:$0x3FAB] =	sst s0  }
0x9: {  	[smem:$0x3FAC] =	sst s1  }
0xa: {  	[smem:$0x3FAD] =	sst s2  }
0xb: {  	[smem:$0x3FAE] =	sst s3  }
0xc: {  	[smem:$0x3FAF] =	sst s4  }
0xd: {  	[smem:$0x3FB0] =	sst s5  }
0xe: {  	[smem:$0x3FB1] =	sst s6  }
0xf: {  	[smem:$0x3FB2] =	sst s7  }
0x10: {  	[smem:$0x3FB3] =	sst s8  }
0x11: {  	[smem:$0x3FB4] =	sst s9;
	s0 =	simm.s32 @!p0 $0x0  }
0x12: {  	s1 =	sld [smem:$0x3F9A];
	s0 =	simm.s32 @p0 $0x1  }
0x13: {  	[smem:$0x3FB5] =	sst s0;
	s0 =	simm.s32 @!p1 $0x0  }
0x14: {  	s2 =	sld [smem:$0x3F99];
	s0 =	simm.s32 @p1 $0x1  }
0x15: {  	[smem:$0x3FB6] =	sst s0;
	s0 =	simm.s32 @!p2 $0x0  }
0x16: {  	s3 =	sld [smem:$0x3FDB];
	s0 =	simm.s32 @p2 $0x1  }
0x17: {  	s4 =	simm.s32 $0x1BF5;
	[smem:$0x3FB8] =	sst s0  }
0x18: {  	s0 =	sld [smem:$0x3F9B];
	_ =	swait.ge [sflag:s4], $0x0  }
0x19: {  	s7 =	sld [smem:$0x3F9C]  }
0x1a: {  	s8 =	sadd.s32 $0xFFFFE003, lr  }
0x1b: {  	s9 =	sadd.s32 $0xFFFFFEF7, lr;
	s5 =	simm.s32 $0xFFFFFFFF;
	p2 =	slt.u32 s8, $0xFFFFF086  }
0x1c: {  	p1 =	slt.u32 s9, $0xF7A;
	s5 =	simm.s32 @!p2 $0x0  }
0x1d: {  	s5 =	simm.s32 @p1 $0x1;
	p0 =	seq.s32 s7, s2  }
0x1e: {  	s7 =	smul.u32 @!p0 $0xF7A, s2;
	p2 =	seq.s32 @!p0 s5, $0x0  }
0x1f: {  	s9 =	smul.u32 $0xF7A, s1;
	s8 =	simm.s32 @!p0 $0x1BF5;
	p2 =	por !p2, p0  }
0x20: {  	[sflag:s8] =	ssyncset.s32 @!p0 $0xFFFFF086;
	s6 =	sadd.s32 @!p0 s3, s7;
	s7 =	simm.s32 @!p0 $0x108  }
0x21: {  	s3 =	sadd.s32 s3, s9;
	s6 =	sadd.s32 @!p0 $0x88, s6;
	s7 =	simm.s32 @p2 $0x1082  }
0x22: {  	[simem:s7], [sflag:s8] =	dma.local @!p0 [hbm:s6], $0xF7A  }
0x23: {  	s9 =	sor.u32 $0xD0000000, s2;
	s6 =	simm.s32 $0x108;
	_ =	swait.ge @!p0 [sflag:s8], $0x0  }
0x24: {  	s3 =	sadd.s32 $0x88, s3;
	s6 =	simm.s32 @!p1 $0x1082;
	[sflag:s4] =	ssyncset.s32 $0xFFFFF086  }
0x25: {  	[simem:s6], [sflag:s4] =	dma.local [hbm:s3], $0xF7A  }
0x26: {  	[smem:$0x3F9C] =	sst s1;
	(tag) =	ssettag s2;
	_ =	strace s9  }
0x27: {  	s1 =	sld [smem:$0x3FAC]  }
0x28: {  	s2 =	sld [smem:$0x3FAD]  }
0x29: {  	s4 =	sld [smem:$0x3FAF]  }
0x2a: {  	p0 =	seq.s32 s5, $0x0;
	s5 =	sld [smem:$0x3FB0]  }
0x2b: {  	s6 =	sld [smem:$0x3FB1]  }
0x2c: {  	s7 =	sld [smem:$0x3FB2]  }
0x2d: {  	s3 =	simm.s32 $0x108;
	s8 =	sld [smem:$0x3FB3]  }
0x2e: {  	s3 =	simm.s32 @!p0 $0x1082;
	s9 =	sld [smem:$0x3FB4]  }
0x2f: {  	lr =	sadd.s32 s0, s3;
	s0 =	sld [smem:$0x3FAB]  }
0x30: {  	s3 =	sld [smem:$0x3FAE]  }
0x31: {  	[smem:$0x3FB7] =	sst s10  }
0x32: {  	s10 =	sld [smem:$0x3FB5];
	_ =	sdelay $0x3  }
0x33: {  	p0 =	seq.s32 s10, $0x1;
	s10 =	sld [smem:$0x3FB7];
	_ =	sdelay $0x3  }
0x34: {  	[smem:$0x3FB7] =	sst s10  }
0x35: {  	s10 =	sld [smem:$0x3FB6];
	_ =	sdelay $0x3  }
0x36: {  	p1 =	seq.s32 s10, $0x1;
	s10 =	sld [smem:$0x3FB7];
	_ =	sdelay $0x3  }
0x37: {  	[smem:$0x3FB7] =	sst s10  }
0x38: {  	s10 =	sld [smem:$0x3FB8]  }
0x39: {  	_ = 	snop;
	(pc) =	sbr.ind lr, $3  }
0x3a: {  	_ = 	snop  }
0x3b: {  	_ = 	snop  }
0x3c: {  	p2 =	seq.s32 s10, $0x1;
	s10 =	sld [smem:$0x3FB7]  }
0x3d: {  	_ =	shalt  }
0x3e: {  	_ =	shalt  }
0x3f: {  	_ =	shalt  }
0x40: {  	_ =	shalt  }
0x41: {  	_ =	shalt  }
0x42: {  	_ =	shalt  }
0x43: {  	_ =	shalt  }
0x44: {  	_ =	shalt  }
0x45: {  	_ =	shalt  }
0x46: {  	_ =	shalt  }
0x47: {  	_ =	shalt  }
0x48: {  	_ =	shalt  }
0x49: {  	_ =	shalt  }
0x4a: {  	_ =	shalt  }
0x4b: {  	_ =	shalt  }
0x4c: {  	_ =	shalt  }
0x4d: {  	_ =	shalt  }
0x4e: {  	_ =	shalt  }
0x4f: {  	_ =	shalt  }
0x50: {  	_ =	shalt  }
0x51: {  	_ =	shalt  }
0x52: {  	_ =	shalt  }
0x53: {  	_ =	shalt  }
0x54: {  	_ =	shalt  }
0x55: {  	_ =	shalt  }
0x56: {  	_ =	shalt  }
0x57: {  	_ =	shalt  }
0x58: {  	_ =	shalt  }
0x59: {  	_ =	shalt  }
0x5a: {  	_ =	shalt  }
0x5b: {  	_ =	shalt  }
0x5c: {  	_ =	shalt  }
0x5d: {  	_ =	shalt  }
0x5e: {  	_ =	shalt  }
0x5f: {  	_ =	shalt  }
0x60: {  	_ =	shalt  }
0x61: {  	_ =	shalt  }
0x62: {  	_ =	shalt  }
0x63: {  	_ =	shalt  }
0x64: {  	_ =	shalt  }
0x65: {  	_ =	shalt  }
0x66: {  	_ =	shalt  }
0x67: {  	_ =	shalt  }
0x68: {  	_ =	shalt  }
0x69: {  	_ =	shalt  }
0x6a: {  	_ =	shalt  }
0x6b: {  	_ =	shalt  }
0x6c: {  	_ =	shalt  }
0x6d: {  	_ =	shalt  }
0x6e: {  	_ =	shalt  }
0x6f: {  	_ =	shalt  }
0x70: {  	_ =	shalt  }
0x71: {  	_ =	shalt  }
0x72: {  	_ =	shalt  }
0x73: {  	_ =	shalt  }
0x74: {  	_ =	shalt  }
0x75: {  	_ =	shalt  }
0x76: {  	_ =	shalt  }
0x77: {  	_ =	shalt  }
0x78: {  	_ =	shalt  }
0x79: {  	_ =	shalt  }
0x7a: {  	_ =	shalt  }
0x7b: {  	_ =	shalt  }
0x7c: {  	_ =	shalt  }
0x7d: {  	_ =	shalt  }
0x7e: {  	_ =	shalt  }
0x7f: {  	_ =	shalt  }
0x80: {  	_ =	shalt  }
0x81: {  	_ =	shalt  }
0x82: {  	_ =	shalt  }
0x83: {  	_ =	shalt  }
0x84: {  	_ =	shalt  }
0x85: {  	_ =	shalt  }
0x86: {  	_ =	shalt  }
0x87: {  	_ =	shalt  }
.Lfunc_end0:
.L_simem_size_0:
called_computation.1_lowered:
.L_overlay_start_0:
0x88: {  	s2 =	sld [smem:$0x3FD9]  }
0x89: {  	s3 =	sld [smem:$0x3FFE];
	_ =	sdelay $0x1  }
0x8a: {  	s1 =	srdreg.scid  }
0x8b: {  	s0 =	sand.u32 $0x1, s1  }
0x8c: {  	s17 =	sshll.u32 s0, $0xA;
	s2 =	sadd.s32 s3, s2  }
0x8d: {  	s2 =	sadd.s32 s2, s17  }
0x8e: {  	[smem:$0x3FC3] =	sst s2  }
0x8f: {  	_ = 	snop  }
0x90: {  	s2 =	sld [smem:$0x3FD0];
	(tm) =	ssettm $0x1  }
0x91: {  	s18 =	sld [smem:$0x3FFB];
	_ =	sdelay $0x3  }
0x92: {  	_ =	strace s18  }
0x93: {  	s3 =	sld [smem:$0x3FFC];
	_ =	sdelay $0x3  }
0x94: {  	_ =	strace s3  }
0x95: {  	s3 =	sld [smem:$0x3FFD];
	_ =	sdelay $0x3  }
0x96: {  	_ =	strace s3  }
0x97: {  	_ =	strace $0x8FFFFFFF  }
0x98: {  	s19 =	sld [smem:$0x3FDB];
	_ =	sdelay $0x1  }
0x99: {  	s4 =	simm.s32 $_scs_section_size  }
0x9a: {  	s5 =	simm.s32 $_size__tile_overlayer_lowered;
	s6 =	simm.s32 $_tile_overlayer_lowered  }
0x9b: {  	s22 =	simm.s32 $0x1BFF;
	s21 =	sshll.u32 s6, $0x1;
	s3 =	sadd.s32 s4, s19  }
0x9c: {  	s7 =	simm.s32 $0x0;
	s20 =	sshll.u32 s5, $0x1;
	s5 =	sadd.s32 s21, s3  }
0x9d: {  	[timem:s7], [sflag:s22] =	dma.local [hbm:s5], s20  }
0x9e: {  	_ =	swait.ge [sflag:s22], s20  }
0x9f: {  	s4 =	ssub.s32 $0x0, s20;
	[sflag:s22] =	ssyncset.done $0x0  }
0xa0: {  	[sflag:s22] =	ssyncadd.s32 s4;
	_ =	sdelay $0x1  }
0xa1: {  	s23 =	simm.s32 $0x1B8B  }
0xa2: {  	_ =	swait.ge [sflag:s23], $0x1  }
0xa3: {  	[sflag:s23] =	ssyncset.done $0x0  }
0xa4: {  	s25 =	simm.s32 $0x1B8E;
	s24 =	sld [smem:$0x3FFE];
	[sflag:s23] =	ssyncadd.s32 $0xFFFFFFFF  }
0xa5: {  	s26 =	simm.s32 $execute0_lowered;
	[smem:$0x3FD2] =	sst s25  }
0xa6: {  	s5 =	sshll.u32 s26, $0x1;
	_ =	strace $0x80000049;
	[dreg:$0x1] =	wrdreg $0xFFFFFFFF  }
0xa7: {  	s28 =	simm.s32 $_size_execute0_lowered;
	s3 =	sadd.s32 s3, s5;
	[dreg:$0x0] =	wrdreg $0x0  }
0xa8: {  	s5 =	sshll.u32 s28, $0x1;
	[dreg:$0x2] =	wrdreg s3  }
0xa9: {  	[dreg:$0x3] =	wrdreg s5  }
0xaa: {  	[dreg:$0x4] =	wrdreg $0xC0  }
0xab: {  	_ =	task [dreg:s7], $0x5FFFF  }
0xac: {  	[dreg:$0x1] =	wrdreg $0xFFFFFFFF  }
0xad: {  	[dreg:$0x0] =	wrdreg $0x60  }
0xae: {  	[dreg:$0x2] =	wrdreg s24  }
0xaf: {  	[dreg:$0x3] =	wrdreg s2  }
0xb0: {  	[dreg:$0x4] =	wrdreg $0x9  }
0xb1: {  	_ =	task.clear_ibuf [dreg:s7], $0x5FFFF;
	_ =	strace $0x90000049  }
0xb2: {  	s29 =	simm.s32 $0x9;
	_ =	strace $0x8000004B  }
0xb3: {  	_ =	swait.ge [sflag:s29], $0x1  }
0xb4: {  	[sflag:s29] =	ssyncadd.s32 $0xFFFFFFFF  }
0xb5: {  	_ =	strace $0x9000004B  }
0xb6: {  	_ =	sfence  }
0xb7: {  	s30 =	sld [smem:$0x0];
	_ =	sdelay $0x2  }
0xb8: {  	s31 =	sshll.u32 s1, $0xD;
	s1 =	sshrl.u32 s1, $0x2  }
0xb9: {  	s3 =	sand.u32 $0x4000, s31;
	s1 =	sadd.s32 s1, s30  }
0xba: {  	s0 =	sor.u32 s3, s0;
	s1 =	sshll.u32 s1, $0x11  }
0xbb: {  	s0 =	sor.u32 s1, s0  }
0xbc: {  	s0 =	sadd.s32 $0x8F2B, s0  }
0xbd: {  	[sflag:s0] =	ssyncadd.remote.s32 $0x1  }
0xbe: {  	_ =	sfence.sel $0xFFFF  }
0xbf: {  	[dreg:$0x0] =	wrdreg $0xFFFFFFFF;
	(pc) =	sbr.abs _section_cstart, $3  }
0xc0: {  	[dreg:$0x1] =	wrdreg $0xFFFFFFFF  }
0xc1: {  	_ =	task.clear_ibuf [dreg:s7], $0x2FFFF;
	_ =	strace $0x9FFFFFFF  }
0xc2: {  	(tm) =	ssettm $0x7FFFFFFF  }
0xc3: {  	_ =	shalt  }
tec
execute0_lowered:
.L_overlay_start_1:
0x0: {  	(tag) =	ssettag $0x1  }
0x1: {  	s0 =	rddreg [dreg:$0x0]  }
0x2: {  	s1 =	srdreg.scid;
	s3 =	stileid.u32  }
0x3: {  	s4 =	rddreg [dreg:$0x1];
	s1 =	sand.u32 $0x1, s1;
	s2 =	sshll.u32 s3, $0x1  }
0x4: {  	s31 =	simm.s32 $0x900;
	s28 =	simm.s32 $0x1;
	s8 =	sor.u32 s1, s2  }
0x5: {  	s2 =	simm.s32 $0x0;
	s5 =	sshll.u32 s8, $0x4;
	s8 =	sshll.u32 s8, $0xF  }
0x6: {  	s29 =	simm.s32 $0x2;
	[smem:$0x7FF] =	sst s2;
	s4 =	sadd.s32 s4, s8  }
0x7: {  	_ =	strace $0x8000004A;
	s26 =	sadd.s32 $0x800, s4;
	[dreg:$0x5] =	wrdreg s4  }
0x8: {  	s30 =	simm.s32 $0x8A00;
	s8 =	sadd.s32 $0x1000, s4;
	[dreg:$0x6] =	wrdreg s26  }
0x9: {  	s3 =	sshll.u32 s3, $0x6;
	s12 =	sadd.s32 $0x1800, s4;
	[dreg:$0x7] =	wrdreg s8  }
0xa: {  	s7 =	sadd.s32 $0x281700, s0;
	s14 =	sadd.s32 $0x2000, s4;
	[dreg:$0x8] =	wrdreg s12  }
0xb: {  	s10 =	sadd.s32 $0x281900, s0;
	s15 =	sadd.s32 $0x2800, s4;
	[dreg:$0x9] =	wrdreg s14  }
0xc: {  	s11 =	sadd.s32 $0x281A00, s0;
	s16 =	sadd.s32 $0x3000, s4;
	[dreg:$0xa] =	wrdreg s15  }
0xd: {  	s13 =	sadd.s32 $0x281B00, s0;
	s17 =	sadd.s32 $0x3800, s4;
	[dreg:$0xb] =	wrdreg s16  }
0xe: {  	s3 =	sand.u32 $0x300, s3;
	s18 =	sadd.s32 $0x4000, s4;
	[dreg:$0xc] =	wrdreg s17  }
0xf: {  	s1 =	ssub.s32 $0x2, s1;
	s19 =	sadd.s32 $0x4800, s4;
	[dreg:$0xd] =	wrdreg s18  }
0x10: {  	s6 =	sshrl.u32 s1, $0x1;
	s20 =	sadd.s32 $0x5000, s4;
	[dreg:$0xe] =	wrdreg s19  }
0x11: {  	s1 =	ssub.s32 s1, s6;
	s21 =	sadd.s32 $0x5800, s4;
	[dreg:$0xf] =	wrdreg s20  }
0x12: {  	s5 =	sand.u32 $0x70, s5;
	s22 =	smax.u32 s1, $0x1;
	[dreg:$0x10] =	wrdreg s21  }
0x13: {  	s6 =	sadd.s32 $0x281600, s0;
	s23 =	sadd.s32 $0x6000, s4;
	[dreg:$0x11] =	wrdreg s22  }
0x14: {  	s5 =	sor.u32 s3, s5;
	s24 =	sadd.s32 $0x6800, s4;
	[dreg:$0x12] =	wrdreg s23  }
0x15: {  	v16 =	vlaneseq.u32;
	s3 =	sadd.s32 $0x281400, s0;
	s25 =	sadd.s32 $0x7000, s4;
	[dreg:$0x13] =	wrdreg s24  }
0x16: {  	v0 =	vmul.u32 $0x2, v16;
	v17 =	vshrl.u32 v16, $0x3;
	s1 =	simm.s32 $0xA00;
	s9 =	sadd.s32 s5, s0;
	[dreg:$0x14] =	wrdreg s25  }
0x17: {  	vm0 =	vmmov $0xffff;
	v16 =	vand.u32 $0x7, v16;
	v17 =	vmul.u32 $0x8, v17;
	s26 =	sadd.s32 $0x7800, s4;
	s20 =	simm.s32 $0xE200;
	s21 =	simm.s32 $0xEA00  }
0x18: {  	v1 =	vor.u32 $0x1, v0;
	v2 =	vor.u32 $0x20, v0;
	v3 =	vor.u32 $0x21, v0;
	s22 =	simm.s32 $0xF200;
	s23 =	simm.s32 $0xFA00;
	s24 =	simm.s32 $0x10200  }
0x19: {  	v4 =	vor.u32 $0x40, v0;
	v5 =	vor.u32 $0x41, v0;
	v6 =	vor.u32 $0x60, v0;
	s25 =	simm.s32 $0x3;
	s12 =	simm.s32 $0x5;
	s4 =	simm.s32 $0x0  }
0x1a: {  	v7 =	vor.u32 $0x61, v0;
	v8 =	vor.u32 $0x80, v0;
	v9 =	vor.u32 $0x81, v0;
	s5 =	sadd.s32 $0xC00, s9;
	s9 =	sadd.s32 $0x281000, s9;
	[dreg:$0x15] =	wrdreg s26  }
0x1b: {  	v10 =	vor.u32 $0xA0, v0;
	v11 =	vor.u32 $0xA1, v0;
	v12 =	vor.u32 $0xC0, v0;
	s26 =	simm.s32 $0x4;
	[dreg:$0x3] =	wrdreg s5;
	s5 =	sadd.s32 $0x281500, s0  }
0x1c: {  	v13 =	vor.u32 $0xC1, v0;
	v14 =	vor.u32 $0xE0, v0;
	v15 =	vor.u32 $0xE1, v0;
	[dreg:$0x4] =	wrdreg s9;
	s9 =	sadd.s32 $0x281800, s0;
	s0 =	simm.s32 $0x6  }
.LBB2_1:
0x1d: {  	s8 =	rddreg [dreg:$0x3]  }
0x1e: {  	s14 =	simm.s32 $0x80;
	s15 =	simm.s32 $0x400;
	s16 =	simm.s32 $0x7  }
0x1f: {  	[tilespmem:s2], [sflag:$0x7] =	stream.strided.gather [hbm4b:s8+s14], $0x100, s15, s14, $0x38;
	[tilespmem:$0x10A00] =	vst v63  }
0x20: {  	_ =	swait.ge [sflag:s16], $0x100  }
0x21: {  	[sflag:s16] =	ssyncset.done $0x0  }
0x22: {  	s18 =	rddreg [dreg:$0x4];
	[sflag:s16] =	ssyncadd.s32 $0xFFFFFF00  }
0x23: {  	[tilespmem:s31], [sflag:$0x7] =	stream.strided.gather [hbm4b:s18+s14], $0x100, s15, s14, $0x38;
	[tilespmem:$0x10A00] =	vst v63  }
0x24: {  	_ =	swait.ge [sflag:s16], $0x100  }
0x25: {  	[sflag:s16] =	ssyncset.done $0x0  }
0x26: {  	[sflag:s16] =	ssyncadd.s32 $0xFFFFFF00  }
0x27: {  	v18 =	vld.idx.msk [tilespmem:v0+s2+$0x0], $0xffff;
	_ =	sdelay $0x4  }
0x28: {  	[tilespmem:$0x100] =	vst v18  }
0x29: {  	v18 =	vld.idx.msk [tilespmem:v1+s2+$0x0], $0xffff;
	_ =	sdelay $0x4  }
0x2a: {  	[tilespmem:$0x500] =	vst v18  }
0x2b: {  	v18 =	vld.idx.msk [tilespmem:v2+s2+$0x0], $0xffff;
	_ =	sdelay $0x4  }
0x2c: {  	[tilespmem:$0x180] =	vst v18  }
0x2d: {  	v18 =	vld.idx.msk [tilespmem:v3+s2+$0x0], $0xffff;
	_ =	sdelay $0x4  }
0x2e: {  	[tilespmem:$0x580] =	vst v18  }
0x2f: {  	v18 =	vld.idx.msk [tilespmem:v4+s2+$0x0], $0xffff;
	_ =	sdelay $0x4  }
0x30: {  	[tilespmem:$0x200] =	vst v18  }
0x31: {  	v18 =	vld.idx.msk [tilespmem:v5+s2+$0x0], $0xffff;
	_ =	sdelay $0x4  }
0x32: {  	[tilespmem:$0x600] =	vst v18  }
0x33: {  	v18 =	vld.idx.msk [tilespmem:v6+s2+$0x0], $0xffff;
	_ =	sdelay $0x4  }
0x34: {  	[tilespmem:$0x280] =	vst v18  }
0x35: {  	v18 =	vld.idx.msk [tilespmem:v7+s2+$0x0], $0xffff;
	_ =	sdelay $0x4  }
0x36: {  	[tilespmem:$0x680] =	vst v18  }
0x37: {  	v18 =	vld.idx.msk [tilespmem:v8+s2+$0x0], $0xffff;
	_ =	sdelay $0x4  }
0x38: {  	[tilespmem:$0x300] =	vst v18  }
0x39: {  	v18 =	vld.idx.msk [tilespmem:v9+s2+$0x0], $0xffff;
	_ =	sdelay $0x4  }
0x3a: {  	[tilespmem:$0x700] =	vst v18  }
0x3b: {  	v18 =	vld.idx.msk [tilespmem:v10+s2+$0x0], $0xffff;
	_ =	sdelay $0x4  }
0x3c: {  	[tilespmem:$0x380] =	vst v18  }
0x3d: {  	v18 =	vld.idx.msk [tilespmem:v11+s2+$0x0], $0xffff;
	_ =	sdelay $0x4  }
0x3e: {  	[tilespmem:$0x780] =	vst v18  }
0x3f: {  	v18 =	vld.idx.msk [tilespmem:v12+s2+$0x0], $0xffff;
	_ =	sdelay $0x4  }
0x40: {  	[tilespmem:$0x400] =	vst v18  }
0x41: {  	v18 =	vld.idx.msk [tilespmem:v13+s2+$0x0], $0xffff;
	_ =	sdelay $0x2  }
0x42: {  	v19 =	vld.msk [tilespmem:$0x100], $0xff;
	_ =	sdelay $0x1  }
0x43: {  	[tilespmem:$0x800] =	vst v18  }
0x44: {  	v18 =	vld.idx.msk [tilespmem:v14+s2+$0x0], $0xffff;
	_ =	sdelay $0x1  }
0x45: {  	v20 =	vshll.u32 v19, $0x4  }
0x46: {  	v19 =	vand.u32 $0x7, v19;
	v20 =	vand.u32 $0xFFFFFF80, v20  }
0x47: {  	v19 =	vor.u32 v19, v20  }
0x48: {  	[tilespmem:$0x480] =	vst v18;
	v18 =	vperm.xlane v19, v16  }
0x49: {  	v19 =	vld.idx.msk [tilespmem:v15+s2+$0x0], $0xffff  }
0x4a: {  	v18 =	vadd.s32 v17, v18;
	_ =	sdelay $0x3  }
0x4b: {  	[tilespmem:$0x880] =	vst v19  }
0x4c: {  	[tilespmem:s1], [sflag:$0x1] =	stream.indirect_vreg.gather [hbm4b:s3+s2], $0x80, v18, vm0, $0xb8;
	[tilespmem:$0x10A00] =	vst v63  }
0x4d: {  	s19 =	simm.s32 $0x1200  }
0x4e: {  	[tilespmem:s19], [sflag:$0x1] =	stream.indirect_vreg.gather [hbm4b:s5+s2], $0x80, v18, vm0, $0xb8;
	[tilespmem:$0x10A00] =	vst v63  }
0x4f: {  	s14 =	simm.s32 $0x1A00  }
0x50: {  	[tilespmem:s14], [sflag:$0x1] =	stream.indirect_vreg.gather [hbm4b:s6+s2], $0x80, v18, vm0, $0xb8;
	[tilespmem:$0x10A00] =	vst v63  }
0x51: {  	s15 =	simm.s32 $0x2200  }
0x52: {  	[tilespmem:s15], [sflag:$0x1] =	stream.indirect_vreg.gather [hbm4b:s7+s2], $0x80, v18, vm0, $0xb8;
	[tilespmem:$0x10A00] =	vst v63  }
0x53: {  	s16 =	simm.s32 $0x2A00  }
0x54: {  	[tilespmem:s16], [sflag:$0x1] =	stream.indirect_vreg.gather [hbm4b:s9+s2], $0x80, v18, vm0, $0xb8;
	[tilespmem:$0x10A00] =	vst v63  }
0x55: {  	s17 =	simm.s32 $0x3200  }
0x56: {  	[tilespmem:s17], [sflag:$0x1] =	stream.indirect_vreg.gather [hbm4b:s10+s2], $0x80, v18, vm0, $0xb8;
	[tilespmem:$0x10A00] =	vst v63  }
0x57: {  	s18 =	simm.s32 $0x3A00  }
0x58: {  	[tilespmem:s18], [sflag:$0x1] =	stream.indirect_vreg.gather [hbm4b:s11+s2], $0x80, v18, vm0, $0xb8;
	[tilespmem:$0x10A00] =	vst v63  }
0x59: {  	s19 =	simm.s32 $0x4200  }
0x5a: {  	[tilespmem:s19], [sflag:$0x1] =	stream.indirect_vreg.gather [hbm4b:s13+s2], $0x80, v18, vm0, $0xb8;
	[tilespmem:$0x10A00] =	vst v63  }
0x5b: {  	v18 =	vld.msk [tilespmem:$0x500], $0xff;
	_ =	sdelay $0x4  }
0x5c: {  	v19 =	vshll.u32 v18, $0x4  }
0x5d: {  	v18 =	vand.u32 $0x7, v18;
	v19 =	vand.u32 $0xFFFFFF80, v19  }
0x5e: {  	v18 =	vor.u32 v18, v19  }
0x5f: {  	v18 =	vperm.xlane v18, v16;
	_ =	sdelay $0x1  }
0x60: {  	v18 =	vadd.s32 v17, v18;
	_ =	sdelay $0x3  }
0x61: {  	s14 =	simm.s32 $0x4A00  }
0x62: {  	[tilespmem:s14], [sflag:$0x2] =	stream.indirect_vreg.gather [hbm4b:s3+s2], $0x80, v18, vm0, $0xb8;
	[tilespmem:$0x10A00] =	vst v63  }
0x63: {  	s15 =	simm.s32 $0x5200  }
0x64: {  	[tilespmem:s15], [sflag:$0x2] =	stream.indirect_vreg.gather [hbm4b:s5+s2], $0x80, v18, vm0, $0xb8;
	[tilespmem:$0x10A00] =	vst v63  }
0x65: {  	s16 =	simm.s32 $0x5A00  }
0x66: {  	[tilespmem:s16], [sflag:$0x2] =	stream.indirect_vreg.gather [hbm4b:s6+s2], $0x80, v18, vm0, $0xb8;
	[tilespmem:$0x10A00] =	vst v63  }
0x67: {  	s17 =	simm.s32 $0x6200  }
0x68: {  	[tilespmem:s17], [sflag:$0x2] =	stream.indirect_vreg.gather [hbm4b:s7+s2], $0x80, v18, vm0, $0xb8;
	[tilespmem:$0x10A00] =	vst v63  }
0x69: {  	s18 =	simm.s32 $0x6A00  }
0x6a: {  	[tilespmem:s18], [sflag:$0x2] =	stream.indirect_vreg.gather [hbm4b:s9+s2], $0x80, v18, vm0, $0xb8;
	[tilespmem:$0x10A00] =	vst v63  }
0x6b: {  	s19 =	simm.s32 $0x7200  }
0x6c: {  	[tilespmem:s19], [sflag:$0x2] =	stream.indirect_vreg.gather [hbm4b:s10+s2], $0x80, v18, vm0, $0xb8;
	[tilespmem:$0x10A00] =	vst v63  }
0x6d: {  	s14 =	simm.s32 $0x7A00  }
0x6e: {  	[tilespmem:s14], [sflag:$0x2] =	stream.indirect_vreg.gather [hbm4b:s11+s2], $0x80, v18, vm0, $0xb8;
	[tilespmem:$0x10A00] =	vst v63  }
0x6f: {  	s15 =	simm.s32 $0x8200  }
0x70: {  	[tilespmem:s15], [sflag:$0x2] =	stream.indirect_vreg.gather [hbm4b:s13+s2], $0x80, v18, vm0, $0xb8;
	[tilespmem:$0x10A00] =	vst v63  }
0x71: {  	_ =	swait.ge [sflag:s28], $0x4000  }
0x72: {  	[sflag:s28] =	ssyncset.done $0x0  }
0x73: {  	[sflag:s28] =	ssyncadd.s32 $0xFFFFC000  }
0x74: {  	_ =	swait.ge [sflag:s29], $0x4000  }
0x75: {  	[sflag:s29] =	ssyncset.done $0x0  }
0x76: {  	[sflag:s29] =	ssyncadd.s32 $0xFFFFC000  }
0x77: {  	v18 =	vld.msk [tilespmem:$0x108], $0xff;
	_ =	sdelay $0x4  }
0x78: {  	v19 =	vshll.u32 v18, $0x4  }
0x79: {  	v18 =	vand.u32 $0x7, v18;
	v19 =	vand.u32 $0xFFFFFF80, v19  }
0x7a: {  	v18 =	vor.u32 v18, v19  }
0x7b: {  	v18 =	vperm.xlane v18, v16;
	_ =	sdelay $0x1  }
0x7c: {  	v18 =	vadd.s32 v17, v18;
	_ =	sdelay $0x4  }
0x7d: {  	[tilespmem:s30], [sflag:$0x3] =	stream.indirect_vreg.gather [hbm4b:s3+s2], $0x80, v18, vm0, $0xb8;
	[tilespmem:$0x10A00] =	vst v63  }
0x7e: {  	s16 =	simm.s32 $0x9200  }
0x7f: {  	[tilespmem:s16], [sflag:$0x3] =	stream.indirect_vreg.gather [hbm4b:s5+s2], $0x80, v18, vm0, $0xb8;
	[tilespmem:$0x10A00] =	vst v63  }
0x80: {  	s17 =	simm.s32 $0x9A00  }
0x81: {  	[tilespmem:s17], [sflag:$0x3] =	stream.indirect_vreg.gather [hbm4b:s6+s2], $0x80, v18, vm0, $0xb8;
	[tilespmem:$0x10A00] =	vst v63  }
0x82: {  	s18 =	simm.s32 $0xA200  }
0x83: {  	[tilespmem:s18], [sflag:$0x3] =	stream.indirect_vreg.gather [hbm4b:s7+s2], $0x80, v18, vm0, $0xb8;
	[tilespmem:$0x10A00] =	vst v63  }
0x84: {  	s19 =	simm.s32 $0xAA00  }
0x85: {  	[tilespmem:s19], [sflag:$0x3] =	stream.indirect_vreg.gather [hbm4b:s9+s2], $0x80, v18, vm0, $0xb8;
	[tilespmem:$0x10A00] =	vst v63  }
0x86: {  	s14 =	simm.s32 $0xB200  }
0x87: {  	[tilespmem:s14], [sflag:$0x3] =	stream.indirect_vreg.gather [hbm4b:s10+s2], $0x80, v18, vm0, $0xb8;
	[tilespmem:$0x10A00] =	vst v63  }
0x88: {  	s15 =	simm.s32 $0xBA00  }
0x89: {  	[tilespmem:s15], [sflag:$0x3] =	stream.indirect_vreg.gather [hbm4b:s11+s2], $0x80, v18, vm0, $0xb8;
	[tilespmem:$0x10A00] =	vst v63  }
0x8a: {  	s16 =	simm.s32 $0xC200  }
0x8b: {  	[tilespmem:s16], [sflag:$0x3] =	stream.indirect_vreg.gather [hbm4b:s13+s2], $0x80, v18, vm0, $0xb8;
	[tilespmem:$0x10A00] =	vst v63  }
0x8c: {  	v18 =	vld.msk [tilespmem:$0x508], $0xff;
	_ =	sdelay $0x4  }
0x8d: {  	v19 =	vshll.u32 v18, $0x4  }
0x8e: {  	v18 =	vand.u32 $0x7, v18;
	v19 =	vand.u32 $0xFFFFFF80, v19  }
0x8f: {  	v18 =	vor.u32 v18, v19  }
0x90: {  	v18 =	vperm.xlane v18, v16;
	_ =	sdelay $0x1  }
0x91: {  	v18 =	vadd.s32 v17, v18;
	_ =	sdelay $0x3  }
0x92: {  	s17 =	simm.s32 $0xCA00  }
0x93: {  	[tilespmem:s17], [sflag:$0x4] =	stream.indirect_vreg.gather [hbm4b:s3+s2], $0x80, v18, vm0, $0xb8;
	[tilespmem:$0x10A00] =	vst v63  }
0x94: {  	s18 =	simm.s32 $0xD200  }
0x95: {  	[tilespmem:s18], [sflag:$0x4] =	stream.indirect_vreg.gather [hbm4b:s5+s2], $0x80, v18, vm0, $0xb8;
	[tilespmem:$0x10A00] =	vst v63  }
0x96: {  	s19 =	simm.s32 $0xDA00  }
0x97: {  	[tilespmem:s19], [sflag:$0x4] =	stream.indirect_vreg.gather [hbm4b:s6+s2], $0x80, v18, vm0, $0xb8;
	[tilespmem:$0x10A00] =	vst v63  }
0x98: {  	_ = 	snop  }
0x99: {  	[tilespmem:s20], [sflag:$0x4] =	stream.indirect_vreg.gather [hbm4b:s7+s2], $0x80, v18, vm0, $0xb8;
	[tilespmem:$0x10A00] =	vst v63  }
0x9a: {  	_ = 	snop  }
0x9b: {  	[tilespmem:s21], [sflag:$0x4] =	stream.indirect_vreg.gather [hbm4b:s9+s2], $0x80, v18, vm0, $0xb8;
	[tilespmem:$0x10A00] =	vst v63  }
0x9c: {  	_ = 	snop  }
0x9d: {  	[tilespmem:s22], [sflag:$0x4] =	stream.indirect_vreg.gather [hbm4b:s10+s2], $0x80, v18, vm0, $0xb8;
	[tilespmem:$0x10A00] =	vst v63  }
0x9e: {  	_ = 	snop  }
0x9f: {  	[tilespmem:s23], [sflag:$0x4] =	stream.indirect_vreg.gather [hbm4b:s11+s2], $0x80, v18, vm0, $0xb8;
	[tilespmem:$0x10A00] =	vst v63  }
0xa0: {  	s15 =	simm.s32 $0x0;
	s16 =	simm.s32 $0xA40;
	s19 =	simm.s32 $0x4A40  }
0xa1: {  	[tilespmem:s24], [sflag:$0x4] =	stream.indirect_vreg.gather [hbm4b:s13+s2], $0x80, v18, vm0, $0xb8;
	[tilespmem:$0x10A00] =	vst v63  }
.LBB2_2:
0xa2: {  	s8 =	sshll.u32 s15, $0x1  }
0xa3: {  	v20 =	vld [tilespmem:s16+$0x30];
	v18 =	vmov s8  }
0xa4: {  	v21 =	vld [tilespmem:s19+$0x30];
	v19 =	vor.u32 $0x1, v18  }
0xa5: {  	v23 =	vld [tilespmem:s19+$0xFFFFFFC0]  }
0xa6: {  	v22 =	vld [tilespmem:s16+$0xFFFFFFD0]  }
0xa7: {  	v24 =	vld [tilespmem:s19+$0xFFFFFFD0]  }
0xa8: {  	v18 =	vld.idx.msk [tilespmem:v18+s31+$0x0], $0xffff  }
0xa9: {  	v19 =	vld.idx.msk [tilespmem:v19+s31+$0x0], $0xffff  }
0xaa: {  	v25 =	vld [tilespmem:s16+$0xFFFFFFE0]  }
0xab: {  	v26 =	vld [tilespmem:s19+$0xFFFFFFE0]  }
0xac: {  	v27 =	vld [tilespmem:s16+$0xFFFFFFF0]  }
0xad: {  	v28 =	vld [tilespmem:s19+$0xFFFFFFF0]  }
0xae: {  	v29 =	vld [tilespmem:s16+$0x0];
	v20 =	vmul.f32 v20, v18;
	v21 =	vmul.f32 v21, v19  }
0xaf: {  	v31 =	vld [tilespmem:s19+$0x0];
	v30 =	vmul.f32 v22, v18;
	v24 =	vmul.f32 v24, v19  }
0xb0: {  	v25 =	vmul.f32 v25, v18;
	v22 =	vld [tilespmem:s16+$0x10];
	v26 =	vmul.f32 v26, v19;
	v20 =	vadd.f32 v21, v20  }
0xb1: {  	v30 =	vadd.f32 v24, v30;
	v21 =	vld [tilespmem:s19+$0x10]  }
0xb2: {  	v27 =	vmul.f32 v27, v18;
	v28 =	vmul.f32 v28, v19;
	v32 =	vadd.f32 v26, v25;
	v24 =	vld [tilespmem:s16+$0x20];
	[tilespmem:s16+$0x30] =	vst v20  }
0xb3: {  	s17 =	simm.s32 $0x0;
	v25 =	vld [tilespmem:s19+$0x20];
	v26 =	vmul.f32 v29, v18;
	[tilespmem:s16+$0xFFFFFFD0] =	vst v30  }
0xb4: {  	s18 =	sadd.s32 $0x400, s16;
	s14 =	smov.u32 s16;
	s8 =	smov.u32 s19;
	v27 =	vadd.f32 v28, v27;
	v28 =	vmul.f32 v31, v19;
	v20 =	vmul.f32 v23, v19;
	v23 =	vld [tilespmem:s16+$0xFFFFFFC0];
	[tilespmem:s16+$0xFFFFFFE0] =	vst v32  }
.LBB2_3:
0xb5: {  	v29 =	vld [tilespmem:s18+$0x30];
	v22 =	vmul.f32 v22, v18;
	s8 =	sadd.s32 $0x400, s8  }
0xb6: {  	s17 =	sadd.s32 $0x80, s17;
	v30 =	vld [tilespmem:s8+$0x30];
	[tilespmem:s14+$0xFFFFFFF0] =	vst v27;
	v26 =	vadd.f32 v28, v26;
	v21 =	vmul.f32 v21, v19  }
0xb7: {  	p0 =	slt.u32 s17, $0x780;
	v27 =	vld [tilespmem:s8+$0xFFFFFFC0];
	v24 =	vmul.f32 v24, v18  }
0xb8: {  	v28 =	vld [tilespmem:s18+$0xFFFFFFD0];
	[tilespmem:s14+$0x0] =	vst v26;
	v21 =	vadd.f32 v21, v22;
	v22 =	vmul.f32 v25, v19  }
0xb9: {  	v25 =	vld [tilespmem:s8+$0xFFFFFFD0];
	v23 =	vmul.f32 v23, v18  }
0xba: {  	v26 =	vld [tilespmem:s18+$0xFFFFFFE0];
	[tilespmem:s14+$0x10] =	vst v21;
	v21 =	vadd.f32 v22, v24  }
0xbb: {  	v24 =	vmul.f32 v29, v18;
	v22 =	vld [tilespmem:s8+$0xFFFFFFE0];
	v29 =	vmul.f32 v30, v19;
	v23 =	vadd.f32 v20, v23  }
0xbc: {  	v20 =	vmul.f32 v27, v19;
	v27 =	vld [tilespmem:s18+$0xFFFFFFF0];
	[tilespmem:s14+$0x20] =	vst v21  }
0xbd: {  	v21 =	vmul.f32 v28, v18;
	v28 =	vld [tilespmem:s8+$0xFFFFFFF0];
	v24 =	vadd.f32 v29, v24;
	[tilespmem:s14+$0xFFFFFFC0] =	vst v23;
	s14 =	smov.u32 s18  }
0xbe: {  	v23 =	vmul.f32 v25, v19;
	v25 =	vld [tilespmem:s18+$0x0]  }
0xbf: {  	v26 =	vmul.f32 v26, v18;
	v29 =	vld [tilespmem:s8+$0x0];
	[tilespmem:s18+$0x30] =	vst v24  }
.Ltmp0:
0xc0: {  	v23 =	vadd.f32 v23, v21;
	v24 =	vmul.f32 v22, v19;
	v22 =	vld [tilespmem:s18+$0x10];
	(pc) =	sbr.rel @p0 .LBB2_3-.Ltmp0, $4  }
0xc1: {  	v27 =	vmul.f32 v27, v18;
	v21 =	vld [tilespmem:s8+$0x10]  }
0xc2: {  	[tilespmem:s18+$0xFFFFFFD0] =	vst v23;
	v30 =	vadd.f32 v24, v26;
	v28 =	vmul.f32 v28, v19;
	v24 =	vld [tilespmem:s18+$0x20]  }
0xc3: {  	v26 =	vmul.f32 v25, v18;
	v25 =	vld [tilespmem:s8+$0x20]  }
0xc4: {  	s18 =	sadd.s32 $0x400, s18;
	v23 =	vld [tilespmem:s14+$0xFFFFFFC0];
	[tilespmem:s14+$0xFFFFFFE0] =	vst v30;
	v27 =	vadd.f32 v28, v27;
	v28 =	vmul.f32 v29, v19  }
0xc5: {  	_ =	sdelay $0x1  }
0xc6: {  	v22 =	vmul.f32 v22, v18;
	s15 =	sadd.s32 $0x1, s15;
	v21 =	vmul.f32 v21, v19  }
0xc7: {  	v26 =	vadd.f32 v28, v26;
	p0 =	sne.s32 s15, $0x8;
	v24 =	vmul.f32 v24, v18;
	v19 =	vmul.f32 v25, v19  }
.Ltmp1:
0xc8: {  	[tilespmem:s14+$0xFFFFFFF0] =	vst v27;
	v21 =	vadd.f32 v21, v22;
	v18 =	vmul.f32 v23, v18;
	(pc) =	sbr.rel @p0 .LBB2_2-.Ltmp1, $4  }
0xc9: {  	[tilespmem:s14+$0x0] =	vst v26;
	v19 =	vadd.f32 v19, v24  }
0xca: {  	[tilespmem:s14+$0x10] =	vst v21;
	v18 =	vadd.f32 v20, v18  }
0xcb: {  	[tilespmem:s14+$0x20] =	vst v19  }
0xcc: {  	s19 =	sadd.s32 $0x80, s19;
	s16 =	sadd.s32 $0x80, s16;
	[tilespmem:s14+$0xFFFFFFC0] =	vst v18  }
0xcd: {  	s8 =	simm.s32 $0x0;
	s14 =	rddreg [dreg:$0x5]  }
0xce: {  	[hbm4b:s14+s8] =	stream.linear.scatter [tilespmem:s1], [sflag:$0x5], $0x4000, $0x38;
	[tilespmem:$0x10A00] =	vst v63  }
0xcf: {  	_ =	swait.ge [sflag:s25], $0x4000  }
0xd0: {  	[sflag:s25] =	ssyncset.done $0x0  }
0xd1: {  	[sflag:s25] =	ssyncadd.s32 $0xFFFFC000  }
0xd2: {  	_ =	swait.ge [sflag:s26], $0x4000  }
0xd3: {  	[sflag:s26] =	ssyncset.done $0x0  }
0xd4: {  	[sflag:s26] =	ssyncadd.s32 $0xFFFFC000  }
0xd5: {  	_ =	swait.ge [sflag:s12], $0x4000  }
0xd6: {  	[sflag:s12] =	ssyncset.done $0x0  }
0xd7: {  	[sflag:s12] =	ssyncadd.s32 $0xFFFFC000  }
0xd8: {  	v18 =	vld.msk [tilespmem:$0x180], $0xff;
	_ =	sdelay $0x4  }
0xd9: {  	v19 =	vshll.u32 v18, $0x4  }
0xda: {  	v18 =	vand.u32 $0x7, v18;
	v19 =	vand.u32 $0xFFFFFF80, v19  }
0xdb: {  	v18 =	vor.u32 v18, v19  }
0xdc: {  	v18 =	vperm.xlane v18, v16;
	_ =	sdelay $0x1  }
0xdd: {  	v18 =	vadd.s32 v17, v18;
	_ =	sdelay $0x4  }
0xde: {  	[tilespmem:s1], [sflag:$0x1] =	stream.indirect_vreg.gather [hbm4b:s3+s8], $0x80, v18, vm0, $0xb8;
	[tilespmem:$0x10A00] =	vst v63  }
0xdf: {  	s15 =	simm.s32 $0x1200  }
0xe0: {  	[tilespmem:s15], [sflag:$0x1] =	stream.indirect_vreg.gather [hbm4b:s5+s8], $0x80, v18, vm0, $0xb8;
	[tilespmem:$0x10A00] =	vst v63  }
0xe1: {  	s16 =	simm.s32 $0x1A00  }
0xe2: {  	[tilespmem:s16], [sflag:$0x1] =	stream.indirect_vreg.gather [hbm4b:s6+s8], $0x80, v18, vm0, $0xb8;
	[tilespmem:$0x10A00] =	vst v63  }
0xe3: {  	s17 =	simm.s32 $0x2200  }
0xe4: {  	[tilespmem:s17], [sflag:$0x1] =	stream.indirect_vreg.gather [hbm4b:s7+s8], $0x80, v18, vm0, $0xb8;
	[tilespmem:$0x10A00] =	vst v63  }
0xe5: {  	s18 =	simm.s32 $0x2A00  }
0xe6: {  	[tilespmem:s18], [sflag:$0x1] =	stream.indirect_vreg.gather [hbm4b:s9+s8], $0x80, v18, vm0, $0xb8;
	[tilespmem:$0x10A00] =	vst v63  }
0xe7: {  	s19 =	simm.s32 $0x3200  }
0xe8: {  	[tilespmem:s19], [sflag:$0x1] =	stream.indirect_vreg.gather [hbm4b:s10+s8], $0x80, v18, vm0, $0xb8;
	[tilespmem:$0x10A00] =	vst v63  }
0xe9: {  	s15 =	simm.s32 $0x3A00  }
0xea: {  	[tilespmem:s15], [sflag:$0x1] =	stream.indirect_vreg.gather [hbm4b:s11+s8], $0x80, v18, vm0, $0xb8;
	[tilespmem:$0x10A00] =	vst v63  }
0xeb: {  	s16 =	simm.s32 $0x4200  }
0xec: {  	[tilespmem:s16], [sflag:$0x1] =	stream.indirect_vreg.gather [hbm4b:s13+s8], $0x80, v18, vm0, $0xb8;
	[tilespmem:$0x10A00] =	vst v63  }
0xed: {  	v18 =	vld.msk [tilespmem:$0x580], $0xff;
	_ =	sdelay $0x4  }
0xee: {  	v19 =	vshll.u32 v18, $0x4  }
0xef: {  	v18 =	vand.u32 $0x7, v18;
	v19 =	vand.u32 $0xFFFFFF80, v19  }
0xf0: {  	v18 =	vor.u32 v18, v19  }
0xf1: {  	v18 =	vperm.xlane v18, v16;
	_ =	sdelay $0x1  }
0xf2: {  	v18 =	vadd.s32 v17, v18;
	_ =	sdelay $0x3  }
0xf3: {  	s17 =	simm.s32 $0x4A00  }
0xf4: {  	[tilespmem:s17], [sflag:$0x2] =	stream.indirect_vreg.gather [hbm4b:s3+s8], $0x80, v18, vm0, $0xb8;
	[tilespmem:$0x10A00] =	vst v63  }
0xf5: {  	s18 =	simm.s32 $0x5200  }
0xf6: {  	[tilespmem:s18], [sflag:$0x2] =	stream.indirect_vreg.gather [hbm4b:s5+s8], $0x80, v18, vm0, $0xb8;
	[tilespmem:$0x10A00] =	vst v63  }
0xf7: {  	s19 =	simm.s32 $0x5A00  }
0xf8: {  	[tilespmem:s19], [sflag:$0x2] =	stream.indirect_vreg.gather [hbm4b:s6+s8], $0x80, v18, vm0, $0xb8;
	[tilespmem:$0x10A00] =	vst v63  }
0xf9: {  	s15 =	simm.s32 $0x6200  }
0xfa: {  	[tilespmem:s15], [sflag:$0x2] =	stream.indirect_vreg.gather [hbm4b:s7+s8], $0x80, v18, vm0, $0xb8;
	[tilespmem:$0x10A00] =	vst v63  }
0xfb: {  	s16 =	simm.s32 $0x6A00  }
0xfc: {  	[tilespmem:s16], [sflag:$0x2] =	stream.indirect_vreg.gather [hbm4b:s9+s8], $0x80, v18, vm0, $0xb8;
	[tilespmem:$0x10A00] =	vst v63  }
0xfd: {  	s17 =	simm.s32 $0x7200  }
0xfe: {  	[tilespmem:s17], [sflag:$0x2] =	stream.indirect_vreg.gather [hbm4b:s10+s8], $0x80, v18, vm0, $0xb8;
	[tilespmem:$0x10A00] =	vst v63  }
0xff: {  	s18 =	simm.s32 $0x7A00  }
0x100: {  	[tilespmem:s18], [sflag:$0x2] =	stream.indirect_vreg.gather [hbm4b:s11+s8], $0x80, v18, vm0, $0xb8;
	[tilespmem:$0x10A00] =	vst v63  }
0x101: {  	s14 =	simm.s32 $0xCA40;
	s19 =	simm.s32 $0x8200;
	s15 =	simm.s32 $0x8A40  }
0x102: {  	[tilespmem:s19], [sflag:$0x2] =	stream.indirect_vreg.gather [hbm4b:s13+s8], $0x80, v18, vm0, $0xb8;
	[tilespmem:$0x10A00] =	vst v63  }
.LBB2_6:
0x103: {  	s16 =	sshll.u32 s8, $0x1  }
0x104: {  	s16 =	sadd.s32 $0x10, s16  }
0x105: {  	v20 =	vld [tilespmem:s15+$0x30];
	v18 =	vmov s16  }
0x106: {  	v21 =	vld [tilespmem:s14+$0x30];
	v19 =	vor.u32 $0x1, v18  }
0x107: {  	v23 =	vld [tilespmem:s14+$0xFFFFFFC0]  }
0x108: {  	v22 =	vld [tilespmem:s15+$0xFFFFFFD0]  }
0x109: {  	v24 =	vld [tilespmem:s14+$0xFFFFFFD0]  }
0x10a: {  	v18 =	vld.idx.msk [tilespmem:v18+s31+$0x0], $0xffff  }
0x10b: {  	v19 =	vld.idx.msk [tilespmem:v19+s31+$0x0], $0xffff  }
0x10c: {  	v25 =	vld [tilespmem:s15+$0xFFFFFFE0]  }
0x10d: {  	v26 =	vld [tilespmem:s14+$0xFFFFFFE0]  }
0x10e: {  	v27 =	vld [tilespmem:s15+$0xFFFFFFF0]  }
0x10f: {  	v28 =	vld [tilespmem:s14+$0xFFFFFFF0]  }
0x110: {  	v29 =	vld [tilespmem:s15+$0x0];
	v20 =	vmul.f32 v20, v18;
	v21 =	vmul.f32 v21, v19  }
0x111: {  	v31 =	vld [tilespmem:s14+$0x0];
	v30 =	vmul.f32 v22, v18;
	v24 =	vmul.f32 v24, v19  }
0x112: {  	v25 =	vmul.f32 v25, v18;
	v22 =	vld [tilespmem:s15+$0x10];
	v26 =	vmul.f32 v26, v19;
	v20 =	vadd.f32 v21, v20  }
0x113: {  	v30 =	vadd.f32 v24, v30;
	v21 =	vld [tilespmem:s14+$0x10]  }
0x114: {  	v27 =	vmul.f32 v27, v18;
	v28 =	vmul.f32 v28, v19;
	v32 =	vadd.f32 v26, v25;
	v24 =	vld [tilespmem:s15+$0x20];
	[tilespmem:s15+$0x30] =	vst v20  }
0x115: {  	s17 =	simm.s32 $0x0;
	v25 =	vld [tilespmem:s14+$0x20];
	v26 =	vmul.f32 v29, v18;
	[tilespmem:s15+$0xFFFFFFD0] =	vst v30  }
0x116: {  	s18 =	sadd.s32 $0x400, s15;
	s19 =	smov.u32 s14;
	s16 =	smov.u32 s15;
	v27 =	vadd.f32 v28, v27;
	v28 =	vmul.f32 v31, v19;
	v20 =	vmul.f32 v23, v19;
	v23 =	vld [tilespmem:s15+$0xFFFFFFC0];
	[tilespmem:s15+$0xFFFFFFE0] =	vst v32  }
.LBB2_7:
0x117: {  	v29 =	vld [tilespmem:s18+$0x30];
	v22 =	vmul.f32 v22, v18;
	s19 =	sadd.s32 $0x400, s19  }
0x118: {  	s17 =	sadd.s32 $0x80, s17;
	v30 =	vld [tilespmem:s19+$0x30];
	[tilespmem:s16+$0xFFFFFFF0] =	vst v27;
	v26 =	vadd.f32 v28, v26;
	v21 =	vmul.f32 v21, v19  }
0x119: {  	p0 =	slt.u32 s17, $0x780;
	v27 =	vld [tilespmem:s19+$0xFFFFFFC0];
	v24 =	vmul.f32 v24, v18  }
0x11a: {  	v28 =	vld [tilespmem:s18+$0xFFFFFFD0];
	[tilespmem:s16+$0x0] =	vst v26;
	v21 =	vadd.f32 v21, v22;
	v22 =	vmul.f32 v25, v19  }
0x11b: {  	v25 =	vld [tilespmem:s19+$0xFFFFFFD0];
	v23 =	vmul.f32 v23, v18  }
0x11c: {  	v26 =	vld [tilespmem:s18+$0xFFFFFFE0];
	[tilespmem:s16+$0x10] =	vst v21;
	v21 =	vadd.f32 v22, v24  }
0x11d: {  	v24 =	vmul.f32 v29, v18;
	v22 =	vld [tilespmem:s19+$0xFFFFFFE0];
	v29 =	vmul.f32 v30, v19;
	v23 =	vadd.f32 v20, v23  }
0x11e: {  	v20 =	vmul.f32 v27, v19;
	v27 =	vld [tilespmem:s18+$0xFFFFFFF0];
	[tilespmem:s16+$0x20] =	vst v21  }
0x11f: {  	v21 =	vmul.f32 v28, v18;
	v28 =	vld [tilespmem:s19+$0xFFFFFFF0];
	v24 =	vadd.f32 v29, v24;
	[tilespmem:s16+$0xFFFFFFC0] =	vst v23;
	s16 =	smov.u32 s18  }
0x120: {  	v23 =	vmul.f32 v25, v19;
	v25 =	vld [tilespmem:s18+$0x0]  }
0x121: {  	v26 =	vmul.f32 v26, v18;
	v29 =	vld [tilespmem:s19+$0x0];
	[tilespmem:s18+$0x30] =	vst v24  }
.Ltmp2:
0x122: {  	v23 =	vadd.f32 v23, v21;
	v24 =	vmul.f32 v22, v19;
	v22 =	vld [tilespmem:s18+$0x10];
	(pc) =	sbr.rel @p0 .LBB2_7-.Ltmp2, $4  }
0x123: {  	v27 =	vmul.f32 v27, v18;
	v21 =	vld [tilespmem:s19+$0x10]  }
0x124: {  	[tilespmem:s18+$0xFFFFFFD0] =	vst v23;
	v30 =	vadd.f32 v24, v26;
	v28 =	vmul.f32 v28, v19;
	v24 =	vld [tilespmem:s18+$0x20]  }
0x125: {  	v26 =	vmul.f32 v25, v18;
	v25 =	vld [tilespmem:s19+$0x20]  }
0x126: {  	s18 =	sadd.s32 $0x400, s18;
	v23 =	vld [tilespmem:s16+$0xFFFFFFC0];
	[tilespmem:s16+$0xFFFFFFE0] =	vst v30;
	v27 =	vadd.f32 v28, v27;
	v28 =	vmul.f32 v29, v19  }
0x127: {  	_ =	sdelay $0x1  }
0x128: {  	v22 =	vmul.f32 v22, v18;
	s8 =	sadd.s32 $0x1, s8;
	v21 =	vmul.f32 v21, v19  }
0x129: {  	v26 =	vadd.f32 v28, v26;
	p0 =	sne.s32 s8, $0x8;
	v24 =	vmul.f32 v24, v18;
	v19 =	vmul.f32 v25, v19  }
.Ltmp3:
0x12a: {  	[tilespmem:s16+$0xFFFFFFF0] =	vst v27;
	v21 =	vadd.f32 v21, v22;
	v18 =	vmul.f32 v23, v18;
	(pc) =	sbr.rel @p0 .LBB2_6-.Ltmp3, $4  }
0x12b: {  	[tilespmem:s16+$0x0] =	vst v26;
	v19 =	vadd.f32 v19, v24  }
0x12c: {  	[tilespmem:s16+$0x10] =	vst v21;
	v18 =	vadd.f32 v20, v18  }
0x12d: {  	[tilespmem:s16+$0x20] =	vst v19  }
0x12e: {  	s14 =	sadd.s32 $0x80, s14;
	s15 =	sadd.s32 $0x80, s15;
	[tilespmem:s16+$0xFFFFFFC0] =	vst v18  }
0x12f: {  	s8 =	simm.s32 $0x0;
	s14 =	rddreg [dreg:$0x6]  }
0x130: {  	[hbm4b:s14+s8] =	stream.linear.scatter [tilespmem:s30], [sflag:$0x6], $0x4000, $0x38;
	[tilespmem:$0x10A00] =	vst v63  }
0x131: {  	_ =	swait.ge [sflag:s28], $0x4000  }
0x132: {  	[sflag:s28] =	ssyncset.done $0x0  }
0x133: {  	[sflag:s28] =	ssyncadd.s32 $0xFFFFC000  }
0x134: {  	_ =	swait.ge [sflag:s29], $0x4000  }
0x135: {  	[sflag:s29] =	ssyncset.done $0x0  }
0x136: {  	[sflag:s29] =	ssyncadd.s32 $0xFFFFC000  }
0x137: {  	_ =	swait.ge [sflag:s0], $0x4000  }
0x138: {  	[sflag:s0] =	ssyncset.done $0x0  }
0x139: {  	[sflag:s0] =	ssyncadd.s32 $0xFFFFC000  }
0x13a: {  	v18 =	vld.msk [tilespmem:$0x188], $0xff;
	_ =	sdelay $0x4  }
0x13b: {  	v19 =	vshll.u32 v18, $0x4  }
0x13c: {  	v18 =	vand.u32 $0x7, v18;
	v19 =	vand.u32 $0xFFFFFF80, v19  }
0x13d: {  	v18 =	vor.u32 v18, v19  }
0x13e: {  	v18 =	vperm.xlane v18, v16;
	_ =	sdelay $0x1  }
0x13f: {  	v18 =	vadd.s32 v17, v18;
	_ =	sdelay $0x4  }
0x140: {  	[tilespmem:s30], [sflag:$0x3] =	stream.indirect_vreg.gather [hbm4b:s3+s8], $0x80, v18, vm0, $0xb8;
	[tilespmem:$0x10A00] =	vst v63  }
0x141: {  	s15 =	simm.s32 $0x9200  }
0x142: {  	[tilespmem:s15], [sflag:$0x3] =	stream.indirect_vreg.gather [hbm4b:s5+s8], $0x80, v18, vm0, $0xb8;
	[tilespmem:$0x10A00] =	vst v63  }
0x143: {  	s16 =	simm.s32 $0x9A00  }
0x144: {  	[tilespmem:s16], [sflag:$0x3] =	stream.indirect_vreg.gather [hbm4b:s6+s8], $0x80, v18, vm0, $0xb8;
	[tilespmem:$0x10A00] =	vst v63  }
0x145: {  	s17 =	simm.s32 $0xA200  }
0x146: {  	[tilespmem:s17], [sflag:$0x3] =	stream.indirect_vreg.gather [hbm4b:s7+s8], $0x80, v18, vm0, $0xb8;
	[tilespmem:$0x10A00] =	vst v63  }
0x147: {  	s18 =	simm.s32 $0xAA00  }
0x148: {  	[tilespmem:s18], [sflag:$0x3] =	stream.indirect_vreg.gather [hbm4b:s9+s8], $0x80, v18, vm0, $0xb8;
	[tilespmem:$0x10A00] =	vst v63  }
0x149: {  	s19 =	simm.s32 $0xB200  }
0x14a: {  	[tilespmem:s19], [sflag:$0x3] =	stream.indirect_vreg.gather [hbm4b:s10+s8], $0x80, v18, vm0, $0xb8;
	[tilespmem:$0x10A00] =	vst v63  }
0x14b: {  	s15 =	simm.s32 $0xBA00  }
0x14c: {  	[tilespmem:s15], [sflag:$0x3] =	stream.indirect_vreg.gather [hbm4b:s11+s8], $0x80, v18, vm0, $0xb8;
	[tilespmem:$0x10A00] =	vst v63  }
0x14d: {  	s16 =	simm.s32 $0xC200  }
0x14e: {  	[tilespmem:s16], [sflag:$0x3] =	stream.indirect_vreg.gather [hbm4b:s13+s8], $0x80, v18, vm0, $0xb8;
	[tilespmem:$0x10A00] =	vst v63  }
0x14f: {  	v18 =	vld.msk [tilespmem:$0x588], $0xff;
	_ =	sdelay $0x4  }
0x150: {  	v19 =	vshll.u32 v18, $0x4  }
0x151: {  	v18 =	vand.u32 $0x7, v18;
	v19 =	vand.u32 $0xFFFFFF80, v19  }
0x152: {  	v18 =	vor.u32 v18, v19  }
0x153: {  	v18 =	vperm.xlane v18, v16;
	_ =	sdelay $0x1  }
0x154: {  	v18 =	vadd.s32 v17, v18;
	_ =	sdelay $0x3  }
0x155: {  	s17 =	simm.s32 $0xCA00  }
0x156: {  	[tilespmem:s17], [sflag:$0x4] =	stream.indirect_vreg.gather [hbm4b:s3+s8], $0x80, v18, vm0, $0xb8;
	[tilespmem:$0x10A00] =	vst v63  }
0x157: {  	s18 =	simm.s32 $0xD200  }
0x158: {  	[tilespmem:s18], [sflag:$0x4] =	stream.indirect_vreg.gather [hbm4b:s5+s8], $0x80, v18, vm0, $0xb8;
	[tilespmem:$0x10A00] =	vst v63  }
0x159: {  	s19 =	simm.s32 $0xDA00  }
0x15a: {  	[tilespmem:s19], [sflag:$0x4] =	stream.indirect_vreg.gather [hbm4b:s6+s8], $0x80, v18, vm0, $0xb8;
	[tilespmem:$0x10A00] =	vst v63  }
0x15b: {  	_ = 	snop  }
0x15c: {  	[tilespmem:s20], [sflag:$0x4] =	stream.indirect_vreg.gather [hbm4b:s7+s8], $0x80, v18, vm0, $0xb8;
	[tilespmem:$0x10A00] =	vst v63  }
0x15d: {  	_ = 	snop  }
0x15e: {  	[tilespmem:s21], [sflag:$0x4] =	stream.indirect_vreg.gather [hbm4b:s9+s8], $0x80, v18, vm0, $0xb8;
	[tilespmem:$0x10A00] =	vst v63  }
0x15f: {  	_ = 	snop  }
0x160: {  	[tilespmem:s22], [sflag:$0x4] =	stream.indirect_vreg.gather [hbm4b:s10+s8], $0x80, v18, vm0, $0xb8;
	[tilespmem:$0x10A00] =	vst v63  }
0x161: {  	_ = 	snop  }
0x162: {  	[tilespmem:s23], [sflag:$0x4] =	stream.indirect_vreg.gather [hbm4b:s11+s8], $0x80, v18, vm0, $0xb8;
	[tilespmem:$0x10A00] =	vst v63  }
0x163: {  	s14 =	simm.s32 $0x4A40;
	s15 =	simm.s32 $0xA40  }
0x164: {  	[tilespmem:s24], [sflag:$0x4] =	stream.indirect_vreg.gather [hbm4b:s13+s8], $0x80, v18, vm0, $0xb8;
	[tilespmem:$0x10A00] =	vst v63  }
.LBB2_10:
0x165: {  	s16 =	sshll.u32 s8, $0x1  }
0x166: {  	s16 =	sadd.s32 $0x20, s16  }
0x167: {  	v20 =	vld [tilespmem:s15+$0x30];
	v18 =	vmov s16  }
0x168: {  	v21 =	vld [tilespmem:s14+$0x30];
	v19 =	vor.u32 $0x1, v18  }
0x169: {  	v23 =	vld [tilespmem:s14+$0xFFFFFFC0]  }
0x16a: {  	v22 =	vld [tilespmem:s15+$0xFFFFFFD0]  }
0x16b: {  	v24 =	vld [tilespmem:s14+$0xFFFFFFD0]  }
0x16c: {  	v18 =	vld.idx.msk [tilespmem:v18+s31+$0x0], $0xffff  }
0x16d: {  	v19 =	vld.idx.msk [tilespmem:v19+s31+$0x0], $0xffff  }
0x16e: {  	v25 =	vld [tilespmem:s15+$0xFFFFFFE0]  }
0x16f: {  	v26 =	vld [tilespmem:s14+$0xFFFFFFE0]  }
0x170: {  	v27 =	vld [tilespmem:s15+$0xFFFFFFF0]  }
0x171: {  	v28 =	vld [tilespmem:s14+$0xFFFFFFF0]  }
0x172: {  	v29 =	vld [tilespmem:s15+$0x0];
	v20 =	vmul.f32 v20, v18;
	v21 =	vmul.f32 v21, v19  }
0x173: {  	v31 =	vld [tilespmem:s14+$0x0];
	v30 =	vmul.f32 v22, v18;
	v24 =	vmul.f32 v24, v19  }
0x174: {  	v25 =	vmul.f32 v25, v18;
	v22 =	vld [tilespmem:s15+$0x10];
	v26 =	vmul.f32 v26, v19;
	v20 =	vadd.f32 v21, v20  }
0x175: {  	v30 =	vadd.f32 v24, v30;
	v21 =	vld [tilespmem:s14+$0x10]  }
0x176: {  	v27 =	vmul.f32 v27, v18;
	v28 =	vmul.f32 v28, v19;
	v32 =	vadd.f32 v26, v25;
	v24 =	vld [tilespmem:s15+$0x20];
	[tilespmem:s15+$0x30] =	vst v20  }
0x177: {  	s17 =	simm.s32 $0x0;
	v25 =	vld [tilespmem:s14+$0x20];
	v26 =	vmul.f32 v29, v18;
	[tilespmem:s15+$0xFFFFFFD0] =	vst v30  }
0x178: {  	s18 =	sadd.s32 $0x400, s15;
	s19 =	smov.u32 s14;
	s16 =	smov.u32 s15;
	v27 =	vadd.f32 v28, v27;
	v28 =	vmul.f32 v31, v19;
	v20 =	vmul.f32 v23, v19;
	v23 =	vld [tilespmem:s15+$0xFFFFFFC0];
	[tilespmem:s15+$0xFFFFFFE0] =	vst v32  }
.LBB2_11:
0x179: {  	v29 =	vld [tilespmem:s18+$0x30];
	v22 =	vmul.f32 v22, v18;
	s19 =	sadd.s32 $0x400, s19  }
0x17a: {  	s17 =	sadd.s32 $0x80, s17;
	v30 =	vld [tilespmem:s19+$0x30];
	[tilespmem:s16+$0xFFFFFFF0] =	vst v27;
	v26 =	vadd.f32 v28, v26;
	v21 =	vmul.f32 v21, v19  }
0x17b: {  	p0 =	slt.u32 s17, $0x780;
	v27 =	vld [tilespmem:s19+$0xFFFFFFC0];
	v24 =	vmul.f32 v24, v18  }
0x17c: {  	v28 =	vld [tilespmem:s18+$0xFFFFFFD0];
	[tilespmem:s16+$0x0] =	vst v26;
	v21 =	vadd.f32 v21, v22;
	v22 =	vmul.f32 v25, v19  }
0x17d: {  	v25 =	vld [tilespmem:s19+$0xFFFFFFD0];
	v23 =	vmul.f32 v23, v18  }
0x17e: {  	v26 =	vld [tilespmem:s18+$0xFFFFFFE0];
	[tilespmem:s16+$0x10] =	vst v21;
	v21 =	vadd.f32 v22, v24  }
0x17f: {  	v24 =	vmul.f32 v29, v18;
	v22 =	vld [tilespmem:s19+$0xFFFFFFE0];
	v29 =	vmul.f32 v30, v19;
	v23 =	vadd.f32 v20, v23  }
0x180: {  	v20 =	vmul.f32 v27, v19;
	v27 =	vld [tilespmem:s18+$0xFFFFFFF0];
	[tilespmem:s16+$0x20] =	vst v21  }
0x181: {  	v21 =	vmul.f32 v28, v18;
	v28 =	vld [tilespmem:s19+$0xFFFFFFF0];
	v24 =	vadd.f32 v29, v24;
	[tilespmem:s16+$0xFFFFFFC0] =	vst v23;
	s16 =	smov.u32 s18  }
0x182: {  	v23 =	vmul.f32 v25, v19;
	v25 =	vld [tilespmem:s18+$0x0]  }
0x183: {  	v26 =	vmul.f32 v26, v18;
	v29 =	vld [tilespmem:s19+$0x0];
	[tilespmem:s18+$0x30] =	vst v24  }
.Ltmp4:
0x184: {  	v23 =	vadd.f32 v23, v21;
	v24 =	vmul.f32 v22, v19;
	v22 =	vld [tilespmem:s18+$0x10];
	(pc) =	sbr.rel @p0 .LBB2_11-.Ltmp4, $4  }
0x185: {  	v27 =	vmul.f32 v27, v18;
	v21 =	vld [tilespmem:s19+$0x10]  }
0x186: {  	[tilespmem:s18+$0xFFFFFFD0] =	vst v23;
	v30 =	vadd.f32 v24, v26;
	v28 =	vmul.f32 v28, v19;
	v24 =	vld [tilespmem:s18+$0x20]  }
0x187: {  	v26 =	vmul.f32 v25, v18;
	v25 =	vld [tilespmem:s19+$0x20]  }
0x188: {  	s18 =	sadd.s32 $0x400, s18;
	v23 =	vld [tilespmem:s16+$0xFFFFFFC0];
	[tilespmem:s16+$0xFFFFFFE0] =	vst v30;
	v27 =	vadd.f32 v28, v27;
	v28 =	vmul.f32 v29, v19  }
0x189: {  	_ =	sdelay $0x1  }
0x18a: {  	v22 =	vmul.f32 v22, v18;
	s8 =	sadd.s32 $0x1, s8;
	v21 =	vmul.f32 v21, v19  }
0x18b: {  	v26 =	vadd.f32 v28, v26;
	p0 =	sne.s32 s8, $0x8;
	v24 =	vmul.f32 v24, v18;
	v19 =	vmul.f32 v25, v19  }
.Ltmp5:
0x18c: {  	[tilespmem:s16+$0xFFFFFFF0] =	vst v27;
	v21 =	vadd.f32 v21, v22;
	v18 =	vmul.f32 v23, v18;
	(pc) =	sbr.rel @p0 .LBB2_10-.Ltmp5, $4  }
0x18d: {  	[tilespmem:s16+$0x0] =	vst v26;
	v19 =	vadd.f32 v19, v24  }
0x18e: {  	[tilespmem:s16+$0x10] =	vst v21;
	v18 =	vadd.f32 v20, v18  }
0x18f: {  	[tilespmem:s16+$0x20] =	vst v19  }
0x190: {  	s14 =	sadd.s32 $0x80, s14;
	s15 =	sadd.s32 $0x80, s15;
	[tilespmem:s16+$0xFFFFFFC0] =	vst v18  }
0x191: {  	s8 =	simm.s32 $0x0;
	s14 =	rddreg [dreg:$0x7]  }
0x192: {  	[hbm4b:s14+s8] =	stream.linear.scatter [tilespmem:s1], [sflag:$0x5], $0x4000, $0x38;
	[tilespmem:$0x10A00] =	vst v63  }
0x193: {  	_ =	swait.ge [sflag:s25], $0x4000  }
0x194: {  	[sflag:s25] =	ssyncset.done $0x0  }
0x195: {  	[sflag:s25] =	ssyncadd.s32 $0xFFFFC000  }
0x196: {  	_ =	swait.ge [sflag:s26], $0x4000  }
0x197: {  	[sflag:s26] =	ssyncset.done $0x0  }
0x198: {  	[sflag:s26] =	ssyncadd.s32 $0xFFFFC000  }
0x199: {  	_ =	swait.ge [sflag:s12], $0x4000  }
0x19a: {  	[sflag:s12] =	ssyncset.done $0x0  }
0x19b: {  	[sflag:s12] =	ssyncadd.s32 $0xFFFFC000  }
0x19c: {  	v18 =	vld.msk [tilespmem:$0x200], $0xff;
	_ =	sdelay $0x4  }
0x19d: {  	v19 =	vshll.u32 v18, $0x4  }
0x19e: {  	v18 =	vand.u32 $0x7, v18;
	v19 =	vand.u32 $0xFFFFFF80, v19  }
0x19f: {  	v18 =	vor.u32 v18, v19  }
0x1a0: {  	v18 =	vperm.xlane v18, v16;
	_ =	sdelay $0x1  }
0x1a1: {  	v18 =	vadd.s32 v17, v18;
	_ =	sdelay $0x4  }
0x1a2: {  	[tilespmem:s1], [sflag:$0x1] =	stream.indirect_vreg.gather [hbm4b:s3+s8], $0x80, v18, vm0, $0xb8;
	[tilespmem:$0x10A00] =	vst v63  }
0x1a3: {  	s15 =	simm.s32 $0x1200  }
0x1a4: {  	[tilespmem:s15], [sflag:$0x1] =	stream.indirect_vreg.gather [hbm4b:s5+s8], $0x80, v18, vm0, $0xb8;
	[tilespmem:$0x10A00] =	vst v63  }
0x1a5: {  	s16 =	simm.s32 $0x1A00  }
0x1a6: {  	[tilespmem:s16], [sflag:$0x1] =	stream.indirect_vreg.gather [hbm4b:s6+s8], $0x80, v18, vm0, $0xb8;
	[tilespmem:$0x10A00] =	vst v63  }
0x1a7: {  	s17 =	simm.s32 $0x2200  }
0x1a8: {  	[tilespmem:s17], [sflag:$0x1] =	stream.indirect_vreg.gather [hbm4b:s7+s8], $0x80, v18, vm0, $0xb8;
	[tilespmem:$0x10A00] =	vst v63  }
0x1a9: {  	s18 =	simm.s32 $0x2A00  }
0x1aa: {  	[tilespmem:s18], [sflag:$0x1] =	stream.indirect_vreg.gather [hbm4b:s9+s8], $0x80, v18, vm0, $0xb8;
	[tilespmem:$0x10A00] =	vst v63  }
0x1ab: {  	s19 =	simm.s32 $0x3200  }
0x1ac: {  	[tilespmem:s19], [sflag:$0x1] =	stream.indirect_vreg.gather [hbm4b:s10+s8], $0x80, v18, vm0, $0xb8;
	[tilespmem:$0x10A00] =	vst v63  }
0x1ad: {  	s15 =	simm.s32 $0x3A00  }
0x1ae: {  	[tilespmem:s15], [sflag:$0x1] =	stream.indirect_vreg.gather [hbm4b:s11+s8], $0x80, v18, vm0, $0xb8;
	[tilespmem:$0x10A00] =	vst v63  }
0x1af: {  	s16 =	simm.s32 $0x4200  }
0x1b0: {  	[tilespmem:s16], [sflag:$0x1] =	stream.indirect_vreg.gather [hbm4b:s13+s8], $0x80, v18, vm0, $0xb8;
	[tilespmem:$0x10A00] =	vst v63  }
0x1b1: {  	v18 =	vld.msk [tilespmem:$0x600], $0xff;
	_ =	sdelay $0x4  }
0x1b2: {  	v19 =	vshll.u32 v18, $0x4  }
0x1b3: {  	v18 =	vand.u32 $0x7, v18;
	v19 =	vand.u32 $0xFFFFFF80, v19  }
0x1b4: {  	v18 =	vor.u32 v18, v19  }
0x1b5: {  	v18 =	vperm.xlane v18, v16;
	_ =	sdelay $0x1  }
0x1b6: {  	v18 =	vadd.s32 v17, v18;
	_ =	sdelay $0x3  }
0x1b7: {  	s17 =	simm.s32 $0x4A00  }
0x1b8: {  	[tilespmem:s17], [sflag:$0x2] =	stream.indirect_vreg.gather [hbm4b:s3+s8], $0x80, v18, vm0, $0xb8;
	[tilespmem:$0x10A00] =	vst v63  }
0x1b9: {  	s18 =	simm.s32 $0x5200  }
0x1ba: {  	[tilespmem:s18], [sflag:$0x2] =	stream.indirect_vreg.gather [hbm4b:s5+s8], $0x80, v18, vm0, $0xb8;
	[tilespmem:$0x10A00] =	vst v63  }
0x1bb: {  	s19 =	simm.s32 $0x5A00  }
0x1bc: {  	[tilespmem:s19], [sflag:$0x2] =	stream.indirect_vreg.gather [hbm4b:s6+s8], $0x80, v18, vm0, $0xb8;
	[tilespmem:$0x10A00] =	vst v63  }
0x1bd: {  	s15 =	simm.s32 $0x6200  }
0x1be: {  	[tilespmem:s15], [sflag:$0x2] =	stream.indirect_vreg.gather [hbm4b:s7+s8], $0x80, v18, vm0, $0xb8;
	[tilespmem:$0x10A00] =	vst v63  }
0x1bf: {  	s16 =	simm.s32 $0x6A00  }
0x1c0: {  	[tilespmem:s16], [sflag:$0x2] =	stream.indirect_vreg.gather [hbm4b:s9+s8], $0x80, v18, vm0, $0xb8;
	[tilespmem:$0x10A00] =	vst v63  }
0x1c1: {  	s17 =	simm.s32 $0x7200  }
0x1c2: {  	[tilespmem:s17], [sflag:$0x2] =	stream.indirect_vreg.gather [hbm4b:s10+s8], $0x80, v18, vm0, $0xb8;
	[tilespmem:$0x10A00] =	vst v63  }
0x1c3: {  	s18 =	simm.s32 $0x7A00  }
0x1c4: {  	[tilespmem:s18], [sflag:$0x2] =	stream.indirect_vreg.gather [hbm4b:s11+s8], $0x80, v18, vm0, $0xb8;
	[tilespmem:$0x10A00] =	vst v63  }
0x1c5: {  	s14 =	simm.s32 $0xCA40;
	s19 =	simm.s32 $0x8200;
	s15 =	simm.s32 $0x8A40  }
0x1c6: {  	[tilespmem:s19], [sflag:$0x2] =	stream.indirect_vreg.gather [hbm4b:s13+s8], $0x80, v18, vm0, $0xb8;
	[tilespmem:$0x10A00] =	vst v63  }
.LBB2_14:
0x1c7: {  	s16 =	sshll.u32 s8, $0x1  }
0x1c8: {  	s16 =	sadd.s32 $0x30, s16  }
0x1c9: {  	v20 =	vld [tilespmem:s15+$0x30];
	v18 =	vmov s16  }
0x1ca: {  	v21 =	vld [tilespmem:s14+$0x30];
	v19 =	vor.u32 $0x1, v18  }
0x1cb: {  	v23 =	vld [tilespmem:s14+$0xFFFFFFC0]  }
0x1cc: {  	v22 =	vld [tilespmem:s15+$0xFFFFFFD0]  }
0x1cd: {  	v24 =	vld [tilespmem:s14+$0xFFFFFFD0]  }
0x1ce: {  	v18 =	vld.idx.msk [tilespmem:v18+s31+$0x0], $0xffff  }
0x1cf: {  	v19 =	vld.idx.msk [tilespmem:v19+s31+$0x0], $0xffff  }
0x1d0: {  	v25 =	vld [tilespmem:s15+$0xFFFFFFE0]  }
0x1d1: {  	v26 =	vld [tilespmem:s14+$0xFFFFFFE0]  }
0x1d2: {  	v27 =	vld [tilespmem:s15+$0xFFFFFFF0]  }
0x1d3: {  	v28 =	vld [tilespmem:s14+$0xFFFFFFF0]  }
0x1d4: {  	v29 =	vld [tilespmem:s15+$0x0];
	v20 =	vmul.f32 v20, v18;
	v21 =	vmul.f32 v21, v19  }
0x1d5: {  	v31 =	vld [tilespmem:s14+$0x0];
	v30 =	vmul.f32 v22, v18;
	v24 =	vmul.f32 v24, v19  }
0x1d6: {  	v25 =	vmul.f32 v25, v18;
	v22 =	vld [tilespmem:s15+$0x10];
	v26 =	vmul.f32 v26, v19;
	v20 =	vadd.f32 v21, v20  }
0x1d7: {  	v30 =	vadd.f32 v24, v30;
	v21 =	vld [tilespmem:s14+$0x10]  }
0x1d8: {  	v27 =	vmul.f32 v27, v18;
	v28 =	vmul.f32 v28, v19;
	v32 =	vadd.f32 v26, v25;
	v24 =	vld [tilespmem:s15+$0x20];
	[tilespmem:s15+$0x30] =	vst v20  }
0x1d9: {  	s17 =	simm.s32 $0x0;
	v25 =	vld [tilespmem:s14+$0x20];
	v26 =	vmul.f32 v29, v18;
	[tilespmem:s15+$0xFFFFFFD0] =	vst v30  }
0x1da: {  	s18 =	sadd.s32 $0x400, s15;
	s19 =	smov.u32 s14;
	s16 =	smov.u32 s15;
	v27 =	vadd.f32 v28, v27;
	v28 =	vmul.f32 v31, v19;
	v20 =	vmul.f32 v23, v19;
	v23 =	vld [tilespmem:s15+$0xFFFFFFC0];
	[tilespmem:s15+$0xFFFFFFE0] =	vst v32  }
.LBB2_15:
0x1db: {  	v29 =	vld [tilespmem:s18+$0x30];
	v22 =	vmul.f32 v22, v18;
	s19 =	sadd.s32 $0x400, s19  }
0x1dc: {  	s17 =	sadd.s32 $0x80, s17;
	v30 =	vld [tilespmem:s19+$0x30];
	[tilespmem:s16+$0xFFFFFFF0] =	vst v27;
	v26 =	vadd.f32 v28, v26;
	v21 =	vmul.f32 v21, v19  }
0x1dd: {  	p0 =	slt.u32 s17, $0x780;
	v27 =	vld [tilespmem:s19+$0xFFFFFFC0];
	v24 =	vmul.f32 v24, v18  }
0x1de: {  	v28 =	vld [tilespmem:s18+$0xFFFFFFD0];
	[tilespmem:s16+$0x0] =	vst v26;
	v21 =	vadd.f32 v21, v22;
	v22 =	vmul.f32 v25, v19  }
0x1df: {  	v25 =	vld [tilespmem:s19+$0xFFFFFFD0];
	v23 =	vmul.f32 v23, v18  }
0x1e0: {  	v26 =	vld [tilespmem:s18+$0xFFFFFFE0];
	[tilespmem:s16+$0x10] =	vst v21;
	v21 =	vadd.f32 v22, v24  }
0x1e1: {  	v24 =	vmul.f32 v29, v18;
	v22 =	vld [tilespmem:s19+$0xFFFFFFE0];
	v29 =	vmul.f32 v30, v19;
	v23 =	vadd.f32 v20, v23  }
0x1e2: {  	v20 =	vmul.f32 v27, v19;
	v27 =	vld [tilespmem:s18+$0xFFFFFFF0];
	[tilespmem:s16+$0x20] =	vst v21  }
0x1e3: {  	v21 =	vmul.f32 v28, v18;
	v28 =	vld [tilespmem:s19+$0xFFFFFFF0];
	v24 =	vadd.f32 v29, v24;
	[tilespmem:s16+$0xFFFFFFC0] =	vst v23;
	s16 =	smov.u32 s18  }
0x1e4: {  	v23 =	vmul.f32 v25, v19;
	v25 =	vld [tilespmem:s18+$0x0]  }
0x1e5: {  	v26 =	vmul.f32 v26, v18;
	v29 =	vld [tilespmem:s19+$0x0];
	[tilespmem:s18+$0x30] =	vst v24  }
.Ltmp6:
0x1e6: {  	v23 =	vadd.f32 v23, v21;
	v24 =	vmul.f32 v22, v19;
	v22 =	vld [tilespmem:s18+$0x10];
	(pc) =	sbr.rel @p0 .LBB2_15-.Ltmp6, $4  }
0x1e7: {  	v27 =	vmul.f32 v27, v18;
	v21 =	vld [tilespmem:s19+$0x10]  }
0x1e8: {  	[tilespmem:s18+$0xFFFFFFD0] =	vst v23;
	v30 =	vadd.f32 v24, v26;
	v28 =	vmul.f32 v28, v19;
	v24 =	vld [tilespmem:s18+$0x20]  }
0x1e9: {  	v26 =	vmul.f32 v25, v18;
	v25 =	vld [tilespmem:s19+$0x20]  }
0x1ea: {  	s18 =	sadd.s32 $0x400, s18;
	v23 =	vld [tilespmem:s16+$0xFFFFFFC0];
	[tilespmem:s16+$0xFFFFFFE0] =	vst v30;
	v27 =	vadd.f32 v28, v27;
	v28 =	vmul.f32 v29, v19  }
0x1eb: {  	_ =	sdelay $0x1  }
0x1ec: {  	v22 =	vmul.f32 v22, v18;
	s8 =	sadd.s32 $0x1, s8;
	v21 =	vmul.f32 v21, v19  }
0x1ed: {  	v26 =	vadd.f32 v28, v26;
	p0 =	sne.s32 s8, $0x8;
	v24 =	vmul.f32 v24, v18;
	v19 =	vmul.f32 v25, v19  }
.Ltmp7:
0x1ee: {  	[tilespmem:s16+$0xFFFFFFF0] =	vst v27;
	v21 =	vadd.f32 v21, v22;
	v18 =	vmul.f32 v23, v18;
	(pc) =	sbr.rel @p0 .LBB2_14-.Ltmp7, $4  }
0x1ef: {  	[tilespmem:s16+$0x0] =	vst v26;
	v19 =	vadd.f32 v19, v24  }
0x1f0: {  	[tilespmem:s16+$0x10] =	vst v21;
	v18 =	vadd.f32 v20, v18  }
0x1f1: {  	[tilespmem:s16+$0x20] =	vst v19  }
0x1f2: {  	s14 =	sadd.s32 $0x80, s14;
	s15 =	sadd.s32 $0x80, s15;
	[tilespmem:s16+$0xFFFFFFC0] =	vst v18  }
0x1f3: {  	s8 =	simm.s32 $0x0;
	s14 =	rddreg [dreg:$0x8]  }
0x1f4: {  	[hbm4b:s14+s8] =	stream.linear.scatter [tilespmem:s30], [sflag:$0x6], $0x4000, $0x38;
	[tilespmem:$0x10A00] =	vst v63  }
0x1f5: {  	_ =	swait.ge [sflag:s28], $0x4000  }
0x1f6: {  	[sflag:s28] =	ssyncset.done $0x0  }
0x1f7: {  	[sflag:s28] =	ssyncadd.s32 $0xFFFFC000  }
0x1f8: {  	_ =	swait.ge [sflag:s29], $0x4000  }
0x1f9: {  	[sflag:s29] =	ssyncset.done $0x0  }
0x1fa: {  	[sflag:s29] =	ssyncadd.s32 $0xFFFFC000  }
0x1fb: {  	_ =	swait.ge [sflag:s0], $0x4000  }
0x1fc: {  	[sflag:s0] =	ssyncset.done $0x0  }
0x1fd: {  	[sflag:s0] =	ssyncadd.s32 $0xFFFFC000  }
0x1fe: {  	v18 =	vld.msk [tilespmem:$0x208], $0xff;
	_ =	sdelay $0x4  }
0x1ff: {  	v19 =	vshll.u32 v18, $0x4  }
0x200: {  	v18 =	vand.u32 $0x7, v18;
	v19 =	vand.u32 $0xFFFFFF80, v19  }
0x201: {  	v18 =	vor.u32 v18, v19  }
0x202: {  	v18 =	vperm.xlane v18, v16;
	_ =	sdelay $0x1  }
0x203: {  	v18 =	vadd.s32 v17, v18;
	_ =	sdelay $0x4  }
0x204: {  	[tilespmem:s30], [sflag:$0x3] =	stream.indirect_vreg.gather [hbm4b:s3+s8], $0x80, v18, vm0, $0xb8;
	[tilespmem:$0x10A00] =	vst v63  }
0x205: {  	s15 =	simm.s32 $0x9200  }
0x206: {  	[tilespmem:s15], [sflag:$0x3] =	stream.indirect_vreg.gather [hbm4b:s5+s8], $0x80, v18, vm0, $0xb8;
	[tilespmem:$0x10A00] =	vst v63  }
0x207: {  	s16 =	simm.s32 $0x9A00  }
0x208: {  	[tilespmem:s16], [sflag:$0x3] =	stream.indirect_vreg.gather [hbm4b:s6+s8], $0x80, v18, vm0, $0xb8;
	[tilespmem:$0x10A00] =	vst v63  }
0x209: {  	s17 =	simm.s32 $0xA200  }
0x20a: {  	[tilespmem:s17], [sflag:$0x3] =	stream.indirect_vreg.gather [hbm4b:s7+s8], $0x80, v18, vm0, $0xb8;
	[tilespmem:$0x10A00] =	vst v63  }
0x20b: {  	s18 =	simm.s32 $0xAA00  }
0x20c: {  	[tilespmem:s18], [sflag:$0x3] =	stream.indirect_vreg.gather [hbm4b:s9+s8], $0x80, v18, vm0, $0xb8;
	[tilespmem:$0x10A00] =	vst v63  }
0x20d: {  	s19 =	simm.s32 $0xB200  }
0x20e: {  	[tilespmem:s19], [sflag:$0x3] =	stream.indirect_vreg.gather [hbm4b:s10+s8], $0x80, v18, vm0, $0xb8;
	[tilespmem:$0x10A00] =	vst v63  }
0x20f: {  	s15 =	simm.s32 $0xBA00  }
0x210: {  	[tilespmem:s15], [sflag:$0x3] =	stream.indirect_vreg.gather [hbm4b:s11+s8], $0x80, v18, vm0, $0xb8;
	[tilespmem:$0x10A00] =	vst v63  }
0x211: {  	s16 =	simm.s32 $0xC200  }
0x212: {  	[tilespmem:s16], [sflag:$0x3] =	stream.indirect_vreg.gather [hbm4b:s13+s8], $0x80, v18, vm0, $0xb8;
	[tilespmem:$0x10A00] =	vst v63  }
0x213: {  	v18 =	vld.msk [tilespmem:$0x608], $0xff;
	_ =	sdelay $0x4  }
0x214: {  	v19 =	vshll.u32 v18, $0x4  }
0x215: {  	v18 =	vand.u32 $0x7, v18;
	v19 =	vand.u32 $0xFFFFFF80, v19  }
0x216: {  	v18 =	vor.u32 v18, v19  }
0x217: {  	v18 =	vperm.xlane v18, v16;
	_ =	sdelay $0x1  }
0x218: {  	v18 =	vadd.s32 v17, v18;
	_ =	sdelay $0x3  }
0x219: {  	s17 =	simm.s32 $0xCA00  }
0x21a: {  	[tilespmem:s17], [sflag:$0x4] =	stream.indirect_vreg.gather [hbm4b:s3+s8], $0x80, v18, vm0, $0xb8;
	[tilespmem:$0x10A00] =	vst v63  }
0x21b: {  	s18 =	simm.s32 $0xD200  }
0x21c: {  	[tilespmem:s18], [sflag:$0x4] =	stream.indirect_vreg.gather [hbm4b:s5+s8], $0x80, v18, vm0, $0xb8;
	[tilespmem:$0x10A00] =	vst v63  }
0x21d: {  	s19 =	simm.s32 $0xDA00  }
0x21e: {  	[tilespmem:s19], [sflag:$0x4] =	stream.indirect_vreg.gather [hbm4b:s6+s8], $0x80, v18, vm0, $0xb8;
	[tilespmem:$0x10A00] =	vst v63  }
0x21f: {  	_ = 	snop  }
0x220: {  	[tilespmem:s20], [sflag:$0x4] =	stream.indirect_vreg.gather [hbm4b:s7+s8], $0x80, v18, vm0, $0xb8;
	[tilespmem:$0x10A00] =	vst v63  }
0x221: {  	_ = 	snop  }
0x222: {  	[tilespmem:s21], [sflag:$0x4] =	stream.indirect_vreg.gather [hbm4b:s9+s8], $0x80, v18, vm0, $0xb8;
	[tilespmem:$0x10A00] =	vst v63  }
0x223: {  	_ = 	snop  }
0x224: {  	[tilespmem:s22], [sflag:$0x4] =	stream.indirect_vreg.gather [hbm4b:s10+s8], $0x80, v18, vm0, $0xb8;
	[tilespmem:$0x10A00] =	vst v63  }
0x225: {  	_ = 	snop  }
0x226: {  	[tilespmem:s23], [sflag:$0x4] =	stream.indirect_vreg.gather [hbm4b:s11+s8], $0x80, v18, vm0, $0xb8;
	[tilespmem:$0x10A00] =	vst v63  }
0x227: {  	s14 =	simm.s32 $0x4A40;
	s15 =	simm.s32 $0xA40  }
0x228: {  	[tilespmem:s24], [sflag:$0x4] =	stream.indirect_vreg.gather [hbm4b:s13+s8], $0x80, v18, vm0, $0xb8;
	[tilespmem:$0x10A00] =	vst v63  }
.LBB2_18:
0x229: {  	s16 =	sshll.u32 s8, $0x1  }
0x22a: {  	s16 =	sadd.s32 $0x40, s16  }
0x22b: {  	v20 =	vld [tilespmem:s15+$0x30];
	v18 =	vmov s16  }
0x22c: {  	v21 =	vld [tilespmem:s14+$0x30];
	v19 =	vor.u32 $0x1, v18  }
0x22d: {  	v23 =	vld [tilespmem:s14+$0xFFFFFFC0]  }
0x22e: {  	v22 =	vld [tilespmem:s15+$0xFFFFFFD0]  }
0x22f: {  	v24 =	vld [tilespmem:s14+$0xFFFFFFD0]  }
0x230: {  	v18 =	vld.idx.msk [tilespmem:v18+s31+$0x0], $0xffff  }
0x231: {  	v19 =	vld.idx.msk [tilespmem:v19+s31+$0x0], $0xffff  }
0x232: {  	v25 =	vld [tilespmem:s15+$0xFFFFFFE0]  }
0x233: {  	v26 =	vld [tilespmem:s14+$0xFFFFFFE0]  }
0x234: {  	v27 =	vld [tilespmem:s15+$0xFFFFFFF0]  }
0x235: {  	v28 =	vld [tilespmem:s14+$0xFFFFFFF0]  }
0x236: {  	v29 =	vld [tilespmem:s15+$0x0];
	v20 =	vmul.f32 v20, v18;
	v21 =	vmul.f32 v21, v19  }
0x237: {  	v31 =	vld [tilespmem:s14+$0x0];
	v30 =	vmul.f32 v22, v18;
	v24 =	vmul.f32 v24, v19  }
0x238: {  	v25 =	vmul.f32 v25, v18;
	v22 =	vld [tilespmem:s15+$0x10];
	v26 =	vmul.f32 v26, v19;
	v20 =	vadd.f32 v21, v20  }
0x239: {  	v30 =	vadd.f32 v24, v30;
	v21 =	vld [tilespmem:s14+$0x10]  }
0x23a: {  	v27 =	vmul.f32 v27, v18;
	v28 =	vmul.f32 v28, v19;
	v32 =	vadd.f32 v26, v25;
	v24 =	vld [tilespmem:s15+$0x20];
	[tilespmem:s15+$0x30] =	vst v20  }
0x23b: {  	s17 =	simm.s32 $0x0;
	v25 =	vld [tilespmem:s14+$0x20];
	v26 =	vmul.f32 v29, v18;
	[tilespmem:s15+$0xFFFFFFD0] =	vst v30  }
0x23c: {  	s18 =	sadd.s32 $0x400, s15;
	s19 =	smov.u32 s14;
	s16 =	smov.u32 s15;
	v27 =	vadd.f32 v28, v27;
	v28 =	vmul.f32 v31, v19;
	v20 =	vmul.f32 v23, v19;
	v23 =	vld [tilespmem:s15+$0xFFFFFFC0];
	[tilespmem:s15+$0xFFFFFFE0] =	vst v32  }
.LBB2_19:
0x23d: {  	v29 =	vld [tilespmem:s18+$0x30];
	v22 =	vmul.f32 v22, v18;
	s19 =	sadd.s32 $0x400, s19  }
0x23e: {  	s17 =	sadd.s32 $0x80, s17;
	v30 =	vld [tilespmem:s19+$0x30];
	[tilespmem:s16+$0xFFFFFFF0] =	vst v27;
	v26 =	vadd.f32 v28, v26;
	v21 =	vmul.f32 v21, v19  }
0x23f: {  	p0 =	slt.u32 s17, $0x780;
	v27 =	vld [tilespmem:s19+$0xFFFFFFC0];
	v24 =	vmul.f32 v24, v18  }
0x240: {  	v28 =	vld [tilespmem:s18+$0xFFFFFFD0];
	[tilespmem:s16+$0x0] =	vst v26;
	v21 =	vadd.f32 v21, v22;
	v22 =	vmul.f32 v25, v19  }
0x241: {  	v25 =	vld [tilespmem:s19+$0xFFFFFFD0];
	v23 =	vmul.f32 v23, v18  }
0x242: {  	v26 =	vld [tilespmem:s18+$0xFFFFFFE0];
	[tilespmem:s16+$0x10] =	vst v21;
	v21 =	vadd.f32 v22, v24  }
0x243: {  	v24 =	vmul.f32 v29, v18;
	v22 =	vld [tilespmem:s19+$0xFFFFFFE0];
	v29 =	vmul.f32 v30, v19;
	v23 =	vadd.f32 v20, v23  }
0x244: {  	v20 =	vmul.f32 v27, v19;
	v27 =	vld [tilespmem:s18+$0xFFFFFFF0];
	[tilespmem:s16+$0x20] =	vst v21  }
0x245: {  	v21 =	vmul.f32 v28, v18;
	v28 =	vld [tilespmem:s19+$0xFFFFFFF0];
	v24 =	vadd.f32 v29, v24;
	[tilespmem:s16+$0xFFFFFFC0] =	vst v23;
	s16 =	smov.u32 s18  }
0x246: {  	v23 =	vmul.f32 v25, v19;
	v25 =	vld [tilespmem:s18+$0x0]  }
0x247: {  	v26 =	vmul.f32 v26, v18;
	v29 =	vld [tilespmem:s19+$0x0];
	[tilespmem:s18+$0x30] =	vst v24  }
.Ltmp8:
0x248: {  	v23 =	vadd.f32 v23, v21;
	v24 =	vmul.f32 v22, v19;
	v22 =	vld [tilespmem:s18+$0x10];
	(pc) =	sbr.rel @p0 .LBB2_19-.Ltmp8, $4  }
0x249: {  	v27 =	vmul.f32 v27, v18;
	v21 =	vld [tilespmem:s19+$0x10]  }
0x24a: {  	[tilespmem:s18+$0xFFFFFFD0] =	vst v23;
	v30 =	vadd.f32 v24, v26;
	v28 =	vmul.f32 v28, v19;
	v24 =	vld [tilespmem:s18+$0x20]  }
0x24b: {  	v26 =	vmul.f32 v25, v18;
	v25 =	vld [tilespmem:s19+$0x20]  }
0x24c: {  	s18 =	sadd.s32 $0x400, s18;
	v23 =	vld [tilespmem:s16+$0xFFFFFFC0];
	[tilespmem:s16+$0xFFFFFFE0] =	vst v30;
	v27 =	vadd.f32 v28, v27;
	v28 =	vmul.f32 v29, v19  }
0x24d: {  	_ =	sdelay $0x1  }
0x24e: {  	v22 =	vmul.f32 v22, v18;
	s8 =	sadd.s32 $0x1, s8;
	v21 =	vmul.f32 v21, v19  }
0x24f: {  	v26 =	vadd.f32 v28, v26;
	p0 =	sne.s32 s8, $0x8;
	v24 =	vmul.f32 v24, v18;
	v19 =	vmul.f32 v25, v19  }
.Ltmp9:
0x250: {  	[tilespmem:s16+$0xFFFFFFF0] =	vst v27;
	v21 =	vadd.f32 v21, v22;
	v18 =	vmul.f32 v23, v18;
	(pc) =	sbr.rel @p0 .LBB2_18-.Ltmp9, $4  }
0x251: {  	[tilespmem:s16+$0x0] =	vst v26;
	v19 =	vadd.f32 v19, v24  }
0x252: {  	[tilespmem:s16+$0x10] =	vst v21;
	v18 =	vadd.f32 v20, v18  }
0x253: {  	[tilespmem:s16+$0x20] =	vst v19  }
0x254: {  	s14 =	sadd.s32 $0x80, s14;
	s15 =	sadd.s32 $0x80, s15;
	[tilespmem:s16+$0xFFFFFFC0] =	vst v18  }
0x255: {  	s8 =	simm.s32 $0x0;
	s14 =	rddreg [dreg:$0x9]  }
0x256: {  	[hbm4b:s14+s8] =	stream.linear.scatter [tilespmem:s1], [sflag:$0x5], $0x4000, $0x38;
	[tilespmem:$0x10A00] =	vst v63  }
0x257: {  	_ =	swait.ge [sflag:s25], $0x4000  }
0x258: {  	[sflag:s25] =	ssyncset.done $0x0  }
0x259: {  	[sflag:s25] =	ssyncadd.s32 $0xFFFFC000  }
0x25a: {  	_ =	swait.ge [sflag:s26], $0x4000  }
0x25b: {  	[sflag:s26] =	ssyncset.done $0x0  }
0x25c: {  	[sflag:s26] =	ssyncadd.s32 $0xFFFFC000  }
0x25d: {  	_ =	swait.ge [sflag:s12], $0x4000  }
0x25e: {  	[sflag:s12] =	ssyncset.done $0x0  }
0x25f: {  	[sflag:s12] =	ssyncadd.s32 $0xFFFFC000  }
0x260: {  	v18 =	vld.msk [tilespmem:$0x280], $0xff;
	_ =	sdelay $0x4  }
0x261: {  	v19 =	vshll.u32 v18, $0x4  }
0x262: {  	v18 =	vand.u32 $0x7, v18;
	v19 =	vand.u32 $0xFFFFFF80, v19  }
0x263: {  	v18 =	vor.u32 v18, v19  }
0x264: {  	v18 =	vperm.xlane v18, v16;
	_ =	sdelay $0x1  }
0x265: {  	v18 =	vadd.s32 v17, v18;
	_ =	sdelay $0x4  }
0x266: {  	[tilespmem:s1], [sflag:$0x1] =	stream.indirect_vreg.gather [hbm4b:s3+s8], $0x80, v18, vm0, $0xb8;
	[tilespmem:$0x10A00] =	vst v63  }
0x267: {  	s15 =	simm.s32 $0x1200  }
0x268: {  	[tilespmem:s15], [sflag:$0x1] =	stream.indirect_vreg.gather [hbm4b:s5+s8], $0x80, v18, vm0, $0xb8;
	[tilespmem:$0x10A00] =	vst v63  }
0x269: {  	s16 =	simm.s32 $0x1A00  }
0x26a: {  	[tilespmem:s16], [sflag:$0x1] =	stream.indirect_vreg.gather [hbm4b:s6+s8], $0x80, v18, vm0, $0xb8;
	[tilespmem:$0x10A00] =	vst v63  }
0x26b: {  	s17 =	simm.s32 $0x2200  }
0x26c: {  	[tilespmem:s17], [sflag:$0x1] =	stream.indirect_vreg.gather [hbm4b:s7+s8], $0x80, v18, vm0, $0xb8;
	[tilespmem:$0x10A00] =	vst v63  }
0x26d: {  	s18 =	simm.s32 $0x2A00  }
0x26e: {  	[tilespmem:s18], [sflag:$0x1] =	stream.indirect_vreg.gather [hbm4b:s9+s8], $0x80, v18, vm0, $0xb8;
	[tilespmem:$0x10A00] =	vst v63  }
0x26f: {  	s19 =	simm.s32 $0x3200  }
0x270: {  	[tilespmem:s19], [sflag:$0x1] =	stream.indirect_vreg.gather [hbm4b:s10+s8], $0x80, v18, vm0, $0xb8;
	[tilespmem:$0x10A00] =	vst v63  }
0x271: {  	s15 =	simm.s32 $0x3A00  }
0x272: {  	[tilespmem:s15], [sflag:$0x1] =	stream.indirect_vreg.gather [hbm4b:s11+s8], $0x80, v18, vm0, $0xb8;
	[tilespmem:$0x10A00] =	vst v63  }
0x273: {  	s16 =	simm.s32 $0x4200  }
0x274: {  	[tilespmem:s16], [sflag:$0x1] =	stream.indirect_vreg.gather [hbm4b:s13+s8], $0x80, v18, vm0, $0xb8;
	[tilespmem:$0x10A00] =	vst v63  }
0x275: {  	v18 =	vld.msk [tilespmem:$0x680], $0xff;
	_ =	sdelay $0x4  }
0x276: {  	v19 =	vshll.u32 v18, $0x4  }
0x277: {  	v18 =	vand.u32 $0x7, v18;
	v19 =	vand.u32 $0xFFFFFF80, v19  }
0x278: {  	v18 =	vor.u32 v18, v19  }
0x279: {  	v18 =	vperm.xlane v18, v16;
	_ =	sdelay $0x1  }
0x27a: {  	v18 =	vadd.s32 v17, v18;
	_ =	sdelay $0x3  }
0x27b: {  	s17 =	simm.s32 $0x4A00  }
0x27c: {  	[tilespmem:s17], [sflag:$0x2] =	stream.indirect_vreg.gather [hbm4b:s3+s8], $0x80, v18, vm0, $0xb8;
	[tilespmem:$0x10A00] =	vst v63  }
0x27d: {  	s18 =	simm.s32 $0x5200  }
0x27e: {  	[tilespmem:s18], [sflag:$0x2] =	stream.indirect_vreg.gather [hbm4b:s5+s8], $0x80, v18, vm0, $0xb8;
	[tilespmem:$0x10A00] =	vst v63  }
0x27f: {  	s19 =	simm.s32 $0x5A00  }
0x280: {  	[tilespmem:s19], [sflag:$0x2] =	stream.indirect_vreg.gather [hbm4b:s6+s8], $0x80, v18, vm0, $0xb8;
	[tilespmem:$0x10A00] =	vst v63  }
0x281: {  	s15 =	simm.s32 $0x6200  }
0x282: {  	[tilespmem:s15], [sflag:$0x2] =	stream.indirect_vreg.gather [hbm4b:s7+s8], $0x80, v18, vm0, $0xb8;
	[tilespmem:$0x10A00] =	vst v63  }
0x283: {  	s16 =	simm.s32 $0x6A00  }
0x284: {  	[tilespmem:s16], [sflag:$0x2] =	stream.indirect_vreg.gather [hbm4b:s9+s8], $0x80, v18, vm0, $0xb8;
	[tilespmem:$0x10A00] =	vst v63  }
0x285: {  	s17 =	simm.s32 $0x7200  }
0x286: {  	[tilespmem:s17], [sflag:$0x2] =	stream.indirect_vreg.gather [hbm4b:s10+s8], $0x80, v18, vm0, $0xb8;
	[tilespmem:$0x10A00] =	vst v63  }
0x287: {  	s18 =	simm.s32 $0x7A00  }
0x288: {  	[tilespmem:s18], [sflag:$0x2] =	stream.indirect_vreg.gather [hbm4b:s11+s8], $0x80, v18, vm0, $0xb8;
	[tilespmem:$0x10A00] =	vst v63  }
0x289: {  	s14 =	simm.s32 $0xCA40;
	s19 =	simm.s32 $0x8200;
	s15 =	simm.s32 $0x8A40  }
0x28a: {  	[tilespmem:s19], [sflag:$0x2] =	stream.indirect_vreg.gather [hbm4b:s13+s8], $0x80, v18, vm0, $0xb8;
	[tilespmem:$0x10A00] =	vst v63  }
.LBB2_22:
0x28b: {  	s16 =	sshll.u32 s8, $0x1  }
0x28c: {  	s16 =	sadd.s32 $0x50, s16  }
0x28d: {  	v20 =	vld [tilespmem:s15+$0x30];
	v18 =	vmov s16  }
0x28e: {  	v21 =	vld [tilespmem:s14+$0x30];
	v19 =	vor.u32 $0x1, v18  }
0x28f: {  	v23 =	vld [tilespmem:s14+$0xFFFFFFC0]  }
0x290: {  	v22 =	vld [tilespmem:s15+$0xFFFFFFD0]  }
0x291: {  	v24 =	vld [tilespmem:s14+$0xFFFFFFD0]  }
0x292: {  	v18 =	vld.idx.msk [tilespmem:v18+s31+$0x0], $0xffff  }
0x293: {  	v19 =	vld.idx.msk [tilespmem:v19+s31+$0x0], $0xffff  }
0x294: {  	v25 =	vld [tilespmem:s15+$0xFFFFFFE0]  }
0x295: {  	v26 =	vld [tilespmem:s14+$0xFFFFFFE0]  }
0x296: {  	v27 =	vld [tilespmem:s15+$0xFFFFFFF0]  }
0x297: {  	v28 =	vld [tilespmem:s14+$0xFFFFFFF0]  }
0x298: {  	v29 =	vld [tilespmem:s15+$0x0];
	v20 =	vmul.f32 v20, v18;
	v21 =	vmul.f32 v21, v19  }
0x299: {  	v31 =	vld [tilespmem:s14+$0x0];
	v30 =	vmul.f32 v22, v18;
	v24 =	vmul.f32 v24, v19  }
0x29a: {  	v25 =	vmul.f32 v25, v18;
	v22 =	vld [tilespmem:s15+$0x10];
	v26 =	vmul.f32 v26, v19;
	v20 =	vadd.f32 v21, v20  }
0x29b: {  	v30 =	vadd.f32 v24, v30;
	v21 =	vld [tilespmem:s14+$0x10]  }
0x29c: {  	v27 =	vmul.f32 v27, v18;
	v28 =	vmul.f32 v28, v19;
	v32 =	vadd.f32 v26, v25;
	v24 =	vld [tilespmem:s15+$0x20];
	[tilespmem:s15+$0x30] =	vst v20  }
0x29d: {  	s17 =	simm.s32 $0x0;
	v25 =	vld [tilespmem:s14+$0x20];
	v26 =	vmul.f32 v29, v18;
	[tilespmem:s15+$0xFFFFFFD0] =	vst v30  }
0x29e: {  	s18 =	sadd.s32 $0x400, s15;
	s19 =	smov.u32 s14;
	s16 =	smov.u32 s15;
	v27 =	vadd.f32 v28, v27;
	v28 =	vmul.f32 v31, v19;
	v20 =	vmul.f32 v23, v19;
	v23 =	vld [tilespmem:s15+$0xFFFFFFC0];
	[tilespmem:s15+$0xFFFFFFE0] =	vst v32  }
.LBB2_23:
0x29f: {  	v29 =	vld [tilespmem:s18+$0x30];
	v22 =	vmul.f32 v22, v18;
	s19 =	sadd.s32 $0x400, s19  }
0x2a0: {  	s17 =	sadd.s32 $0x80, s17;
	v30 =	vld [tilespmem:s19+$0x30];
	[tilespmem:s16+$0xFFFFFFF0] =	vst v27;
	v26 =	vadd.f32 v28, v26;
	v21 =	vmul.f32 v21, v19  }
0x2a1: {  	p0 =	slt.u32 s17, $0x780;
	v27 =	vld [tilespmem:s19+$0xFFFFFFC0];
	v24 =	vmul.f32 v24, v18  }
0x2a2: {  	v28 =	vld [tilespmem:s18+$0xFFFFFFD0];
	[tilespmem:s16+$0x0] =	vst v26;
	v21 =	vadd.f32 v21, v22;
	v22 =	vmul.f32 v25, v19  }
0x2a3: {  	v25 =	vld [tilespmem:s19+$0xFFFFFFD0];
	v23 =	vmul.f32 v23, v18  }
0x2a4: {  	v26 =	vld [tilespmem:s18+$0xFFFFFFE0];
	[tilespmem:s16+$0x10] =	vst v21;
	v21 =	vadd.f32 v22, v24  }
0x2a5: {  	v24 =	vmul.f32 v29, v18;
	v22 =	vld [tilespmem:s19+$0xFFFFFFE0];
	v29 =	vmul.f32 v30, v19;
	v23 =	vadd.f32 v20, v23  }
0x2a6: {  	v20 =	vmul.f32 v27, v19;
	v27 =	vld [tilespmem:s18+$0xFFFFFFF0];
	[tilespmem:s16+$0x20] =	vst v21  }
0x2a7: {  	v21 =	vmul.f32 v28, v18;
	v28 =	vld [tilespmem:s19+$0xFFFFFFF0];
	v24 =	vadd.f32 v29, v24;
	[tilespmem:s16+$0xFFFFFFC0] =	vst v23;
	s16 =	smov.u32 s18  }
0x2a8: {  	v23 =	vmul.f32 v25, v19;
	v25 =	vld [tilespmem:s18+$0x0]  }
0x2a9: {  	v26 =	vmul.f32 v26, v18;
	v29 =	vld [tilespmem:s19+$0x0];
	[tilespmem:s18+$0x30] =	vst v24  }
.Ltmp10:
0x2aa: {  	v23 =	vadd.f32 v23, v21;
	v24 =	vmul.f32 v22, v19;
	v22 =	vld [tilespmem:s18+$0x10];
	(pc) =	sbr.rel @p0 .LBB2_23-.Ltmp10, $4  }
0x2ab: {  	v27 =	vmul.f32 v27, v18;
	v21 =	vld [tilespmem:s19+$0x10]  }
0x2ac: {  	[tilespmem:s18+$0xFFFFFFD0] =	vst v23;
	v30 =	vadd.f32 v24, v26;
	v28 =	vmul.f32 v28, v19;
	v24 =	vld [tilespmem:s18+$0x20]  }
0x2ad: {  	v26 =	vmul.f32 v25, v18;
	v25 =	vld [tilespmem:s19+$0x20]  }
0x2ae: {  	s18 =	sadd.s32 $0x400, s18;
	v23 =	vld [tilespmem:s16+$0xFFFFFFC0];
	[tilespmem:s16+$0xFFFFFFE0] =	vst v30;
	v27 =	vadd.f32 v28, v27;
	v28 =	vmul.f32 v29, v19  }
0x2af: {  	_ =	sdelay $0x1  }
0x2b0: {  	v22 =	vmul.f32 v22, v18;
	s8 =	sadd.s32 $0x1, s8;
	v21 =	vmul.f32 v21, v19  }
0x2b1: {  	v26 =	vadd.f32 v28, v26;
	p0 =	sne.s32 s8, $0x8;
	v24 =	vmul.f32 v24, v18;
	v19 =	vmul.f32 v25, v19  }
.Ltmp11:
0x2b2: {  	[tilespmem:s16+$0xFFFFFFF0] =	vst v27;
	v21 =	vadd.f32 v21, v22;
	v18 =	vmul.f32 v23, v18;
	(pc) =	sbr.rel @p0 .LBB2_22-.Ltmp11, $4  }
0x2b3: {  	[tilespmem:s16+$0x0] =	vst v26;
	v19 =	vadd.f32 v19, v24  }
0x2b4: {  	[tilespmem:s16+$0x10] =	vst v21;
	v18 =	vadd.f32 v20, v18  }
0x2b5: {  	[tilespmem:s16+$0x20] =	vst v19  }
0x2b6: {  	s14 =	sadd.s32 $0x80, s14;
	s15 =	sadd.s32 $0x80, s15;
	[tilespmem:s16+$0xFFFFFFC0] =	vst v18  }
0x2b7: {  	s8 =	simm.s32 $0x0;
	s14 =	rddreg [dreg:$0xa]  }
0x2b8: {  	[hbm4b:s14+s8] =	stream.linear.scatter [tilespmem:s30], [sflag:$0x6], $0x4000, $0x38;
	[tilespmem:$0x10A00] =	vst v63  }
0x2b9: {  	_ =	swait.ge [sflag:s28], $0x4000  }
0x2ba: {  	[sflag:s28] =	ssyncset.done $0x0  }
0x2bb: {  	[sflag:s28] =	ssyncadd.s32 $0xFFFFC000  }
0x2bc: {  	_ =	swait.ge [sflag:s29], $0x4000  }
0x2bd: {  	[sflag:s29] =	ssyncset.done $0x0  }
0x2be: {  	[sflag:s29] =	ssyncadd.s32 $0xFFFFC000  }
0x2bf: {  	_ =	swait.ge [sflag:s0], $0x4000  }
0x2c0: {  	[sflag:s0] =	ssyncset.done $0x0  }
0x2c1: {  	[sflag:s0] =	ssyncadd.s32 $0xFFFFC000  }
0x2c2: {  	v18 =	vld.msk [tilespmem:$0x288], $0xff;
	_ =	sdelay $0x4  }
0x2c3: {  	v19 =	vshll.u32 v18, $0x4  }
0x2c4: {  	v18 =	vand.u32 $0x7, v18;
	v19 =	vand.u32 $0xFFFFFF80, v19  }
0x2c5: {  	v18 =	vor.u32 v18, v19  }
0x2c6: {  	v18 =	vperm.xlane v18, v16;
	_ =	sdelay $0x1  }
0x2c7: {  	v18 =	vadd.s32 v17, v18;
	_ =	sdelay $0x4  }
0x2c8: {  	[tilespmem:s30], [sflag:$0x3] =	stream.indirect_vreg.gather [hbm4b:s3+s8], $0x80, v18, vm0, $0xb8;
	[tilespmem:$0x10A00] =	vst v63  }
0x2c9: {  	s15 =	simm.s32 $0x9200  }
0x2ca: {  	[tilespmem:s15], [sflag:$0x3] =	stream.indirect_vreg.gather [hbm4b:s5+s8], $0x80, v18, vm0, $0xb8;
	[tilespmem:$0x10A00] =	vst v63  }
0x2cb: {  	s16 =	simm.s32 $0x9A00  }
0x2cc: {  	[tilespmem:s16], [sflag:$0x3] =	stream.indirect_vreg.gather [hbm4b:s6+s8], $0x80, v18, vm0, $0xb8;
	[tilespmem:$0x10A00] =	vst v63  }
0x2cd: {  	s17 =	simm.s32 $0xA200  }
0x2ce: {  	[tilespmem:s17], [sflag:$0x3] =	stream.indirect_vreg.gather [hbm4b:s7+s8], $0x80, v18, vm0, $0xb8;
	[tilespmem:$0x10A00] =	vst v63  }
0x2cf: {  	s18 =	simm.s32 $0xAA00  }
0x2d0: {  	[tilespmem:s18], [sflag:$0x3] =	stream.indirect_vreg.gather [hbm4b:s9+s8], $0x80, v18, vm0, $0xb8;
	[tilespmem:$0x10A00] =	vst v63  }
0x2d1: {  	s19 =	simm.s32 $0xB200  }
0x2d2: {  	[tilespmem:s19], [sflag:$0x3] =	stream.indirect_vreg.gather [hbm4b:s10+s8], $0x80, v18, vm0, $0xb8;
	[tilespmem:$0x10A00] =	vst v63  }
0x2d3: {  	s15 =	simm.s32 $0xBA00  }
0x2d4: {  	[tilespmem:s15], [sflag:$0x3] =	stream.indirect_vreg.gather [hbm4b:s11+s8], $0x80, v18, vm0, $0xb8;
	[tilespmem:$0x10A00] =	vst v63  }
0x2d5: {  	s16 =	simm.s32 $0xC200  }
0x2d6: {  	[tilespmem:s16], [sflag:$0x3] =	stream.indirect_vreg.gather [hbm4b:s13+s8], $0x80, v18, vm0, $0xb8;
	[tilespmem:$0x10A00] =	vst v63  }
0x2d7: {  	v18 =	vld.msk [tilespmem:$0x688], $0xff;
	_ =	sdelay $0x4  }
0x2d8: {  	v19 =	vshll.u32 v18, $0x4  }
0x2d9: {  	v18 =	vand.u32 $0x7, v18;
	v19 =	vand.u32 $0xFFFFFF80, v19  }
0x2da: {  	v18 =	vor.u32 v18, v19  }
0x2db: {  	v18 =	vperm.xlane v18, v16;
	_ =	sdelay $0x1  }
0x2dc: {  	v18 =	vadd.s32 v17, v18;
	_ =	sdelay $0x3  }
0x2dd: {  	s17 =	simm.s32 $0xCA00  }
0x2de: {  	[tilespmem:s17], [sflag:$0x4] =	stream.indirect_vreg.gather [hbm4b:s3+s8], $0x80, v18, vm0, $0xb8;
	[tilespmem:$0x10A00] =	vst v63  }
0x2df: {  	s18 =	simm.s32 $0xD200  }
0x2e0: {  	[tilespmem:s18], [sflag:$0x4] =	stream.indirect_vreg.gather [hbm4b:s5+s8], $0x80, v18, vm0, $0xb8;
	[tilespmem:$0x10A00] =	vst v63  }
0x2e1: {  	s19 =	simm.s32 $0xDA00  }
0x2e2: {  	[tilespmem:s19], [sflag:$0x4] =	stream.indirect_vreg.gather [hbm4b:s6+s8], $0x80, v18, vm0, $0xb8;
	[tilespmem:$0x10A00] =	vst v63  }
0x2e3: {  	_ = 	snop  }
0x2e4: {  	[tilespmem:s20], [sflag:$0x4] =	stream.indirect_vreg.gather [hbm4b:s7+s8], $0x80, v18, vm0, $0xb8;
	[tilespmem:$0x10A00] =	vst v63  }
0x2e5: {  	_ = 	snop  }
0x2e6: {  	[tilespmem:s21], [sflag:$0x4] =	stream.indirect_vreg.gather [hbm4b:s9+s8], $0x80, v18, vm0, $0xb8;
	[tilespmem:$0x10A00] =	vst v63  }
0x2e7: {  	_ = 	snop  }
0x2e8: {  	[tilespmem:s22], [sflag:$0x4] =	stream.indirect_vreg.gather [hbm4b:s10+s8], $0x80, v18, vm0, $0xb8;
	[tilespmem:$0x10A00] =	vst v63  }
0x2e9: {  	_ = 	snop  }
0x2ea: {  	[tilespmem:s23], [sflag:$0x4] =	stream.indirect_vreg.gather [hbm4b:s11+s8], $0x80, v18, vm0, $0xb8;
	[tilespmem:$0x10A00] =	vst v63  }
0x2eb: {  	s14 =	simm.s32 $0x4A40;
	s15 =	simm.s32 $0xA40  }
0x2ec: {  	[tilespmem:s24], [sflag:$0x4] =	stream.indirect_vreg.gather [hbm4b:s13+s8], $0x80, v18, vm0, $0xb8;
	[tilespmem:$0x10A00] =	vst v63  }
.LBB2_26:
0x2ed: {  	s16 =	sshll.u32 s8, $0x1  }
0x2ee: {  	s16 =	sadd.s32 $0x60, s16  }
0x2ef: {  	v20 =	vld [tilespmem:s15+$0x30];
	v18 =	vmov s16  }
0x2f0: {  	v21 =	vld [tilespmem:s14+$0x30];
	v19 =	vor.u32 $0x1, v18  }
0x2f1: {  	v23 =	vld [tilespmem:s14+$0xFFFFFFC0]  }
0x2f2: {  	v22 =	vld [tilespmem:s15+$0xFFFFFFD0]  }
0x2f3: {  	v24 =	vld [tilespmem:s14+$0xFFFFFFD0]  }
0x2f4: {  	v18 =	vld.idx.msk [tilespmem:v18+s31+$0x0], $0xffff  }
0x2f5: {  	v19 =	vld.idx.msk [tilespmem:v19+s31+$0x0], $0xffff  }
0x2f6: {  	v25 =	vld [tilespmem:s15+$0xFFFFFFE0]  }
0x2f7: {  	v26 =	vld [tilespmem:s14+$0xFFFFFFE0]  }
0x2f8: {  	v27 =	vld [tilespmem:s15+$0xFFFFFFF0]  }
0x2f9: {  	v28 =	vld [tilespmem:s14+$0xFFFFFFF0]  }
0x2fa: {  	v29 =	vld [tilespmem:s15+$0x0];
	v20 =	vmul.f32 v20, v18;
	v21 =	vmul.f32 v21, v19  }
0x2fb: {  	v31 =	vld [tilespmem:s14+$0x0];
	v30 =	vmul.f32 v22, v18;
	v24 =	vmul.f32 v24, v19  }
0x2fc: {  	v25 =	vmul.f32 v25, v18;
	v22 =	vld [tilespmem:s15+$0x10];
	v26 =	vmul.f32 v26, v19;
	v20 =	vadd.f32 v21, v20  }
0x2fd: {  	v30 =	vadd.f32 v24, v30;
	v21 =	vld [tilespmem:s14+$0x10]  }
0x2fe: {  	v27 =	vmul.f32 v27, v18;
	v28 =	vmul.f32 v28, v19;
	v32 =	vadd.f32 v26, v25;
	v24 =	vld [tilespmem:s15+$0x20];
	[tilespmem:s15+$0x30] =	vst v20  }
0x2ff: {  	s17 =	simm.s32 $0x0;
	v25 =	vld [tilespmem:s14+$0x20];
	v26 =	vmul.f32 v29, v18;
	[tilespmem:s15+$0xFFFFFFD0] =	vst v30  }
0x300: {  	s18 =	sadd.s32 $0x400, s15;
	s19 =	smov.u32 s14;
	s16 =	smov.u32 s15;
	v27 =	vadd.f32 v28, v27;
	v28 =	vmul.f32 v31, v19;
	v20 =	vmul.f32 v23, v19;
	v23 =	vld [tilespmem:s15+$0xFFFFFFC0];
	[tilespmem:s15+$0xFFFFFFE0] =	vst v32  }
.LBB2_27:
0x301: {  	v29 =	vld [tilespmem:s18+$0x30];
	v22 =	vmul.f32 v22, v18;
	s19 =	sadd.s32 $0x400, s19  }
0x302: {  	s17 =	sadd.s32 $0x80, s17;
	v30 =	vld [tilespmem:s19+$0x30];
	[tilespmem:s16+$0xFFFFFFF0] =	vst v27;
	v26 =	vadd.f32 v28, v26;
	v21 =	vmul.f32 v21, v19  }
0x303: {  	p0 =	slt.u32 s17, $0x780;
	v27 =	vld [tilespmem:s19+$0xFFFFFFC0];
	v24 =	vmul.f32 v24, v18  }
0x304: {  	v28 =	vld [tilespmem:s18+$0xFFFFFFD0];
	[tilespmem:s16+$0x0] =	vst v26;
	v21 =	vadd.f32 v21, v22;
	v22 =	vmul.f32 v25, v19  }
0x305: {  	v25 =	vld [tilespmem:s19+$0xFFFFFFD0];
	v23 =	vmul.f32 v23, v18  }
0x306: {  	v26 =	vld [tilespmem:s18+$0xFFFFFFE0];
	[tilespmem:s16+$0x10] =	vst v21;
	v21 =	vadd.f32 v22, v24  }
0x307: {  	v24 =	vmul.f32 v29, v18;
	v22 =	vld [tilespmem:s19+$0xFFFFFFE0];
	v29 =	vmul.f32 v30, v19;
	v23 =	vadd.f32 v20, v23  }
0x308: {  	v20 =	vmul.f32 v27, v19;
	v27 =	vld [tilespmem:s18+$0xFFFFFFF0];
	[tilespmem:s16+$0x20] =	vst v21  }
0x309: {  	v21 =	vmul.f32 v28, v18;
	v28 =	vld [tilespmem:s19+$0xFFFFFFF0];
	v24 =	vadd.f32 v29, v24;
	[tilespmem:s16+$0xFFFFFFC0] =	vst v23;
	s16 =	smov.u32 s18  }
0x30a: {  	v23 =	vmul.f32 v25, v19;
	v25 =	vld [tilespmem:s18+$0x0]  }
0x30b: {  	v26 =	vmul.f32 v26, v18;
	v29 =	vld [tilespmem:s19+$0x0];
	[tilespmem:s18+$0x30] =	vst v24  }
.Ltmp12:
0x30c: {  	v23 =	vadd.f32 v23, v21;
	v24 =	vmul.f32 v22, v19;
	v22 =	vld [tilespmem:s18+$0x10];
	(pc) =	sbr.rel @p0 .LBB2_27-.Ltmp12, $4  }
0x30d: {  	v27 =	vmul.f32 v27, v18;
	v21 =	vld [tilespmem:s19+$0x10]  }
0x30e: {  	[tilespmem:s18+$0xFFFFFFD0] =	vst v23;
	v30 =	vadd.f32 v24, v26;
	v28 =	vmul.f32 v28, v19;
	v24 =	vld [tilespmem:s18+$0x20]  }
0x30f: {  	v26 =	vmul.f32 v25, v18;
	v25 =	vld [tilespmem:s19+$0x20]  }
0x310: {  	s18 =	sadd.s32 $0x400, s18;
	v23 =	vld [tilespmem:s16+$0xFFFFFFC0];
	[tilespmem:s16+$0xFFFFFFE0] =	vst v30;
	v27 =	vadd.f32 v28, v27;
	v28 =	vmul.f32 v29, v19  }
0x311: {  	_ =	sdelay $0x1  }
0x312: {  	v22 =	vmul.f32 v22, v18;
	s8 =	sadd.s32 $0x1, s8;
	v21 =	vmul.f32 v21, v19  }
0x313: {  	v26 =	vadd.f32 v28, v26;
	p0 =	sne.s32 s8, $0x8;
	v24 =	vmul.f32 v24, v18;
	v19 =	vmul.f32 v25, v19  }
.Ltmp13:
0x314: {  	[tilespmem:s16+$0xFFFFFFF0] =	vst v27;
	v21 =	vadd.f32 v21, v22;
	v18 =	vmul.f32 v23, v18;
	(pc) =	sbr.rel @p0 .LBB2_26-.Ltmp13, $4  }
0x315: {  	[tilespmem:s16+$0x0] =	vst v26;
	v19 =	vadd.f32 v19, v24  }
0x316: {  	[tilespmem:s16+$0x10] =	vst v21;
	v18 =	vadd.f32 v20, v18  }
0x317: {  	[tilespmem:s16+$0x20] =	vst v19  }
0x318: {  	s14 =	sadd.s32 $0x80, s14;
	s15 =	sadd.s32 $0x80, s15;
	[tilespmem:s16+$0xFFFFFFC0] =	vst v18  }
0x319: {  	s8 =	simm.s32 $0x0;
	s14 =	rddreg [dreg:$0xb]  }
0x31a: {  	[hbm4b:s14+s8] =	stream.linear.scatter [tilespmem:s1], [sflag:$0x5], $0x4000, $0x38;
	[tilespmem:$0x10A00] =	vst v63  }
0x31b: {  	_ =	swait.ge [sflag:s25], $0x4000  }
0x31c: {  	[sflag:s25] =	ssyncset.done $0x0  }
0x31d: {  	[sflag:s25] =	ssyncadd.s32 $0xFFFFC000  }
0x31e: {  	_ =	swait.ge [sflag:s26], $0x4000  }
0x31f: {  	[sflag:s26] =	ssyncset.done $0x0  }
0x320: {  	[sflag:s26] =	ssyncadd.s32 $0xFFFFC000  }
0x321: {  	_ =	swait.ge [sflag:s12], $0x4000  }
0x322: {  	[sflag:s12] =	ssyncset.done $0x0  }
0x323: {  	[sflag:s12] =	ssyncadd.s32 $0xFFFFC000  }
0x324: {  	v18 =	vld.msk [tilespmem:$0x300], $0xff;
	_ =	sdelay $0x4  }
0x325: {  	v19 =	vshll.u32 v18, $0x4  }
0x326: {  	v18 =	vand.u32 $0x7, v18;
	v19 =	vand.u32 $0xFFFFFF80, v19  }
0x327: {  	v18 =	vor.u32 v18, v19  }
0x328: {  	v18 =	vperm.xlane v18, v16;
	_ =	sdelay $0x1  }
0x329: {  	v18 =	vadd.s32 v17, v18;
	_ =	sdelay $0x4  }
0x32a: {  	[tilespmem:s1], [sflag:$0x1] =	stream.indirect_vreg.gather [hbm4b:s3+s8], $0x80, v18, vm0, $0xb8;
	[tilespmem:$0x10A00] =	vst v63  }
0x32b: {  	s15 =	simm.s32 $0x1200  }
0x32c: {  	[tilespmem:s15], [sflag:$0x1] =	stream.indirect_vreg.gather [hbm4b:s5+s8], $0x80, v18, vm0, $0xb8;
	[tilespmem:$0x10A00] =	vst v63  }
0x32d: {  	s16 =	simm.s32 $0x1A00  }
0x32e: {  	[tilespmem:s16], [sflag:$0x1] =	stream.indirect_vreg.gather [hbm4b:s6+s8], $0x80, v18, vm0, $0xb8;
	[tilespmem:$0x10A00] =	vst v63  }
0x32f: {  	s17 =	simm.s32 $0x2200  }
0x330: {  	[tilespmem:s17], [sflag:$0x1] =	stream.indirect_vreg.gather [hbm4b:s7+s8], $0x80, v18, vm0, $0xb8;
	[tilespmem:$0x10A00] =	vst v63  }
0x331: {  	s18 =	simm.s32 $0x2A00  }
0x332: {  	[tilespmem:s18], [sflag:$0x1] =	stream.indirect_vreg.gather [hbm4b:s9+s8], $0x80, v18, vm0, $0xb8;
	[tilespmem:$0x10A00] =	vst v63  }
0x333: {  	s19 =	simm.s32 $0x3200  }
0x334: {  	[tilespmem:s19], [sflag:$0x1] =	stream.indirect_vreg.gather [hbm4b:s10+s8], $0x80, v18, vm0, $0xb8;
	[tilespmem:$0x10A00] =	vst v63  }
0x335: {  	s15 =	simm.s32 $0x3A00  }
0x336: {  	[tilespmem:s15], [sflag:$0x1] =	stream.indirect_vreg.gather [hbm4b:s11+s8], $0x80, v18, vm0, $0xb8;
	[tilespmem:$0x10A00] =	vst v63  }
0x337: {  	s16 =	simm.s32 $0x4200  }
0x338: {  	[tilespmem:s16], [sflag:$0x1] =	stream.indirect_vreg.gather [hbm4b:s13+s8], $0x80, v18, vm0, $0xb8;
	[tilespmem:$0x10A00] =	vst v63  }
0x339: {  	v18 =	vld.msk [tilespmem:$0x700], $0xff;
	_ =	sdelay $0x4  }
0x33a: {  	v19 =	vshll.u32 v18, $0x4  }
0x33b: {  	v18 =	vand.u32 $0x7, v18;
	v19 =	vand.u32 $0xFFFFFF80, v19  }
0x33c: {  	v18 =	vor.u32 v18, v19  }
0x33d: {  	v18 =	vperm.xlane v18, v16;
	_ =	sdelay $0x1  }
0x33e: {  	v18 =	vadd.s32 v17, v18;
	_ =	sdelay $0x3  }
0x33f: {  	s17 =	simm.s32 $0x4A00  }
0x340: {  	[tilespmem:s17], [sflag:$0x2] =	stream.indirect_vreg.gather [hbm4b:s3+s8], $0x80, v18, vm0, $0xb8;
	[tilespmem:$0x10A00] =	vst v63  }
0x341: {  	s18 =	simm.s32 $0x5200  }
0x342: {  	[tilespmem:s18], [sflag:$0x2] =	stream.indirect_vreg.gather [hbm4b:s5+s8], $0x80, v18, vm0, $0xb8;
	[tilespmem:$0x10A00] =	vst v63  }
0x343: {  	s19 =	simm.s32 $0x5A00  }
0x344: {  	[tilespmem:s19], [sflag:$0x2] =	stream.indirect_vreg.gather [hbm4b:s6+s8], $0x80, v18, vm0, $0xb8;
	[tilespmem:$0x10A00] =	vst v63  }
0x345: {  	s15 =	simm.s32 $0x6200  }
0x346: {  	[tilespmem:s15], [sflag:$0x2] =	stream.indirect_vreg.gather [hbm4b:s7+s8], $0x80, v18, vm0, $0xb8;
	[tilespmem:$0x10A00] =	vst v63  }
0x347: {  	s16 =	simm.s32 $0x6A00  }
0x348: {  	[tilespmem:s16], [sflag:$0x2] =	stream.indirect_vreg.gather [hbm4b:s9+s8], $0x80, v18, vm0, $0xb8;
	[tilespmem:$0x10A00] =	vst v63  }
0x349: {  	s17 =	simm.s32 $0x7200  }
0x34a: {  	[tilespmem:s17], [sflag:$0x2] =	stream.indirect_vreg.gather [hbm4b:s10+s8], $0x80, v18, vm0, $0xb8;
	[tilespmem:$0x10A00] =	vst v63  }
0x34b: {  	s18 =	simm.s32 $0x7A00  }
0x34c: {  	[tilespmem:s18], [sflag:$0x2] =	stream.indirect_vreg.gather [hbm4b:s11+s8], $0x80, v18, vm0, $0xb8;
	[tilespmem:$0x10A00] =	vst v63  }
0x34d: {  	s14 =	simm.s32 $0xCA40;
	s19 =	simm.s32 $0x8200;
	s15 =	simm.s32 $0x8A40  }
0x34e: {  	[tilespmem:s19], [sflag:$0x2] =	stream.indirect_vreg.gather [hbm4b:s13+s8], $0x80, v18, vm0, $0xb8;
	[tilespmem:$0x10A00] =	vst v63  }
.LBB2_30:
0x34f: {  	s16 =	sshll.u32 s8, $0x1  }
0x350: {  	s16 =	sadd.s32 $0x70, s16  }
0x351: {  	v20 =	vld [tilespmem:s15+$0x30];
	v18 =	vmov s16  }
0x352: {  	v21 =	vld [tilespmem:s14+$0x30];
	v19 =	vor.u32 $0x1, v18  }
0x353: {  	v23 =	vld [tilespmem:s14+$0xFFFFFFC0]  }
0x354: {  	v22 =	vld [tilespmem:s15+$0xFFFFFFD0]  }
0x355: {  	v24 =	vld [tilespmem:s14+$0xFFFFFFD0]  }
0x356: {  	v18 =	vld.idx.msk [tilespmem:v18+s31+$0x0], $0xffff  }
0x357: {  	v19 =	vld.idx.msk [tilespmem:v19+s31+$0x0], $0xffff  }
0x358: {  	v25 =	vld [tilespmem:s15+$0xFFFFFFE0]  }
0x359: {  	v26 =	vld [tilespmem:s14+$0xFFFFFFE0]  }
0x35a: {  	v27 =	vld [tilespmem:s15+$0xFFFFFFF0]  }
0x35b: {  	v28 =	vld [tilespmem:s14+$0xFFFFFFF0]  }
0x35c: {  	v29 =	vld [tilespmem:s15+$0x0];
	v20 =	vmul.f32 v20, v18;
	v21 =	vmul.f32 v21, v19  }
0x35d: {  	v31 =	vld [tilespmem:s14+$0x0];
	v30 =	vmul.f32 v22, v18;
	v24 =	vmul.f32 v24, v19  }
0x35e: {  	v25 =	vmul.f32 v25, v18;
	v22 =	vld [tilespmem:s15+$0x10];
	v26 =	vmul.f32 v26, v19;
	v20 =	vadd.f32 v21, v20  }
0x35f: {  	v30 =	vadd.f32 v24, v30;
	v21 =	vld [tilespmem:s14+$0x10]  }
0x360: {  	v27 =	vmul.f32 v27, v18;
	v28 =	vmul.f32 v28, v19;
	v32 =	vadd.f32 v26, v25;
	v24 =	vld [tilespmem:s15+$0x20];
	[tilespmem:s15+$0x30] =	vst v20  }
0x361: {  	s17 =	simm.s32 $0x0;
	v25 =	vld [tilespmem:s14+$0x20];
	v26 =	vmul.f32 v29, v18;
	[tilespmem:s15+$0xFFFFFFD0] =	vst v30  }
0x362: {  	s18 =	sadd.s32 $0x400, s15;
	s19 =	smov.u32 s14;
	s16 =	smov.u32 s15;
	v27 =	vadd.f32 v28, v27;
	v28 =	vmul.f32 v31, v19;
	v20 =	vmul.f32 v23, v19;
	v23 =	vld [tilespmem:s15+$0xFFFFFFC0];
	[tilespmem:s15+$0xFFFFFFE0] =	vst v32  }
.LBB2_31:
0x363: {  	v29 =	vld [tilespmem:s18+$0x30];
	v22 =	vmul.f32 v22, v18;
	s19 =	sadd.s32 $0x400, s19  }
0x364: {  	s17 =	sadd.s32 $0x80, s17;
	v30 =	vld [tilespmem:s19+$0x30];
	[tilespmem:s16+$0xFFFFFFF0] =	vst v27;
	v26 =	vadd.f32 v28, v26;
	v21 =	vmul.f32 v21, v19  }
0x365: {  	p0 =	slt.u32 s17, $0x780;
	v27 =	vld [tilespmem:s19+$0xFFFFFFC0];
	v24 =	vmul.f32 v24, v18  }
0x366: {  	v28 =	vld [tilespmem:s18+$0xFFFFFFD0];
	[tilespmem:s16+$0x0] =	vst v26;
	v21 =	vadd.f32 v21, v22;
	v22 =	vmul.f32 v25, v19  }
0x367: {  	v25 =	vld [tilespmem:s19+$0xFFFFFFD0];
	v23 =	vmul.f32 v23, v18  }
0x368: {  	v26 =	vld [tilespmem:s18+$0xFFFFFFE0];
	[tilespmem:s16+$0x10] =	vst v21;
	v21 =	vadd.f32 v22, v24  }
0x369: {  	v24 =	vmul.f32 v29, v18;
	v22 =	vld [tilespmem:s19+$0xFFFFFFE0];
	v29 =	vmul.f32 v30, v19;
	v23 =	vadd.f32 v20, v23  }
0x36a: {  	v20 =	vmul.f32 v27, v19;
	v27 =	vld [tilespmem:s18+$0xFFFFFFF0];
	[tilespmem:s16+$0x20] =	vst v21  }
0x36b: {  	v21 =	vmul.f32 v28, v18;
	v28 =	vld [tilespmem:s19+$0xFFFFFFF0];
	v24 =	vadd.f32 v29, v24;
	[tilespmem:s16+$0xFFFFFFC0] =	vst v23;
	s16 =	smov.u32 s18  }
0x36c: {  	v23 =	vmul.f32 v25, v19;
	v25 =	vld [tilespmem:s18+$0x0]  }
0x36d: {  	v26 =	vmul.f32 v26, v18;
	v29 =	vld [tilespmem:s19+$0x0];
	[tilespmem:s18+$0x30] =	vst v24  }
.Ltmp14:
0x36e: {  	v23 =	vadd.f32 v23, v21;
	v24 =	vmul.f32 v22, v19;
	v22 =	vld [tilespmem:s18+$0x10];
	(pc) =	sbr.rel @p0 .LBB2_31-.Ltmp14, $4  }
0x36f: {  	v27 =	vmul.f32 v27, v18;
	v21 =	vld [tilespmem:s19+$0x10]  }
0x370: {  	[tilespmem:s18+$0xFFFFFFD0] =	vst v23;
	v30 =	vadd.f32 v24, v26;
	v28 =	vmul.f32 v28, v19;
	v24 =	vld [tilespmem:s18+$0x20]  }
0x371: {  	v26 =	vmul.f32 v25, v18;
	v25 =	vld [tilespmem:s19+$0x20]  }
0x372: {  	s18 =	sadd.s32 $0x400, s18;
	v23 =	vld [tilespmem:s16+$0xFFFFFFC0];
	[tilespmem:s16+$0xFFFFFFE0] =	vst v30;
	v27 =	vadd.f32 v28, v27;
	v28 =	vmul.f32 v29, v19  }
0x373: {  	_ =	sdelay $0x1  }
0x374: {  	v22 =	vmul.f32 v22, v18;
	s8 =	sadd.s32 $0x1, s8;
	v21 =	vmul.f32 v21, v19  }
0x375: {  	v26 =	vadd.f32 v28, v26;
	p0 =	sne.s32 s8, $0x8;
	v24 =	vmul.f32 v24, v18;
	v19 =	vmul.f32 v25, v19  }
.Ltmp15:
0x376: {  	[tilespmem:s16+$0xFFFFFFF0] =	vst v27;
	v21 =	vadd.f32 v21, v22;
	v18 =	vmul.f32 v23, v18;
	(pc) =	sbr.rel @p0 .LBB2_30-.Ltmp15, $4  }
0x377: {  	[tilespmem:s16+$0x0] =	vst v26;
	v19 =	vadd.f32 v19, v24  }
0x378: {  	[tilespmem:s16+$0x10] =	vst v21;
	v18 =	vadd.f32 v20, v18  }
0x379: {  	[tilespmem:s16+$0x20] =	vst v19  }
0x37a: {  	s14 =	sadd.s32 $0x80, s14;
	s15 =	sadd.s32 $0x80, s15;
	[tilespmem:s16+$0xFFFFFFC0] =	vst v18  }
0x37b: {  	s8 =	simm.s32 $0x0;
	s14 =	rddreg [dreg:$0xc]  }
0x37c: {  	[hbm4b:s14+s8] =	stream.linear.scatter [tilespmem:s30], [sflag:$0x6], $0x4000, $0x38;
	[tilespmem:$0x10A00] =	vst v63  }
0x37d: {  	_ =	swait.ge [sflag:s28], $0x4000  }
0x37e: {  	[sflag:s28] =	ssyncset.done $0x0  }
0x37f: {  	[sflag:s28] =	ssyncadd.s32 $0xFFFFC000  }
0x380: {  	_ =	swait.ge [sflag:s29], $0x4000  }
0x381: {  	[sflag:s29] =	ssyncset.done $0x0  }
0x382: {  	[sflag:s29] =	ssyncadd.s32 $0xFFFFC000  }
0x383: {  	_ =	swait.ge [sflag:s0], $0x4000  }
0x384: {  	[sflag:s0] =	ssyncset.done $0x0  }
0x385: {  	[sflag:s0] =	ssyncadd.s32 $0xFFFFC000  }
0x386: {  	v18 =	vld.msk [tilespmem:$0x308], $0xff;
	_ =	sdelay $0x4  }
0x387: {  	v19 =	vshll.u32 v18, $0x4  }
0x388: {  	v18 =	vand.u32 $0x7, v18;
	v19 =	vand.u32 $0xFFFFFF80, v19  }
0x389: {  	v18 =	vor.u32 v18, v19  }
0x38a: {  	v18 =	vperm.xlane v18, v16;
	_ =	sdelay $0x1  }
0x38b: {  	v18 =	vadd.s32 v17, v18;
	_ =	sdelay $0x4  }
0x38c: {  	[tilespmem:s30], [sflag:$0x3] =	stream.indirect_vreg.gather [hbm4b:s3+s8], $0x80, v18, vm0, $0xb8;
	[tilespmem:$0x10A00] =	vst v63  }
0x38d: {  	s15 =	simm.s32 $0x9200  }
0x38e: {  	[tilespmem:s15], [sflag:$0x3] =	stream.indirect_vreg.gather [hbm4b:s5+s8], $0x80, v18, vm0, $0xb8;
	[tilespmem:$0x10A00] =	vst v63  }
0x38f: {  	s16 =	simm.s32 $0x9A00  }
0x390: {  	[tilespmem:s16], [sflag:$0x3] =	stream.indirect_vreg.gather [hbm4b:s6+s8], $0x80, v18, vm0, $0xb8;
	[tilespmem:$0x10A00] =	vst v63  }
0x391: {  	s17 =	simm.s32 $0xA200  }
0x392: {  	[tilespmem:s17], [sflag:$0x3] =	stream.indirect_vreg.gather [hbm4b:s7+s8], $0x80, v18, vm0, $0xb8;
	[tilespmem:$0x10A00] =	vst v63  }
0x393: {  	s18 =	simm.s32 $0xAA00  }
0x394: {  	[tilespmem:s18], [sflag:$0x3] =	stream.indirect_vreg.gather [hbm4b:s9+s8], $0x80, v18, vm0, $0xb8;
	[tilespmem:$0x10A00] =	vst v63  }
0x395: {  	s19 =	simm.s32 $0xB200  }
0x396: {  	[tilespmem:s19], [sflag:$0x3] =	stream.indirect_vreg.gather [hbm4b:s10+s8], $0x80, v18, vm0, $0xb8;
	[tilespmem:$0x10A00] =	vst v63  }
0x397: {  	s15 =	simm.s32 $0xBA00  }
0x398: {  	[tilespmem:s15], [sflag:$0x3] =	stream.indirect_vreg.gather [hbm4b:s11+s8], $0x80, v18, vm0, $0xb8;
	[tilespmem:$0x10A00] =	vst v63  }
0x399: {  	s16 =	simm.s32 $0xC200  }
0x39a: {  	[tilespmem:s16], [sflag:$0x3] =	stream.indirect_vreg.gather [hbm4b:s13+s8], $0x80, v18, vm0, $0xb8;
	[tilespmem:$0x10A00] =	vst v63  }
0x39b: {  	v18 =	vld.msk [tilespmem:$0x708], $0xff;
	_ =	sdelay $0x4  }
0x39c: {  	v19 =	vshll.u32 v18, $0x4  }
0x39d: {  	v18 =	vand.u32 $0x7, v18;
	v19 =	vand.u32 $0xFFFFFF80, v19  }
0x39e: {  	v18 =	vor.u32 v18, v19  }
0x39f: {  	v18 =	vperm.xlane v18, v16;
	_ =	sdelay $0x1  }
0x3a0: {  	v18 =	vadd.s32 v17, v18;
	_ =	sdelay $0x3  }
0x3a1: {  	s17 =	simm.s32 $0xCA00  }
0x3a2: {  	[tilespmem:s17], [sflag:$0x4] =	stream.indirect_vreg.gather [hbm4b:s3+s8], $0x80, v18, vm0, $0xb8;
	[tilespmem:$0x10A00] =	vst v63  }
0x3a3: {  	s18 =	simm.s32 $0xD200  }
0x3a4: {  	[tilespmem:s18], [sflag:$0x4] =	stream.indirect_vreg.gather [hbm4b:s5+s8], $0x80, v18, vm0, $0xb8;
	[tilespmem:$0x10A00] =	vst v63  }
0x3a5: {  	s19 =	simm.s32 $0xDA00  }
0x3a6: {  	[tilespmem:s19], [sflag:$0x4] =	stream.indirect_vreg.gather [hbm4b:s6+s8], $0x80, v18, vm0, $0xb8;
	[tilespmem:$0x10A00] =	vst v63  }
0x3a7: {  	_ = 	snop  }
0x3a8: {  	[tilespmem:s20], [sflag:$0x4] =	stream.indirect_vreg.gather [hbm4b:s7+s8], $0x80, v18, vm0, $0xb8;
	[tilespmem:$0x10A00] =	vst v63  }
0x3a9: {  	_ = 	snop  }
0x3aa: {  	[tilespmem:s21], [sflag:$0x4] =	stream.indirect_vreg.gather [hbm4b:s9+s8], $0x80, v18, vm0, $0xb8;
	[tilespmem:$0x10A00] =	vst v63  }
0x3ab: {  	_ = 	snop  }
0x3ac: {  	[tilespmem:s22], [sflag:$0x4] =	stream.indirect_vreg.gather [hbm4b:s10+s8], $0x80, v18, vm0, $0xb8;
	[tilespmem:$0x10A00] =	vst v63  }
0x3ad: {  	_ = 	snop  }
0x3ae: {  	[tilespmem:s23], [sflag:$0x4] =	stream.indirect_vreg.gather [hbm4b:s11+s8], $0x80, v18, vm0, $0xb8;
	[tilespmem:$0x10A00] =	vst v63  }
0x3af: {  	s14 =	simm.s32 $0x4A40;
	s15 =	simm.s32 $0xA40  }
0x3b0: {  	[tilespmem:s24], [sflag:$0x4] =	stream.indirect_vreg.gather [hbm4b:s13+s8], $0x80, v18, vm0, $0xb8;
	[tilespmem:$0x10A00] =	vst v63  }
.LBB2_34:
0x3b1: {  	s16 =	sshll.u32 s8, $0x1  }
0x3b2: {  	s16 =	sadd.s32 $0x80, s16  }
0x3b3: {  	v20 =	vld [tilespmem:s15+$0x30];
	v18 =	vmov s16  }
0x3b4: {  	v21 =	vld [tilespmem:s14+$0x30];
	v19 =	vor.u32 $0x1, v18  }
0x3b5: {  	v23 =	vld [tilespmem:s14+$0xFFFFFFC0]  }
0x3b6: {  	v22 =	vld [tilespmem:s15+$0xFFFFFFD0]  }
0x3b7: {  	v24 =	vld [tilespmem:s14+$0xFFFFFFD0]  }
0x3b8: {  	v18 =	vld.idx.msk [tilespmem:v18+s31+$0x0], $0xffff  }
0x3b9: {  	v19 =	vld.idx.msk [tilespmem:v19+s31+$0x0], $0xffff  }
0x3ba: {  	v25 =	vld [tilespmem:s15+$0xFFFFFFE0]  }
0x3bb: {  	v26 =	vld [tilespmem:s14+$0xFFFFFFE0]  }
0x3bc: {  	v27 =	vld [tilespmem:s15+$0xFFFFFFF0]  }
0x3bd: {  	v28 =	vld [tilespmem:s14+$0xFFFFFFF0]  }
0x3be: {  	v29 =	vld [tilespmem:s15+$0x0];
	v20 =	vmul.f32 v20, v18;
	v21 =	vmul.f32 v21, v19  }
0x3bf: {  	v31 =	vld [tilespmem:s14+$0x0];
	v30 =	vmul.f32 v22, v18;
	v24 =	vmul.f32 v24, v19  }
0x3c0: {  	v25 =	vmul.f32 v25, v18;
	v22 =	vld [tilespmem:s15+$0x10];
	v26 =	vmul.f32 v26, v19;
	v20 =	vadd.f32 v21, v20  }
0x3c1: {  	v30 =	vadd.f32 v24, v30;
	v21 =	vld [tilespmem:s14+$0x10]  }
0x3c2: {  	v27 =	vmul.f32 v27, v18;
	v28 =	vmul.f32 v28, v19;
	v32 =	vadd.f32 v26, v25;
	v24 =	vld [tilespmem:s15+$0x20];
	[tilespmem:s15+$0x30] =	vst v20  }
0x3c3: {  	s17 =	simm.s32 $0x0;
	v25 =	vld [tilespmem:s14+$0x20];
	v26 =	vmul.f32 v29, v18;
	[tilespmem:s15+$0xFFFFFFD0] =	vst v30  }
0x3c4: {  	s18 =	sadd.s32 $0x400, s15;
	s19 =	smov.u32 s14;
	s16 =	smov.u32 s15;
	v27 =	vadd.f32 v28, v27;
	v28 =	vmul.f32 v31, v19;
	v20 =	vmul.f32 v23, v19;
	v23 =	vld [tilespmem:s15+$0xFFFFFFC0];
	[tilespmem:s15+$0xFFFFFFE0] =	vst v32  }
.LBB2_35:
0x3c5: {  	v29 =	vld [tilespmem:s18+$0x30];
	v22 =	vmul.f32 v22, v18;
	s19 =	sadd.s32 $0x400, s19  }
0x3c6: {  	s17 =	sadd.s32 $0x80, s17;
	v30 =	vld [tilespmem:s19+$0x30];
	[tilespmem:s16+$0xFFFFFFF0] =	vst v27;
	v26 =	vadd.f32 v28, v26;
	v21 =	vmul.f32 v21, v19  }
0x3c7: {  	p0 =	slt.u32 s17, $0x780;
	v27 =	vld [tilespmem:s19+$0xFFFFFFC0];
	v24 =	vmul.f32 v24, v18  }
0x3c8: {  	v28 =	vld [tilespmem:s18+$0xFFFFFFD0];
	[tilespmem:s16+$0x0] =	vst v26;
	v21 =	vadd.f32 v21, v22;
	v22 =	vmul.f32 v25, v19  }
0x3c9: {  	v25 =	vld [tilespmem:s19+$0xFFFFFFD0];
	v23 =	vmul.f32 v23, v18  }
0x3ca: {  	v26 =	vld [tilespmem:s18+$0xFFFFFFE0];
	[tilespmem:s16+$0x10] =	vst v21;
	v21 =	vadd.f32 v22, v24  }
0x3cb: {  	v24 =	vmul.f32 v29, v18;
	v22 =	vld [tilespmem:s19+$0xFFFFFFE0];
	v29 =	vmul.f32 v30, v19;
	v23 =	vadd.f32 v20, v23  }
0x3cc: {  	v20 =	vmul.f32 v27, v19;
	v27 =	vld [tilespmem:s18+$0xFFFFFFF0];
	[tilespmem:s16+$0x20] =	vst v21  }
0x3cd: {  	v21 =	vmul.f32 v28, v18;
	v28 =	vld [tilespmem:s19+$0xFFFFFFF0];
	v24 =	vadd.f32 v29, v24;
	[tilespmem:s16+$0xFFFFFFC0] =	vst v23;
	s16 =	smov.u32 s18  }
0x3ce: {  	v23 =	vmul.f32 v25, v19;
	v25 =	vld [tilespmem:s18+$0x0]  }
0x3cf: {  	v26 =	vmul.f32 v26, v18;
	v29 =	vld [tilespmem:s19+$0x0];
	[tilespmem:s18+$0x30] =	vst v24  }
.Ltmp16:
0x3d0: {  	v23 =	vadd.f32 v23, v21;
	v24 =	vmul.f32 v22, v19;
	v22 =	vld [tilespmem:s18+$0x10];
	(pc) =	sbr.rel @p0 .LBB2_35-.Ltmp16, $4  }
0x3d1: {  	v27 =	vmul.f32 v27, v18;
	v21 =	vld [tilespmem:s19+$0x10]  }
0x3d2: {  	[tilespmem:s18+$0xFFFFFFD0] =	vst v23;
	v30 =	vadd.f32 v24, v26;
	v28 =	vmul.f32 v28, v19;
	v24 =	vld [tilespmem:s18+$0x20]  }
0x3d3: {  	v26 =	vmul.f32 v25, v18;
	v25 =	vld [tilespmem:s19+$0x20]  }
0x3d4: {  	s18 =	sadd.s32 $0x400, s18;
	v23 =	vld [tilespmem:s16+$0xFFFFFFC0];
	[tilespmem:s16+$0xFFFFFFE0] =	vst v30;
	v27 =	vadd.f32 v28, v27;
	v28 =	vmul.f32 v29, v19  }
0x3d5: {  	_ =	sdelay $0x1  }
0x3d6: {  	v22 =	vmul.f32 v22, v18;
	s8 =	sadd.s32 $0x1, s8;
	v21 =	vmul.f32 v21, v19  }
0x3d7: {  	v26 =	vadd.f32 v28, v26;
	p0 =	sne.s32 s8, $0x8;
	v24 =	vmul.f32 v24, v18;
	v19 =	vmul.f32 v25, v19  }
.Ltmp17:
0x3d8: {  	[tilespmem:s16+$0xFFFFFFF0] =	vst v27;
	v21 =	vadd.f32 v21, v22;
	v18 =	vmul.f32 v23, v18;
	(pc) =	sbr.rel @p0 .LBB2_34-.Ltmp17, $4  }
0x3d9: {  	[tilespmem:s16+$0x0] =	vst v26;
	v19 =	vadd.f32 v19, v24  }
0x3da: {  	[tilespmem:s16+$0x10] =	vst v21;
	v18 =	vadd.f32 v20, v18  }
0x3db: {  	[tilespmem:s16+$0x20] =	vst v19  }
0x3dc: {  	s14 =	sadd.s32 $0x80, s14;
	s15 =	sadd.s32 $0x80, s15;
	[tilespmem:s16+$0xFFFFFFC0] =	vst v18  }
0x3dd: {  	s8 =	simm.s32 $0x0;
	s14 =	rddreg [dreg:$0xd]  }
0x3de: {  	[hbm4b:s14+s8] =	stream.linear.scatter [tilespmem:s1], [sflag:$0x5], $0x4000, $0x38;
	[tilespmem:$0x10A00] =	vst v63  }
0x3df: {  	_ =	swait.ge [sflag:s25], $0x4000  }
0x3e0: {  	[sflag:s25] =	ssyncset.done $0x0  }
0x3e1: {  	[sflag:s25] =	ssyncadd.s32 $0xFFFFC000  }
0x3e2: {  	_ =	swait.ge [sflag:s26], $0x4000  }
0x3e3: {  	[sflag:s26] =	ssyncset.done $0x0  }
0x3e4: {  	[sflag:s26] =	ssyncadd.s32 $0xFFFFC000  }
0x3e5: {  	_ =	swait.ge [sflag:s12], $0x4000  }
0x3e6: {  	[sflag:s12] =	ssyncset.done $0x0  }
0x3e7: {  	[sflag:s12] =	ssyncadd.s32 $0xFFFFC000  }
0x3e8: {  	v18 =	vld.msk [tilespmem:$0x380], $0xff;
	_ =	sdelay $0x4  }
0x3e9: {  	v19 =	vshll.u32 v18, $0x4  }
0x3ea: {  	v18 =	vand.u32 $0x7, v18;
	v19 =	vand.u32 $0xFFFFFF80, v19  }
0x3eb: {  	v18 =	vor.u32 v18, v19  }
0x3ec: {  	v18 =	vperm.xlane v18, v16;
	_ =	sdelay $0x1  }
0x3ed: {  	v18 =	vadd.s32 v17, v18;
	_ =	sdelay $0x4  }
0x3ee: {  	[tilespmem:s1], [sflag:$0x1] =	stream.indirect_vreg.gather [hbm4b:s3+s8], $0x80, v18, vm0, $0xb8;
	[tilespmem:$0x10A00] =	vst v63  }
0x3ef: {  	s15 =	simm.s32 $0x1200  }
0x3f0: {  	[tilespmem:s15], [sflag:$0x1] =	stream.indirect_vreg.gather [hbm4b:s5+s8], $0x80, v18, vm0, $0xb8;
	[tilespmem:$0x10A00] =	vst v63  }
0x3f1: {  	s16 =	simm.s32 $0x1A00  }
0x3f2: {  	[tilespmem:s16], [sflag:$0x1] =	stream.indirect_vreg.gather [hbm4b:s6+s8], $0x80, v18, vm0, $0xb8;
	[tilespmem:$0x10A00] =	vst v63  }
0x3f3: {  	s17 =	simm.s32 $0x2200  }
0x3f4: {  	[tilespmem:s17], [sflag:$0x1] =	stream.indirect_vreg.gather [hbm4b:s7+s8], $0x80, v18, vm0, $0xb8;
	[tilespmem:$0x10A00] =	vst v63  }
0x3f5: {  	s18 =	simm.s32 $0x2A00  }
0x3f6: {  	[tilespmem:s18], [sflag:$0x1] =	stream.indirect_vreg.gather [hbm4b:s9+s8], $0x80, v18, vm0, $0xb8;
	[tilespmem:$0x10A00] =	vst v63  }
0x3f7: {  	s19 =	simm.s32 $0x3200  }
0x3f8: {  	[tilespmem:s19], [sflag:$0x1] =	stream.indirect_vreg.gather [hbm4b:s10+s8], $0x80, v18, vm0, $0xb8;
	[tilespmem:$0x10A00] =	vst v63  }
0x3f9: {  	s15 =	simm.s32 $0x3A00  }
0x3fa: {  	[tilespmem:s15], [sflag:$0x1] =	stream.indirect_vreg.gather [hbm4b:s11+s8], $0x80, v18, vm0, $0xb8;
	[tilespmem:$0x10A00] =	vst v63  }
0x3fb: {  	s16 =	simm.s32 $0x4200  }
0x3fc: {  	[tilespmem:s16], [sflag:$0x1] =	stream.indirect_vreg.gather [hbm4b:s13+s8], $0x80, v18, vm0, $0xb8;
	[tilespmem:$0x10A00] =	vst v63  }
0x3fd: {  	v18 =	vld.msk [tilespmem:$0x780], $0xff;
	_ =	sdelay $0x4  }
0x3fe: {  	v19 =	vshll.u32 v18, $0x4  }
0x3ff: {  	v18 =	vand.u32 $0x7, v18;
	v19 =	vand.u32 $0xFFFFFF80, v19  }
0x400: {  	v18 =	vor.u32 v18, v19  }
0x401: {  	v18 =	vperm.xlane v18, v16;
	_ =	sdelay $0x1  }
0x402: {  	v18 =	vadd.s32 v17, v18;
	_ =	sdelay $0x3  }
0x403: {  	s17 =	simm.s32 $0x4A00  }
0x404: {  	[tilespmem:s17], [sflag:$0x2] =	stream.indirect_vreg.gather [hbm4b:s3+s8], $0x80, v18, vm0, $0xb8;
	[tilespmem:$0x10A00] =	vst v63  }
0x405: {  	s18 =	simm.s32 $0x5200  }
0x406: {  	[tilespmem:s18], [sflag:$0x2] =	stream.indirect_vreg.gather [hbm4b:s5+s8], $0x80, v18, vm0, $0xb8;
	[tilespmem:$0x10A00] =	vst v63  }
0x407: {  	s19 =	simm.s32 $0x5A00  }
0x408: {  	[tilespmem:s19], [sflag:$0x2] =	stream.indirect_vreg.gather [hbm4b:s6+s8], $0x80, v18, vm0, $0xb8;
	[tilespmem:$0x10A00] =	vst v63  }
0x409: {  	s15 =	simm.s32 $0x6200  }
0x40a: {  	[tilespmem:s15], [sflag:$0x2] =	stream.indirect_vreg.gather [hbm4b:s7+s8], $0x80, v18, vm0, $0xb8;
	[tilespmem:$0x10A00] =	vst v63  }
0x40b: {  	s16 =	simm.s32 $0x6A00  }
0x40c: {  	[tilespmem:s16], [sflag:$0x2] =	stream.indirect_vreg.gather [hbm4b:s9+s8], $0x80, v18, vm0, $0xb8;
	[tilespmem:$0x10A00] =	vst v63  }
0x40d: {  	s17 =	simm.s32 $0x7200  }
0x40e: {  	[tilespmem:s17], [sflag:$0x2] =	stream.indirect_vreg.gather [hbm4b:s10+s8], $0x80, v18, vm0, $0xb8;
	[tilespmem:$0x10A00] =	vst v63  }
0x40f: {  	s18 =	simm.s32 $0x7A00  }
0x410: {  	[tilespmem:s18], [sflag:$0x2] =	stream.indirect_vreg.gather [hbm4b:s11+s8], $0x80, v18, vm0, $0xb8;
	[tilespmem:$0x10A00] =	vst v63  }
0x411: {  	s14 =	simm.s32 $0xCA40;
	s19 =	simm.s32 $0x8200;
	s15 =	simm.s32 $0x8A40  }
0x412: {  	[tilespmem:s19], [sflag:$0x2] =	stream.indirect_vreg.gather [hbm4b:s13+s8], $0x80, v18, vm0, $0xb8;
	[tilespmem:$0x10A00] =	vst v63  }
.LBB2_38:
0x413: {  	s16 =	sshll.u32 s8, $0x1  }
0x414: {  	s16 =	sadd.s32 $0x90, s16  }
0x415: {  	v20 =	vld [tilespmem:s15+$0x30];
	v18 =	vmov s16  }
0x416: {  	v21 =	vld [tilespmem:s14+$0x30];
	v19 =	vor.u32 $0x1, v18  }
0x417: {  	v23 =	vld [tilespmem:s14+$0xFFFFFFC0]  }
0x418: {  	v22 =	vld [tilespmem:s15+$0xFFFFFFD0]  }
0x419: {  	v24 =	vld [tilespmem:s14+$0xFFFFFFD0]  }
0x41a: {  	v18 =	vld.idx.msk [tilespmem:v18+s31+$0x0], $0xffff  }
0x41b: {  	v19 =	vld.idx.msk [tilespmem:v19+s31+$0x0], $0xffff  }
0x41c: {  	v25 =	vld [tilespmem:s15+$0xFFFFFFE0]  }
0x41d: {  	v26 =	vld [tilespmem:s14+$0xFFFFFFE0]  }
0x41e: {  	v27 =	vld [tilespmem:s15+$0xFFFFFFF0]  }
0x41f: {  	v28 =	vld [tilespmem:s14+$0xFFFFFFF0]  }
0x420: {  	v29 =	vld [tilespmem:s15+$0x0];
	v20 =	vmul.f32 v20, v18;
	v21 =	vmul.f32 v21, v19  }
0x421: {  	v31 =	vld [tilespmem:s14+$0x0];
	v30 =	vmul.f32 v22, v18;
	v24 =	vmul.f32 v24, v19  }
0x422: {  	v25 =	vmul.f32 v25, v18;
	v22 =	vld [tilespmem:s15+$0x10];
	v26 =	vmul.f32 v26, v19;
	v20 =	vadd.f32 v21, v20  }
0x423: {  	v30 =	vadd.f32 v24, v30;
	v21 =	vld [tilespmem:s14+$0x10]  }
0x424: {  	v27 =	vmul.f32 v27, v18;
	v28 =	vmul.f32 v28, v19;
	v32 =	vadd.f32 v26, v25;
	v24 =	vld [tilespmem:s15+$0x20];
	[tilespmem:s15+$0x30] =	vst v20  }
0x425: {  	s17 =	simm.s32 $0x0;
	v25 =	vld [tilespmem:s14+$0x20];
	v26 =	vmul.f32 v29, v18;
	[tilespmem:s15+$0xFFFFFFD0] =	vst v30  }
0x426: {  	s18 =	sadd.s32 $0x400, s15;
	s19 =	smov.u32 s14;
	s16 =	smov.u32 s15;
	v27 =	vadd.f32 v28, v27;
	v28 =	vmul.f32 v31, v19;
	v20 =	vmul.f32 v23, v19;
	v23 =	vld [tilespmem:s15+$0xFFFFFFC0];
	[tilespmem:s15+$0xFFFFFFE0] =	vst v32  }
.LBB2_39:
0x427: {  	v29 =	vld [tilespmem:s18+$0x30];
	v22 =	vmul.f32 v22, v18;
	s19 =	sadd.s32 $0x400, s19  }
0x428: {  	s17 =	sadd.s32 $0x80, s17;
	v30 =	vld [tilespmem:s19+$0x30];
	[tilespmem:s16+$0xFFFFFFF0] =	vst v27;
	v26 =	vadd.f32 v28, v26;
	v21 =	vmul.f32 v21, v19  }
0x429: {  	p0 =	slt.u32 s17, $0x780;
	v27 =	vld [tilespmem:s19+$0xFFFFFFC0];
	v24 =	vmul.f32 v24, v18  }
0x42a: {  	v28 =	vld [tilespmem:s18+$0xFFFFFFD0];
	[tilespmem:s16+$0x0] =	vst v26;
	v21 =	vadd.f32 v21, v22;
	v22 =	vmul.f32 v25, v19  }
0x42b: {  	v25 =	vld [tilespmem:s19+$0xFFFFFFD0];
	v23 =	vmul.f32 v23, v18  }
0x42c: {  	v26 =	vld [tilespmem:s18+$0xFFFFFFE0];
	[tilespmem:s16+$0x10] =	vst v21;
	v21 =	vadd.f32 v22, v24  }
0x42d: {  	v24 =	vmul.f32 v29, v18;
	v22 =	vld [tilespmem:s19+$0xFFFFFFE0];
	v29 =	vmul.f32 v30, v19;
	v23 =	vadd.f32 v20, v23  }
0x42e: {  	v20 =	vmul.f32 v27, v19;
	v27 =	vld [tilespmem:s18+$0xFFFFFFF0];
	[tilespmem:s16+$0x20] =	vst v21  }
0x42f: {  	v21 =	vmul.f32 v28, v18;
	v28 =	vld [tilespmem:s19+$0xFFFFFFF0];
	v24 =	vadd.f32 v29, v24;
	[tilespmem:s16+$0xFFFFFFC0] =	vst v23;
	s16 =	smov.u32 s18  }
0x430: {  	v23 =	vmul.f32 v25, v19;
	v25 =	vld [tilespmem:s18+$0x0]  }
0x431: {  	v26 =	vmul.f32 v26, v18;
	v29 =	vld [tilespmem:s19+$0x0];
	[tilespmem:s18+$0x30] =	vst v24  }
.Ltmp18:
0x432: {  	v23 =	vadd.f32 v23, v21;
	v24 =	vmul.f32 v22, v19;
	v22 =	vld [tilespmem:s18+$0x10];
	(pc) =	sbr.rel @p0 .LBB2_39-.Ltmp18, $4  }
0x433: {  	v27 =	vmul.f32 v27, v18;
	v21 =	vld [tilespmem:s19+$0x10]  }
0x434: {  	[tilespmem:s18+$0xFFFFFFD0] =	vst v23;
	v30 =	vadd.f32 v24, v26;
	v28 =	vmul.f32 v28, v19;
	v24 =	vld [tilespmem:s18+$0x20]  }
0x435: {  	v26 =	vmul.f32 v25, v18;
	v25 =	vld [tilespmem:s19+$0x20]  }
0x436: {  	s18 =	sadd.s32 $0x400, s18;
	v23 =	vld [tilespmem:s16+$0xFFFFFFC0];
	[tilespmem:s16+$0xFFFFFFE0] =	vst v30;
	v27 =	vadd.f32 v28, v27;
	v28 =	vmul.f32 v29, v19  }
0x437: {  	_ =	sdelay $0x1  }
0x438: {  	v22 =	vmul.f32 v22, v18;
	s8 =	sadd.s32 $0x1, s8;
	v21 =	vmul.f32 v21, v19  }
0x439: {  	v26 =	vadd.f32 v28, v26;
	p0 =	sne.s32 s8, $0x8;
	v24 =	vmul.f32 v24, v18;
	v19 =	vmul.f32 v25, v19  }
.Ltmp19:
0x43a: {  	[tilespmem:s16+$0xFFFFFFF0] =	vst v27;
	v21 =	vadd.f32 v21, v22;
	v18 =	vmul.f32 v23, v18;
	(pc) =	sbr.rel @p0 .LBB2_38-.Ltmp19, $4  }
0x43b: {  	[tilespmem:s16+$0x0] =	vst v26;
	v19 =	vadd.f32 v19, v24  }
0x43c: {  	[tilespmem:s16+$0x10] =	vst v21;
	v18 =	vadd.f32 v20, v18  }
0x43d: {  	[tilespmem:s16+$0x20] =	vst v19  }
0x43e: {  	s14 =	sadd.s32 $0x80, s14;
	s15 =	sadd.s32 $0x80, s15;
	[tilespmem:s16+$0xFFFFFFC0] =	vst v18  }
0x43f: {  	s8 =	simm.s32 $0x0;
	s14 =	rddreg [dreg:$0xe]  }
0x440: {  	[hbm4b:s14+s8] =	stream.linear.scatter [tilespmem:s30], [sflag:$0x6], $0x4000, $0x38;
	[tilespmem:$0x10A00] =	vst v63  }
0x441: {  	_ =	swait.ge [sflag:s28], $0x4000  }
0x442: {  	[sflag:s28] =	ssyncset.done $0x0  }
0x443: {  	[sflag:s28] =	ssyncadd.s32 $0xFFFFC000  }
0x444: {  	_ =	swait.ge [sflag:s29], $0x4000  }
0x445: {  	[sflag:s29] =	ssyncset.done $0x0  }
0x446: {  	[sflag:s29] =	ssyncadd.s32 $0xFFFFC000  }
0x447: {  	_ =	swait.ge [sflag:s0], $0x4000  }
0x448: {  	[sflag:s0] =	ssyncset.done $0x0  }
0x449: {  	[sflag:s0] =	ssyncadd.s32 $0xFFFFC000  }
0x44a: {  	v18 =	vld.msk [tilespmem:$0x388], $0xff;
	_ =	sdelay $0x4  }
0x44b: {  	v19 =	vshll.u32 v18, $0x4  }
0x44c: {  	v18 =	vand.u32 $0x7, v18;
	v19 =	vand.u32 $0xFFFFFF80, v19  }
0x44d: {  	v18 =	vor.u32 v18, v19  }
0x44e: {  	v18 =	vperm.xlane v18, v16;
	_ =	sdelay $0x1  }
0x44f: {  	v18 =	vadd.s32 v17, v18;
	_ =	sdelay $0x4  }
0x450: {  	[tilespmem:s30], [sflag:$0x3] =	stream.indirect_vreg.gather [hbm4b:s3+s8], $0x80, v18, vm0, $0xb8;
	[tilespmem:$0x10A00] =	vst v63  }
0x451: {  	s15 =	simm.s32 $0x9200  }
0x452: {  	[tilespmem:s15], [sflag:$0x3] =	stream.indirect_vreg.gather [hbm4b:s5+s8], $0x80, v18, vm0, $0xb8;
	[tilespmem:$0x10A00] =	vst v63  }
0x453: {  	s16 =	simm.s32 $0x9A00  }
0x454: {  	[tilespmem:s16], [sflag:$0x3] =	stream.indirect_vreg.gather [hbm4b:s6+s8], $0x80, v18, vm0, $0xb8;
	[tilespmem:$0x10A00] =	vst v63  }
0x455: {  	s17 =	simm.s32 $0xA200  }
0x456: {  	[tilespmem:s17], [sflag:$0x3] =	stream.indirect_vreg.gather [hbm4b:s7+s8], $0x80, v18, vm0, $0xb8;
	[tilespmem:$0x10A00] =	vst v63  }
0x457: {  	s18 =	simm.s32 $0xAA00  }
0x458: {  	[tilespmem:s18], [sflag:$0x3] =	stream.indirect_vreg.gather [hbm4b:s9+s8], $0x80, v18, vm0, $0xb8;
	[tilespmem:$0x10A00] =	vst v63  }
0x459: {  	s19 =	simm.s32 $0xB200  }
0x45a: {  	[tilespmem:s19], [sflag:$0x3] =	stream.indirect_vreg.gather [hbm4b:s10+s8], $0x80, v18, vm0, $0xb8;
	[tilespmem:$0x10A00] =	vst v63  }
0x45b: {  	s15 =	simm.s32 $0xBA00  }
0x45c: {  	[tilespmem:s15], [sflag:$0x3] =	stream.indirect_vreg.gather [hbm4b:s11+s8], $0x80, v18, vm0, $0xb8;
	[tilespmem:$0x10A00] =	vst v63  }
0x45d: {  	s16 =	simm.s32 $0xC200  }
0x45e: {  	[tilespmem:s16], [sflag:$0x3] =	stream.indirect_vreg.gather [hbm4b:s13+s8], $0x80, v18, vm0, $0xb8;
	[tilespmem:$0x10A00] =	vst v63  }
0x45f: {  	v18 =	vld.msk [tilespmem:$0x788], $0xff;
	_ =	sdelay $0x4  }
0x460: {  	v19 =	vshll.u32 v18, $0x4  }
0x461: {  	v18 =	vand.u32 $0x7, v18;
	v19 =	vand.u32 $0xFFFFFF80, v19  }
0x462: {  	v18 =	vor.u32 v18, v19  }
0x463: {  	v18 =	vperm.xlane v18, v16;
	_ =	sdelay $0x1  }
0x464: {  	v18 =	vadd.s32 v17, v18;
	_ =	sdelay $0x3  }
0x465: {  	s17 =	simm.s32 $0xCA00  }
0x466: {  	[tilespmem:s17], [sflag:$0x4] =	stream.indirect_vreg.gather [hbm4b:s3+s8], $0x80, v18, vm0, $0xb8;
	[tilespmem:$0x10A00] =	vst v63  }
0x467: {  	s18 =	simm.s32 $0xD200  }
0x468: {  	[tilespmem:s18], [sflag:$0x4] =	stream.indirect_vreg.gather [hbm4b:s5+s8], $0x80, v18, vm0, $0xb8;
	[tilespmem:$0x10A00] =	vst v63  }
0x469: {  	s19 =	simm.s32 $0xDA00  }
0x46a: {  	[tilespmem:s19], [sflag:$0x4] =	stream.indirect_vreg.gather [hbm4b:s6+s8], $0x80, v18, vm0, $0xb8;
	[tilespmem:$0x10A00] =	vst v63  }
0x46b: {  	_ = 	snop  }
0x46c: {  	[tilespmem:s20], [sflag:$0x4] =	stream.indirect_vreg.gather [hbm4b:s7+s8], $0x80, v18, vm0, $0xb8;
	[tilespmem:$0x10A00] =	vst v63  }
0x46d: {  	_ = 	snop  }
0x46e: {  	[tilespmem:s21], [sflag:$0x4] =	stream.indirect_vreg.gather [hbm4b:s9+s8], $0x80, v18, vm0, $0xb8;
	[tilespmem:$0x10A00] =	vst v63  }
0x46f: {  	_ = 	snop  }
0x470: {  	[tilespmem:s22], [sflag:$0x4] =	stream.indirect_vreg.gather [hbm4b:s10+s8], $0x80, v18, vm0, $0xb8;
	[tilespmem:$0x10A00] =	vst v63  }
0x471: {  	_ = 	snop  }
0x472: {  	[tilespmem:s23], [sflag:$0x4] =	stream.indirect_vreg.gather [hbm4b:s11+s8], $0x80, v18, vm0, $0xb8;
	[tilespmem:$0x10A00] =	vst v63  }
0x473: {  	s14 =	simm.s32 $0x4A40;
	s15 =	simm.s32 $0xA40  }
0x474: {  	[tilespmem:s24], [sflag:$0x4] =	stream.indirect_vreg.gather [hbm4b:s13+s8], $0x80, v18, vm0, $0xb8;
	[tilespmem:$0x10A00] =	vst v63  }
.LBB2_42:
0x475: {  	s16 =	sshll.u32 s8, $0x1  }
0x476: {  	s16 =	sadd.s32 $0xA0, s16  }
0x477: {  	v20 =	vld [tilespmem:s15+$0x30];
	v18 =	vmov s16  }
0x478: {  	v21 =	vld [tilespmem:s14+$0x30];
	v19 =	vor.u32 $0x1, v18  }
0x479: {  	v23 =	vld [tilespmem:s14+$0xFFFFFFC0]  }
0x47a: {  	v22 =	vld [tilespmem:s15+$0xFFFFFFD0]  }
0x47b: {  	v24 =	vld [tilespmem:s14+$0xFFFFFFD0]  }
0x47c: {  	v18 =	vld.idx.msk [tilespmem:v18+s31+$0x0], $0xffff  }
0x47d: {  	v19 =	vld.idx.msk [tilespmem:v19+s31+$0x0], $0xffff  }
0x47e: {  	v25 =	vld [tilespmem:s15+$0xFFFFFFE0]  }
0x47f: {  	v26 =	vld [tilespmem:s14+$0xFFFFFFE0]  }
0x480: {  	v27 =	vld [tilespmem:s15+$0xFFFFFFF0]  }
0x481: {  	v28 =	vld [tilespmem:s14+$0xFFFFFFF0]  }
0x482: {  	v29 =	vld [tilespmem:s15+$0x0];
	v20 =	vmul.f32 v20, v18;
	v21 =	vmul.f32 v21, v19  }
0x483: {  	v31 =	vld [tilespmem:s14+$0x0];
	v30 =	vmul.f32 v22, v18;
	v24 =	vmul.f32 v24, v19  }
0x484: {  	v25 =	vmul.f32 v25, v18;
	v22 =	vld [tilespmem:s15+$0x10];
	v26 =	vmul.f32 v26, v19;
	v20 =	vadd.f32 v21, v20  }
0x485: {  	v30 =	vadd.f32 v24, v30;
	v21 =	vld [tilespmem:s14+$0x10]  }
0x486: {  	v27 =	vmul.f32 v27, v18;
	v28 =	vmul.f32 v28, v19;
	v32 =	vadd.f32 v26, v25;
	v24 =	vld [tilespmem:s15+$0x20];
	[tilespmem:s15+$0x30] =	vst v20  }
0x487: {  	s17 =	simm.s32 $0x0;
	v25 =	vld [tilespmem:s14+$0x20];
	v26 =	vmul.f32 v29, v18;
	[tilespmem:s15+$0xFFFFFFD0] =	vst v30  }
0x488: {  	s18 =	sadd.s32 $0x400, s15;
	s19 =	smov.u32 s14;
	s16 =	smov.u32 s15;
	v27 =	vadd.f32 v28, v27;
	v28 =	vmul.f32 v31, v19;
	v20 =	vmul.f32 v23, v19;
	v23 =	vld [tilespmem:s15+$0xFFFFFFC0];
	[tilespmem:s15+$0xFFFFFFE0] =	vst v32  }
.LBB2_43:
0x489: {  	v29 =	vld [tilespmem:s18+$0x30];
	v22 =	vmul.f32 v22, v18;
	s19 =	sadd.s32 $0x400, s19  }
0x48a: {  	s17 =	sadd.s32 $0x80, s17;
	v30 =	vld [tilespmem:s19+$0x30];
	[tilespmem:s16+$0xFFFFFFF0] =	vst v27;
	v26 =	vadd.f32 v28, v26;
	v21 =	vmul.f32 v21, v19  }
0x48b: {  	p0 =	slt.u32 s17, $0x780;
	v27 =	vld [tilespmem:s19+$0xFFFFFFC0];
	v24 =	vmul.f32 v24, v18  }
0x48c: {  	v28 =	vld [tilespmem:s18+$0xFFFFFFD0];
	[tilespmem:s16+$0x0] =	vst v26;
	v21 =	vadd.f32 v21, v22;
	v22 =	vmul.f32 v25, v19  }
0x48d: {  	v25 =	vld [tilespmem:s19+$0xFFFFFFD0];
	v23 =	vmul.f32 v23, v18  }
0x48e: {  	v26 =	vld [tilespmem:s18+$0xFFFFFFE0];
	[tilespmem:s16+$0x10] =	vst v21;
	v21 =	vadd.f32 v22, v24  }
0x48f: {  	v24 =	vmul.f32 v29, v18;
	v22 =	vld [tilespmem:s19+$0xFFFFFFE0];
	v29 =	vmul.f32 v30, v19;
	v23 =	vadd.f32 v20, v23  }
0x490: {  	v20 =	vmul.f32 v27, v19;
	v27 =	vld [tilespmem:s18+$0xFFFFFFF0];
	[tilespmem:s16+$0x20] =	vst v21  }
0x491: {  	v21 =	vmul.f32 v28, v18;
	v28 =	vld [tilespmem:s19+$0xFFFFFFF0];
	v24 =	vadd.f32 v29, v24;
	[tilespmem:s16+$0xFFFFFFC0] =	vst v23;
	s16 =	smov.u32 s18  }
0x492: {  	v23 =	vmul.f32 v25, v19;
	v25 =	vld [tilespmem:s18+$0x0]  }
0x493: {  	v26 =	vmul.f32 v26, v18;
	v29 =	vld [tilespmem:s19+$0x0];
	[tilespmem:s18+$0x30] =	vst v24  }
.Ltmp20:
0x494: {  	v23 =	vadd.f32 v23, v21;
	v24 =	vmul.f32 v22, v19;
	v22 =	vld [tilespmem:s18+$0x10];
	(pc) =	sbr.rel @p0 .LBB2_43-.Ltmp20, $4  }
0x495: {  	v27 =	vmul.f32 v27, v18;
	v21 =	vld [tilespmem:s19+$0x10]  }
0x496: {  	[tilespmem:s18+$0xFFFFFFD0] =	vst v23;
	v30 =	vadd.f32 v24, v26;
	v28 =	vmul.f32 v28, v19;
	v24 =	vld [tilespmem:s18+$0x20]  }
0x497: {  	v26 =	vmul.f32 v25, v18;
	v25 =	vld [tilespmem:s19+$0x20]  }
0x498: {  	s18 =	sadd.s32 $0x400, s18;
	v23 =	vld [tilespmem:s16+$0xFFFFFFC0];
	[tilespmem:s16+$0xFFFFFFE0] =	vst v30;
	v27 =	vadd.f32 v28, v27;
	v28 =	vmul.f32 v29, v19  }
0x499: {  	_ =	sdelay $0x1  }
0x49a: {  	v22 =	vmul.f32 v22, v18;
	s8 =	sadd.s32 $0x1, s8;
	v21 =	vmul.f32 v21, v19  }
0x49b: {  	v26 =	vadd.f32 v28, v26;
	p0 =	sne.s32 s8, $0x8;
	v24 =	vmul.f32 v24, v18;
	v19 =	vmul.f32 v25, v19  }
.Ltmp21:
0x49c: {  	[tilespmem:s16+$0xFFFFFFF0] =	vst v27;
	v21 =	vadd.f32 v21, v22;
	v18 =	vmul.f32 v23, v18;
	(pc) =	sbr.rel @p0 .LBB2_42-.Ltmp21, $4  }
0x49d: {  	[tilespmem:s16+$0x0] =	vst v26;
	v19 =	vadd.f32 v19, v24  }
0x49e: {  	[tilespmem:s16+$0x10] =	vst v21;
	v18 =	vadd.f32 v20, v18  }
0x49f: {  	[tilespmem:s16+$0x20] =	vst v19  }
0x4a0: {  	s14 =	sadd.s32 $0x80, s14;
	s15 =	sadd.s32 $0x80, s15;
	[tilespmem:s16+$0xFFFFFFC0] =	vst v18  }
0x4a1: {  	s8 =	simm.s32 $0x0;
	s14 =	rddreg [dreg:$0xf]  }
0x4a2: {  	[hbm4b:s14+s8] =	stream.linear.scatter [tilespmem:s1], [sflag:$0x5], $0x4000, $0x38;
	[tilespmem:$0x10A00] =	vst v63  }
0x4a3: {  	_ =	swait.ge [sflag:s25], $0x4000  }
0x4a4: {  	[sflag:s25] =	ssyncset.done $0x0  }
0x4a5: {  	[sflag:s25] =	ssyncadd.s32 $0xFFFFC000  }
0x4a6: {  	_ =	swait.ge [sflag:s26], $0x4000  }
0x4a7: {  	[sflag:s26] =	ssyncset.done $0x0  }
0x4a8: {  	[sflag:s26] =	ssyncadd.s32 $0xFFFFC000  }
0x4a9: {  	_ =	swait.ge [sflag:s12], $0x4000  }
0x4aa: {  	[sflag:s12] =	ssyncset.done $0x0  }
0x4ab: {  	[sflag:s12] =	ssyncadd.s32 $0xFFFFC000  }
0x4ac: {  	v18 =	vld.msk [tilespmem:$0x400], $0xff;
	_ =	sdelay $0x4  }
0x4ad: {  	v19 =	vshll.u32 v18, $0x4  }
0x4ae: {  	v18 =	vand.u32 $0x7, v18;
	v19 =	vand.u32 $0xFFFFFF80, v19  }
0x4af: {  	v18 =	vor.u32 v18, v19  }
0x4b0: {  	v18 =	vperm.xlane v18, v16;
	_ =	sdelay $0x1  }
0x4b1: {  	v18 =	vadd.s32 v17, v18;
	_ =	sdelay $0x4  }
0x4b2: {  	[tilespmem:s1], [sflag:$0x1] =	stream.indirect_vreg.gather [hbm4b:s3+s8], $0x80, v18, vm0, $0xb8;
	[tilespmem:$0x10A00] =	vst v63  }
0x4b3: {  	s15 =	simm.s32 $0x1200  }
0x4b4: {  	[tilespmem:s15], [sflag:$0x1] =	stream.indirect_vreg.gather [hbm4b:s5+s8], $0x80, v18, vm0, $0xb8;
	[tilespmem:$0x10A00] =	vst v63  }
0x4b5: {  	s16 =	simm.s32 $0x1A00  }
0x4b6: {  	[tilespmem:s16], [sflag:$0x1] =	stream.indirect_vreg.gather [hbm4b:s6+s8], $0x80, v18, vm0, $0xb8;
	[tilespmem:$0x10A00] =	vst v63  }
0x4b7: {  	s17 =	simm.s32 $0x2200  }
0x4b8: {  	[tilespmem:s17], [sflag:$0x1] =	stream.indirect_vreg.gather [hbm4b:s7+s8], $0x80, v18, vm0, $0xb8;
	[tilespmem:$0x10A00] =	vst v63  }
0x4b9: {  	s18 =	simm.s32 $0x2A00  }
0x4ba: {  	[tilespmem:s18], [sflag:$0x1] =	stream.indirect_vreg.gather [hbm4b:s9+s8], $0x80, v18, vm0, $0xb8;
	[tilespmem:$0x10A00] =	vst v63  }
0x4bb: {  	s19 =	simm.s32 $0x3200  }
0x4bc: {  	[tilespmem:s19], [sflag:$0x1] =	stream.indirect_vreg.gather [hbm4b:s10+s8], $0x80, v18, vm0, $0xb8;
	[tilespmem:$0x10A00] =	vst v63  }
0x4bd: {  	s15 =	simm.s32 $0x3A00  }
0x4be: {  	[tilespmem:s15], [sflag:$0x1] =	stream.indirect_vreg.gather [hbm4b:s11+s8], $0x80, v18, vm0, $0xb8;
	[tilespmem:$0x10A00] =	vst v63  }
0x4bf: {  	s16 =	simm.s32 $0x4200  }
0x4c0: {  	[tilespmem:s16], [sflag:$0x1] =	stream.indirect_vreg.gather [hbm4b:s13+s8], $0x80, v18, vm0, $0xb8;
	[tilespmem:$0x10A00] =	vst v63  }
0x4c1: {  	v18 =	vld.msk [tilespmem:$0x800], $0xff;
	_ =	sdelay $0x4  }
0x4c2: {  	v19 =	vshll.u32 v18, $0x4  }
0x4c3: {  	v18 =	vand.u32 $0x7, v18;
	v19 =	vand.u32 $0xFFFFFF80, v19  }
0x4c4: {  	v18 =	vor.u32 v18, v19  }
0x4c5: {  	v18 =	vperm.xlane v18, v16;
	_ =	sdelay $0x1  }
0x4c6: {  	v18 =	vadd.s32 v17, v18;
	_ =	sdelay $0x3  }
0x4c7: {  	s17 =	simm.s32 $0x4A00  }
0x4c8: {  	[tilespmem:s17], [sflag:$0x2] =	stream.indirect_vreg.gather [hbm4b:s3+s8], $0x80, v18, vm0, $0xb8;
	[tilespmem:$0x10A00] =	vst v63  }
0x4c9: {  	s18 =	simm.s32 $0x5200  }
0x4ca: {  	[tilespmem:s18], [sflag:$0x2] =	stream.indirect_vreg.gather [hbm4b:s5+s8], $0x80, v18, vm0, $0xb8;
	[tilespmem:$0x10A00] =	vst v63  }
0x4cb: {  	s19 =	simm.s32 $0x5A00  }
0x4cc: {  	[tilespmem:s19], [sflag:$0x2] =	stream.indirect_vreg.gather [hbm4b:s6+s8], $0x80, v18, vm0, $0xb8;
	[tilespmem:$0x10A00] =	vst v63  }
0x4cd: {  	s15 =	simm.s32 $0x6200  }
0x4ce: {  	[tilespmem:s15], [sflag:$0x2] =	stream.indirect_vreg.gather [hbm4b:s7+s8], $0x80, v18, vm0, $0xb8;
	[tilespmem:$0x10A00] =	vst v63  }
0x4cf: {  	s16 =	simm.s32 $0x6A00  }
0x4d0: {  	[tilespmem:s16], [sflag:$0x2] =	stream.indirect_vreg.gather [hbm4b:s9+s8], $0x80, v18, vm0, $0xb8;
	[tilespmem:$0x10A00] =	vst v63  }
0x4d1: {  	s17 =	simm.s32 $0x7200  }
0x4d2: {  	[tilespmem:s17], [sflag:$0x2] =	stream.indirect_vreg.gather [hbm4b:s10+s8], $0x80, v18, vm0, $0xb8;
	[tilespmem:$0x10A00] =	vst v63  }
0x4d3: {  	s18 =	simm.s32 $0x7A00  }
0x4d4: {  	[tilespmem:s18], [sflag:$0x2] =	stream.indirect_vreg.gather [hbm4b:s11+s8], $0x80, v18, vm0, $0xb8;
	[tilespmem:$0x10A00] =	vst v63  }
0x4d5: {  	s14 =	simm.s32 $0xCA40;
	s19 =	simm.s32 $0x8200;
	s15 =	simm.s32 $0x8A40  }
0x4d6: {  	[tilespmem:s19], [sflag:$0x2] =	stream.indirect_vreg.gather [hbm4b:s13+s8], $0x80, v18, vm0, $0xb8;
	[tilespmem:$0x10A00] =	vst v63  }
.LBB2_46:
0x4d7: {  	s16 =	sshll.u32 s8, $0x1  }
0x4d8: {  	s16 =	sadd.s32 $0xB0, s16  }
0x4d9: {  	v20 =	vld [tilespmem:s15+$0x30];
	v18 =	vmov s16  }
0x4da: {  	v21 =	vld [tilespmem:s14+$0x30];
	v19 =	vor.u32 $0x1, v18  }
0x4db: {  	v23 =	vld [tilespmem:s14+$0xFFFFFFC0]  }
0x4dc: {  	v22 =	vld [tilespmem:s15+$0xFFFFFFD0]  }
0x4dd: {  	v24 =	vld [tilespmem:s14+$0xFFFFFFD0]  }
0x4de: {  	v18 =	vld.idx.msk [tilespmem:v18+s31+$0x0], $0xffff  }
0x4df: {  	v19 =	vld.idx.msk [tilespmem:v19+s31+$0x0], $0xffff  }
0x4e0: {  	v25 =	vld [tilespmem:s15+$0xFFFFFFE0]  }
0x4e1: {  	v26 =	vld [tilespmem:s14+$0xFFFFFFE0]  }
0x4e2: {  	v27 =	vld [tilespmem:s15+$0xFFFFFFF0]  }
0x4e3: {  	v28 =	vld [tilespmem:s14+$0xFFFFFFF0]  }
0x4e4: {  	v29 =	vld [tilespmem:s15+$0x0];
	v20 =	vmul.f32 v20, v18;
	v21 =	vmul.f32 v21, v19  }
0x4e5: {  	v31 =	vld [tilespmem:s14+$0x0];
	v30 =	vmul.f32 v22, v18;
	v24 =	vmul.f32 v24, v19  }
0x4e6: {  	v25 =	vmul.f32 v25, v18;
	v22 =	vld [tilespmem:s15+$0x10];
	v26 =	vmul.f32 v26, v19;
	v20 =	vadd.f32 v21, v20  }
0x4e7: {  	v30 =	vadd.f32 v24, v30;
	v21 =	vld [tilespmem:s14+$0x10]  }
0x4e8: {  	v27 =	vmul.f32 v27, v18;
	v28 =	vmul.f32 v28, v19;
	v32 =	vadd.f32 v26, v25;
	v24 =	vld [tilespmem:s15+$0x20];
	[tilespmem:s15+$0x30] =	vst v20  }
0x4e9: {  	s17 =	simm.s32 $0x0;
	v25 =	vld [tilespmem:s14+$0x20];
	v26 =	vmul.f32 v29, v18;
	[tilespmem:s15+$0xFFFFFFD0] =	vst v30  }
0x4ea: {  	s18 =	sadd.s32 $0x400, s15;
	s19 =	smov.u32 s14;
	s16 =	smov.u32 s15;
	v27 =	vadd.f32 v28, v27;
	v28 =	vmul.f32 v31, v19;
	v20 =	vmul.f32 v23, v19;
	v23 =	vld [tilespmem:s15+$0xFFFFFFC0];
	[tilespmem:s15+$0xFFFFFFE0] =	vst v32  }
.LBB2_47:
0x4eb: {  	v29 =	vld [tilespmem:s18+$0x30];
	v22 =	vmul.f32 v22, v18;
	s19 =	sadd.s32 $0x400, s19  }
0x4ec: {  	s17 =	sadd.s32 $0x80, s17;
	v30 =	vld [tilespmem:s19+$0x30];
	[tilespmem:s16+$0xFFFFFFF0] =	vst v27;
	v26 =	vadd.f32 v28, v26;
	v21 =	vmul.f32 v21, v19  }
0x4ed: {  	p0 =	slt.u32 s17, $0x780;
	v27 =	vld [tilespmem:s19+$0xFFFFFFC0];
	v24 =	vmul.f32 v24, v18  }
0x4ee: {  	v28 =	vld [tilespmem:s18+$0xFFFFFFD0];
	[tilespmem:s16+$0x0] =	vst v26;
	v21 =	vadd.f32 v21, v22;
	v22 =	vmul.f32 v25, v19  }
0x4ef: {  	v25 =	vld [tilespmem:s19+$0xFFFFFFD0];
	v23 =	vmul.f32 v23, v18  }
0x4f0: {  	v26 =	vld [tilespmem:s18+$0xFFFFFFE0];
	[tilespmem:s16+$0x10] =	vst v21;
	v21 =	vadd.f32 v22, v24  }
0x4f1: {  	v24 =	vmul.f32 v29, v18;
	v22 =	vld [tilespmem:s19+$0xFFFFFFE0];
	v29 =	vmul.f32 v30, v19;
	v23 =	vadd.f32 v20, v23  }
0x4f2: {  	v20 =	vmul.f32 v27, v19;
	v27 =	vld [tilespmem:s18+$0xFFFFFFF0];
	[tilespmem:s16+$0x20] =	vst v21  }
0x4f3: {  	v21 =	vmul.f32 v28, v18;
	v28 =	vld [tilespmem:s19+$0xFFFFFFF0];
	v24 =	vadd.f32 v29, v24;
	[tilespmem:s16+$0xFFFFFFC0] =	vst v23;
	s16 =	smov.u32 s18  }
0x4f4: {  	v23 =	vmul.f32 v25, v19;
	v25 =	vld [tilespmem:s18+$0x0]  }
0x4f5: {  	v26 =	vmul.f32 v26, v18;
	v29 =	vld [tilespmem:s19+$0x0];
	[tilespmem:s18+$0x30] =	vst v24  }
.Ltmp22:
0x4f6: {  	v23 =	vadd.f32 v23, v21;
	v24 =	vmul.f32 v22, v19;
	v22 =	vld [tilespmem:s18+$0x10];
	(pc) =	sbr.rel @p0 .LBB2_47-.Ltmp22, $4  }
0x4f7: {  	v27 =	vmul.f32 v27, v18;
	v21 =	vld [tilespmem:s19+$0x10]  }
0x4f8: {  	[tilespmem:s18+$0xFFFFFFD0] =	vst v23;
	v30 =	vadd.f32 v24, v26;
	v28 =	vmul.f32 v28, v19;
	v24 =	vld [tilespmem:s18+$0x20]  }
0x4f9: {  	v26 =	vmul.f32 v25, v18;
	v25 =	vld [tilespmem:s19+$0x20]  }
0x4fa: {  	s18 =	sadd.s32 $0x400, s18;
	v23 =	vld [tilespmem:s16+$0xFFFFFFC0];
	[tilespmem:s16+$0xFFFFFFE0] =	vst v30;
	v27 =	vadd.f32 v28, v27;
	v28 =	vmul.f32 v29, v19  }
0x4fb: {  	_ =	sdelay $0x1  }
0x4fc: {  	v22 =	vmul.f32 v22, v18;
	s8 =	sadd.s32 $0x1, s8;
	v21 =	vmul.f32 v21, v19  }
0x4fd: {  	v26 =	vadd.f32 v28, v26;
	p0 =	sne.s32 s8, $0x8;
	v24 =	vmul.f32 v24, v18;
	v19 =	vmul.f32 v25, v19  }
.Ltmp23:
0x4fe: {  	[tilespmem:s16+$0xFFFFFFF0] =	vst v27;
	v21 =	vadd.f32 v21, v22;
	v18 =	vmul.f32 v23, v18;
	(pc) =	sbr.rel @p0 .LBB2_46-.Ltmp23, $4  }
0x4ff: {  	[tilespmem:s16+$0x0] =	vst v26;
	v19 =	vadd.f32 v19, v24  }
0x500: {  	[tilespmem:s16+$0x10] =	vst v21;
	v18 =	vadd.f32 v20, v18  }
0x501: {  	[tilespmem:s16+$0x20] =	vst v19  }
0x502: {  	s14 =	sadd.s32 $0x80, s14;
	s15 =	sadd.s32 $0x80, s15;
	[tilespmem:s16+$0xFFFFFFC0] =	vst v18  }
0x503: {  	s8 =	simm.s32 $0x0;
	s14 =	rddreg [dreg:$0x10]  }
0x504: {  	[hbm4b:s14+s8] =	stream.linear.scatter [tilespmem:s30], [sflag:$0x6], $0x4000, $0x38;
	[tilespmem:$0x10A00] =	vst v63  }
0x505: {  	_ =	swait.ge [sflag:s28], $0x4000  }
0x506: {  	[sflag:s28] =	ssyncset.done $0x0  }
0x507: {  	[sflag:s28] =	ssyncadd.s32 $0xFFFFC000  }
0x508: {  	_ =	swait.ge [sflag:s29], $0x4000  }
0x509: {  	[sflag:s29] =	ssyncset.done $0x0  }
0x50a: {  	[sflag:s29] =	ssyncadd.s32 $0xFFFFC000  }
0x50b: {  	_ =	swait.ge [sflag:s0], $0x4000  }
0x50c: {  	[sflag:s0] =	ssyncset.done $0x0  }
0x50d: {  	[sflag:s0] =	ssyncadd.s32 $0xFFFFC000  }
0x50e: {  	v18 =	vld.msk [tilespmem:$0x408], $0xff;
	_ =	sdelay $0x4  }
0x50f: {  	v19 =	vshll.u32 v18, $0x4  }
0x510: {  	v18 =	vand.u32 $0x7, v18;
	v19 =	vand.u32 $0xFFFFFF80, v19  }
0x511: {  	v18 =	vor.u32 v18, v19  }
0x512: {  	v18 =	vperm.xlane v18, v16;
	_ =	sdelay $0x1  }
0x513: {  	v18 =	vadd.s32 v17, v18;
	_ =	sdelay $0x4  }
0x514: {  	[tilespmem:s30], [sflag:$0x3] =	stream.indirect_vreg.gather [hbm4b:s3+s8], $0x80, v18, vm0, $0xb8;
	[tilespmem:$0x10A00] =	vst v63  }
0x515: {  	s15 =	simm.s32 $0x9200  }
0x516: {  	[tilespmem:s15], [sflag:$0x3] =	stream.indirect_vreg.gather [hbm4b:s5+s8], $0x80, v18, vm0, $0xb8;
	[tilespmem:$0x10A00] =	vst v63  }
0x517: {  	s16 =	simm.s32 $0x9A00  }
0x518: {  	[tilespmem:s16], [sflag:$0x3] =	stream.indirect_vreg.gather [hbm4b:s6+s8], $0x80, v18, vm0, $0xb8;
	[tilespmem:$0x10A00] =	vst v63  }
0x519: {  	s17 =	simm.s32 $0xA200  }
0x51a: {  	[tilespmem:s17], [sflag:$0x3] =	stream.indirect_vreg.gather [hbm4b:s7+s8], $0x80, v18, vm0, $0xb8;
	[tilespmem:$0x10A00] =	vst v63  }
0x51b: {  	s18 =	simm.s32 $0xAA00  }
0x51c: {  	[tilespmem:s18], [sflag:$0x3] =	stream.indirect_vreg.gather [hbm4b:s9+s8], $0x80, v18, vm0, $0xb8;
	[tilespmem:$0x10A00] =	vst v63  }
0x51d: {  	s19 =	simm.s32 $0xB200  }
0x51e: {  	[tilespmem:s19], [sflag:$0x3] =	stream.indirect_vreg.gather [hbm4b:s10+s8], $0x80, v18, vm0, $0xb8;
	[tilespmem:$0x10A00] =	vst v63  }
0x51f: {  	s15 =	simm.s32 $0xBA00  }
0x520: {  	[tilespmem:s15], [sflag:$0x3] =	stream.indirect_vreg.gather [hbm4b:s11+s8], $0x80, v18, vm0, $0xb8;
	[tilespmem:$0x10A00] =	vst v63  }
0x521: {  	s16 =	simm.s32 $0xC200  }
0x522: {  	[tilespmem:s16], [sflag:$0x3] =	stream.indirect_vreg.gather [hbm4b:s13+s8], $0x80, v18, vm0, $0xb8;
	[tilespmem:$0x10A00] =	vst v63  }
0x523: {  	v18 =	vld.msk [tilespmem:$0x808], $0xff;
	_ =	sdelay $0x4  }
0x524: {  	v19 =	vshll.u32 v18, $0x4  }
0x525: {  	v18 =	vand.u32 $0x7, v18;
	v19 =	vand.u32 $0xFFFFFF80, v19  }
0x526: {  	v18 =	vor.u32 v18, v19  }
0x527: {  	v18 =	vperm.xlane v18, v16;
	_ =	sdelay $0x1  }
0x528: {  	v18 =	vadd.s32 v17, v18;
	_ =	sdelay $0x3  }
0x529: {  	s17 =	simm.s32 $0xCA00  }
0x52a: {  	[tilespmem:s17], [sflag:$0x4] =	stream.indirect_vreg.gather [hbm4b:s3+s8], $0x80, v18, vm0, $0xb8;
	[tilespmem:$0x10A00] =	vst v63  }
0x52b: {  	s18 =	simm.s32 $0xD200  }
0x52c: {  	[tilespmem:s18], [sflag:$0x4] =	stream.indirect_vreg.gather [hbm4b:s5+s8], $0x80, v18, vm0, $0xb8;
	[tilespmem:$0x10A00] =	vst v63  }
0x52d: {  	s19 =	simm.s32 $0xDA00  }
0x52e: {  	[tilespmem:s19], [sflag:$0x4] =	stream.indirect_vreg.gather [hbm4b:s6+s8], $0x80, v18, vm0, $0xb8;
	[tilespmem:$0x10A00] =	vst v63  }
0x52f: {  	_ = 	snop  }
0x530: {  	[tilespmem:s20], [sflag:$0x4] =	stream.indirect_vreg.gather [hbm4b:s7+s8], $0x80, v18, vm0, $0xb8;
	[tilespmem:$0x10A00] =	vst v63  }
0x531: {  	_ = 	snop  }
0x532: {  	[tilespmem:s21], [sflag:$0x4] =	stream.indirect_vreg.gather [hbm4b:s9+s8], $0x80, v18, vm0, $0xb8;
	[tilespmem:$0x10A00] =	vst v63  }
0x533: {  	_ = 	snop  }
0x534: {  	[tilespmem:s22], [sflag:$0x4] =	stream.indirect_vreg.gather [hbm4b:s10+s8], $0x80, v18, vm0, $0xb8;
	[tilespmem:$0x10A00] =	vst v63  }
0x535: {  	_ = 	snop  }
0x536: {  	[tilespmem:s23], [sflag:$0x4] =	stream.indirect_vreg.gather [hbm4b:s11+s8], $0x80, v18, vm0, $0xb8;
	[tilespmem:$0x10A00] =	vst v63  }
0x537: {  	s14 =	simm.s32 $0x4A40;
	s15 =	simm.s32 $0xA40  }
0x538: {  	[tilespmem:s24], [sflag:$0x4] =	stream.indirect_vreg.gather [hbm4b:s13+s8], $0x80, v18, vm0, $0xb8;
	[tilespmem:$0x10A00] =	vst v63  }
.LBB2_50:
0x539: {  	s16 =	sshll.u32 s8, $0x1  }
0x53a: {  	s16 =	sadd.s32 $0xC0, s16  }
0x53b: {  	v20 =	vld [tilespmem:s15+$0x30];
	v18 =	vmov s16  }
0x53c: {  	v21 =	vld [tilespmem:s14+$0x30];
	v19 =	vor.u32 $0x1, v18  }
0x53d: {  	v23 =	vld [tilespmem:s14+$0xFFFFFFC0]  }
0x53e: {  	v22 =	vld [tilespmem:s15+$0xFFFFFFD0]  }
0x53f: {  	v24 =	vld [tilespmem:s14+$0xFFFFFFD0]  }
0x540: {  	v18 =	vld.idx.msk [tilespmem:v18+s31+$0x0], $0xffff  }
0x541: {  	v19 =	vld.idx.msk [tilespmem:v19+s31+$0x0], $0xffff  }
0x542: {  	v25 =	vld [tilespmem:s15+$0xFFFFFFE0]  }
0x543: {  	v26 =	vld [tilespmem:s14+$0xFFFFFFE0]  }
0x544: {  	v27 =	vld [tilespmem:s15+$0xFFFFFFF0]  }
0x545: {  	v28 =	vld [tilespmem:s14+$0xFFFFFFF0]  }
0x546: {  	v29 =	vld [tilespmem:s15+$0x0];
	v20 =	vmul.f32 v20, v18;
	v21 =	vmul.f32 v21, v19  }
0x547: {  	v31 =	vld [tilespmem:s14+$0x0];
	v30 =	vmul.f32 v22, v18;
	v24 =	vmul.f32 v24, v19  }
0x548: {  	v25 =	vmul.f32 v25, v18;
	v22 =	vld [tilespmem:s15+$0x10];
	v26 =	vmul.f32 v26, v19;
	v20 =	vadd.f32 v21, v20  }
0x549: {  	v30 =	vadd.f32 v24, v30;
	v21 =	vld [tilespmem:s14+$0x10]  }
0x54a: {  	v27 =	vmul.f32 v27, v18;
	v28 =	vmul.f32 v28, v19;
	v32 =	vadd.f32 v26, v25;
	v24 =	vld [tilespmem:s15+$0x20];
	[tilespmem:s15+$0x30] =	vst v20  }
0x54b: {  	s17 =	simm.s32 $0x0;
	v25 =	vld [tilespmem:s14+$0x20];
	v26 =	vmul.f32 v29, v18;
	[tilespmem:s15+$0xFFFFFFD0] =	vst v30  }
0x54c: {  	s18 =	sadd.s32 $0x400, s15;
	s19 =	smov.u32 s14;
	s16 =	smov.u32 s15;
	v27 =	vadd.f32 v28, v27;
	v28 =	vmul.f32 v31, v19;
	v20 =	vmul.f32 v23, v19;
	v23 =	vld [tilespmem:s15+$0xFFFFFFC0];
	[tilespmem:s15+$0xFFFFFFE0] =	vst v32  }
.LBB2_51:
0x54d: {  	v29 =	vld [tilespmem:s18+$0x30];
	v22 =	vmul.f32 v22, v18;
	s19 =	sadd.s32 $0x400, s19  }
0x54e: {  	s17 =	sadd.s32 $0x80, s17;
	v30 =	vld [tilespmem:s19+$0x30];
	[tilespmem:s16+$0xFFFFFFF0] =	vst v27;
	v26 =	vadd.f32 v28, v26;
	v21 =	vmul.f32 v21, v19  }
0x54f: {  	p0 =	slt.u32 s17, $0x780;
	v27 =	vld [tilespmem:s19+$0xFFFFFFC0];
	v24 =	vmul.f32 v24, v18  }
0x550: {  	v28 =	vld [tilespmem:s18+$0xFFFFFFD0];
	[tilespmem:s16+$0x0] =	vst v26;
	v21 =	vadd.f32 v21, v22;
	v22 =	vmul.f32 v25, v19  }
0x551: {  	v25 =	vld [tilespmem:s19+$0xFFFFFFD0];
	v23 =	vmul.f32 v23, v18  }
0x552: {  	v26 =	vld [tilespmem:s18+$0xFFFFFFE0];
	[tilespmem:s16+$0x10] =	vst v21;
	v21 =	vadd.f32 v22, v24  }
0x553: {  	v24 =	vmul.f32 v29, v18;
	v22 =	vld [tilespmem:s19+$0xFFFFFFE0];
	v29 =	vmul.f32 v30, v19;
	v23 =	vadd.f32 v20, v23  }
0x554: {  	v20 =	vmul.f32 v27, v19;
	v27 =	vld [tilespmem:s18+$0xFFFFFFF0];
	[tilespmem:s16+$0x20] =	vst v21  }
0x555: {  	v21 =	vmul.f32 v28, v18;
	v28 =	vld [tilespmem:s19+$0xFFFFFFF0];
	v24 =	vadd.f32 v29, v24;
	[tilespmem:s16+$0xFFFFFFC0] =	vst v23;
	s16 =	smov.u32 s18  }
0x556: {  	v23 =	vmul.f32 v25, v19;
	v25 =	vld [tilespmem:s18+$0x0]  }
0x557: {  	v26 =	vmul.f32 v26, v18;
	v29 =	vld [tilespmem:s19+$0x0];
	[tilespmem:s18+$0x30] =	vst v24  }
.Ltmp24:
0x558: {  	v23 =	vadd.f32 v23, v21;
	v24 =	vmul.f32 v22, v19;
	v22 =	vld [tilespmem:s18+$0x10];
	(pc) =	sbr.rel @p0 .LBB2_51-.Ltmp24, $4  }
0x559: {  	v27 =	vmul.f32 v27, v18;
	v21 =	vld [tilespmem:s19+$0x10]  }
0x55a: {  	[tilespmem:s18+$0xFFFFFFD0] =	vst v23;
	v30 =	vadd.f32 v24, v26;
	v28 =	vmul.f32 v28, v19;
	v24 =	vld [tilespmem:s18+$0x20]  }
0x55b: {  	v26 =	vmul.f32 v25, v18;
	v25 =	vld [tilespmem:s19+$0x20]  }
0x55c: {  	s18 =	sadd.s32 $0x400, s18;
	v23 =	vld [tilespmem:s16+$0xFFFFFFC0];
	[tilespmem:s16+$0xFFFFFFE0] =	vst v30;
	v27 =	vadd.f32 v28, v27;
	v28 =	vmul.f32 v29, v19  }
0x55d: {  	_ =	sdelay $0x1  }
0x55e: {  	v22 =	vmul.f32 v22, v18;
	s8 =	sadd.s32 $0x1, s8;
	v21 =	vmul.f32 v21, v19  }
0x55f: {  	v26 =	vadd.f32 v28, v26;
	p0 =	sne.s32 s8, $0x8;
	v24 =	vmul.f32 v24, v18;
	v19 =	vmul.f32 v25, v19  }
.Ltmp25:
0x560: {  	[tilespmem:s16+$0xFFFFFFF0] =	vst v27;
	v21 =	vadd.f32 v21, v22;
	v18 =	vmul.f32 v23, v18;
	(pc) =	sbr.rel @p0 .LBB2_50-.Ltmp25, $4  }
0x561: {  	[tilespmem:s16+$0x0] =	vst v26;
	v19 =	vadd.f32 v19, v24  }
0x562: {  	[tilespmem:s16+$0x10] =	vst v21;
	v18 =	vadd.f32 v20, v18  }
0x563: {  	[tilespmem:s16+$0x20] =	vst v19  }
0x564: {  	s14 =	sadd.s32 $0x80, s14;
	s15 =	sadd.s32 $0x80, s15;
	[tilespmem:s16+$0xFFFFFFC0] =	vst v18  }
0x565: {  	s8 =	simm.s32 $0x0;
	s14 =	rddreg [dreg:$0x12]  }
0x566: {  	[hbm4b:s14+s8] =	stream.linear.scatter [tilespmem:s1], [sflag:$0x5], $0x4000, $0x38;
	[tilespmem:$0x10A00] =	vst v63  }
0x567: {  	_ =	swait.ge [sflag:s25], $0x4000  }
0x568: {  	[sflag:s25] =	ssyncset.done $0x0  }
0x569: {  	[sflag:s25] =	ssyncadd.s32 $0xFFFFC000  }
0x56a: {  	_ =	swait.ge [sflag:s26], $0x4000  }
0x56b: {  	[sflag:s26] =	ssyncset.done $0x0  }
0x56c: {  	[sflag:s26] =	ssyncadd.s32 $0xFFFFC000  }
0x56d: {  	_ =	swait.ge [sflag:s12], $0x4000  }
0x56e: {  	[sflag:s12] =	ssyncset.done $0x0  }
0x56f: {  	[sflag:s12] =	ssyncadd.s32 $0xFFFFC000  }
0x570: {  	v18 =	vld.msk [tilespmem:$0x480], $0xff;
	_ =	sdelay $0x4  }
0x571: {  	v19 =	vshll.u32 v18, $0x4  }
0x572: {  	v18 =	vand.u32 $0x7, v18;
	v19 =	vand.u32 $0xFFFFFF80, v19  }
0x573: {  	v18 =	vor.u32 v18, v19  }
0x574: {  	v18 =	vperm.xlane v18, v16;
	_ =	sdelay $0x1  }
0x575: {  	v18 =	vadd.s32 v17, v18;
	_ =	sdelay $0x4  }
0x576: {  	[tilespmem:s1], [sflag:$0x1] =	stream.indirect_vreg.gather [hbm4b:s3+s8], $0x80, v18, vm0, $0xb8;
	[tilespmem:$0x10A00] =	vst v63  }
0x577: {  	s15 =	simm.s32 $0x1200  }
0x578: {  	[tilespmem:s15], [sflag:$0x1] =	stream.indirect_vreg.gather [hbm4b:s5+s8], $0x80, v18, vm0, $0xb8;
	[tilespmem:$0x10A00] =	vst v63  }
0x579: {  	s16 =	simm.s32 $0x1A00  }
0x57a: {  	[tilespmem:s16], [sflag:$0x1] =	stream.indirect_vreg.gather [hbm4b:s6+s8], $0x80, v18, vm0, $0xb8;
	[tilespmem:$0x10A00] =	vst v63  }
0x57b: {  	s17 =	simm.s32 $0x2200  }
0x57c: {  	[tilespmem:s17], [sflag:$0x1] =	stream.indirect_vreg.gather [hbm4b:s7+s8], $0x80, v18, vm0, $0xb8;
	[tilespmem:$0x10A00] =	vst v63  }
0x57d: {  	s18 =	simm.s32 $0x2A00  }
0x57e: {  	[tilespmem:s18], [sflag:$0x1] =	stream.indirect_vreg.gather [hbm4b:s9+s8], $0x80, v18, vm0, $0xb8;
	[tilespmem:$0x10A00] =	vst v63  }
0x57f: {  	s19 =	simm.s32 $0x3200  }
0x580: {  	[tilespmem:s19], [sflag:$0x1] =	stream.indirect_vreg.gather [hbm4b:s10+s8], $0x80, v18, vm0, $0xb8;
	[tilespmem:$0x10A00] =	vst v63  }
0x581: {  	s15 =	simm.s32 $0x3A00  }
0x582: {  	[tilespmem:s15], [sflag:$0x1] =	stream.indirect_vreg.gather [hbm4b:s11+s8], $0x80, v18, vm0, $0xb8;
	[tilespmem:$0x10A00] =	vst v63  }
0x583: {  	s16 =	simm.s32 $0x4200  }
0x584: {  	[tilespmem:s16], [sflag:$0x1] =	stream.indirect_vreg.gather [hbm4b:s13+s8], $0x80, v18, vm0, $0xb8;
	[tilespmem:$0x10A00] =	vst v63  }
0x585: {  	v18 =	vld.msk [tilespmem:$0x880], $0xff;
	_ =	sdelay $0x4  }
0x586: {  	v19 =	vshll.u32 v18, $0x4  }
0x587: {  	v18 =	vand.u32 $0x7, v18;
	v19 =	vand.u32 $0xFFFFFF80, v19  }
0x588: {  	v18 =	vor.u32 v18, v19  }
0x589: {  	v18 =	vperm.xlane v18, v16;
	_ =	sdelay $0x1  }
0x58a: {  	v18 =	vadd.s32 v17, v18;
	_ =	sdelay $0x3  }
0x58b: {  	s17 =	simm.s32 $0x4A00  }
0x58c: {  	[tilespmem:s17], [sflag:$0x2] =	stream.indirect_vreg.gather [hbm4b:s3+s8], $0x80, v18, vm0, $0xb8;
	[tilespmem:$0x10A00] =	vst v63  }
0x58d: {  	s18 =	simm.s32 $0x5200  }
0x58e: {  	[tilespmem:s18], [sflag:$0x2] =	stream.indirect_vreg.gather [hbm4b:s5+s8], $0x80, v18, vm0, $0xb8;
	[tilespmem:$0x10A00] =	vst v63  }
0x58f: {  	s19 =	simm.s32 $0x5A00  }
0x590: {  	[tilespmem:s19], [sflag:$0x2] =	stream.indirect_vreg.gather [hbm4b:s6+s8], $0x80, v18, vm0, $0xb8;
	[tilespmem:$0x10A00] =	vst v63  }
0x591: {  	s15 =	simm.s32 $0x6200  }
0x592: {  	[tilespmem:s15], [sflag:$0x2] =	stream.indirect_vreg.gather [hbm4b:s7+s8], $0x80, v18, vm0, $0xb8;
	[tilespmem:$0x10A00] =	vst v63  }
0x593: {  	s16 =	simm.s32 $0x6A00  }
0x594: {  	[tilespmem:s16], [sflag:$0x2] =	stream.indirect_vreg.gather [hbm4b:s9+s8], $0x80, v18, vm0, $0xb8;
	[tilespmem:$0x10A00] =	vst v63  }
0x595: {  	s17 =	simm.s32 $0x7200  }
0x596: {  	[tilespmem:s17], [sflag:$0x2] =	stream.indirect_vreg.gather [hbm4b:s10+s8], $0x80, v18, vm0, $0xb8;
	[tilespmem:$0x10A00] =	vst v63  }
0x597: {  	s18 =	simm.s32 $0x7A00  }
0x598: {  	[tilespmem:s18], [sflag:$0x2] =	stream.indirect_vreg.gather [hbm4b:s11+s8], $0x80, v18, vm0, $0xb8;
	[tilespmem:$0x10A00] =	vst v63  }
0x599: {  	s14 =	simm.s32 $0xCA40;
	s19 =	simm.s32 $0x8200;
	s15 =	simm.s32 $0x8A40  }
0x59a: {  	[tilespmem:s19], [sflag:$0x2] =	stream.indirect_vreg.gather [hbm4b:s13+s8], $0x80, v18, vm0, $0xb8;
	[tilespmem:$0x10A00] =	vst v63  }
.LBB2_54:
0x59b: {  	s16 =	sshll.u32 s8, $0x1  }
0x59c: {  	s16 =	sadd.s32 $0xD0, s16  }
0x59d: {  	v20 =	vld [tilespmem:s15+$0x30];
	v18 =	vmov s16  }
0x59e: {  	v21 =	vld [tilespmem:s14+$0x30];
	v19 =	vor.u32 $0x1, v18  }
0x59f: {  	v23 =	vld [tilespmem:s14+$0xFFFFFFC0]  }
0x5a0: {  	v22 =	vld [tilespmem:s15+$0xFFFFFFD0]  }
0x5a1: {  	v24 =	vld [tilespmem:s14+$0xFFFFFFD0]  }
0x5a2: {  	v18 =	vld.idx.msk [tilespmem:v18+s31+$0x0], $0xffff  }
0x5a3: {  	v19 =	vld.idx.msk [tilespmem:v19+s31+$0x0], $0xffff  }
0x5a4: {  	v25 =	vld [tilespmem:s15+$0xFFFFFFE0]  }
0x5a5: {  	v26 =	vld [tilespmem:s14+$0xFFFFFFE0]  }
0x5a6: {  	v27 =	vld [tilespmem:s15+$0xFFFFFFF0]  }
0x5a7: {  	v28 =	vld [tilespmem:s14+$0xFFFFFFF0]  }
0x5a8: {  	v29 =	vld [tilespmem:s15+$0x0];
	v20 =	vmul.f32 v20, v18;
	v21 =	vmul.f32 v21, v19  }
0x5a9: {  	v31 =	vld [tilespmem:s14+$0x0];
	v30 =	vmul.f32 v22, v18;
	v24 =	vmul.f32 v24, v19  }
0x5aa: {  	v25 =	vmul.f32 v25, v18;
	v22 =	vld [tilespmem:s15+$0x10];
	v26 =	vmul.f32 v26, v19;
	v20 =	vadd.f32 v21, v20  }
0x5ab: {  	v30 =	vadd.f32 v24, v30;
	v21 =	vld [tilespmem:s14+$0x10]  }
0x5ac: {  	v27 =	vmul.f32 v27, v18;
	v28 =	vmul.f32 v28, v19;
	v32 =	vadd.f32 v26, v25;
	v24 =	vld [tilespmem:s15+$0x20];
	[tilespmem:s15+$0x30] =	vst v20  }
0x5ad: {  	s17 =	simm.s32 $0x0;
	v25 =	vld [tilespmem:s14+$0x20];
	v26 =	vmul.f32 v29, v18;
	[tilespmem:s15+$0xFFFFFFD0] =	vst v30  }
0x5ae: {  	s18 =	sadd.s32 $0x400, s15;
	s19 =	smov.u32 s14;
	s16 =	smov.u32 s15;
	v27 =	vadd.f32 v28, v27;
	v28 =	vmul.f32 v31, v19;
	v20 =	vmul.f32 v23, v19;
	v23 =	vld [tilespmem:s15+$0xFFFFFFC0];
	[tilespmem:s15+$0xFFFFFFE0] =	vst v32  }
.LBB2_55:
0x5af: {  	v29 =	vld [tilespmem:s18+$0x30];
	v22 =	vmul.f32 v22, v18;
	s19 =	sadd.s32 $0x400, s19  }
0x5b0: {  	s17 =	sadd.s32 $0x80, s17;
	v30 =	vld [tilespmem:s19+$0x30];
	[tilespmem:s16+$0xFFFFFFF0] =	vst v27;
	v26 =	vadd.f32 v28, v26;
	v21 =	vmul.f32 v21, v19  }
0x5b1: {  	p0 =	slt.u32 s17, $0x780;
	v27 =	vld [tilespmem:s19+$0xFFFFFFC0];
	v24 =	vmul.f32 v24, v18  }
0x5b2: {  	v28 =	vld [tilespmem:s18+$0xFFFFFFD0];
	[tilespmem:s16+$0x0] =	vst v26;
	v21 =	vadd.f32 v21, v22;
	v22 =	vmul.f32 v25, v19  }
0x5b3: {  	v25 =	vld [tilespmem:s19+$0xFFFFFFD0];
	v23 =	vmul.f32 v23, v18  }
0x5b4: {  	v26 =	vld [tilespmem:s18+$0xFFFFFFE0];
	[tilespmem:s16+$0x10] =	vst v21;
	v21 =	vadd.f32 v22, v24  }
0x5b5: {  	v24 =	vmul.f32 v29, v18;
	v22 =	vld [tilespmem:s19+$0xFFFFFFE0];
	v29 =	vmul.f32 v30, v19;
	v23 =	vadd.f32 v20, v23  }
0x5b6: {  	v20 =	vmul.f32 v27, v19;
	v27 =	vld [tilespmem:s18+$0xFFFFFFF0];
	[tilespmem:s16+$0x20] =	vst v21  }
0x5b7: {  	v21 =	vmul.f32 v28, v18;
	v28 =	vld [tilespmem:s19+$0xFFFFFFF0];
	v24 =	vadd.f32 v29, v24;
	[tilespmem:s16+$0xFFFFFFC0] =	vst v23;
	s16 =	smov.u32 s18  }
0x5b8: {  	v23 =	vmul.f32 v25, v19;
	v25 =	vld [tilespmem:s18+$0x0]  }
0x5b9: {  	v26 =	vmul.f32 v26, v18;
	v29 =	vld [tilespmem:s19+$0x0];
	[tilespmem:s18+$0x30] =	vst v24  }
.Ltmp26:
0x5ba: {  	v23 =	vadd.f32 v23, v21;
	v24 =	vmul.f32 v22, v19;
	v22 =	vld [tilespmem:s18+$0x10];
	(pc) =	sbr.rel @p0 .LBB2_55-.Ltmp26, $4  }
0x5bb: {  	v27 =	vmul.f32 v27, v18;
	v21 =	vld [tilespmem:s19+$0x10]  }
0x5bc: {  	[tilespmem:s18+$0xFFFFFFD0] =	vst v23;
	v30 =	vadd.f32 v24, v26;
	v28 =	vmul.f32 v28, v19;
	v24 =	vld [tilespmem:s18+$0x20]  }
0x5bd: {  	v26 =	vmul.f32 v25, v18;
	v25 =	vld [tilespmem:s19+$0x20]  }
0x5be: {  	s18 =	sadd.s32 $0x400, s18;
	v23 =	vld [tilespmem:s16+$0xFFFFFFC0];
	[tilespmem:s16+$0xFFFFFFE0] =	vst v30;
	v27 =	vadd.f32 v28, v27;
	v28 =	vmul.f32 v29, v19  }
0x5bf: {  	_ =	sdelay $0x1  }
0x5c0: {  	v22 =	vmul.f32 v22, v18;
	s8 =	sadd.s32 $0x1, s8;
	v21 =	vmul.f32 v21, v19  }
0x5c1: {  	v26 =	vadd.f32 v28, v26;
	p0 =	sne.s32 s8, $0x8;
	v24 =	vmul.f32 v24, v18;
	v19 =	vmul.f32 v25, v19  }
.Ltmp27:
0x5c2: {  	[tilespmem:s16+$0xFFFFFFF0] =	vst v27;
	v21 =	vadd.f32 v21, v22;
	v18 =	vmul.f32 v23, v18;
	(pc) =	sbr.rel @p0 .LBB2_54-.Ltmp27, $4  }
0x5c3: {  	[tilespmem:s16+$0x0] =	vst v26;
	v19 =	vadd.f32 v19, v24  }
0x5c4: {  	[tilespmem:s16+$0x10] =	vst v21;
	v18 =	vadd.f32 v20, v18  }
0x5c5: {  	[tilespmem:s16+$0x20] =	vst v19  }
0x5c6: {  	s14 =	sadd.s32 $0x80, s14;
	s15 =	sadd.s32 $0x80, s15;
	[tilespmem:s16+$0xFFFFFFC0] =	vst v18  }
0x5c7: {  	s8 =	simm.s32 $0x0;
	s14 =	rddreg [dreg:$0x13]  }
0x5c8: {  	[hbm4b:s14+s8] =	stream.linear.scatter [tilespmem:s30], [sflag:$0x6], $0x4000, $0x38;
	[tilespmem:$0x10A00] =	vst v63  }
0x5c9: {  	_ =	swait.ge [sflag:s28], $0x4000  }
0x5ca: {  	[sflag:s28] =	ssyncset.done $0x0  }
0x5cb: {  	[sflag:s28] =	ssyncadd.s32 $0xFFFFC000  }
0x5cc: {  	_ =	swait.ge [sflag:s29], $0x4000  }
0x5cd: {  	[sflag:s29] =	ssyncset.done $0x0  }
0x5ce: {  	[sflag:s29] =	ssyncadd.s32 $0xFFFFC000  }
0x5cf: {  	_ =	swait.ge [sflag:s0], $0x4000  }
0x5d0: {  	[sflag:s0] =	ssyncset.done $0x0  }
0x5d1: {  	[sflag:s0] =	ssyncadd.s32 $0xFFFFC000  }
0x5d2: {  	v18 =	vld.msk [tilespmem:$0x488], $0xff;
	_ =	sdelay $0x4  }
0x5d3: {  	v19 =	vshll.u32 v18, $0x4  }
0x5d4: {  	v18 =	vand.u32 $0x7, v18;
	v19 =	vand.u32 $0xFFFFFF80, v19  }
0x5d5: {  	v18 =	vor.u32 v18, v19  }
0x5d6: {  	v18 =	vperm.xlane v18, v16;
	_ =	sdelay $0x1  }
0x5d7: {  	v18 =	vadd.s32 v17, v18;
	_ =	sdelay $0x4  }
0x5d8: {  	[tilespmem:s30], [sflag:$0x3] =	stream.indirect_vreg.gather [hbm4b:s3+s8], $0x80, v18, vm0, $0xb8;
	[tilespmem:$0x10A00] =	vst v63  }
0x5d9: {  	s15 =	simm.s32 $0x9200  }
0x5da: {  	[tilespmem:s15], [sflag:$0x3] =	stream.indirect_vreg.gather [hbm4b:s5+s8], $0x80, v18, vm0, $0xb8;
	[tilespmem:$0x10A00] =	vst v63  }
0x5db: {  	s16 =	simm.s32 $0x9A00  }
0x5dc: {  	[tilespmem:s16], [sflag:$0x3] =	stream.indirect_vreg.gather [hbm4b:s6+s8], $0x80, v18, vm0, $0xb8;
	[tilespmem:$0x10A00] =	vst v63  }
0x5dd: {  	s17 =	simm.s32 $0xA200  }
0x5de: {  	[tilespmem:s17], [sflag:$0x3] =	stream.indirect_vreg.gather [hbm4b:s7+s8], $0x80, v18, vm0, $0xb8;
	[tilespmem:$0x10A00] =	vst v63  }
0x5df: {  	s18 =	simm.s32 $0xAA00  }
0x5e0: {  	[tilespmem:s18], [sflag:$0x3] =	stream.indirect_vreg.gather [hbm4b:s9+s8], $0x80, v18, vm0, $0xb8;
	[tilespmem:$0x10A00] =	vst v63  }
0x5e1: {  	s19 =	simm.s32 $0xB200  }
0x5e2: {  	[tilespmem:s19], [sflag:$0x3] =	stream.indirect_vreg.gather [hbm4b:s10+s8], $0x80, v18, vm0, $0xb8;
	[tilespmem:$0x10A00] =	vst v63  }
0x5e3: {  	s15 =	simm.s32 $0xBA00  }
0x5e4: {  	[tilespmem:s15], [sflag:$0x3] =	stream.indirect_vreg.gather [hbm4b:s11+s8], $0x80, v18, vm0, $0xb8;
	[tilespmem:$0x10A00] =	vst v63  }
0x5e5: {  	s16 =	simm.s32 $0xC200  }
0x5e6: {  	[tilespmem:s16], [sflag:$0x3] =	stream.indirect_vreg.gather [hbm4b:s13+s8], $0x80, v18, vm0, $0xb8;
	[tilespmem:$0x10A00] =	vst v63  }
0x5e7: {  	v18 =	vld.msk [tilespmem:$0x888], $0xff;
	_ =	sdelay $0x4  }
0x5e8: {  	v19 =	vshll.u32 v18, $0x4  }
0x5e9: {  	v18 =	vand.u32 $0x7, v18;
	v19 =	vand.u32 $0xFFFFFF80, v19  }
0x5ea: {  	v18 =	vor.u32 v18, v19  }
0x5eb: {  	v18 =	vperm.xlane v18, v16;
	_ =	sdelay $0x1  }
0x5ec: {  	v18 =	vadd.s32 v17, v18;
	_ =	sdelay $0x3  }
0x5ed: {  	s17 =	simm.s32 $0xCA00  }
0x5ee: {  	[tilespmem:s17], [sflag:$0x4] =	stream.indirect_vreg.gather [hbm4b:s3+s8], $0x80, v18, vm0, $0xb8;
	[tilespmem:$0x10A00] =	vst v63  }
0x5ef: {  	s18 =	simm.s32 $0xD200  }
0x5f0: {  	[tilespmem:s18], [sflag:$0x4] =	stream.indirect_vreg.gather [hbm4b:s5+s8], $0x80, v18, vm0, $0xb8;
	[tilespmem:$0x10A00] =	vst v63  }
0x5f1: {  	s19 =	simm.s32 $0xDA00  }
0x5f2: {  	[tilespmem:s19], [sflag:$0x4] =	stream.indirect_vreg.gather [hbm4b:s6+s8], $0x80, v18, vm0, $0xb8;
	[tilespmem:$0x10A00] =	vst v63  }
0x5f3: {  	_ = 	snop  }
0x5f4: {  	[tilespmem:s20], [sflag:$0x4] =	stream.indirect_vreg.gather [hbm4b:s7+s8], $0x80, v18, vm0, $0xb8;
	[tilespmem:$0x10A00] =	vst v63  }
0x5f5: {  	_ = 	snop  }
0x5f6: {  	[tilespmem:s21], [sflag:$0x4] =	stream.indirect_vreg.gather [hbm4b:s9+s8], $0x80, v18, vm0, $0xb8;
	[tilespmem:$0x10A00] =	vst v63  }
0x5f7: {  	_ = 	snop  }
0x5f8: {  	[tilespmem:s22], [sflag:$0x4] =	stream.indirect_vreg.gather [hbm4b:s10+s8], $0x80, v18, vm0, $0xb8;
	[tilespmem:$0x10A00] =	vst v63  }
0x5f9: {  	_ = 	snop  }
0x5fa: {  	[tilespmem:s23], [sflag:$0x4] =	stream.indirect_vreg.gather [hbm4b:s11+s8], $0x80, v18, vm0, $0xb8;
	[tilespmem:$0x10A00] =	vst v63  }
0x5fb: {  	s14 =	simm.s32 $0x4A40;
	s15 =	simm.s32 $0xA40  }
0x5fc: {  	[tilespmem:s24], [sflag:$0x4] =	stream.indirect_vreg.gather [hbm4b:s13+s8], $0x80, v18, vm0, $0xb8;
	[tilespmem:$0x10A00] =	vst v63  }
.LBB2_58:
0x5fd: {  	s16 =	sshll.u32 s8, $0x1  }
0x5fe: {  	s16 =	sadd.s32 $0xE0, s16  }
0x5ff: {  	v20 =	vld [tilespmem:s15+$0x30];
	v18 =	vmov s16  }
0x600: {  	v21 =	vld [tilespmem:s14+$0x30];
	v19 =	vor.u32 $0x1, v18  }
0x601: {  	v23 =	vld [tilespmem:s14+$0xFFFFFFC0]  }
0x602: {  	v22 =	vld [tilespmem:s15+$0xFFFFFFD0]  }
0x603: {  	v24 =	vld [tilespmem:s14+$0xFFFFFFD0]  }
0x604: {  	v18 =	vld.idx.msk [tilespmem:v18+s31+$0x0], $0xffff  }
0x605: {  	v19 =	vld.idx.msk [tilespmem:v19+s31+$0x0], $0xffff  }
0x606: {  	v25 =	vld [tilespmem:s15+$0xFFFFFFE0]  }
0x607: {  	v26 =	vld [tilespmem:s14+$0xFFFFFFE0]  }
0x608: {  	v27 =	vld [tilespmem:s15+$0xFFFFFFF0]  }
0x609: {  	v28 =	vld [tilespmem:s14+$0xFFFFFFF0]  }
0x60a: {  	v29 =	vld [tilespmem:s15+$0x0];
	v20 =	vmul.f32 v20, v18;
	v21 =	vmul.f32 v21, v19  }
0x60b: {  	v31 =	vld [tilespmem:s14+$0x0];
	v30 =	vmul.f32 v22, v18;
	v24 =	vmul.f32 v24, v19  }
0x60c: {  	v25 =	vmul.f32 v25, v18;
	v22 =	vld [tilespmem:s15+$0x10];
	v26 =	vmul.f32 v26, v19;
	v20 =	vadd.f32 v21, v20  }
0x60d: {  	v30 =	vadd.f32 v24, v30;
	v21 =	vld [tilespmem:s14+$0x10]  }
0x60e: {  	v27 =	vmul.f32 v27, v18;
	v28 =	vmul.f32 v28, v19;
	v32 =	vadd.f32 v26, v25;
	v24 =	vld [tilespmem:s15+$0x20];
	[tilespmem:s15+$0x30] =	vst v20  }
0x60f: {  	s17 =	simm.s32 $0x0;
	v25 =	vld [tilespmem:s14+$0x20];
	v26 =	vmul.f32 v29, v18;
	[tilespmem:s15+$0xFFFFFFD0] =	vst v30  }
0x610: {  	s18 =	sadd.s32 $0x400, s15;
	s19 =	smov.u32 s14;
	s16 =	smov.u32 s15;
	v27 =	vadd.f32 v28, v27;
	v28 =	vmul.f32 v31, v19;
	v20 =	vmul.f32 v23, v19;
	v23 =	vld [tilespmem:s15+$0xFFFFFFC0];
	[tilespmem:s15+$0xFFFFFFE0] =	vst v32  }
.LBB2_59:
0x611: {  	v29 =	vld [tilespmem:s18+$0x30];
	v22 =	vmul.f32 v22, v18;
	s19 =	sadd.s32 $0x400, s19  }
0x612: {  	s17 =	sadd.s32 $0x80, s17;
	v30 =	vld [tilespmem:s19+$0x30];
	[tilespmem:s16+$0xFFFFFFF0] =	vst v27;
	v26 =	vadd.f32 v28, v26;
	v21 =	vmul.f32 v21, v19  }
0x613: {  	p0 =	slt.u32 s17, $0x780;
	v27 =	vld [tilespmem:s19+$0xFFFFFFC0];
	v24 =	vmul.f32 v24, v18  }
0x614: {  	v28 =	vld [tilespmem:s18+$0xFFFFFFD0];
	[tilespmem:s16+$0x0] =	vst v26;
	v21 =	vadd.f32 v21, v22;
	v22 =	vmul.f32 v25, v19  }
0x615: {  	v25 =	vld [tilespmem:s19+$0xFFFFFFD0];
	v23 =	vmul.f32 v23, v18  }
0x616: {  	v26 =	vld [tilespmem:s18+$0xFFFFFFE0];
	[tilespmem:s16+$0x10] =	vst v21;
	v21 =	vadd.f32 v22, v24  }
0x617: {  	v24 =	vmul.f32 v29, v18;
	v22 =	vld [tilespmem:s19+$0xFFFFFFE0];
	v29 =	vmul.f32 v30, v19;
	v23 =	vadd.f32 v20, v23  }
0x618: {  	v20 =	vmul.f32 v27, v19;
	v27 =	vld [tilespmem:s18+$0xFFFFFFF0];
	[tilespmem:s16+$0x20] =	vst v21  }
0x619: {  	v21 =	vmul.f32 v28, v18;
	v28 =	vld [tilespmem:s19+$0xFFFFFFF0];
	v24 =	vadd.f32 v29, v24;
	[tilespmem:s16+$0xFFFFFFC0] =	vst v23;
	s16 =	smov.u32 s18  }
0x61a: {  	v23 =	vmul.f32 v25, v19;
	v25 =	vld [tilespmem:s18+$0x0]  }
0x61b: {  	v26 =	vmul.f32 v26, v18;
	v29 =	vld [tilespmem:s19+$0x0];
	[tilespmem:s18+$0x30] =	vst v24  }
.Ltmp28:
0x61c: {  	v23 =	vadd.f32 v23, v21;
	v24 =	vmul.f32 v22, v19;
	v22 =	vld [tilespmem:s18+$0x10];
	(pc) =	sbr.rel @p0 .LBB2_59-.Ltmp28, $4  }
0x61d: {  	v27 =	vmul.f32 v27, v18;
	v21 =	vld [tilespmem:s19+$0x10]  }
0x61e: {  	[tilespmem:s18+$0xFFFFFFD0] =	vst v23;
	v30 =	vadd.f32 v24, v26;
	v28 =	vmul.f32 v28, v19;
	v24 =	vld [tilespmem:s18+$0x20]  }
0x61f: {  	v26 =	vmul.f32 v25, v18;
	v25 =	vld [tilespmem:s19+$0x20]  }
0x620: {  	s18 =	sadd.s32 $0x400, s18;
	v23 =	vld [tilespmem:s16+$0xFFFFFFC0];
	[tilespmem:s16+$0xFFFFFFE0] =	vst v30;
	v27 =	vadd.f32 v28, v27;
	v28 =	vmul.f32 v29, v19  }
0x621: {  	_ =	sdelay $0x1  }
0x622: {  	v22 =	vmul.f32 v22, v18;
	s8 =	sadd.s32 $0x1, s8;
	v21 =	vmul.f32 v21, v19  }
0x623: {  	v26 =	vadd.f32 v28, v26;
	p0 =	sne.s32 s8, $0x8;
	v24 =	vmul.f32 v24, v18;
	v19 =	vmul.f32 v25, v19  }
.Ltmp29:
0x624: {  	[tilespmem:s16+$0xFFFFFFF0] =	vst v27;
	v21 =	vadd.f32 v21, v22;
	v18 =	vmul.f32 v23, v18;
	(pc) =	sbr.rel @p0 .LBB2_58-.Ltmp29, $4  }
0x625: {  	[tilespmem:s16+$0x0] =	vst v26;
	v19 =	vadd.f32 v19, v24  }
0x626: {  	[tilespmem:s16+$0x10] =	vst v21;
	v18 =	vadd.f32 v20, v18  }
0x627: {  	[tilespmem:s16+$0x20] =	vst v19  }
0x628: {  	s14 =	sadd.s32 $0x80, s14;
	s15 =	sadd.s32 $0x80, s15;
	[tilespmem:s16+$0xFFFFFFC0] =	vst v18  }
0x629: {  	s8 =	simm.s32 $0x0;
	s14 =	rddreg [dreg:$0x14]  }
0x62a: {  	[hbm4b:s14+s8] =	stream.linear.scatter [tilespmem:s1], [sflag:$0x5], $0x4000, $0x38;
	[tilespmem:$0x10A00] =	vst v63  }
0x62b: {  	_ =	swait.ge [sflag:s25], $0x4000  }
0x62c: {  	[sflag:s25] =	ssyncset.done $0x0  }
0x62d: {  	[sflag:s25] =	ssyncadd.s32 $0xFFFFC000  }
0x62e: {  	_ =	swait.ge [sflag:s26], $0x4000  }
0x62f: {  	[sflag:s26] =	ssyncset.done $0x0  }
0x630: {  	s15 =	simm.s32 $0x8A40;
	s14 =	simm.s32 $0xCA40;
	[sflag:s26] =	ssyncadd.s32 $0xFFFFC000  }
.LBB2_62:
0x631: {  	s16 =	sshll.u32 s8, $0x1  }
0x632: {  	s16 =	sadd.s32 $0xF0, s16  }
0x633: {  	v20 =	vld [tilespmem:s15+$0x30];
	v18 =	vmov s16  }
0x634: {  	v21 =	vld [tilespmem:s14+$0x30];
	v19 =	vor.u32 $0x1, v18  }
0x635: {  	v23 =	vld [tilespmem:s14+$0xFFFFFFC0]  }
0x636: {  	v22 =	vld [tilespmem:s15+$0xFFFFFFD0]  }
0x637: {  	v24 =	vld [tilespmem:s14+$0xFFFFFFD0]  }
0x638: {  	v18 =	vld.idx.msk [tilespmem:v18+s31+$0x0], $0xffff  }
0x639: {  	v19 =	vld.idx.msk [tilespmem:v19+s31+$0x0], $0xffff  }
0x63a: {  	v25 =	vld [tilespmem:s15+$0xFFFFFFE0]  }
0x63b: {  	v26 =	vld [tilespmem:s14+$0xFFFFFFE0]  }
0x63c: {  	v27 =	vld [tilespmem:s15+$0xFFFFFFF0]  }
0x63d: {  	v28 =	vld [tilespmem:s14+$0xFFFFFFF0]  }
0x63e: {  	v29 =	vld [tilespmem:s15+$0x0];
	v20 =	vmul.f32 v20, v18;
	v21 =	vmul.f32 v21, v19  }
0x63f: {  	v31 =	vld [tilespmem:s14+$0x0];
	v30 =	vmul.f32 v22, v18;
	v24 =	vmul.f32 v24, v19  }
0x640: {  	v25 =	vmul.f32 v25, v18;
	v22 =	vld [tilespmem:s15+$0x10];
	v26 =	vmul.f32 v26, v19;
	v20 =	vadd.f32 v21, v20  }
0x641: {  	v30 =	vadd.f32 v24, v30;
	v21 =	vld [tilespmem:s14+$0x10]  }
0x642: {  	v27 =	vmul.f32 v27, v18;
	v28 =	vmul.f32 v28, v19;
	v32 =	vadd.f32 v26, v25;
	v24 =	vld [tilespmem:s15+$0x20];
	[tilespmem:s15+$0x30] =	vst v20  }
0x643: {  	s17 =	simm.s32 $0x0;
	v25 =	vld [tilespmem:s14+$0x20];
	v26 =	vmul.f32 v29, v18;
	[tilespmem:s15+$0xFFFFFFD0] =	vst v30  }
0x644: {  	s18 =	sadd.s32 $0x400, s15;
	s19 =	smov.u32 s14;
	s16 =	smov.u32 s15;
	v27 =	vadd.f32 v28, v27;
	v28 =	vmul.f32 v31, v19;
	v20 =	vmul.f32 v23, v19;
	v23 =	vld [tilespmem:s15+$0xFFFFFFC0];
	[tilespmem:s15+$0xFFFFFFE0] =	vst v32  }
.LBB2_63:
0x645: {  	v29 =	vld [tilespmem:s18+$0x30];
	v22 =	vmul.f32 v22, v18;
	s19 =	sadd.s32 $0x400, s19  }
0x646: {  	s17 =	sadd.s32 $0x80, s17;
	v30 =	vld [tilespmem:s19+$0x30];
	[tilespmem:s16+$0xFFFFFFF0] =	vst v27;
	v26 =	vadd.f32 v28, v26;
	v21 =	vmul.f32 v21, v19  }
0x647: {  	p0 =	slt.u32 s17, $0x780;
	v27 =	vld [tilespmem:s19+$0xFFFFFFC0];
	v24 =	vmul.f32 v24, v18  }
0x648: {  	v28 =	vld [tilespmem:s18+$0xFFFFFFD0];
	[tilespmem:s16+$0x0] =	vst v26;
	v21 =	vadd.f32 v21, v22;
	v22 =	vmul.f32 v25, v19  }
0x649: {  	v25 =	vld [tilespmem:s19+$0xFFFFFFD0];
	v23 =	vmul.f32 v23, v18  }
0x64a: {  	v26 =	vld [tilespmem:s18+$0xFFFFFFE0];
	[tilespmem:s16+$0x10] =	vst v21;
	v21 =	vadd.f32 v22, v24  }
0x64b: {  	v24 =	vmul.f32 v29, v18;
	v22 =	vld [tilespmem:s19+$0xFFFFFFE0];
	v29 =	vmul.f32 v30, v19;
	v23 =	vadd.f32 v20, v23  }
0x64c: {  	v20 =	vmul.f32 v27, v19;
	v27 =	vld [tilespmem:s18+$0xFFFFFFF0];
	[tilespmem:s16+$0x20] =	vst v21  }
0x64d: {  	v21 =	vmul.f32 v28, v18;
	v28 =	vld [tilespmem:s19+$0xFFFFFFF0];
	v24 =	vadd.f32 v29, v24;
	[tilespmem:s16+$0xFFFFFFC0] =	vst v23;
	s16 =	smov.u32 s18  }
0x64e: {  	v23 =	vmul.f32 v25, v19;
	v25 =	vld [tilespmem:s18+$0x0]  }
0x64f: {  	v26 =	vmul.f32 v26, v18;
	v29 =	vld [tilespmem:s19+$0x0];
	[tilespmem:s18+$0x30] =	vst v24  }
.Ltmp30:
0x650: {  	v23 =	vadd.f32 v23, v21;
	v24 =	vmul.f32 v22, v19;
	v22 =	vld [tilespmem:s18+$0x10];
	(pc) =	sbr.rel @p0 .LBB2_63-.Ltmp30, $4  }
0x651: {  	v27 =	vmul.f32 v27, v18;
	v21 =	vld [tilespmem:s19+$0x10]  }
0x652: {  	[tilespmem:s18+$0xFFFFFFD0] =	vst v23;
	v30 =	vadd.f32 v24, v26;
	v28 =	vmul.f32 v28, v19;
	v24 =	vld [tilespmem:s18+$0x20]  }
0x653: {  	v26 =	vmul.f32 v25, v18;
	v25 =	vld [tilespmem:s19+$0x20]  }
0x654: {  	s18 =	sadd.s32 $0x400, s18;
	v23 =	vld [tilespmem:s16+$0xFFFFFFC0];
	[tilespmem:s16+$0xFFFFFFE0] =	vst v30;
	v27 =	vadd.f32 v28, v27;
	v28 =	vmul.f32 v29, v19  }
0x655: {  	_ =	sdelay $0x1  }
0x656: {  	v22 =	vmul.f32 v22, v18;
	s8 =	sadd.s32 $0x1, s8;
	v21 =	vmul.f32 v21, v19  }
0x657: {  	v26 =	vadd.f32 v28, v26;
	p0 =	sne.s32 s8, $0x8;
	v24 =	vmul.f32 v24, v18;
	v19 =	vmul.f32 v25, v19  }
.Ltmp31:
0x658: {  	[tilespmem:s16+$0xFFFFFFF0] =	vst v27;
	v21 =	vadd.f32 v21, v22;
	v18 =	vmul.f32 v23, v18;
	(pc) =	sbr.rel @p0 .LBB2_62-.Ltmp31, $4  }
0x659: {  	[tilespmem:s16+$0x0] =	vst v26;
	v19 =	vadd.f32 v19, v24  }
0x65a: {  	[tilespmem:s16+$0x10] =	vst v21;
	v18 =	vadd.f32 v20, v18  }
0x65b: {  	[tilespmem:s16+$0x20] =	vst v19  }
0x65c: {  	s14 =	sadd.s32 $0x80, s14;
	s15 =	sadd.s32 $0x80, s15;
	[tilespmem:s16+$0xFFFFFFC0] =	vst v18  }
0x65d: {  	s8 =	rddreg [dreg:$0x15]  }
0x65e: {  	[hbm4b:s8+s2] =	stream.linear.scatter [tilespmem:s30], [sflag:$0x6], $0x4000, $0x38;
	[tilespmem:$0x10A00] =	vst v63  }
0x65f: {  	_ =	swait.ge [sflag:s12], $0x4000  }
0x660: {  	[sflag:s12] =	ssyncset.done $0x0  }
0x661: {  	[sflag:s12] =	ssyncadd.s32 $0xFFFFC000  }
0x662: {  	_ =	swait.ge [sflag:s0], $0x4000  }
0x663: {  	s4 =	sadd.s32 $0x1, s4;
	s19 =	rddreg [dreg:$0x11]  }
0x664: {  	p0 =	sne.s32 s4, s19  }
.Ltmp32:
0x665: {  	_ = 	snop;
	(pc) =	sbr.rel @p0 .LBB2_1-.Ltmp32, $3  }
0x666: {  	_ =	sdelay $0x1  }
0x667: {  	[sflag:s0] =	ssyncset.done $0x0  }
0x668: {  	[sflag:s0] =	ssyncadd.s32 $0xFFFFC000  }
0x669: {  	_ =	sfence.sel $0x180000  }
0x66a: {  	[bflag:$0x0] =	sbarrier.arrive $0xFFFF  }
0x66b: {  	_ =	strace $0x9000004A  }
0x66c: {  	s0 =	stileid.u32;
	[bflag:$0x2] =	sbarrier.arrive $0xFFFF  }
0x66d: {  	p0 =	sne.s32 s0, $0x0;
	s0 =	rddreg [dreg:$0x2]  }
0x66e: {  	s0 =	sadd.s32 @!p0 $0x100000, s0  }
0x66f: {  	[sflag:s0] =	ssyncadd.tile.s32 @!p0 $0x1;
	_ =	shalt  }
.Lfunc_end2:
_tile_overlayer_lowered:
.L_overlay_start_2:
0x670: {  	(tag) =	ssettag $0x2  }
0x671: {  	s0 =	rddreg [dreg:$0x0];
	s2 =	stileid.u32  }
0x672: {  	s1 =	rddreg [dreg:$0x1];
	p0 =	sne.s32 s2, $0x0  }
0x673: {  	s3 =	rddreg [dreg:$0x2];
	[bflag:$0x3] =	sbarrier.arrive $0xFFFF;
	s2 =	simm.s32 @!p0 $0x1C07  }
0x674: {  	[timem:s3], [sflag:s2] =	dma.local @!p0 [hbm:s0], s1  }
0x675: {  	s0 =	simm.s32 @!p0 $0x7  }
0x676: {  	_ =	swait.ge @!p0 [sflag:s0], s1  }
0x677: {  	s1 =	ssub.s32 @!p0 $0x0, s1;
	[sflag:s0] =	ssyncset.done @!p0 $0x0  }
0x678: {  	[sflag:s0] =	ssyncadd.s32 @!p0 s1  }
0x679: {  	[bflag:$0x3] =	sbarrier.arrive $0xFFFF  }
0x67a: {  	_ =	shalt  }

</sc_bundles>
